<compile_context>
chip_gen: v7x
topology: tpu7x:2x2x1
jax: 0.10.2.dev20260603
libtpu: 0.0.44.dev20260713+nightly
codegen_flags: <defaults>
</compile_context>

<pallas_src>
import functools

import jax
import jax.numpy as jnp
from jax import lax
from jax.experimental import pallas as pl
from jax.experimental.pallas import tpu as pltpu
from jax.experimental.pallas import tpu_sc as plsc

B = 16384
V = 100000
D = 64
H = 128
K = 6
NC = 2
NS = 16
NW = NC * NS
BPW = B // NW
CH = 128
NCH = BPW // CH
NCHUNK = K * NCH
SLOTS = 4

TB = 1792
M = 25088
NTB = M // TB


def _tc_pack(*tabs_t):

  def rne16(x):
    xi = jax.lax.bitcast_convert_type(x, jnp.int32)
    bias = 0x7FFF + ((xi >> 16) & 1)
    return xi + bias

  def body(*refs):
    ins, outs = refs[:4 * K], refs[4 * K:]
    for k in range(K):
      xc = jnp.concatenate([ins[4 * k + q][...] for q in range(4)], axis=0)
      y = xc.T
      lo = jax.lax.shift_right_logical(rne16(y[:, :2 * D]), 16)
      hi = rne16(y[:, 2 * D:]) & jnp.int32(-65536)
      outs[k][...] = jax.lax.bitcast_convert_type(lo | hi, jnp.float32)

  in_specs = []
  for _ in range(K):
    in_specs.append(pl.BlockSpec((D, TB), lambda i: (0, i)))
    in_specs.append(pl.BlockSpec((D, TB), lambda i: (0, i + NTB)))
    in_specs.append(pl.BlockSpec((D, TB), lambda i: (0, i + 2 * NTB)))
    in_specs.append(pl.BlockSpec((D, TB), lambda i: (0, i + 3 * NTB)))
  return pl.pallas_call(
      body,
      grid=(NTB,),
      in_specs=in_specs,
      out_specs=[pl.BlockSpec((TB, 2 * D), lambda i: (i, 0))] * K,
      out_shape=[jax.ShapeDtypeStruct((M, 2 * D), jnp.float32)] * K,
  )(*[t for t in tabs_t for _ in range(4)])


def _sc_gather(idxp, *tabs):
  mesh = plsc.VectorSubcoreMesh(core_axis_name="c", subcore_axis_name="s")

  @functools.partial(
      pl.kernel,
      out_type=jax.ShapeDtypeStruct((K, NW, NCH, CH, 2 * D), jnp.float32),
      mesh=mesh,
      scratch_types=[
          pltpu.VMEM((NCHUNK, CH), jnp.int32),
          pltpu.VMEM((SLOTS, CH, 2 * D), jnp.float32),
          pltpu.SemaphoreType.DMA,
          pltpu.SemaphoreType.DMA,
          pltpu.SemaphoreType.DMA,
          pltpu.SemaphoreType.DMA,
      ],
  )
  def body(idx_hbm, a0, a1, a2, a3, a4, a5, out_hbm, idx_v, rows_v, gsem0,
           gsem1, wsem0, wsem1):
    wid = lax.axis_index("s") * NC + lax.axis_index("c")
    tabs_r = (a0, a1, a2, a3, a4, a5)
    gsems = (gsem0, gsem1)
    wsems = (wsem0, wsem1)
    pltpu.sync_copy(idx_hbm.at[wid], idx_v)

    def fire(c):
      k = c // NCH
      pltpu.async_copy(
          tabs_r[k].at[idx_v.at[c]], rows_v.at[c % SLOTS], gsems[c % 2])

    def gwait(c):
      k = c // NCH
      pltpu.make_async_copy(
          tabs_r[k].at[idx_v.at[c]], rows_v.at[c % SLOTS],
          gsems[c % 2]).wait()

    def wstart(c):
      k, j = divmod(c, NCH)
      pltpu.async_copy(
          rows_v.at[c % SLOTS], out_hbm.at[k, wid, j], wsems[c % 2])

    def wwait(c):
      k, j = divmod(c, NCH)
      pltpu.make_async_copy(
          rows_v.at[c % SLOTS], out_hbm.at[k, wid, j],
          wsems[c % 2]).wait()

    fire(0)
    fire(1)
    for c in range(NCHUNK):
      gwait(c)
      if c >= 2:
        wwait(c - 2)
      wstart(c)
      if c + 2 < NCHUNK:
        fire(c + 2)
    for c in range(NCHUNK - 2, NCHUNK):
      wwait(c)

  return body(idxp, *tabs)


def _tc_project(g, half, w, bias):
  bm = 1024

  def body(g_ref, p_ref, w_ref, b_ref, o_ref):
    acc = jnp.broadcast_to(b_ref[0], (bm, H))
    for k in range(K):
      u = jax.lax.bitcast_convert_type(g_ref[k], jnp.int32)
      flo = jax.lax.bitcast_convert_type(
          jax.lax.shift_left(u, 16), jnp.float32)
      fhi = jax.lax.bitcast_convert_type(
          u & jnp.int32(-65536), jnp.float32)
      qk = p_ref[k][:, None]
      ek = (flo[:, :D] * (qk == 0.).astype(jnp.float32)
            + flo[:, D:] * (qk == 1.).astype(jnp.float32)
            + fhi[:, :D] * (qk == 2.).astype(jnp.float32)
            + fhi[:, D:] * (qk == 3.).astype(jnp.float32))
      acc = acc + jnp.dot(ek, w_ref[k], preferred_element_type=jnp.float32)
    o_ref[...] = acc

  return pl.pallas_call(
      body,
      grid=(B // bm,),
      in_specs=[
          pl.BlockSpec((K, bm, 2 * D), lambda i: (0, i, 0)),
          pl.BlockSpec((8, bm), lambda i: (0, i)),
          pl.BlockSpec((K, D, H), lambda i: (0, 0, 0)),
          pl.BlockSpec((1, H), lambda i: (0, 0)),
      ],
      out_specs=pl.BlockSpec((bm, H), lambda i: (i, 0)),
      out_shape=jax.ShapeDtypeStruct((B, H), jnp.float32),
  )(g, half, w, bias)


def kernel(batch_seq_cat, t_incbd, t_bldcnt, t_floorn, t_area, t_lon, t_lat,
           W, b):
  idx = batch_seq_cat[:, 1:7].astype(jnp.int32).T
  q = idx // M
  idxp = (idx - q * M).reshape(K, NW, NCH, CH).transpose(1, 0, 2, 3)
  idxp = idxp.reshape(NW, NCHUNK, CH)
  half = jnp.pad(q.astype(jnp.float32), ((0, 2), (0, 0)))
  packed = _tc_pack(t_incbd.T, t_bldcnt.T, t_floorn.T, t_area.T, t_lon.T,
                    t_lat.T)
  g = _sc_gather(idxp, *packed)
  g = g.reshape(K, B, 2 * D)
  w = W.reshape(K, D, H)
  bias = b.reshape(1, H)
  return _tc_project(g, half, w, bias)

# --- scband reference (transcript-rebuilt; emitter-appended) ---
"""Pipeline reference for scband-region-embedding-39187281608854 (READ-ONLY COPY).

The authoritative reference and input builder live on the scoring server;
editing this copy changes nothing except your own understanding.
"""

import jax, jax.numpy as jnp
import numpy as np

B = 16384
V = 100000
D = 64
H = 128

def setup_inputs(seed: int = 0) -> dict:
    key = jax.random.key(seed)
    ks = jax.random.split(key, 9)
    inp = {}
    inp["batch_seq_cat"] = jax.random.randint(ks[0], (B, 7), 0, V, dtype=jnp.int64) if jax.config.jax_enable_x64 else jax.random.randint(ks[0], (B, 7), 0, V, dtype=jnp.int32)
    names = ["t_incbd", "t_bldcnt", "t_floorn", "t_area", "t_lon", "t_lat"]
    for i, n in enumerate(names):
        inp[n] = jax.random.normal(ks[i + 1], (V, D), dtype=jnp.float32) * 0.02
    inp["W"] = jax.random.normal(ks[7], (D * 6, H), dtype=jnp.float32) * 0.02
    inp["b"] = jnp.zeros((H,), dtype=jnp.float32)
    return inp

def reference(batch_seq_cat, t_incbd, t_bldcnt, t_floorn, t_area, t_lon, t_lat, W, b):
    e1 = jnp.take(t_incbd, batch_seq_cat[:, 1], axis=0)
    e2 = jnp.take(t_bldcnt, batch_seq_cat[:, 2], axis=0)
    e3 = jnp.take(t_floorn, batch_seq_cat[:, 3], axis=0)
    e4 = jnp.take(t_area, batch_seq_cat[:, 4], axis=0)
    e5 = jnp.take(t_lon, batch_seq_cat[:, 5], axis=0)
    e6 = jnp.take(t_lat, batch_seq_cat[:, 6], axis=0)
    sparse_vec = jnp.concatenate([e1, e2, e3, e4, e5, e6], axis=1)
    sparse_vec = sparse_vec @ W + b
    return sparse_vec

if __name__ == "__main__":
    import jax
    _d = setup_inputs()
    print(jax.jit(kernel)(*tuple(_d.values())))

</pallas_src>

<mosaic_0001>
#map = affine_map<(d0, d1) -> (0, 0, 0)>
#map1 = affine_map<(d0, d1) -> (0, 0)>
#map2 = affine_map<(d0, d1) -> (0, 0, 0, 0, 0)>
module attributes {stable_mosaic.version = 14 : i64} {
  func.func @body(%arg0: i32, %arg1: i32, %arg2: memref<32x24x128xi32, #tpu.memory_space<hbm>>, %arg3: memref<25088x128xf32, #tpu.memory_space<hbm>>, %arg4: memref<25088x128xf32, #tpu.memory_space<hbm>>, %arg5: memref<25088x128xf32, #tpu.memory_space<hbm>>, %arg6: memref<25088x128xf32, #tpu.memory_space<hbm>>, %arg7: memref<25088x128xf32, #tpu.memory_space<hbm>>, %arg8: memref<25088x128xf32, #tpu.memory_space<hbm>>, %arg9: memref<6x32x4x128x128xf32, #tpu.memory_space<hbm>>, %arg10: memref<24x128xi32, #tpu.memory_space<vmem>>, %arg11: memref<4x128x128xf32, #tpu.memory_space<vmem>>, %arg12: memref<!tpu.dma_semaphore, #tpu.memory_space<semaphore_mem>>, %arg13: memref<!tpu.dma_semaphore, #tpu.memory_space<semaphore_mem>>, %arg14: memref<!tpu.dma_semaphore, #tpu.memory_space<semaphore_mem>>, %arg15: memref<!tpu.dma_semaphore, #tpu.memory_space<semaphore_mem>>) attributes {dimension_semantics = [#tpu.dimension_semantics<core_parallel>, #tpu.dimension_semantics<subcore_parallel>], iteration_bounds = array<i64: 2, 16>, scalar_prefetch = 0 : i64, scratch_operands = 6 : i64, tpu.core_type = #tpu.core_type<sc_vector_subcore>, window_params = [{transform_indices = #map}, {transform_indices = #map1}, {transform_indices = #map1}, {transform_indices = #map1}, {transform_indices = #map1}, {transform_indices = #map1}, {transform_indices = #map1}, {transform_indices = #map2}]} {
    %mul3A = arith.constant 2 : i32
    %mul3A_0 = arith.muli %arg1, %mul3A : i32
    %add3A = arith.addi %mul3A_0, %arg0 : i32
    "tpu.region"() ({
      %run_scoped3A = tpu.sem_alloc : memref<!tpu.dma_semaphore, #tpu.memory_space<semaphore_mem>>
      %dma_start3A_1487 = arith.constant 0 : i32
      %dma_start3A_1488 = arith.constant 0 : i32
      %dma_start3A_1489 = tpu.memref_slice %arg2[%add3A, %dma_start3A_1487, %dma_start3A_1488] : memref<32x24x128xi32, #tpu.memory_space<hbm>> -> memref<1x24x128xi32, #tpu.memory_space<hbm>>
      %dma_start3A_1490 = tpu.memref_squeeze %dma_start3A_1489 : memref<1x24x128xi32, #tpu.memory_space<hbm>> -> memref<24x128xi32, #tpu.memory_space<hbm>>
      %dma_start3A_1491 = arith.constant 0 : i32
      %dma_start3A_1492 = arith.constant 0 : i32
      %dma_start3A_1493 = tpu.memref_slice %arg2[%add3A, %dma_start3A_1491, %dma_start3A_1492] : memref<32x24x128xi32, #tpu.memory_space<hbm>> -> memref<1x24x128xi32, #tpu.memory_space<hbm>>
      %dma_start3A_1494 = tpu.memref_squeeze %dma_start3A_1493 : memref<1x24x128xi32, #tpu.memory_space<hbm>> -> memref<24x128xi32, #tpu.memory_space<hbm>>
      tpu.enqueue_dma source(%dma_start3A_1494 : memref<24x128xi32, #tpu.memory_space<hbm>>) target(%arg10 : memref<24x128xi32, #tpu.memory_space<vmem>>) target_semaphore(%run_scoped3A : memref<!tpu.dma_semaphore, #tpu.memory_space<semaphore_mem>>)
      %dma_wait3A_1495 = arith.constant 0 : i32
      %dma_wait3A_1496 = arith.constant 0 : i32
      %dma_wait3A_1497 = tpu.memref_slice %arg2[%add3A, %dma_wait3A_1495, %dma_wait3A_1496] : memref<32x24x128xi32, #tpu.memory_space<hbm>> -> memref<1x24x128xi32, #tpu.memory_space<hbm>>
      %dma_wait3A_1498 = tpu.memref_squeeze %dma_wait3A_1497 : memref<1x24x128xi32, #tpu.memory_space<hbm>> -> memref<24x128xi32, #tpu.memory_space<hbm>>
      %dma_wait3A_1499 = arith.constant 0 : i32
      %dma_wait3A_1500 = arith.constant 0 : i32
      %dma_wait3A_1501 = tpu.memref_slice %arg2[%add3A, %dma_wait3A_1499, %dma_wait3A_1500] : memref<32x24x128xi32, #tpu.memory_space<hbm>> -> memref<1x24x128xi32, #tpu.memory_space<hbm>>
      %dma_wait3A_1502 = tpu.memref_squeeze %dma_wait3A_1501 : memref<1x24x128xi32, #tpu.memory_space<hbm>> -> memref<24x128xi32, #tpu.memory_space<hbm>>
      tpu.wait_dma2 semaphore(%run_scoped3A : memref<!tpu.dma_semaphore, #tpu.memory_space<semaphore_mem>>) src(%dma_wait3A_1502 : memref<24x128xi32, #tpu.memory_space<hbm>>) dst(%arg10 : memref<24x128xi32, #tpu.memory_space<vmem>>)
      tpu.yield
    }) : () -> ()
    %dma_start3A = arith.constant 0 : i32
    %dma_start3A_1 = arith.constant 0 : i32
    %dma_start3A_2 = arith.constant 0 : i32
    %dma_start3A_3 = arith.constant 0 : i32
    %dma_start3A_4 = tpu.memref_slice %arg11[%dma_start3A_1, %dma_start3A_2, %dma_start3A_3] : memref<4x128x128xf32, #tpu.memory_space<vmem>> -> memref<1x128x128xf32, #tpu.memory_space<vmem>>
    %dma_start3A_5 = tpu.memref_squeeze %dma_start3A_4 : memref<1x128x128xf32, #tpu.memory_space<vmem>> -> memref<128x128xf32, #tpu.memory_space<vmem>>
    %dma_start3A_6 = arith.constant 0 : i32
    %dma_start3A_7 = tpu.memref_slice %arg10[%dma_start3A, %dma_start3A_6] : memref<24x128xi32, #tpu.memory_space<vmem>> -> memref<1x128xi32, #tpu.memory_space<vmem>>
    %dma_start3A_8 = tpu.memref_squeeze %dma_start3A_7 : memref<1x128xi32, #tpu.memory_space<vmem>> -> memref<128xi32, #tpu.memory_space<vmem>>
    %dma_start3A_9 = arith.constant 0 : i32
    %dma_start3A_10 = arith.constant 0 : i32
    %dma_start3A_11 = tpu.memref_slice %arg3[%dma_start3A_9, %dma_start3A_10] : memref<25088x128xf32, #tpu.memory_space<hbm>> -> memref<25088x128xf32, #tpu.memory_space<hbm>>
    tpu.enqueue_indirect_dma source(%dma_start3A_11 : memref<25088x128xf32, #tpu.memory_space<hbm>>) target(%dma_start3A_5 : memref<128x128xf32, #tpu.memory_space<vmem>>) offsets(%dma_start3A_8 : memref<128xi32, #tpu.memory_space<vmem>>) semaphore(%arg12 : memref<!tpu.dma_semaphore, #tpu.memory_space<semaphore_mem>>)
    %dma_start3A_12 = arith.constant 1 : i32
    %dma_start3A_13 = arith.constant 1 : i32
    %dma_start3A_14 = arith.constant 0 : i32
    %dma_start3A_15 = arith.constant 0 : i32
    %dma_start3A_16 = tpu.memref_slice %arg11[%dma_start3A_13, %dma_start3A_14, %dma_start3A_15] : memref<4x128x128xf32, #tpu.memory_space<vmem>> -> memref<1x128x128xf32, #tpu.memory_space<vmem>>
    %dma_start3A_17 = tpu.memref_squeeze %dma_start3A_16 : memref<1x128x128xf32, #tpu.memory_space<vmem>> -> memref<128x128xf32, #tpu.memory_space<vmem>>
    %dma_start3A_18 = arith.constant 0 : i32
    %dma_start3A_19 = tpu.memref_slice %arg10[%dma_start3A_12, %dma_start3A_18] : memref<24x128xi32, #tpu.memory_space<vmem>> -> memref<1x128xi32, #tpu.memory_space<vmem>>
    %dma_start3A_20 = tpu.memref_squeeze %dma_start3A_19 : memref<1x128xi32, #tpu.memory_space<vmem>> -> memref<128xi32, #tpu.memory_space<vmem>>
    %dma_start3A_21 = arith.constant 0 : i32
    %dma_start3A_22 = arith.constant 0 : i32
    %dma_start3A_23 = tpu.memref_slice %arg3[%dma_start3A_21, %dma_start3A_22] : memref<25088x128xf32, #tpu.memory_space<hbm>> -> memref<25088x128xf32, #tpu.memory_space<hbm>>
    tpu.enqueue_indirect_dma source(%dma_start3A_23 : memref<25088x128xf32, #tpu.memory_space<hbm>>) target(%dma_start3A_17 : memref<128x128xf32, #tpu.memory_space<vmem>>) offsets(%dma_start3A_20 : memref<128xi32, #tpu.memory_space<vmem>>) semaphore(%arg13 : memref<!tpu.dma_semaphore, #tpu.memory_space<semaphore_mem>>)
    %dma_wait3A = arith.constant 0 : i32
    %dma_wait3A_24 = arith.constant 0 : i32
    %dma_wait3A_25 = arith.constant 0 : i32
    %dma_wait3A_26 = arith.constant 0 : i32
    %dma_wait3A_27 = tpu.memref_slice %arg11[%dma_wait3A_24, %dma_wait3A_25, %dma_wait3A_26] : memref<4x128x128xf32, #tpu.memory_space<vmem>> -> memref<1x128x128xf32, #tpu.memory_space<vmem>>
    %dma_wait3A_28 = tpu.memref_squeeze %dma_wait3A_27 : memref<1x128x128xf32, #tpu.memory_space<vmem>> -> memref<128x128xf32, #tpu.memory_space<vmem>>
    %dma_wait3A_29 = arith.constant 0 : i32
    %dma_wait3A_30 = tpu.memref_slice %arg10[%dma_wait3A, %dma_wait3A_29] : memref<24x128xi32, #tpu.memory_space<vmem>> -> memref<1x128xi32, #tpu.memory_space<vmem>>
    %dma_wait3A_31 = tpu.memref_squeeze %dma_wait3A_30 : memref<1x128xi32, #tpu.memory_space<vmem>> -> memref<128xi32, #tpu.memory_space<vmem>>
    %dma_wait3A_32 = arith.constant 0 : i32
    %dma_wait3A_33 = arith.constant 0 : i32
    %dma_wait3A_34 = tpu.memref_slice %arg3[%dma_wait3A_32, %dma_wait3A_33] : memref<25088x128xf32, #tpu.memory_space<hbm>> -> memref<25088x128xf32, #tpu.memory_space<hbm>>
    tpu.wait_indirect_dma semaphore(%arg12 : memref<!tpu.dma_semaphore, #tpu.memory_space<semaphore_mem>>) src(%dma_wait3A_34 : memref<25088x128xf32, #tpu.memory_space<hbm>>) dst(%dma_wait3A_28 : memref<128x128xf32, #tpu.memory_space<vmem>>)
    %dma_start3A_35 = arith.constant 0 : i32
    %dma_start3A_36 = arith.constant 0 : i32
    %dma_start3A_37 = arith.constant 0 : i32
    %dma_start3A_38 = arith.constant 0 : i32
    %dma_start3A_39 = arith.constant 0 : i32
    %dma_start3A_40 = tpu.memref_slice %arg11[%dma_start3A_35, %dma_start3A_38, %dma_start3A_39] : memref<4x128x128xf32, #tpu.memory_space<vmem>> -> memref<1x128x128xf32, #tpu.memory_space<vmem>>
    %dma_start3A_41 = tpu.memref_squeeze %dma_start3A_40 : memref<1x128x128xf32, #tpu.memory_space<vmem>> -> memref<128x128xf32, #tpu.memory_space<vmem>>
    %dma_start3A_42 = arith.constant 0 : i32
    %dma_start3A_43 = arith.constant 0 : i32
    %dma_start3A_44 = tpu.memref_slice %arg9[%dma_start3A_36, %add3A, %dma_start3A_37, %dma_start3A_42, %dma_start3A_43] : memref<6x32x4x128x128xf32, #tpu.memory_space<hbm>> -> memref<1x1x1x128x128xf32, #tpu.memory_space<hbm>>
    %dma_start3A_45 = tpu.memref_squeeze %dma_start3A_44 : memref<1x1x1x128x128xf32, #tpu.memory_space<hbm>> -> memref<128x128xf32, #tpu.memory_space<hbm>>
    %dma_start3A_46 = arith.constant 0 : i32
    %dma_start3A_47 = arith.constant 0 : i32
    %dma_start3A_48 = tpu.memref_slice %arg9[%dma_start3A_36, %add3A, %dma_start3A_37, %dma_start3A_46, %dma_start3A_47] : memref<6x32x4x128x128xf32, #tpu.memory_space<hbm>> -> memref<1x1x1x128x128xf32, #tpu.memory_space<hbm>>
    %dma_start3A_49 = tpu.memref_squeeze %dma_start3A_48 : memref<1x1x1x128x128xf32, #tpu.memory_space<hbm>> -> memref<128x128xf32, #tpu.memory_space<hbm>>
    %dma_start3A_50 = arith.constant 0 : i32
    %dma_start3A_51 = arith.constant 0 : i32
    %dma_start3A_52 = tpu.memref_slice %arg11[%dma_start3A_35, %dma_start3A_50, %dma_start3A_51] : memref<4x128x128xf32, #tpu.memory_space<vmem>> -> memref<1x128x128xf32, #tpu.memory_space<vmem>>
    %dma_start3A_53 = tpu.memref_squeeze %dma_start3A_52 : memref<1x128x128xf32, #tpu.memory_space<vmem>> -> memref<128x128xf32, #tpu.memory_space<vmem>>
    tpu.enqueue_dma source(%dma_start3A_53 : memref<128x128xf32, #tpu.memory_space<vmem>>) target(%dma_start3A_49 : memref<128x128xf32, #tpu.memory_space<hbm>>) target_semaphore(%arg14 : memref<!tpu.dma_semaphore, #tpu.memory_space<semaphore_mem>>)
    %dma_start3A_54 = arith.constant 2 : i32
    %dma_start3A_55 = arith.constant 2 : i32
    %dma_start3A_56 = arith.constant 0 : i32
    %dma_start3A_57 = arith.constant 0 : i32
    %dma_start3A_58 = tpu.memref_slice %arg11[%dma_start3A_55, %dma_start3A_56, %dma_start3A_57] : memref<4x128x128xf32, #tpu.memory_space<vmem>> -> memref<1x128x128xf32, #tpu.memory_space<vmem>>
    %dma_start3A_59 = tpu.memref_squeeze %dma_start3A_58 : memref<1x128x128xf32, #tpu.memory_space<vmem>> -> memref<128x128xf32, #tpu.memory_space<vmem>>
    %dma_start3A_60 = arith.constant 0 : i32
    %dma_start3A_61 = tpu.memref_slice %arg10[%dma_start3A_54, %dma_start3A_60] : memref<24x128xi32, #tpu.memory_space<vmem>> -> memref<1x128xi32, #tpu.memory_space<vmem>>
    %dma_start3A_62 = tpu.memref_squeeze %dma_start3A_61 : memref<1x128xi32, #tpu.memory_space<vmem>> -> memref<128xi32, #tpu.memory_space<vmem>>
    %dma_start3A_63 = arith.constant 0 : i32
    %dma_start3A_64 = arith.constant 0 : i32
    %dma_start3A_65 = tpu.memref_slice %arg3[%dma_start3A_63, %dma_start3A_64] : memref<25088x128xf32, #tpu.memory_space<hbm>> -> memref<25088x128xf32, #tpu.memory_space<hbm>>
    tpu.enqueue_indirect_dma source(%dma_start3A_65 : memref<25088x128xf32, #tpu.memory_space<hbm>>) target(%dma_start3A_59 : memref<128x128xf32, #tpu.memory_space<vmem>>) offsets(%dma_start3A_62 : memref<128xi32, #tpu.memory_space<vmem>>) semaphore(%arg12 : memref<!tpu.dma_semaphore, #tpu.memory_space<semaphore_mem>>)
    %dma_wait3A_66 = arith.constant 1 : i32
    %dma_wait3A_67 = arith.constant 1 : i32
    %dma_wait3A_68 = arith.constant 0 : i32
    %dma_wait3A_69 = arith.constant 0 : i32
    %dma_wait3A_70 = tpu.memref_slice %arg11[%dma_wait3A_67, %dma_wait3A_68, %dma_wait3A_69] : memref<4x128x128xf32, #tpu.memory_space<vmem>> -> memref<1x128x128xf32, #tpu.memory_space<vmem>>
    %dma_wait3A_71 = tpu.memref_squeeze %dma_wait3A_70 : memref<1x128x128xf32, #tpu.memory_space<vmem>> -> memref<128x128xf32, #tpu.memory_space<vmem>>
    %dma_wait3A_72 = arith.constant 0 : i32
    %dma_wait3A_73 = tpu.memref_slice %arg10[%dma_wait3A_66, %dma_wait3A_72] : memref<24x128xi32, #tpu.memory_space<vmem>> -> memref<1x128xi32, #tpu.memory_space<vmem>>
    %dma_wait3A_74 = tpu.memref_squeeze %dma_wait3A_73 : memref<1x128xi32, #tpu.memory_space<vmem>> -> memref<128xi32, #tpu.memory_space<vmem>>
    %dma_wait3A_75 = arith.constant 0 : i32
    %dma_wait3A_76 = arith.constant 0 : i32
    %dma_wait3A_77 = tpu.memref_slice %arg3[%dma_wait3A_75, %dma_wait3A_76] : memref<25088x128xf32, #tpu.memory_space<hbm>> -> memref<25088x128xf32, #tpu.memory_space<hbm>>
    tpu.wait_indirect_dma semaphore(%arg13 : memref<!tpu.dma_semaphore, #tpu.memory_space<semaphore_mem>>) src(%dma_wait3A_77 : memref<25088x128xf32, #tpu.memory_space<hbm>>) dst(%dma_wait3A_71 : memref<128x128xf32, #tpu.memory_space<vmem>>)
    %dma_start3A_78 = arith.constant 1 : i32
    %dma_start3A_79 = arith.constant 0 : i32
    %dma_start3A_80 = arith.constant 1 : i32
    %dma_start3A_81 = arith.constant 0 : i32
    %dma_start3A_82 = arith.constant 0 : i32
    %dma_start3A_83 = tpu.memref_slice %arg11[%dma_start3A_78, %dma_start3A_81, %dma_start3A_82] : memref<4x128x128xf32, #tpu.memory_space<vmem>> -> memref<1x128x128xf32, #tpu.memory_space<vmem>>
    %dma_start3A_84 = tpu.memref_squeeze %dma_start3A_83 : memref<1x128x128xf32, #tpu.memory_space<vmem>> -> memref<128x128xf32, #tpu.memory_space<vmem>>
    %dma_start3A_85 = arith.constant 0 : i32
    %dma_start3A_86 = arith.constant 0 : i32
    %dma_start3A_87 = tpu.memref_slice %arg9[%dma_start3A_79, %add3A, %dma_start3A_80, %dma_start3A_85, %dma_start3A_86] : memref<6x32x4x128x128xf32, #tpu.memory_space<hbm>> -> memref<1x1x1x128x128xf32, #tpu.memory_space<hbm>>
    %dma_start3A_88 = tpu.memref_squeeze %dma_start3A_87 : memref<1x1x1x128x128xf32, #tpu.memory_space<hbm>> -> memref<128x128xf32, #tpu.memory_space<hbm>>
    %dma_start3A_89 = arith.constant 0 : i32
    %dma_start3A_90 = arith.constant 0 : i32
    %dma_start3A_91 = tpu.memref_slice %arg9[%dma_start3A_79, %add3A, %dma_start3A_80, %dma_start3A_89, %dma_start3A_90] : memref<6x32x4x128x128xf32, #tpu.memory_space<hbm>> -> memref<1x1x1x128x128xf32, #tpu.memory_space<hbm>>
    %dma_start3A_92 = tpu.memref_squeeze %dma_start3A_91 : memref<1x1x1x128x128xf32, #tpu.memory_space<hbm>> -> memref<128x128xf32, #tpu.memory_space<hbm>>
    %dma_start3A_93 = arith.constant 0 : i32
    %dma_start3A_94 = arith.constant 0 : i32
    %dma_start3A_95 = tpu.memref_slice %arg11[%dma_start3A_78, %dma_start3A_93, %dma_start3A_94] : memref<4x128x128xf32, #tpu.memory_space<vmem>> -> memref<1x128x128xf32, #tpu.memory_space<vmem>>
    %dma_start3A_96 = tpu.memref_squeeze %dma_start3A_95 : memref<1x128x128xf32, #tpu.memory_space<vmem>> -> memref<128x128xf32, #tpu.memory_space<vmem>>
    tpu.enqueue_dma source(%dma_start3A_96 : memref<128x128xf32, #tpu.memory_space<vmem>>) target(%dma_start3A_92 : memref<128x128xf32, #tpu.memory_space<hbm>>) target_semaphore(%arg15 : memref<!tpu.dma_semaphore, #tpu.memory_space<semaphore_mem>>)
    %dma_start3A_97 = arith.constant 3 : i32
    %dma_start3A_98 = arith.constant 3 : i32
    %dma_start3A_99 = arith.constant 0 : i32
    %dma_start3A_100 = arith.constant 0 : i32
    %dma_start3A_101 = tpu.memref_slice %arg11[%dma_start3A_98, %dma_start3A_99, %dma_start3A_100] : memref<4x128x128xf32, #tpu.memory_space<vmem>> -> memref<1x128x128xf32, #tpu.memory_space<vmem>>
    %dma_start3A_102 = tpu.memref_squeeze %dma_start3A_101 : memref<1x128x128xf32, #tpu.memory_space<vmem>> -> memref<128x128xf32, #tpu.memory_space<vmem>>
    %dma_start3A_103 = arith.constant 0 : i32
    %dma_start3A_104 = tpu.memref_slice %arg10[%dma_start3A_97, %dma_start3A_103] : memref<24x128xi32, #tpu.memory_space<vmem>> -> memref<1x128xi32, #tpu.memory_space<vmem>>
    %dma_start3A_105 = tpu.memref_squeeze %dma_start3A_104 : memref<1x128xi32, #tpu.memory_space<vmem>> -> memref<128xi32, #tpu.memory_space<vmem>>
    %dma_start3A_106 = arith.constant 0 : i32
    %dma_start3A_107 = arith.constant 0 : i32
    %dma_start3A_108 = tpu.memref_slice %arg3[%dma_start3A_106, %dma_start3A_107] : memref<25088x128xf32, #tpu.memory_space<hbm>> -> memref<25088x128xf32, #tpu.memory_space<hbm>>
    tpu.enqueue_indirect_dma source(%dma_start3A_108 : memref<25088x128xf32, #tpu.memory_space<hbm>>) target(%dma_start3A_102 : memref<128x128xf32, #tpu.memory_space<vmem>>) offsets(%dma_start3A_105 : memref<128xi32, #tpu.memory_space<vmem>>) semaphore(%arg13 : memref<!tpu.dma_semaphore, #tpu.memory_space<semaphore_mem>>)
    %dma_wait3A_109 = arith.constant 2 : i32
    %dma_wait3A_110 = arith.constant 2 : i32
    %dma_wait3A_111 = arith.constant 0 : i32
    %dma_wait3A_112 = arith.constant 0 : i32
    %dma_wait3A_113 = tpu.memref_slice %arg11[%dma_wait3A_110, %dma_wait3A_111, %dma_wait3A_112] : memref<4x128x128xf32, #tpu.memory_space<vmem>> -> memref<1x128x128xf32, #tpu.memory_space<vmem>>
    %dma_wait3A_114 = tpu.memref_squeeze %dma_wait3A_113 : memref<1x128x128xf32, #tpu.memory_space<vmem>> -> memref<128x128xf32, #tpu.memory_space<vmem>>
    %dma_wait3A_115 = arith.constant 0 : i32
    %dma_wait3A_116 = tpu.memref_slice %arg10[%dma_wait3A_109, %dma_wait3A_115] : memref<24x128xi32, #tpu.memory_space<vmem>> -> memref<1x128xi32, #tpu.memory_space<vmem>>
    %dma_wait3A_117 = tpu.memref_squeeze %dma_wait3A_116 : memref<1x128xi32, #tpu.memory_space<vmem>> -> memref<128xi32, #tpu.memory_space<vmem>>
    %dma_wait3A_118 = arith.constant 0 : i32
    %dma_wait3A_119 = arith.constant 0 : i32
    %dma_wait3A_120 = tpu.memref_slice %arg3[%dma_wait3A_118, %dma_wait3A_119] : memref<25088x128xf32, #tpu.memory_space<hbm>> -> memref<25088x128xf32, #tpu.memory_space<hbm>>
    tpu.wait_indirect_dma semaphore(%arg12 : memref<!tpu.dma_semaphore, #tpu.memory_space<semaphore_mem>>) src(%dma_wait3A_120 : memref<25088x128xf32, #tpu.memory_space<hbm>>) dst(%dma_wait3A_114 : memref<128x128xf32, #tpu.memory_space<vmem>>)
    %dma_wait3A_121 = arith.constant 0 : i32
    %dma_wait3A_122 = arith.constant 0 : i32
    %dma_wait3A_123 = arith.constant 0 : i32
    %dma_wait3A_124 = arith.constant 0 : i32
    %dma_wait3A_125 = arith.constant 0 : i32
    %dma_wait3A_126 = tpu.memref_slice %arg11[%dma_wait3A_121, %dma_wait3A_124, %dma_wait3A_125] : memref<4x128x128xf32, #tpu.memory_space<vmem>> -> memref<1x128x128xf32, #tpu.memory_space<vmem>>
    %dma_wait3A_127 = tpu.memref_squeeze %dma_wait3A_126 : memref<1x128x128xf32, #tpu.memory_space<vmem>> -> memref<128x128xf32, #tpu.memory_space<vmem>>
    %dma_wait3A_128 = arith.constant 0 : i32
    %dma_wait3A_129 = arith.constant 0 : i32
    %dma_wait3A_130 = tpu.memref_slice %arg9[%dma_wait3A_122, %add3A, %dma_wait3A_123, %dma_wait3A_128, %dma_wait3A_129] : memref<6x32x4x128x128xf32, #tpu.memory_space<hbm>> -> memref<1x1x1x128x128xf32, #tpu.memory_space<hbm>>
    %dma_wait3A_131 = tpu.memref_squeeze %dma_wait3A_130 : memref<1x1x1x128x128xf32, #tpu.memory_space<hbm>> -> memref<128x128xf32, #tpu.memory_space<hbm>>
    %dma_wait3A_132 = arith.constant 0 : i32
    %dma_wait3A_133 = arith.constant 0 : i32
    %dma_wait3A_134 = tpu.memref_slice %arg9[%dma_wait3A_122, %add3A, %dma_wait3A_123, %dma_wait3A_132, %dma_wait3A_133] : memref<6x32x4x128x128xf32, #tpu.memory_space<hbm>> -> memref<1x1x1x128x128xf32, #tpu.memory_space<hbm>>
    %dma_wait3A_135 = tpu.memref_squeeze %dma_wait3A_134 : memref<1x1x1x128x128xf32, #tpu.memory_space<hbm>> -> memref<128x128xf32, #tpu.memory_space<hbm>>
    %dma_wait3A_136 = arith.constant 0 : i32
    %dma_wait3A_137 = arith.constant 0 : i32
    %dma_wait3A_138 = tpu.memref_slice %arg11[%dma_wait3A_121, %dma_wait3A_136, %dma_wait3A_137] : memref<4x128x128xf32, #tpu.memory_space<vmem>> -> memref<1x128x128xf32, #tpu.memory_space<vmem>>
    %dma_wait3A_139 = tpu.memref_squeeze %dma_wait3A_138 : memref<1x128x128xf32, #tpu.memory_space<vmem>> -> memref<128x128xf32, #tpu.memory_space<vmem>>
    tpu.wait_dma2 semaphore(%arg14 : memref<!tpu.dma_semaphore, #tpu.memory_space<semaphore_mem>>) src(%dma_wait3A_139 : memref<128x128xf32, #tpu.memory_space<vmem>>) dst(%dma_wait3A_135 : memref<128x128xf32, #tpu.memory_space<hbm>>)
    %dma_start3A_140 = arith.constant 2 : i32
    %dma_start3A_141 = arith.constant 0 : i32
    %dma_start3A_142 = arith.constant 2 : i32
    %dma_start3A_143 = arith.constant 0 : i32
    %dma_start3A_144 = arith.constant 0 : i32
    %dma_start3A_145 = tpu.memref_slice %arg11[%dma_start3A_140, %dma_start3A_143, %dma_start3A_144] : memref<4x128x128xf32, #tpu.memory_space<vmem>> -> memref<1x128x128xf32, #tpu.memory_space<vmem>>
    %dma_start3A_146 = tpu.memref_squeeze %dma_start3A_145 : memref<1x128x128xf32, #tpu.memory_space<vmem>> -> memref<128x128xf32, #tpu.memory_space<vmem>>
    %dma_start3A_147 = arith.constant 0 : i32
    %dma_start3A_148 = arith.constant 0 : i32
    %dma_start3A_149 = tpu.memref_slice %arg9[%dma_start3A_141, %add3A, %dma_start3A_142, %dma_start3A_147, %dma_start3A_148] : memref<6x32x4x128x128xf32, #tpu.memory_space<hbm>> -> memref<1x1x1x128x128xf32, #tpu.memory_space<hbm>>
    %dma_start3A_150 = tpu.memref_squeeze %dma_start3A_149 : memref<1x1x1x128x128xf32, #tpu.memory_space<hbm>> -> memref<128x128xf32, #tpu.memory_space<hbm>>
    %dma_start3A_151 = arith.constant 0 : i32
    %dma_start3A_152 = arith.constant 0 : i32
    %dma_start3A_153 = tpu.memref_slice %arg9[%dma_start3A_141, %add3A, %dma_start3A_142, %dma_start3A_151, %dma_start3A_152] : memref<6x32x4x128x128xf32, #tpu.memory_space<hbm>> -> memref<1x1x1x128x128xf32, #tpu.memory_space<hbm>>
    %dma_start3A_154 = tpu.memref_squeeze %dma_start3A_153 : memref<1x1x1x128x128xf32, #tpu.memory_space<hbm>> -> memref<128x128xf32, #tpu.memory_space<hbm>>
    %dma_start3A_155 = arith.constant 0 : i32
    %dma_start3A_156 = arith.constant 0 : i32
    %dma_start3A_157 = tpu.memref_slice %arg11[%dma_start3A_140, %dma_start3A_155, %dma_start3A_156] : memref<4x128x128xf32, #tpu.memory_space<vmem>> -> memref<1x128x128xf32, #tpu.memory_space<vmem>>
    %dma_start3A_158 = tpu.memref_squeeze %dma_start3A_157 : memref<1x128x128xf32, #tpu.memory_space<vmem>> -> memref<128x128xf32, #tpu.memory_space<vmem>>
    tpu.enqueue_dma source(%dma_start3A_158 : memref<128x128xf32, #tpu.memory_space<vmem>>) target(%dma_start3A_154 : memref<128x128xf32, #tpu.memory_space<hbm>>) target_semaphore(%arg14 : memref<!tpu.dma_semaphore, #tpu.memory_space<semaphore_mem>>)
    %dma_start3A_159 = arith.constant 4 : i32
    %dma_start3A_160 = arith.constant 0 : i32
    %dma_start3A_161 = arith.constant 0 : i32
    %dma_start3A_162 = arith.constant 0 : i32
    %dma_start3A_163 = tpu.memref_slice %arg11[%dma_start3A_160, %dma_start3A_161, %dma_start3A_162] : memref<4x128x128xf32, #tpu.memory_space<vmem>> -> memref<1x128x128xf32, #tpu.memory_space<vmem>>
    %dma_start3A_164 = tpu.memref_squeeze %dma_start3A_163 : memref<1x128x128xf32, #tpu.memory_space<vmem>> -> memref<128x128xf32, #tpu.memory_space<vmem>>
    %dma_start3A_165 = arith.constant 0 : i32
    %dma_start3A_166 = tpu.memref_slice %arg10[%dma_start3A_159, %dma_start3A_165] : memref<24x128xi32, #tpu.memory_space<vmem>> -> memref<1x128xi32, #tpu.memory_space<vmem>>
    %dma_start3A_167 = tpu.memref_squeeze %dma_start3A_166 : memref<1x128xi32, #tpu.memory_space<vmem>> -> memref<128xi32, #tpu.memory_space<vmem>>
    %dma_start3A_168 = arith.constant 0 : i32
    %dma_start3A_169 = arith.constant 0 : i32
    %dma_start3A_170 = tpu.memref_slice %arg4[%dma_start3A_168, %dma_start3A_169] : memref<25088x128xf32, #tpu.memory_space<hbm>> -> memref<25088x128xf32, #tpu.memory_space<hbm>>
    tpu.enqueue_indirect_dma source(%dma_start3A_170 : memref<25088x128xf32, #tpu.memory_space<hbm>>) target(%dma_start3A_164 : memref<128x128xf32, #tpu.memory_space<vmem>>) offsets(%dma_start3A_167 : memref<128xi32, #tpu.memory_space<vmem>>) semaphore(%arg12 : memref<!tpu.dma_semaphore, #tpu.memory_space<semaphore_mem>>)
    %dma_wait3A_171 = arith.constant 3 : i32
    %dma_wait3A_172 = arith.constant 3 : i32
    %dma_wait3A_173 = arith.constant 0 : i32
    %dma_wait3A_174 = arith.constant 0 : i32
    %dma_wait3A_175 = tpu.memref_slice %arg11[%dma_wait3A_172, %dma_wait3A_173, %dma_wait3A_174] : memref<4x128x128xf32, #tpu.memory_space<vmem>> -> memref<1x128x128xf32, #tpu.memory_space<vmem>>
    %dma_wait3A_176 = tpu.memref_squeeze %dma_wait3A_175 : memref<1x128x128xf32, #tpu.memory_space<vmem>> -> memref<128x128xf32, #tpu.memory_space<vmem>>
    %dma_wait3A_177 = arith.constant 0 : i32
    %dma_wait3A_178 = tpu.memref_slice %arg10[%dma_wait3A_171, %dma_wait3A_177] : memref<24x128xi32, #tpu.memory_space<vmem>> -> memref<1x128xi32, #tpu.memory_space<vmem>>
    %dma_wait3A_179 = tpu.memref_squeeze %dma_wait3A_178 : memref<1x128xi32, #tpu.memory_space<vmem>> -> memref<128xi32, #tpu.memory_space<vmem>>
    %dma_wait3A_180 = arith.constant 0 : i32
    %dma_wait3A_181 = arith.constant 0 : i32
    %dma_wait3A_182 = tpu.memref_slice %arg3[%dma_wait3A_180, %dma_wait3A_181] : memref<25088x128xf32, #tpu.memory_space<hbm>> -> memref<25088x128xf32, #tpu.memory_space<hbm>>
    tpu.wait_indirect_dma semaphore(%arg13 : memref<!tpu.dma_semaphore, #tpu.memory_space<semaphore_mem>>) src(%dma_wait3A_182 : memref<25088x128xf32, #tpu.memory_space<hbm>>) dst(%dma_wait3A_176 : memref<128x128xf32, #tpu.memory_space<vmem>>)
    %dma_wait3A_183 = arith.constant 1 : i32
    %dma_wait3A_184 = arith.constant 0 : i32
    %dma_wait3A_185 = arith.constant 1 : i32
    %dma_wait3A_186 = arith.constant 0 : i32
    %dma_wait3A_187 = arith.constant 0 : i32
    %dma_wait3A_188 = tpu.memref_slice %arg11[%dma_wait3A_183, %dma_wait3A_186, %dma_wait3A_187] : memref<4x128x128xf32, #tpu.memory_space<vmem>> -> memref<1x128x128xf32, #tpu.memory_space<vmem>>
    %dma_wait3A_189 = tpu.memref_squeeze %dma_wait3A_188 : memref<1x128x128xf32, #tpu.memory_space<vmem>> -> memref<128x128xf32, #tpu.memory_space<vmem>>
    %dma_wait3A_190 = arith.constant 0 : i32
    %dma_wait3A_191 = arith.constant 0 : i32
    %dma_wait3A_192 = tpu.memref_slice %arg9[%dma_wait3A_184, %add3A, %dma_wait3A_185, %dma_wait3A_190, %dma_wait3A_191] : memref<6x32x4x128x128xf32, #tpu.memory_space<hbm>> -> memref<1x1x1x128x128xf32, #tpu.memory_space<hbm>>
    %dma_wait3A_193 = tpu.memref_squeeze %dma_wait3A_192 : memref<1x1x1x128x128xf32, #tpu.memory_space<hbm>> -> memref<128x128xf32, #tpu.memory_space<hbm>>
    %dma_wait3A_194 = arith.constant 0 : i32
    %dma_wait3A_195 = arith.constant 0 : i32
    %dma_wait3A_196 = tpu.memref_slice %arg9[%dma_wait3A_184, %add3A, %dma_wait3A_185, %dma_wait3A_194, %dma_wait3A_195] : memref<6x32x4x128x128xf32, #tpu.memory_space<hbm>> -> memref<1x1x1x128x128xf32, #tpu.memory_space<hbm>>
    %dma_wait3A_197 = tpu.memref_squeeze %dma_wait3A_196 : memref<1x1x1x128x128xf32, #tpu.memory_space<hbm>> -> memref<128x128xf32, #tpu.memory_space<hbm>>
    %dma_wait3A_198 = arith.constant 0 : i32
    %dma_wait3A_199 = arith.constant 0 : i32
    %dma_wait3A_200 = tpu.memref_slice %arg11[%dma_wait3A_183, %dma_wait3A_198, %dma_wait3A_199] : memref<4x128x128xf32, #tpu.memory_space<vmem>> -> memref<1x128x128xf32, #tpu.memory_space<vmem>>
    %dma_wait3A_201 = tpu.memref_squeeze %dma_wait3A_200 : memref<1x128x128xf32, #tpu.memory_space<vmem>> -> memref<128x128xf32, #tpu.memory_space<vmem>>
    tpu.wait_dma2 semaphore(%arg15 : memref<!tpu.dma_semaphore, #tpu.memory_space<semaphore_mem>>) src(%dma_wait3A_201 : memref<128x128xf32, #tpu.memory_space<vmem>>) dst(%dma_wait3A_197 : memref<128x128xf32, #tpu.memory_space<hbm>>)
    %dma_start3A_202 = arith.constant 3 : i32
    %dma_start3A_203 = arith.constant 0 : i32
    %dma_start3A_204 = arith.constant 3 : i32
    %dma_start3A_205 = arith.constant 0 : i32
    %dma_start3A_206 = arith.constant 0 : i32
    %dma_start3A_207 = tpu.memref_slice %arg11[%dma_start3A_202, %dma_start3A_205, %dma_start3A_206] : memref<4x128x128xf32, #tpu.memory_space<vmem>> -> memref<1x128x128xf32, #tpu.memory_space<vmem>>
    %dma_start3A_208 = tpu.memref_squeeze %dma_start3A_207 : memref<1x128x128xf32, #tpu.memory_space<vmem>> -> memref<128x128xf32, #tpu.memory_space<vmem>>
    %dma_start3A_209 = arith.constant 0 : i32
    %dma_start3A_210 = arith.constant 0 : i32
    %dma_start3A_211 = tpu.memref_slice %arg9[%dma_start3A_203, %add3A, %dma_start3A_204, %dma_start3A_209, %dma_start3A_210] : memref<6x32x4x128x128xf32, #tpu.memory_space<hbm>> -> memref<1x1x1x128x128xf32, #tpu.memory_space<hbm>>
    %dma_start3A_212 = tpu.memref_squeeze %dma_start3A_211 : memref<1x1x1x128x128xf32, #tpu.memory_space<hbm>> -> memref<128x128xf32, #tpu.memory_space<hbm>>
    %dma_start3A_213 = arith.constant 0 : i32
    %dma_start3A_214 = arith.constant 0 : i32
    %dma_start3A_215 = tpu.memref_slice %arg9[%dma_start3A_203, %add3A, %dma_start3A_204, %dma_start3A_213, %dma_start3A_214] : memref<6x32x4x128x128xf32, #tpu.memory_space<hbm>> -> memref<1x1x1x128x128xf32, #tpu.memory_space<hbm>>
    %dma_start3A_216 = tpu.memref_squeeze %dma_start3A_215 : memref<1x1x1x128x128xf32, #tpu.memory_space<hbm>> -> memref<128x128xf32, #tpu.memory_space<hbm>>
    %dma_start3A_217 = arith.constant 0 : i32
    %dma_start3A_218 = arith.constant 0 : i32
    %dma_start3A_219 = tpu.memref_slice %arg11[%dma_start3A_202, %dma_start3A_217, %dma_start3A_218] : memref<4x128x128xf32, #tpu.memory_space<vmem>> -> memref<1x128x128xf32, #tpu.memory_space<vmem>>
    %dma_start3A_220 = tpu.memref_squeeze %dma_start3A_219 : memref<1x128x128xf32, #tpu.memory_space<vmem>> -> memref<128x128xf32, #tpu.memory_space<vmem>>
    tpu.enqueue_dma source(%dma_start3A_220 : memref<128x128xf32, #tpu.memory_space<vmem>>) target(%dma_start3A_216 : memref<128x128xf32, #tpu.memory_space<hbm>>) target_semaphore(%arg15 : memref<!tpu.dma_semaphore, #tpu.memory_space<semaphore_mem>>)
    %dma_start3A_221 = arith.constant 5 : i32
    %dma_start3A_222 = arith.constant 1 : i32
    %dma_start3A_223 = arith.constant 0 : i32
    %dma_start3A_224 = arith.constant 0 : i32
    %dma_start3A_225 = tpu.memref_slice %arg11[%dma_start3A_222, %dma_start3A_223, %dma_start3A_224] : memref<4x128x128xf32, #tpu.memory_space<vmem>> -> memref<1x128x128xf32, #tpu.memory_space<vmem>>
    %dma_start3A_226 = tpu.memref_squeeze %dma_start3A_225 : memref<1x128x128xf32, #tpu.memory_space<vmem>> -> memref<128x128xf32, #tpu.memory_space<vmem>>
    %dma_start3A_227 = arith.constant 0 : i32
    %dma_start3A_228 = tpu.memref_slice %arg10[%dma_start3A_221, %dma_start3A_227] : memref<24x128xi32, #tpu.memory_space<vmem>> -> memref<1x128xi32, #tpu.memory_space<vmem>>
    %dma_start3A_229 = tpu.memref_squeeze %dma_start3A_228 : memref<1x128xi32, #tpu.memory_space<vmem>> -> memref<128xi32, #tpu.memory_space<vmem>>
    %dma_start3A_230 = arith.constant 0 : i32
    %dma_start3A_231 = arith.constant 0 : i32
    %dma_start3A_232 = tpu.memref_slice %arg4[%dma_start3A_230, %dma_start3A_231] : memref<25088x128xf32, #tpu.memory_space<hbm>> -> memref<25088x128xf32, #tpu.memory_space<hbm>>
    tpu.enqueue_indirect_dma source(%dma_start3A_232 : memref<25088x128xf32, #tpu.memory_space<hbm>>) target(%dma_start3A_226 : memref<128x128xf32, #tpu.memory_space<vmem>>) offsets(%dma_start3A_229 : memref<128xi32, #tpu.memory_space<vmem>>) semaphore(%arg13 : memref<!tpu.dma_semaphore, #tpu.memory_space<semaphore_mem>>)
    %dma_wait3A_233 = arith.constant 4 : i32
    %dma_wait3A_234 = arith.constant 0 : i32
    %dma_wait3A_235 = arith.constant 0 : i32
    %dma_wait3A_236 = arith.constant 0 : i32
    %dma_wait3A_237 = tpu.memref_slice %arg11[%dma_wait3A_234, %dma_wait3A_235, %dma_wait3A_236] : memref<4x128x128xf32, #tpu.memory_space<vmem>> -> memref<1x128x128xf32, #tpu.memory_space<vmem>>
    %dma_wait3A_238 = tpu.memref_squeeze %dma_wait3A_237 : memref<1x128x128xf32, #tpu.memory_space<vmem>> -> memref<128x128xf32, #tpu.memory_space<vmem>>
    %dma_wait3A_239 = arith.constant 0 : i32
    %dma_wait3A_240 = tpu.memref_slice %arg10[%dma_wait3A_233, %dma_wait3A_239] : memref<24x128xi32, #tpu.memory_space<vmem>> -> memref<1x128xi32, #tpu.memory_space<vmem>>
    %dma_wait3A_241 = tpu.memref_squeeze %dma_wait3A_240 : memref<1x128xi32, #tpu.memory_space<vmem>> -> memref<128xi32, #tpu.memory_space<vmem>>
    %dma_wait3A_242 = arith.constant 0 : i32
    %dma_wait3A_243 = arith.constant 0 : i32
    %dma_wait3A_244 = tpu.memref_slice %arg4[%dma_wait3A_242, %dma_wait3A_243] : memref<25088x128xf32, #tpu.memory_space<hbm>> -> memref<25088x128xf32, #tpu.memory_space<hbm>>
    tpu.wait_indirect_dma semaphore(%arg12 : memref<!tpu.dma_semaphore, #tpu.memory_space<semaphore_mem>>) src(%dma_wait3A_244 : memref<25088x128xf32, #tpu.memory_space<hbm>>) dst(%dma_wait3A_238 : memref<128x128xf32, #tpu.memory_space<vmem>>)
    %dma_wait3A_245 = arith.constant 2 : i32
    %dma_wait3A_246 = arith.constant 0 : i32
    %dma_wait3A_247 = arith.constant 2 : i32
    %dma_wait3A_248 = arith.constant 0 : i32
    %dma_wait3A_249 = arith.constant 0 : i32
    %dma_wait3A_250 = tpu.memref_slice %arg11[%dma_wait3A_245, %dma_wait3A_248, %dma_wait3A_249] : memref<4x128x128xf32, #tpu.memory_space<vmem>> -> memref<1x128x128xf32, #tpu.memory_space<vmem>>
    %dma_wait3A_251 = tpu.memref_squeeze %dma_wait3A_250 : memref<1x128x128xf32, #tpu.memory_space<vmem>> -> memref<128x128xf32, #tpu.memory_space<vmem>>
    %dma_wait3A_252 = arith.constant 0 : i32
    %dma_wait3A_253 = arith.constant 0 : i32
    %dma_wait3A_254 = tpu.memref_slice %arg9[%dma_wait3A_246, %add3A, %dma_wait3A_247, %dma_wait3A_252, %dma_wait3A_253] : memref<6x32x4x128x128xf32, #tpu.memory_space<hbm>> -> memref<1x1x1x128x128xf32, #tpu.memory_space<hbm>>
    %dma_wait3A_255 = tpu.memref_squeeze %dma_wait3A_254 : memref<1x1x1x128x128xf32, #tpu.memory_space<hbm>> -> memref<128x128xf32, #tpu.memory_space<hbm>>
    %dma_wait3A_256 = arith.constant 0 : i32
    %dma_wait3A_257 = arith.constant 0 : i32
    %dma_wait3A_258 = tpu.memref_slice %arg9[%dma_wait3A_246, %add3A, %dma_wait3A_247, %dma_wait3A_256, %dma_wait3A_257] : memref<6x32x4x128x128xf32, #tpu.memory_space<hbm>> -> memref<1x1x1x128x128xf32, #tpu.memory_space<hbm>>
    %dma_wait3A_259 = tpu.memref_squeeze %dma_wait3A_258 : memref<1x1x1x128x128xf32, #tpu.memory_space<hbm>> -> memref<128x128xf32, #tpu.memory_space<hbm>>
    %dma_wait3A_260 = arith.constant 0 : i32
    %dma_wait3A_261 = arith.constant 0 : i32
    %dma_wait3A_262 = tpu.memref_slice %arg11[%dma_wait3A_245, %dma_wait3A_260, %dma_wait3A_261] : memref<4x128x128xf32, #tpu.memory_space<vmem>> -> memref<1x128x128xf32, #tpu.memory_space<vmem>>
    %dma_wait3A_263 = tpu.memref_squeeze %dma_wait3A_262 : memref<1x128x128xf32, #tpu.memory_space<vmem>> -> memref<128x128xf32, #tpu.memory_space<vmem>>
    tpu.wait_dma2 semaphore(%arg14 : memref<!tpu.dma_semaphore, #tpu.memory_space<semaphore_mem>>) src(%dma_wait3A_263 : memref<128x128xf32, #tpu.memory_space<vmem>>) dst(%dma_wait3A_259 : memref<128x128xf32, #tpu.memory_space<hbm>>)
    %dma_start3A_264 = arith.constant 0 : i32
    %dma_start3A_265 = arith.constant 1 : i32
    %dma_start3A_266 = arith.constant 0 : i32
    %dma_start3A_267 = arith.constant 0 : i32
    %dma_start3A_268 = arith.constant 0 : i32
    %dma_start3A_269 = tpu.memref_slice %arg11[%dma_start3A_264, %dma_start3A_267, %dma_start3A_268] : memref<4x128x128xf32, #tpu.memory_space<vmem>> -> memref<1x128x128xf32, #tpu.memory_space<vmem>>
    %dma_start3A_270 = tpu.memref_squeeze %dma_start3A_269 : memref<1x128x128xf32, #tpu.memory_space<vmem>> -> memref<128x128xf32, #tpu.memory_space<vmem>>
    %dma_start3A_271 = arith.constant 0 : i32
    %dma_start3A_272 = arith.constant 0 : i32
    %dma_start3A_273 = tpu.memref_slice %arg9[%dma_start3A_265, %add3A, %dma_start3A_266, %dma_start3A_271, %dma_start3A_272] : memref<6x32x4x128x128xf32, #tpu.memory_space<hbm>> -> memref<1x1x1x128x128xf32, #tpu.memory_space<hbm>>
    %dma_start3A_274 = tpu.memref_squeeze %dma_start3A_273 : memref<1x1x1x128x128xf32, #tpu.memory_space<hbm>> -> memref<128x128xf32, #tpu.memory_space<hbm>>
    %dma_start3A_275 = arith.constant 0 : i32
    %dma_start3A_276 = arith.constant 0 : i32
    %dma_start3A_277 = tpu.memref_slice %arg9[%dma_start3A_265, %add3A, %dma_start3A_266, %dma_start3A_275, %dma_start3A_276] : memref<6x32x4x128x128xf32, #tpu.memory_space<hbm>> -> memref<1x1x1x128x128xf32, #tpu.memory_space<hbm>>
    %dma_start3A_278 = tpu.memref_squeeze %dma_start3A_277 : memref<1x1x1x128x128xf32, #tpu.memory_space<hbm>> -> memref<128x128xf32, #tpu.memory_space<hbm>>
    %dma_start3A_279 = arith.constant 0 : i32
    %dma_start3A_280 = arith.constant 0 : i32
    %dma_start3A_281 = tpu.memref_slice %arg11[%dma_start3A_264, %dma_start3A_279, %dma_start3A_280] : memref<4x128x128xf32, #tpu.memory_space<vmem>> -> memref<1x128x128xf32, #tpu.memory_space<vmem>>
    %dma_start3A_282 = tpu.memref_squeeze %dma_start3A_281 : memref<1x128x128xf32, #tpu.memory_space<vmem>> -> memref<128x128xf32, #tpu.memory_space<vmem>>
    tpu.enqueue_dma source(%dma_start3A_282 : memref<128x128xf32, #tpu.memory_space<vmem>>) target(%dma_start3A_278 : memref<128x128xf32, #tpu.memory_space<hbm>>) target_semaphore(%arg14 : memref<!tpu.dma_semaphore, #tpu.memory_space<semaphore_mem>>)
    %dma_start3A_283 = arith.constant 6 : i32
    %dma_start3A_284 = arith.constant 2 : i32
    %dma_start3A_285 = arith.constant 0 : i32
    %dma_start3A_286 = arith.constant 0 : i32
    %dma_start3A_287 = tpu.memref_slice %arg11[%dma_start3A_284, %dma_start3A_285, %dma_start3A_286] : memref<4x128x128xf32, #tpu.memory_space<vmem>> -> memref<1x128x128xf32, #tpu.memory_space<vmem>>
    %dma_start3A_288 = tpu.memref_squeeze %dma_start3A_287 : memref<1x128x128xf32, #tpu.memory_space<vmem>> -> memref<128x128xf32, #tpu.memory_space<vmem>>
    %dma_start3A_289 = arith.constant 0 : i32
    %dma_start3A_290 = tpu.memref_slice %arg10[%dma_start3A_283, %dma_start3A_289] : memref<24x128xi32, #tpu.memory_space<vmem>> -> memref<1x128xi32, #tpu.memory_space<vmem>>
    %dma_start3A_291 = tpu.memref_squeeze %dma_start3A_290 : memref<1x128xi32, #tpu.memory_space<vmem>> -> memref<128xi32, #tpu.memory_space<vmem>>
    %dma_start3A_292 = arith.constant 0 : i32
    %dma_start3A_293 = arith.constant 0 : i32
    %dma_start3A_294 = tpu.memref_slice %arg4[%dma_start3A_292, %dma_start3A_293] : memref<25088x128xf32, #tpu.memory_space<hbm>> -> memref<25088x128xf32, #tpu.memory_space<hbm>>
    tpu.enqueue_indirect_dma source(%dma_start3A_294 : memref<25088x128xf32, #tpu.memory_space<hbm>>) target(%dma_start3A_288 : memref<128x128xf32, #tpu.memory_space<vmem>>) offsets(%dma_start3A_291 : memref<128xi32, #tpu.memory_space<vmem>>) semaphore(%arg12 : memref<!tpu.dma_semaphore, #tpu.memory_space<semaphore_mem>>)
    %dma_wait3A_295 = arith.constant 5 : i32
    %dma_wait3A_296 = arith.constant 1 : i32
    %dma_wait3A_297 = arith.constant 0 : i32
    %dma_wait3A_298 = arith.constant 0 : i32
    %dma_wait3A_299 = tpu.memref_slice %arg11[%dma_wait3A_296, %dma_wait3A_297, %dma_wait3A_298] : memref<4x128x128xf32, #tpu.memory_space<vmem>> -> memref<1x128x128xf32, #tpu.memory_space<vmem>>
    %dma_wait3A_300 = tpu.memref_squeeze %dma_wait3A_299 : memref<1x128x128xf32, #tpu.memory_space<vmem>> -> memref<128x128xf32, #tpu.memory_space<vmem>>
    %dma_wait3A_301 = arith.constant 0 : i32
    %dma_wait3A_302 = tpu.memref_slice %arg10[%dma_wait3A_295, %dma_wait3A_301] : memref<24x128xi32, #tpu.memory_space<vmem>> -> memref<1x128xi32, #tpu.memory_space<vmem>>
    %dma_wait3A_303 = tpu.memref_squeeze %dma_wait3A_302 : memref<1x128xi32, #tpu.memory_space<vmem>> -> memref<128xi32, #tpu.memory_space<vmem>>
    %dma_wait3A_304 = arith.constant 0 : i32
    %dma_wait3A_305 = arith.constant 0 : i32
    %dma_wait3A_306 = tpu.memref_slice %arg4[%dma_wait3A_304, %dma_wait3A_305] : memref<25088x128xf32, #tpu.memory_space<hbm>> -> memref<25088x128xf32, #tpu.memory_space<hbm>>
    tpu.wait_indirect_dma semaphore(%arg13 : memref<!tpu.dma_semaphore, #tpu.memory_space<semaphore_mem>>) src(%dma_wait3A_306 : memref<25088x128xf32, #tpu.memory_space<hbm>>) dst(%dma_wait3A_300 : memref<128x128xf32, #tpu.memory_space<vmem>>)
    %dma_wait3A_307 = arith.constant 3 : i32
    %dma_wait3A_308 = arith.constant 0 : i32
    %dma_wait3A_309 = arith.constant 3 : i32
    %dma_wait3A_310 = arith.constant 0 : i32
    %dma_wait3A_311 = arith.constant 0 : i32
    %dma_wait3A_312 = tpu.memref_slice %arg11[%dma_wait3A_307, %dma_wait3A_310, %dma_wait3A_311] : memref<4x128x128xf32, #tpu.memory_space<vmem>> -> memref<1x128x128xf32, #tpu.memory_space<vmem>>
    %dma_wait3A_313 = tpu.memref_squeeze %dma_wait3A_312 : memref<1x128x128xf32, #tpu.memory_space<vmem>> -> memref<128x128xf32, #tpu.memory_space<vmem>>
    %dma_wait3A_314 = arith.constant 0 : i32
    %dma_wait3A_315 = arith.constant 0 : i32
    %dma_wait3A_316 = tpu.memref_slice %arg9[%dma_wait3A_308, %add3A, %dma_wait3A_309, %dma_wait3A_314, %dma_wait3A_315] : memref<6x32x4x128x128xf32, #tpu.memory_space<hbm>> -> memref<1x1x1x128x128xf32, #tpu.memory_space<hbm>>
    %dma_wait3A_317 = tpu.memref_squeeze %dma_wait3A_316 : memref<1x1x1x128x128xf32, #tpu.memory_space<hbm>> -> memref<128x128xf32, #tpu.memory_space<hbm>>
    %dma_wait3A_318 = arith.constant 0 : i32
    %dma_wait3A_319 = arith.constant 0 : i32
    %dma_wait3A_320 = tpu.memref_slice %arg9[%dma_wait3A_308, %add3A, %dma_wait3A_309, %dma_wait3A_318, %dma_wait3A_319] : memref<6x32x4x128x128xf32, #tpu.memory_space<hbm>> -> memref<1x1x1x128x128xf32, #tpu.memory_space<hbm>>
    %dma_wait3A_321 = tpu.memref_squeeze %dma_wait3A_320 : memref<1x1x1x128x128xf32, #tpu.memory_space<hbm>> -> memref<128x128xf32, #tpu.memory_space<hbm>>
    %dma_wait3A_322 = arith.constant 0 : i32
    %dma_wait3A_323 = arith.constant 0 : i32
    %dma_wait3A_324 = tpu.memref_slice %arg11[%dma_wait3A_307, %dma_wait3A_322, %dma_wait3A_323] : memref<4x128x128xf32, #tpu.memory_space<vmem>> -> memref<1x128x128xf32, #tpu.memory_space<vmem>>
    %dma_wait3A_325 = tpu.memref_squeeze %dma_wait3A_324 : memref<1x128x128xf32, #tpu.memory_space<vmem>> -> memref<128x128xf32, #tpu.memory_space<vmem>>
    tpu.wait_dma2 semaphore(%arg15 : memref<!tpu.dma_semaphore, #tpu.memory_space<semaphore_mem>>) src(%dma_wait3A_325 : memref<128x128xf32, #tpu.memory_space<vmem>>) dst(%dma_wait3A_321 : memref<128x128xf32, #tpu.memory_space<hbm>>)
    %dma_start3A_326 = arith.constant 1 : i32
    %dma_start3A_327 = arith.constant 1 : i32
    %dma_start3A_328 = arith.constant 1 : i32
    %dma_start3A_329 = arith.constant 0 : i32
    %dma_start3A_330 = arith.constant 0 : i32
    %dma_start3A_331 = tpu.memref_slice %arg11[%dma_start3A_326, %dma_start3A_329, %dma_start3A_330] : memref<4x128x128xf32, #tpu.memory_space<vmem>> -> memref<1x128x128xf32, #tpu.memory_space<vmem>>
    %dma_start3A_332 = tpu.memref_squeeze %dma_start3A_331 : memref<1x128x128xf32, #tpu.memory_space<vmem>> -> memref<128x128xf32, #tpu.memory_space<vmem>>
    %dma_start3A_333 = arith.constant 0 : i32
    %dma_start3A_334 = arith.constant 0 : i32
    %dma_start3A_335 = tpu.memref_slice %arg9[%dma_start3A_327, %add3A, %dma_start3A_328, %dma_start3A_333, %dma_start3A_334] : memref<6x32x4x128x128xf32, #tpu.memory_space<hbm>> -> memref<1x1x1x128x128xf32, #tpu.memory_space<hbm>>
    %dma_start3A_336 = tpu.memref_squeeze %dma_start3A_335 : memref<1x1x1x128x128xf32, #tpu.memory_space<hbm>> -> memref<128x128xf32, #tpu.memory_space<hbm>>
    %dma_start3A_337 = arith.constant 0 : i32
    %dma_start3A_338 = arith.constant 0 : i32
    %dma_start3A_339 = tpu.memref_slice %arg9[%dma_start3A_327, %add3A, %dma_start3A_328, %dma_start3A_337, %dma_start3A_338] : memref<6x32x4x128x128xf32, #tpu.memory_space<hbm>> -> memref<1x1x1x128x128xf32, #tpu.memory_space<hbm>>
    %dma_start3A_340 = tpu.memref_squeeze %dma_start3A_339 : memref<1x1x1x128x128xf32, #tpu.memory_space<hbm>> -> memref<128x128xf32, #tpu.memory_space<hbm>>
    %dma_start3A_341 = arith.constant 0 : i32
    %dma_start3A_342 = arith.constant 0 : i32
    %dma_start3A_343 = tpu.memref_slice %arg11[%dma_start3A_326, %dma_start3A_341, %dma_start3A_342] : memref<4x128x128xf32, #tpu.memory_space<vmem>> -> memref<1x128x128xf32, #tpu.memory_space<vmem>>
    %dma_start3A_344 = tpu.memref_squeeze %dma_start3A_343 : memref<1x128x128xf32, #tpu.memory_space<vmem>> -> memref<128x128xf32, #tpu.memory_space<vmem>>
    tpu.enqueue_dma source(%dma_start3A_344 : memref<128x128xf32, #tpu.memory_space<vmem>>) target(%dma_start3A_340 : memref<128x128xf32, #tpu.memory_space<hbm>>) target_semaphore(%arg15 : memref<!tpu.dma_semaphore, #tpu.memory_space<semaphore_mem>>)
    %dma_start3A_345 = arith.constant 7 : i32
    %dma_start3A_346 = arith.constant 3 : i32
    %dma_start3A_347 = arith.constant 0 : i32
    %dma_start3A_348 = arith.constant 0 : i32
    %dma_start3A_349 = tpu.memref_slice %arg11[%dma_start3A_346, %dma_start3A_347, %dma_start3A_348] : memref<4x128x128xf32, #tpu.memory_space<vmem>> -> memref<1x128x128xf32, #tpu.memory_space<vmem>>
    %dma_start3A_350 = tpu.memref_squeeze %dma_start3A_349 : memref<1x128x128xf32, #tpu.memory_space<vmem>> -> memref<128x128xf32, #tpu.memory_space<vmem>>
    %dma_start3A_351 = arith.constant 0 : i32
    %dma_start3A_352 = tpu.memref_slice %arg10[%dma_start3A_345, %dma_start3A_351] : memref<24x128xi32, #tpu.memory_space<vmem>> -> memref<1x128xi32, #tpu.memory_space<vmem>>
    %dma_start3A_353 = tpu.memref_squeeze %dma_start3A_352 : memref<1x128xi32, #tpu.memory_space<vmem>> -> memref<128xi32, #tpu.memory_space<vmem>>
    %dma_start3A_354 = arith.constant 0 : i32
    %dma_start3A_355 = arith.constant 0 : i32
    %dma_start3A_356 = tpu.memref_slice %arg4[%dma_start3A_354, %dma_start3A_355] : memref<25088x128xf32, #tpu.memory_space<hbm>> -> memref<25088x128xf32, #tpu.memory_space<hbm>>
    tpu.enqueue_indirect_dma source(%dma_start3A_356 : memref<25088x128xf32, #tpu.memory_space<hbm>>) target(%dma_start3A_350 : memref<128x128xf32, #tpu.memory_space<vmem>>) offsets(%dma_start3A_353 : memref<128xi32, #tpu.memory_space<vmem>>) semaphore(%arg13 : memref<!tpu.dma_semaphore, #tpu.memory_space<semaphore_mem>>)
    %dma_wait3A_357 = arith.constant 6 : i32
    %dma_wait3A_358 = arith.constant 2 : i32
    %dma_wait3A_359 = arith.constant 0 : i32
    %dma_wait3A_360 = arith.constant 0 : i32
    %dma_wait3A_361 = tpu.memref_slice %arg11[%dma_wait3A_358, %dma_wait3A_359, %dma_wait3A_360] : memref<4x128x128xf32, #tpu.memory_space<vmem>> -> memref<1x128x128xf32, #tpu.memory_space<vmem>>
    %dma_wait3A_362 = tpu.memref_squeeze %dma_wait3A_361 : memref<1x128x128xf32, #tpu.memory_space<vmem>> -> memref<128x128xf32, #tpu.memory_space<vmem>>
    %dma_wait3A_363 = arith.constant 0 : i32
    %dma_wait3A_364 = tpu.memref_slice %arg10[%dma_wait3A_357, %dma_wait3A_363] : memref<24x128xi32, #tpu.memory_space<vmem>> -> memref<1x128xi32, #tpu.memory_space<vmem>>
    %dma_wait3A_365 = tpu.memref_squeeze %dma_wait3A_364 : memref<1x128xi32, #tpu.memory_space<vmem>> -> memref<128xi32, #tpu.memory_space<vmem>>
    %dma_wait3A_366 = arith.constant 0 : i32
    %dma_wait3A_367 = arith.constant 0 : i32
    %dma_wait3A_368 = tpu.memref_slice %arg4[%dma_wait3A_366, %dma_wait3A_367] : memref<25088x128xf32, #tpu.memory_space<hbm>> -> memref<25088x128xf32, #tpu.memory_space<hbm>>
    tpu.wait_indirect_dma semaphore(%arg12 : memref<!tpu.dma_semaphore, #tpu.memory_space<semaphore_mem>>) src(%dma_wait3A_368 : memref<25088x128xf32, #tpu.memory_space<hbm>>) dst(%dma_wait3A_362 : memref<128x128xf32, #tpu.memory_space<vmem>>)
    %dma_wait3A_369 = arith.constant 0 : i32
    %dma_wait3A_370 = arith.constant 1 : i32
    %dma_wait3A_371 = arith.constant 0 : i32
    %dma_wait3A_372 = arith.constant 0 : i32
    %dma_wait3A_373 = arith.constant 0 : i32
    %dma_wait3A_374 = tpu.memref_slice %arg11[%dma_wait3A_369, %dma_wait3A_372, %dma_wait3A_373] : memref<4x128x128xf32, #tpu.memory_space<vmem>> -> memref<1x128x128xf32, #tpu.memory_space<vmem>>
    %dma_wait3A_375 = tpu.memref_squeeze %dma_wait3A_374 : memref<1x128x128xf32, #tpu.memory_space<vmem>> -> memref<128x128xf32, #tpu.memory_space<vmem>>
    %dma_wait3A_376 = arith.constant 0 : i32
    %dma_wait3A_377 = arith.constant 0 : i32
    %dma_wait3A_378 = tpu.memref_slice %arg9[%dma_wait3A_370, %add3A, %dma_wait3A_371, %dma_wait3A_376, %dma_wait3A_377] : memref<6x32x4x128x128xf32, #tpu.memory_space<hbm>> -> memref<1x1x1x128x128xf32, #tpu.memory_space<hbm>>
    %dma_wait3A_379 = tpu.memref_squeeze %dma_wait3A_378 : memref<1x1x1x128x128xf32, #tpu.memory_space<hbm>> -> memref<128x128xf32, #tpu.memory_space<hbm>>
    %dma_wait3A_380 = arith.constant 0 : i32
    %dma_wait3A_381 = arith.constant 0 : i32
    %dma_wait3A_382 = tpu.memref_slice %arg9[%dma_wait3A_370, %add3A, %dma_wait3A_371, %dma_wait3A_380, %dma_wait3A_381] : memref<6x32x4x128x128xf32, #tpu.memory_space<hbm>> -> memref<1x1x1x128x128xf32, #tpu.memory_space<hbm>>
    %dma_wait3A_383 = tpu.memref_squeeze %dma_wait3A_382 : memref<1x1x1x128x128xf32, #tpu.memory_space<hbm>> -> memref<128x128xf32, #tpu.memory_space<hbm>>
    %dma_wait3A_384 = arith.constant 0 : i32
    %dma_wait3A_385 = arith.constant 0 : i32
    %dma_wait3A_386 = tpu.memref_slice %arg11[%dma_wait3A_369, %dma_wait3A_384, %dma_wait3A_385] : memref<4x128x128xf32, #tpu.memory_space<vmem>> -> memref<1x128x128xf32, #tpu.memory_space<vmem>>
    %dma_wait3A_387 = tpu.memref_squeeze %dma_wait3A_386 : memref<1x128x128xf32, #tpu.memory_space<vmem>> -> memref<128x128xf32, #tpu.memory_space<vmem>>
    tpu.wait_dma2 semaphore(%arg14 : memref<!tpu.dma_semaphore, #tpu.memory_space<semaphore_mem>>) src(%dma_wait3A_387 : memref<128x128xf32, #tpu.memory_space<vmem>>) dst(%dma_wait3A_383 : memref<128x128xf32, #tpu.memory_space<hbm>>)
    %dma_start3A_388 = arith.constant 2 : i32
    %dma_start3A_389 = arith.constant 1 : i32
    %dma_start3A_390 = arith.constant 2 : i32
    %dma_start3A_391 = arith.constant 0 : i32
    %dma_start3A_392 = arith.constant 0 : i32
    %dma_start3A_393 = tpu.memref_slice %arg11[%dma_start3A_388, %dma_start3A_391, %dma_start3A_392] : memref<4x128x128xf32, #tpu.memory_space<vmem>> -> memref<1x128x128xf32, #tpu.memory_space<vmem>>
    %dma_start3A_394 = tpu.memref_squeeze %dma_start3A_393 : memref<1x128x128xf32, #tpu.memory_space<vmem>> -> memref<128x128xf32, #tpu.memory_space<vmem>>
    %dma_start3A_395 = arith.constant 0 : i32
    %dma_start3A_396 = arith.constant 0 : i32
    %dma_start3A_397 = tpu.memref_slice %arg9[%dma_start3A_389, %add3A, %dma_start3A_390, %dma_start3A_395, %dma_start3A_396] : memref<6x32x4x128x128xf32, #tpu.memory_space<hbm>> -> memref<1x1x1x128x128xf32, #tpu.memory_space<hbm>>
    %dma_start3A_398 = tpu.memref_squeeze %dma_start3A_397 : memref<1x1x1x128x128xf32, #tpu.memory_space<hbm>> -> memref<128x128xf32, #tpu.memory_space<hbm>>
    %dma_start3A_399 = arith.constant 0 : i32
    %dma_start3A_400 = arith.constant 0 : i32
    %dma_start3A_401 = tpu.memref_slice %arg9[%dma_start3A_389, %add3A, %dma_start3A_390, %dma_start3A_399, %dma_start3A_400] : memref<6x32x4x128x128xf32, #tpu.memory_space<hbm>> -> memref<1x1x1x128x128xf32, #tpu.memory_space<hbm>>
    %dma_start3A_402 = tpu.memref_squeeze %dma_start3A_401 : memref<1x1x1x128x128xf32, #tpu.memory_space<hbm>> -> memref<128x128xf32, #tpu.memory_space<hbm>>
    %dma_start3A_403 = arith.constant 0 : i32
    %dma_start3A_404 = arith.constant 0 : i32
    %dma_start3A_405 = tpu.memref_slice %arg11[%dma_start3A_388, %dma_start3A_403, %dma_start3A_404] : memref<4x128x128xf32, #tpu.memory_space<vmem>> -> memref<1x128x128xf32, #tpu.memory_space<vmem>>
    %dma_start3A_406 = tpu.memref_squeeze %dma_start3A_405 : memref<1x128x128xf32, #tpu.memory_space<vmem>> -> memref<128x128xf32, #tpu.memory_space<vmem>>
    tpu.enqueue_dma source(%dma_start3A_406 : memref<128x128xf32, #tpu.memory_space<vmem>>) target(%dma_start3A_402 : memref<128x128xf32, #tpu.memory_space<hbm>>) target_semaphore(%arg14 : memref<!tpu.dma_semaphore, #tpu.memory_space<semaphore_mem>>)
    %dma_start3A_407 = arith.constant 8 : i32
    %dma_start3A_408 = arith.constant 0 : i32
    %dma_start3A_409 = arith.constant 0 : i32
    %dma_start3A_410 = arith.constant 0 : i32
    %dma_start3A_411 = tpu.memref_slice %arg11[%dma_start3A_408, %dma_start3A_409, %dma_start3A_410] : memref<4x128x128xf32, #tpu.memory_space<vmem>> -> memref<1x128x128xf32, #tpu.memory_space<vmem>>
    %dma_start3A_412 = tpu.memref_squeeze %dma_start3A_411 : memref<1x128x128xf32, #tpu.memory_space<vmem>> -> memref<128x128xf32, #tpu.memory_space<vmem>>
    %dma_start3A_413 = arith.constant 0 : i32
    %dma_start3A_414 = tpu.memref_slice %arg10[%dma_start3A_407, %dma_start3A_413] : memref<24x128xi32, #tpu.memory_space<vmem>> -> memref<1x128xi32, #tpu.memory_space<vmem>>
    %dma_start3A_415 = tpu.memref_squeeze %dma_start3A_414 : memref<1x128xi32, #tpu.memory_space<vmem>> -> memref<128xi32, #tpu.memory_space<vmem>>
    %dma_start3A_416 = arith.constant 0 : i32
    %dma_start3A_417 = arith.constant 0 : i32
    %dma_start3A_418 = tpu.memref_slice %arg5[%dma_start3A_416, %dma_start3A_417] : memref<25088x128xf32, #tpu.memory_space<hbm>> -> memref<25088x128xf32, #tpu.memory_space<hbm>>
    tpu.enqueue_indirect_dma source(%dma_start3A_418 : memref<25088x128xf32, #tpu.memory_space<hbm>>) target(%dma_start3A_412 : memref<128x128xf32, #tpu.memory_space<vmem>>) offsets(%dma_start3A_415 : memref<128xi32, #tpu.memory_space<vmem>>) semaphore(%arg12 : memref<!tpu.dma_semaphore, #tpu.memory_space<semaphore_mem>>)
    %dma_wait3A_419 = arith.constant 7 : i32
    %dma_wait3A_420 = arith.constant 3 : i32
    %dma_wait3A_421 = arith.constant 0 : i32
    %dma_wait3A_422 = arith.constant 0 : i32
    %dma_wait3A_423 = tpu.memref_slice %arg11[%dma_wait3A_420, %dma_wait3A_421, %dma_wait3A_422] : memref<4x128x128xf32, #tpu.memory_space<vmem>> -> memref<1x128x128xf32, #tpu.memory_space<vmem>>
    %dma_wait3A_424 = tpu.memref_squeeze %dma_wait3A_423 : memref<1x128x128xf32, #tpu.memory_space<vmem>> -> memref<128x128xf32, #tpu.memory_space<vmem>>
    %dma_wait3A_425 = arith.constant 0 : i32
    %dma_wait3A_426 = tpu.memref_slice %arg10[%dma_wait3A_419, %dma_wait3A_425] : memref<24x128xi32, #tpu.memory_space<vmem>> -> memref<1x128xi32, #tpu.memory_space<vmem>>
    %dma_wait3A_427 = tpu.memref_squeeze %dma_wait3A_426 : memref<1x128xi32, #tpu.memory_space<vmem>> -> memref<128xi32, #tpu.memory_space<vmem>>
    %dma_wait3A_428 = arith.constant 0 : i32
    %dma_wait3A_429 = arith.constant 0 : i32
    %dma_wait3A_430 = tpu.memref_slice %arg4[%dma_wait3A_428, %dma_wait3A_429] : memref<25088x128xf32, #tpu.memory_space<hbm>> -> memref<25088x128xf32, #tpu.memory_space<hbm>>
    tpu.wait_indirect_dma semaphore(%arg13 : memref<!tpu.dma_semaphore, #tpu.memory_space<semaphore_mem>>) src(%dma_wait3A_430 : memref<25088x128xf32, #tpu.memory_space<hbm>>) dst(%dma_wait3A_424 : memref<128x128xf32, #tpu.memory_space<vmem>>)
    %dma_wait3A_431 = arith.constant 1 : i32
    %dma_wait3A_432 = arith.constant 1 : i32
    %dma_wait3A_433 = arith.constant 1 : i32
    %dma_wait3A_434 = arith.constant 0 : i32
    %dma_wait3A_435 = arith.constant 0 : i32
    %dma_wait3A_436 = tpu.memref_slice %arg11[%dma_wait3A_431, %dma_wait3A_434, %dma_wait3A_435] : memref<4x128x128xf32, #tpu.memory_space<vmem>> -> memref<1x128x128xf32, #tpu.memory_space<vmem>>
    %dma_wait3A_437 = tpu.memref_squeeze %dma_wait3A_436 : memref<1x128x128xf32, #tpu.memory_space<vmem>> -> memref<128x128xf32, #tpu.memory_space<vmem>>
    %dma_wait3A_438 = arith.constant 0 : i32
    %dma_wait3A_439 = arith.constant 0 : i32
    %dma_wait3A_440 = tpu.memref_slice %arg9[%dma_wait3A_432, %add3A, %dma_wait3A_433, %dma_wait3A_438, %dma_wait3A_439] : memref<6x32x4x128x128xf32, #tpu.memory_space<hbm>> -> memref<1x1x1x128x128xf32, #tpu.memory_space<hbm>>
    %dma_wait3A_441 = tpu.memref_squeeze %dma_wait3A_440 : memref<1x1x1x128x128xf32, #tpu.memory_space<hbm>> -> memref<128x128xf32, #tpu.memory_space<hbm>>
    %dma_wait3A_442 = arith.constant 0 : i32
    %dma_wait3A_443 = arith.constant 0 : i32
    %dma_wait3A_444 = tpu.memref_slice %arg9[%dma_wait3A_432, %add3A, %dma_wait3A_433, %dma_wait3A_442, %dma_wait3A_443] : memref<6x32x4x128x128xf32, #tpu.memory_space<hbm>> -> memref<1x1x1x128x128xf32, #tpu.memory_space<hbm>>
    %dma_wait3A_445 = tpu.memref_squeeze %dma_wait3A_444 : memref<1x1x1x128x128xf32, #tpu.memory_space<hbm>> -> memref<128x128xf32, #tpu.memory_space<hbm>>
    %dma_wait3A_446 = arith.constant 0 : i32
    %dma_wait3A_447 = arith.constant 0 : i32
    %dma_wait3A_448 = tpu.memref_slice %arg11[%dma_wait3A_431, %dma_wait3A_446, %dma_wait3A_447] : memref<4x128x128xf32, #tpu.memory_space<vmem>> -> memref<1x128x128xf32, #tpu.memory_space<vmem>>
    %dma_wait3A_449 = tpu.memref_squeeze %dma_wait3A_448 : memref<1x128x128xf32, #tpu.memory_space<vmem>> -> memref<128x128xf32, #tpu.memory_space<vmem>>
    tpu.wait_dma2 semaphore(%arg15 : memref<!tpu.dma_semaphore, #tpu.memory_space<semaphore_mem>>) src(%dma_wait3A_449 : memref<128x128xf32, #tpu.memory_space<vmem>>) dst(%dma_wait3A_445 : memref<128x128xf32, #tpu.memory_space<hbm>>)
    %dma_start3A_450 = arith.constant 3 : i32
    %dma_start3A_451 = arith.constant 1 : i32
    %dma_start3A_452 = arith.constant 3 : i32
    %dma_start3A_453 = arith.constant 0 : i32
    %dma_start3A_454 = arith.constant 0 : i32
    %dma_start3A_455 = tpu.memref_slice %arg11[%dma_start3A_450, %dma_start3A_453, %dma_start3A_454] : memref<4x128x128xf32, #tpu.memory_space<vmem>> -> memref<1x128x128xf32, #tpu.memory_space<vmem>>
    %dma_start3A_456 = tpu.memref_squeeze %dma_start3A_455 : memref<1x128x128xf32, #tpu.memory_space<vmem>> -> memref<128x128xf32, #tpu.memory_space<vmem>>
    %dma_start3A_457 = arith.constant 0 : i32
    %dma_start3A_458 = arith.constant 0 : i32
    %dma_start3A_459 = tpu.memref_slice %arg9[%dma_start3A_451, %add3A, %dma_start3A_452, %dma_start3A_457, %dma_start3A_458] : memref<6x32x4x128x128xf32, #tpu.memory_space<hbm>> -> memref<1x1x1x128x128xf32, #tpu.memory_space<hbm>>
    %dma_start3A_460 = tpu.memref_squeeze %dma_start3A_459 : memref<1x1x1x128x128xf32, #tpu.memory_space<hbm>> -> memref<128x128xf32, #tpu.memory_space<hbm>>
    %dma_start3A_461 = arith.constant 0 : i32
    %dma_start3A_462 = arith.constant 0 : i32
    %dma_start3A_463 = tpu.memref_slice %arg9[%dma_start3A_451, %add3A, %dma_start3A_452, %dma_start3A_461, %dma_start3A_462] : memref<6x32x4x128x128xf32, #tpu.memory_space<hbm>> -> memref<1x1x1x128x128xf32, #tpu.memory_space<hbm>>
    %dma_start3A_464 = tpu.memref_squeeze %dma_start3A_463 : memref<1x1x1x128x128xf32, #tpu.memory_space<hbm>> -> memref<128x128xf32, #tpu.memory_space<hbm>>
    %dma_start3A_465 = arith.constant 0 : i32
    %dma_start3A_466 = arith.constant 0 : i32
    %dma_start3A_467 = tpu.memref_slice %arg11[%dma_start3A_450, %dma_start3A_465, %dma_start3A_466] : memref<4x128x128xf32, #tpu.memory_space<vmem>> -> memref<1x128x128xf32, #tpu.memory_space<vmem>>
    %dma_start3A_468 = tpu.memref_squeeze %dma_start3A_467 : memref<1x128x128xf32, #tpu.memory_space<vmem>> -> memref<128x128xf32, #tpu.memory_space<vmem>>
    tpu.enqueue_dma source(%dma_start3A_468 : memref<128x128xf32, #tpu.memory_space<vmem>>) target(%dma_start3A_464 : memref<128x128xf32, #tpu.memory_space<hbm>>) target_semaphore(%arg15 : memref<!tpu.dma_semaphore, #tpu.memory_space<semaphore_mem>>)
    %dma_start3A_469 = arith.constant 9 : i32
    %dma_start3A_470 = arith.constant 1 : i32
    %dma_start3A_471 = arith.constant 0 : i32
    %dma_start3A_472 = arith.constant 0 : i32
    %dma_start3A_473 = tpu.memref_slice %arg11[%dma_start3A_470, %dma_start3A_471, %dma_start3A_472] : memref<4x128x128xf32, #tpu.memory_space<vmem>> -> memref<1x128x128xf32, #tpu.memory_space<vmem>>
    %dma_start3A_474 = tpu.memref_squeeze %dma_start3A_473 : memref<1x128x128xf32, #tpu.memory_space<vmem>> -> memref<128x128xf32, #tpu.memory_space<vmem>>
    %dma_start3A_475 = arith.constant 0 : i32
    %dma_start3A_476 = tpu.memref_slice %arg10[%dma_start3A_469, %dma_start3A_475] : memref<24x128xi32, #tpu.memory_space<vmem>> -> memref<1x128xi32, #tpu.memory_space<vmem>>
    %dma_start3A_477 = tpu.memref_squeeze %dma_start3A_476 : memref<1x128xi32, #tpu.memory_space<vmem>> -> memref<128xi32, #tpu.memory_space<vmem>>
    %dma_start3A_478 = arith.constant 0 : i32
    %dma_start3A_479 = arith.constant 0 : i32
    %dma_start3A_480 = tpu.memref_slice %arg5[%dma_start3A_478, %dma_start3A_479] : memref<25088x128xf32, #tpu.memory_space<hbm>> -> memref<25088x128xf32, #tpu.memory_space<hbm>>
    tpu.enqueue_indirect_dma source(%dma_start3A_480 : memref<25088x128xf32, #tpu.memory_space<hbm>>) target(%dma_start3A_474 : memref<128x128xf32, #tpu.memory_space<vmem>>) offsets(%dma_start3A_477 : memref<128xi32, #tpu.memory_space<vmem>>) semaphore(%arg13 : memref<!tpu.dma_semaphore, #tpu.memory_space<semaphore_mem>>)
    %dma_wait3A_481 = arith.constant 8 : i32
    %dma_wait3A_482 = arith.constant 0 : i32
    %dma_wait3A_483 = arith.constant 0 : i32
    %dma_wait3A_484 = arith.constant 0 : i32
    %dma_wait3A_485 = tpu.memref_slice %arg11[%dma_wait3A_482, %dma_wait3A_483, %dma_wait3A_484] : memref<4x128x128xf32, #tpu.memory_space<vmem>> -> memref<1x128x128xf32, #tpu.memory_space<vmem>>
    %dma_wait3A_486 = tpu.memref_squeeze %dma_wait3A_485 : memref<1x128x128xf32, #tpu.memory_space<vmem>> -> memref<128x128xf32, #tpu.memory_space<vmem>>
    %dma_wait3A_487 = arith.constant 0 : i32
    %dma_wait3A_488 = tpu.memref_slice %arg10[%dma_wait3A_481, %dma_wait3A_487] : memref<24x128xi32, #tpu.memory_space<vmem>> -> memref<1x128xi32, #tpu.memory_space<vmem>>
    %dma_wait3A_489 = tpu.memref_squeeze %dma_wait3A_488 : memref<1x128xi32, #tpu.memory_space<vmem>> -> memref<128xi32, #tpu.memory_space<vmem>>
    %dma_wait3A_490 = arith.constant 0 : i32
    %dma_wait3A_491 = arith.constant 0 : i32
    %dma_wait3A_492 = tpu.memref_slice %arg5[%dma_wait3A_490, %dma_wait3A_491] : memref<25088x128xf32, #tpu.memory_space<hbm>> -> memref<25088x128xf32, #tpu.memory_space<hbm>>
    tpu.wait_indirect_dma semaphore(%arg12 : memref<!tpu.dma_semaphore, #tpu.memory_space<semaphore_mem>>) src(%dma_wait3A_492 : memref<25088x128xf32, #tpu.memory_space<hbm>>) dst(%dma_wait3A_486 : memref<128x128xf32, #tpu.memory_space<vmem>>)
    %dma_wait3A_493 = arith.constant 2 : i32
    %dma_wait3A_494 = arith.constant 1 : i32
    %dma_wait3A_495 = arith.constant 2 : i32
    %dma_wait3A_496 = arith.constant 0 : i32
    %dma_wait3A_497 = arith.constant 0 : i32
    %dma_wait3A_498 = tpu.memref_slice %arg11[%dma_wait3A_493, %dma_wait3A_496, %dma_wait3A_497] : memref<4x128x128xf32, #tpu.memory_space<vmem>> -> memref<1x128x128xf32, #tpu.memory_space<vmem>>
    %dma_wait3A_499 = tpu.memref_squeeze %dma_wait3A_498 : memref<1x128x128xf32, #tpu.memory_space<vmem>> -> memref<128x128xf32, #tpu.memory_space<vmem>>
    %dma_wait3A_500 = arith.constant 0 : i32
    %dma_wait3A_501 = arith.constant 0 : i32
    %dma_wait3A_502 = tpu.memref_slice %arg9[%dma_wait3A_494, %add3A, %dma_wait3A_495, %dma_wait3A_500, %dma_wait3A_501] : memref<6x32x4x128x128xf32, #tpu.memory_space<hbm>> -> memref<1x1x1x128x128xf32, #tpu.memory_space<hbm>>
    %dma_wait3A_503 = tpu.memref_squeeze %dma_wait3A_502 : memref<1x1x1x128x128xf32, #tpu.memory_space<hbm>> -> memref<128x128xf32, #tpu.memory_space<hbm>>
    %dma_wait3A_504 = arith.constant 0 : i32
    %dma_wait3A_505 = arith.constant 0 : i32
    %dma_wait3A_506 = tpu.memref_slice %arg9[%dma_wait3A_494, %add3A, %dma_wait3A_495, %dma_wait3A_504, %dma_wait3A_505] : memref<6x32x4x128x128xf32, #tpu.memory_space<hbm>> -> memref<1x1x1x128x128xf32, #tpu.memory_space<hbm>>
    %dma_wait3A_507 = tpu.memref_squeeze %dma_wait3A_506 : memref<1x1x1x128x128xf32, #tpu.memory_space<hbm>> -> memref<128x128xf32, #tpu.memory_space<hbm>>
    %dma_wait3A_508 = arith.constant 0 : i32
    %dma_wait3A_509 = arith.constant 0 : i32
    %dma_wait3A_510 = tpu.memref_slice %arg11[%dma_wait3A_493, %dma_wait3A_508, %dma_wait3A_509] : memref<4x128x128xf32, #tpu.memory_space<vmem>> -> memref<1x128x128xf32, #tpu.memory_space<vmem>>
    %dma_wait3A_511 = tpu.memref_squeeze %dma_wait3A_510 : memref<1x128x128xf32, #tpu.memory_space<vmem>> -> memref<128x128xf32, #tpu.memory_space<vmem>>
    tpu.wait_dma2 semaphore(%arg14 : memref<!tpu.dma_semaphore, #tpu.memory_space<semaphore_mem>>) src(%dma_wait3A_511 : memref<128x128xf32, #tpu.memory_space<vmem>>) dst(%dma_wait3A_507 : memref<128x128xf32, #tpu.memory_space<hbm>>)
    %dma_start3A_512 = arith.constant 0 : i32
    %dma_start3A_513 = arith.constant 2 : i32
    %dma_start3A_514 = arith.constant 0 : i32
    %dma_start3A_515 = arith.constant 0 : i32
    %dma_start3A_516 = arith.constant 0 : i32
    %dma_start3A_517 = tpu.memref_slice %arg11[%dma_start3A_512, %dma_start3A_515, %dma_start3A_516] : memref<4x128x128xf32, #tpu.memory_space<vmem>> -> memref<1x128x128xf32, #tpu.memory_space<vmem>>
    %dma_start3A_518 = tpu.memref_squeeze %dma_start3A_517 : memref<1x128x128xf32, #tpu.memory_space<vmem>> -> memref<128x128xf32, #tpu.memory_space<vmem>>
    %dma_start3A_519 = arith.constant 0 : i32
    %dma_start3A_520 = arith.constant 0 : i32
    %dma_start3A_521 = tpu.memref_slice %arg9[%dma_start3A_513, %add3A, %dma_start3A_514, %dma_start3A_519, %dma_start3A_520] : memref<6x32x4x128x128xf32, #tpu.memory_space<hbm>> -> memref<1x1x1x128x128xf32, #tpu.memory_space<hbm>>
    %dma_start3A_522 = tpu.memref_squeeze %dma_start3A_521 : memref<1x1x1x128x128xf32, #tpu.memory_space<hbm>> -> memref<128x128xf32, #tpu.memory_space<hbm>>
    %dma_start3A_523 = arith.constant 0 : i32
    %dma_start3A_524 = arith.constant 0 : i32
    %dma_start3A_525 = tpu.memref_slice %arg9[%dma_start3A_513, %add3A, %dma_start3A_514, %dma_start3A_523, %dma_start3A_524] : memref<6x32x4x128x128xf32, #tpu.memory_space<hbm>> -> memref<1x1x1x128x128xf32, #tpu.memory_space<hbm>>
    %dma_start3A_526 = tpu.memref_squeeze %dma_start3A_525 : memref<1x1x1x128x128xf32, #tpu.memory_space<hbm>> -> memref<128x128xf32, #tpu.memory_space<hbm>>
    %dma_start3A_527 = arith.constant 0 : i32
    %dma_start3A_528 = arith.constant 0 : i32
    %dma_start3A_529 = tpu.memref_slice %arg11[%dma_start3A_512, %dma_start3A_527, %dma_start3A_528] : memref<4x128x128xf32, #tpu.memory_space<vmem>> -> memref<1x128x128xf32, #tpu.memory_space<vmem>>
    %dma_start3A_530 = tpu.memref_squeeze %dma_start3A_529 : memref<1x128x128xf32, #tpu.memory_space<vmem>> -> memref<128x128xf32, #tpu.memory_space<vmem>>
    tpu.enqueue_dma source(%dma_start3A_530 : memref<128x128xf32, #tpu.memory_space<vmem>>) target(%dma_start3A_526 : memref<128x128xf32, #tpu.memory_space<hbm>>) target_semaphore(%arg14 : memref<!tpu.dma_semaphore, #tpu.memory_space<semaphore_mem>>)
    %dma_start3A_531 = arith.constant 10 : i32
    %dma_start3A_532 = arith.constant 2 : i32
    %dma_start3A_533 = arith.constant 0 : i32
    %dma_start3A_534 = arith.constant 0 : i32
    %dma_start3A_535 = tpu.memref_slice %arg11[%dma_start3A_532, %dma_start3A_533, %dma_start3A_534] : memref<4x128x128xf32, #tpu.memory_space<vmem>> -> memref<1x128x128xf32, #tpu.memory_space<vmem>>
    %dma_start3A_536 = tpu.memref_squeeze %dma_start3A_535 : memref<1x128x128xf32, #tpu.memory_space<vmem>> -> memref<128x128xf32, #tpu.memory_space<vmem>>
    %dma_start3A_537 = arith.constant 0 : i32
    %dma_start3A_538 = tpu.memref_slice %arg10[%dma_start3A_531, %dma_start3A_537] : memref<24x128xi32, #tpu.memory_space<vmem>> -> memref<1x128xi32, #tpu.memory_space<vmem>>
    %dma_start3A_539 = tpu.memref_squeeze %dma_start3A_538 : memref<1x128xi32, #tpu.memory_space<vmem>> -> memref<128xi32, #tpu.memory_space<vmem>>
    %dma_start3A_540 = arith.constant 0 : i32
    %dma_start3A_541 = arith.constant 0 : i32
    %dma_start3A_542 = tpu.memref_slice %arg5[%dma_start3A_540, %dma_start3A_541] : memref<25088x128xf32, #tpu.memory_space<hbm>> -> memref<25088x128xf32, #tpu.memory_space<hbm>>
    tpu.enqueue_indirect_dma source(%dma_start3A_542 : memref<25088x128xf32, #tpu.memory_space<hbm>>) target(%dma_start3A_536 : memref<128x128xf32, #tpu.memory_space<vmem>>) offsets(%dma_start3A_539 : memref<128xi32, #tpu.memory_space<vmem>>) semaphore(%arg12 : memref<!tpu.dma_semaphore, #tpu.memory_space<semaphore_mem>>)
    %dma_wait3A_543 = arith.constant 9 : i32
    %dma_wait3A_544 = arith.constant 1 : i32
    %dma_wait3A_545 = arith.constant 0 : i32
    %dma_wait3A_546 = arith.constant 0 : i32
    %dma_wait3A_547 = tpu.memref_slice %arg11[%dma_wait3A_544, %dma_wait3A_545, %dma_wait3A_546] : memref<4x128x128xf32, #tpu.memory_space<vmem>> -> memref<1x128x128xf32, #tpu.memory_space<vmem>>
    %dma_wait3A_548 = tpu.memref_squeeze %dma_wait3A_547 : memref<1x128x128xf32, #tpu.memory_space<vmem>> -> memref<128x128xf32, #tpu.memory_space<vmem>>
    %dma_wait3A_549 = arith.constant 0 : i32
    %dma_wait3A_550 = tpu.memref_slice %arg10[%dma_wait3A_543, %dma_wait3A_549] : memref<24x128xi32, #tpu.memory_space<vmem>> -> memref<1x128xi32, #tpu.memory_space<vmem>>
    %dma_wait3A_551 = tpu.memref_squeeze %dma_wait3A_550 : memref<1x128xi32, #tpu.memory_space<vmem>> -> memref<128xi32, #tpu.memory_space<vmem>>
    %dma_wait3A_552 = arith.constant 0 : i32
    %dma_wait3A_553 = arith.constant 0 : i32
    %dma_wait3A_554 = tpu.memref_slice %arg5[%dma_wait3A_552, %dma_wait3A_553] : memref<25088x128xf32, #tpu.memory_space<hbm>> -> memref<25088x128xf32, #tpu.memory_space<hbm>>
    tpu.wait_indirect_dma semaphore(%arg13 : memref<!tpu.dma_semaphore, #tpu.memory_space<semaphore_mem>>) src(%dma_wait3A_554 : memref<25088x128xf32, #tpu.memory_space<hbm>>) dst(%dma_wait3A_548 : memref<128x128xf32, #tpu.memory_space<vmem>>)
    %dma_wait3A_555 = arith.constant 3 : i32
    %dma_wait3A_556 = arith.constant 1 : i32
    %dma_wait3A_557 = arith.constant 3 : i32
    %dma_wait3A_558 = arith.constant 0 : i32
    %dma_wait3A_559 = arith.constant 0 : i32
    %dma_wait3A_560 = tpu.memref_slice %arg11[%dma_wait3A_555, %dma_wait3A_558, %dma_wait3A_559] : memref<4x128x128xf32, #tpu.memory_space<vmem>> -> memref<1x128x128xf32, #tpu.memory_space<vmem>>
    %dma_wait3A_561 = tpu.memref_squeeze %dma_wait3A_560 : memref<1x128x128xf32, #tpu.memory_space<vmem>> -> memref<128x128xf32, #tpu.memory_space<vmem>>
    %dma_wait3A_562 = arith.constant 0 : i32
    %dma_wait3A_563 = arith.constant 0 : i32
    %dma_wait3A_564 = tpu.memref_slice %arg9[%dma_wait3A_556, %add3A, %dma_wait3A_557, %dma_wait3A_562, %dma_wait3A_563] : memref<6x32x4x128x128xf32, #tpu.memory_space<hbm>> -> memref<1x1x1x128x128xf32, #tpu.memory_space<hbm>>
    %dma_wait3A_565 = tpu.memref_squeeze %dma_wait3A_564 : memref<1x1x1x128x128xf32, #tpu.memory_space<hbm>> -> memref<128x128xf32, #tpu.memory_space<hbm>>
    %dma_wait3A_566 = arith.constant 0 : i32
    %dma_wait3A_567 = arith.constant 0 : i32
    %dma_wait3A_568 = tpu.memref_slice %arg9[%dma_wait3A_556, %add3A, %dma_wait3A_557, %dma_wait3A_566, %dma_wait3A_567] : memref<6x32x4x128x128xf32, #tpu.memory_space<hbm>> -> memref<1x1x1x128x128xf32, #tpu.memory_space<hbm>>
    %dma_wait3A_569 = tpu.memref_squeeze %dma_wait3A_568 : memref<1x1x1x128x128xf32, #tpu.memory_space<hbm>> -> memref<128x128xf32, #tpu.memory_space<hbm>>
    %dma_wait3A_570 = arith.constant 0 : i32
    %dma_wait3A_571 = arith.constant 0 : i32
    %dma_wait3A_572 = tpu.memref_slice %arg11[%dma_wait3A_555, %dma_wait3A_570, %dma_wait3A_571] : memref<4x128x128xf32, #tpu.memory_space<vmem>> -> memref<1x128x128xf32, #tpu.memory_space<vmem>>
    %dma_wait3A_573 = tpu.memref_squeeze %dma_wait3A_572 : memref<1x128x128xf32, #tpu.memory_space<vmem>> -> memref<128x128xf32, #tpu.memory_space<vmem>>
    tpu.wait_dma2 semaphore(%arg15 : memref<!tpu.dma_semaphore, #tpu.memory_space<semaphore_mem>>) src(%dma_wait3A_573 : memref<128x128xf32, #tpu.memory_space<vmem>>) dst(%dma_wait3A_569 : memref<128x128xf32, #tpu.memory_space<hbm>>)
    %dma_start3A_574 = arith.constant 1 : i32
    %dma_start3A_575 = arith.constant 2 : i32
    %dma_start3A_576 = arith.constant 1 : i32
    %dma_start3A_577 = arith.constant 0 : i32
    %dma_start3A_578 = arith.constant 0 : i32
    %dma_start3A_579 = tpu.memref_slice %arg11[%dma_start3A_574, %dma_start3A_577, %dma_start3A_578] : memref<4x128x128xf32, #tpu.memory_space<vmem>> -> memref<1x128x128xf32, #tpu.memory_space<vmem>>
    %dma_start3A_580 = tpu.memref_squeeze %dma_start3A_579 : memref<1x128x128xf32, #tpu.memory_space<vmem>> -> memref<128x128xf32, #tpu.memory_space<vmem>>
    %dma_start3A_581 = arith.constant 0 : i32
    %dma_start3A_582 = arith.constant 0 : i32
    %dma_start3A_583 = tpu.memref_slice %arg9[%dma_start3A_575, %add3A, %dma_start3A_576, %dma_start3A_581, %dma_start3A_582] : memref<6x32x4x128x128xf32, #tpu.memory_space<hbm>> -> memref<1x1x1x128x128xf32, #tpu.memory_space<hbm>>
    %dma_start3A_584 = tpu.memref_squeeze %dma_start3A_583 : memref<1x1x1x128x128xf32, #tpu.memory_space<hbm>> -> memref<128x128xf32, #tpu.memory_space<hbm>>
    %dma_start3A_585 = arith.constant 0 : i32
    %dma_start3A_586 = arith.constant 0 : i32
    %dma_start3A_587 = tpu.memref_slice %arg9[%dma_start3A_575, %add3A, %dma_start3A_576, %dma_start3A_585, %dma_start3A_586] : memref<6x32x4x128x128xf32, #tpu.memory_space<hbm>> -> memref<1x1x1x128x128xf32, #tpu.memory_space<hbm>>
    %dma_start3A_588 = tpu.memref_squeeze %dma_start3A_587 : memref<1x1x1x128x128xf32, #tpu.memory_space<hbm>> -> memref<128x128xf32, #tpu.memory_space<hbm>>
    %dma_start3A_589 = arith.constant 0 : i32
    %dma_start3A_590 = arith.constant 0 : i32
    %dma_start3A_591 = tpu.memref_slice %arg11[%dma_start3A_574, %dma_start3A_589, %dma_start3A_590] : memref<4x128x128xf32, #tpu.memory_space<vmem>> -> memref<1x128x128xf32, #tpu.memory_space<vmem>>
    %dma_start3A_592 = tpu.memref_squeeze %dma_start3A_591 : memref<1x128x128xf32, #tpu.memory_space<vmem>> -> memref<128x128xf32, #tpu.memory_space<vmem>>
    tpu.enqueue_dma source(%dma_start3A_592 : memref<128x128xf32, #tpu.memory_space<vmem>>) target(%dma_start3A_588 : memref<128x128xf32, #tpu.memory_space<hbm>>) target_semaphore(%arg15 : memref<!tpu.dma_semaphore, #tpu.memory_space<semaphore_mem>>)
    %dma_start3A_593 = arith.constant 11 : i32
    %dma_start3A_594 = arith.constant 3 : i32
    %dma_start3A_595 = arith.constant 0 : i32
    %dma_start3A_596 = arith.constant 0 : i32
    %dma_start3A_597 = tpu.memref_slice %arg11[%dma_start3A_594, %dma_start3A_595, %dma_start3A_596] : memref<4x128x128xf32, #tpu.memory_space<vmem>> -> memref<1x128x128xf32, #tpu.memory_space<vmem>>
    %dma_start3A_598 = tpu.memref_squeeze %dma_start3A_597 : memref<1x128x128xf32, #tpu.memory_space<vmem>> -> memref<128x128xf32, #tpu.memory_space<vmem>>
    %dma_start3A_599 = arith.constant 0 : i32
    %dma_start3A_600 = tpu.memref_slice %arg10[%dma_start3A_593, %dma_start3A_599] : memref<24x128xi32, #tpu.memory_space<vmem>> -> memref<1x128xi32, #tpu.memory_space<vmem>>
    %dma_start3A_601 = tpu.memref_squeeze %dma_start3A_600 : memref<1x128xi32, #tpu.memory_space<vmem>> -> memref<128xi32, #tpu.memory_space<vmem>>
    %dma_start3A_602 = arith.constant 0 : i32
    %dma_start3A_603 = arith.constant 0 : i32
    %dma_start3A_604 = tpu.memref_slice %arg5[%dma_start3A_602, %dma_start3A_603] : memref<25088x128xf32, #tpu.memory_space<hbm>> -> memref<25088x128xf32, #tpu.memory_space<hbm>>
    tpu.enqueue_indirect_dma source(%dma_start3A_604 : memref<25088x128xf32, #tpu.memory_space<hbm>>) target(%dma_start3A_598 : memref<128x128xf32, #tpu.memory_space<vmem>>) offsets(%dma_start3A_601 : memref<128xi32, #tpu.memory_space<vmem>>) semaphore(%arg13 : memref<!tpu.dma_semaphore, #tpu.memory_space<semaphore_mem>>)
    %dma_wait3A_605 = arith.constant 10 : i32
    %dma_wait3A_606 = arith.constant 2 : i32
    %dma_wait3A_607 = arith.constant 0 : i32
    %dma_wait3A_608 = arith.constant 0 : i32
    %dma_wait3A_609 = tpu.memref_slice %arg11[%dma_wait3A_606, %dma_wait3A_607, %dma_wait3A_608] : memref<4x128x128xf32, #tpu.memory_space<vmem>> -> memref<1x128x128xf32, #tpu.memory_space<vmem>>
    %dma_wait3A_610 = tpu.memref_squeeze %dma_wait3A_609 : memref<1x128x128xf32, #tpu.memory_space<vmem>> -> memref<128x128xf32, #tpu.memory_space<vmem>>
    %dma_wait3A_611 = arith.constant 0 : i32
    %dma_wait3A_612 = tpu.memref_slice %arg10[%dma_wait3A_605, %dma_wait3A_611] : memref<24x128xi32, #tpu.memory_space<vmem>> -> memref<1x128xi32, #tpu.memory_space<vmem>>
    %dma_wait3A_613 = tpu.memref_squeeze %dma_wait3A_612 : memref<1x128xi32, #tpu.memory_space<vmem>> -> memref<128xi32, #tpu.memory_space<vmem>>
    %dma_wait3A_614 = arith.constant 0 : i32
    %dma_wait3A_615 = arith.constant 0 : i32
    %dma_wait3A_616 = tpu.memref_slice %arg5[%dma_wait3A_614, %dma_wait3A_615] : memref<25088x128xf32, #tpu.memory_space<hbm>> -> memref<25088x128xf32, #tpu.memory_space<hbm>>
    tpu.wait_indirect_dma semaphore(%arg12 : memref<!tpu.dma_semaphore, #tpu.memory_space<semaphore_mem>>) src(%dma_wait3A_616 : memref<25088x128xf32, #tpu.memory_space<hbm>>) dst(%dma_wait3A_610 : memref<128x128xf32, #tpu.memory_space<vmem>>)
    %dma_wait3A_617 = arith.constant 0 : i32
    %dma_wait3A_618 = arith.constant 2 : i32
    %dma_wait3A_619 = arith.constant 0 : i32
    %dma_wait3A_620 = arith.constant 0 : i32
    %dma_wait3A_621 = arith.constant 0 : i32
    %dma_wait3A_622 = tpu.memref_slice %arg11[%dma_wait3A_617, %dma_wait3A_620, %dma_wait3A_621] : memref<4x128x128xf32, #tpu.memory_space<vmem>> -> memref<1x128x128xf32, #tpu.memory_space<vmem>>
    %dma_wait3A_623 = tpu.memref_squeeze %dma_wait3A_622 : memref<1x128x128xf32, #tpu.memory_space<vmem>> -> memref<128x128xf32, #tpu.memory_space<vmem>>
    %dma_wait3A_624 = arith.constant 0 : i32
    %dma_wait3A_625 = arith.constant 0 : i32
    %dma_wait3A_626 = tpu.memref_slice %arg9[%dma_wait3A_618, %add3A, %dma_wait3A_619, %dma_wait3A_624, %dma_wait3A_625] : memref<6x32x4x128x128xf32, #tpu.memory_space<hbm>> -> memref<1x1x1x128x128xf32, #tpu.memory_space<hbm>>
    %dma_wait3A_627 = tpu.memref_squeeze %dma_wait3A_626 : memref<1x1x1x128x128xf32, #tpu.memory_space<hbm>> -> memref<128x128xf32, #tpu.memory_space<hbm>>
    %dma_wait3A_628 = arith.constant 0 : i32
    %dma_wait3A_629 = arith.constant 0 : i32
    %dma_wait3A_630 = tpu.memref_slice %arg9[%dma_wait3A_618, %add3A, %dma_wait3A_619, %dma_wait3A_628, %dma_wait3A_629] : memref<6x32x4x128x128xf32, #tpu.memory_space<hbm>> -> memref<1x1x1x128x128xf32, #tpu.memory_space<hbm>>
    %dma_wait3A_631 = tpu.memref_squeeze %dma_wait3A_630 : memref<1x1x1x128x128xf32, #tpu.memory_space<hbm>> -> memref<128x128xf32, #tpu.memory_space<hbm>>
    %dma_wait3A_632 = arith.constant 0 : i32
    %dma_wait3A_633 = arith.constant 0 : i32
    %dma_wait3A_634 = tpu.memref_slice %arg11[%dma_wait3A_617, %dma_wait3A_632, %dma_wait3A_633] : memref<4x128x128xf32, #tpu.memory_space<vmem>> -> memref<1x128x128xf32, #tpu.memory_space<vmem>>
    %dma_wait3A_635 = tpu.memref_squeeze %dma_wait3A_634 : memref<1x128x128xf32, #tpu.memory_space<vmem>> -> memref<128x128xf32, #tpu.memory_space<vmem>>
    tpu.wait_dma2 semaphore(%arg14 : memref<!tpu.dma_semaphore, #tpu.memory_space<semaphore_mem>>) src(%dma_wait3A_635 : memref<128x128xf32, #tpu.memory_space<vmem>>) dst(%dma_wait3A_631 : memref<128x128xf32, #tpu.memory_space<hbm>>)
    %dma_start3A_636 = arith.constant 2 : i32
    %dma_start3A_637 = arith.constant 2 : i32
    %dma_start3A_638 = arith.constant 2 : i32
    %dma_start3A_639 = arith.constant 0 : i32
    %dma_start3A_640 = arith.constant 0 : i32
    %dma_start3A_641 = tpu.memref_slice %arg11[%dma_start3A_636, %dma_start3A_639, %dma_start3A_640] : memref<4x128x128xf32, #tpu.memory_space<vmem>> -> memref<1x128x128xf32, #tpu.memory_space<vmem>>
    %dma_start3A_642 = tpu.memref_squeeze %dma_start3A_641 : memref<1x128x128xf32, #tpu.memory_space<vmem>> -> memref<128x128xf32, #tpu.memory_space<vmem>>
    %dma_start3A_643 = arith.constant 0 : i32
    %dma_start3A_644 = arith.constant 0 : i32
    %dma_start3A_645 = tpu.memref_slice %arg9[%dma_start3A_637, %add3A, %dma_start3A_638, %dma_start3A_643, %dma_start3A_644] : memref<6x32x4x128x128xf32, #tpu.memory_space<hbm>> -> memref<1x1x1x128x128xf32, #tpu.memory_space<hbm>>
    %dma_start3A_646 = tpu.memref_squeeze %dma_start3A_645 : memref<1x1x1x128x128xf32, #tpu.memory_space<hbm>> -> memref<128x128xf32, #tpu.memory_space<hbm>>
    %dma_start3A_647 = arith.constant 0 : i32
    %dma_start3A_648 = arith.constant 0 : i32
    %dma_start3A_649 = tpu.memref_slice %arg9[%dma_start3A_637, %add3A, %dma_start3A_638, %dma_start3A_647, %dma_start3A_648] : memref<6x32x4x128x128xf32, #tpu.memory_space<hbm>> -> memref<1x1x1x128x128xf32, #tpu.memory_space<hbm>>
    %dma_start3A_650 = tpu.memref_squeeze %dma_start3A_649 : memref<1x1x1x128x128xf32, #tpu.memory_space<hbm>> -> memref<128x128xf32, #tpu.memory_space<hbm>>
    %dma_start3A_651 = arith.constant 0 : i32
    %dma_start3A_652 = arith.constant 0 : i32
    %dma_start3A_653 = tpu.memref_slice %arg11[%dma_start3A_636, %dma_start3A_651, %dma_start3A_652] : memref<4x128x128xf32, #tpu.memory_space<vmem>> -> memref<1x128x128xf32, #tpu.memory_space<vmem>>
    %dma_start3A_654 = tpu.memref_squeeze %dma_start3A_653 : memref<1x128x128xf32, #tpu.memory_space<vmem>> -> memref<128x128xf32, #tpu.memory_space<vmem>>
    tpu.enqueue_dma source(%dma_start3A_654 : memref<128x128xf32, #tpu.memory_space<vmem>>) target(%dma_start3A_650 : memref<128x128xf32, #tpu.memory_space<hbm>>) target_semaphore(%arg14 : memref<!tpu.dma_semaphore, #tpu.memory_space<semaphore_mem>>)
    %dma_start3A_655 = arith.constant 12 : i32
    %dma_start3A_656 = arith.constant 0 : i32
    %dma_start3A_657 = arith.constant 0 : i32
    %dma_start3A_658 = arith.constant 0 : i32
    %dma_start3A_659 = tpu.memref_slice %arg11[%dma_start3A_656, %dma_start3A_657, %dma_start3A_658] : memref<4x128x128xf32, #tpu.memory_space<vmem>> -> memref<1x128x128xf32, #tpu.memory_space<vmem>>
    %dma_start3A_660 = tpu.memref_squeeze %dma_start3A_659 : memref<1x128x128xf32, #tpu.memory_space<vmem>> -> memref<128x128xf32, #tpu.memory_space<vmem>>
    %dma_start3A_661 = arith.constant 0 : i32
    %dma_start3A_662 = tpu.memref_slice %arg10[%dma_start3A_655, %dma_start3A_661] : memref<24x128xi32, #tpu.memory_space<vmem>> -> memref<1x128xi32, #tpu.memory_space<vmem>>
    %dma_start3A_663 = tpu.memref_squeeze %dma_start3A_662 : memref<1x128xi32, #tpu.memory_space<vmem>> -> memref<128xi32, #tpu.memory_space<vmem>>
    %dma_start3A_664 = arith.constant 0 : i32
    %dma_start3A_665 = arith.constant 0 : i32
    %dma_start3A_666 = tpu.memref_slice %arg6[%dma_start3A_664, %dma_start3A_665] : memref<25088x128xf32, #tpu.memory_space<hbm>> -> memref<25088x128xf32, #tpu.memory_space<hbm>>
    tpu.enqueue_indirect_dma source(%dma_start3A_666 : memref<25088x128xf32, #tpu.memory_space<hbm>>) target(%dma_start3A_660 : memref<128x128xf32, #tpu.memory_space<vmem>>) offsets(%dma_start3A_663 : memref<128xi32, #tpu.memory_space<vmem>>) semaphore(%arg12 : memref<!tpu.dma_semaphore, #tpu.memory_space<semaphore_mem>>)
    %dma_wait3A_667 = arith.constant 11 : i32
    %dma_wait3A_668 = arith.constant 3 : i32
    %dma_wait3A_669 = arith.constant 0 : i32
    %dma_wait3A_670 = arith.constant 0 : i32
    %dma_wait3A_671 = tpu.memref_slice %arg11[%dma_wait3A_668, %dma_wait3A_669, %dma_wait3A_670] : memref<4x128x128xf32, #tpu.memory_space<vmem>> -> memref<1x128x128xf32, #tpu.memory_space<vmem>>
    %dma_wait3A_672 = tpu.memref_squeeze %dma_wait3A_671 : memref<1x128x128xf32, #tpu.memory_space<vmem>> -> memref<128x128xf32, #tpu.memory_space<vmem>>
    %dma_wait3A_673 = arith.constant 0 : i32
    %dma_wait3A_674 = tpu.memref_slice %arg10[%dma_wait3A_667, %dma_wait3A_673] : memref<24x128xi32, #tpu.memory_space<vmem>> -> memref<1x128xi32, #tpu.memory_space<vmem>>
    %dma_wait3A_675 = tpu.memref_squeeze %dma_wait3A_674 : memref<1x128xi32, #tpu.memory_space<vmem>> -> memref<128xi32, #tpu.memory_space<vmem>>
    %dma_wait3A_676 = arith.constant 0 : i32
    %dma_wait3A_677 = arith.constant 0 : i32
    %dma_wait3A_678 = tpu.memref_slice %arg5[%dma_wait3A_676, %dma_wait3A_677] : memref<25088x128xf32, #tpu.memory_space<hbm>> -> memref<25088x128xf32, #tpu.memory_space<hbm>>
    tpu.wait_indirect_dma semaphore(%arg13 : memref<!tpu.dma_semaphore, #tpu.memory_space<semaphore_mem>>) src(%dma_wait3A_678 : memref<25088x128xf32, #tpu.memory_space<hbm>>) dst(%dma_wait3A_672 : memref<128x128xf32, #tpu.memory_space<vmem>>)
    %dma_wait3A_679 = arith.constant 1 : i32
    %dma_wait3A_680 = arith.constant 2 : i32
    %dma_wait3A_681 = arith.constant 1 : i32
    %dma_wait3A_682 = arith.constant 0 : i32
    %dma_wait3A_683 = arith.constant 0 : i32
    %dma_wait3A_684 = tpu.memref_slice %arg11[%dma_wait3A_679, %dma_wait3A_682, %dma_wait3A_683] : memref<4x128x128xf32, #tpu.memory_space<vmem>> -> memref<1x128x128xf32, #tpu.memory_space<vmem>>
    %dma_wait3A_685 = tpu.memref_squeeze %dma_wait3A_684 : memref<1x128x128xf32, #tpu.memory_space<vmem>> -> memref<128x128xf32, #tpu.memory_space<vmem>>
    %dma_wait3A_686 = arith.constant 0 : i32
    %dma_wait3A_687 = arith.constant 0 : i32
    %dma_wait3A_688 = tpu.memref_slice %arg9[%dma_wait3A_680, %add3A, %dma_wait3A_681, %dma_wait3A_686, %dma_wait3A_687] : memref<6x32x4x128x128xf32, #tpu.memory_space<hbm>> -> memref<1x1x1x128x128xf32, #tpu.memory_space<hbm>>
    %dma_wait3A_689 = tpu.memref_squeeze %dma_wait3A_688 : memref<1x1x1x128x128xf32, #tpu.memory_space<hbm>> -> memref<128x128xf32, #tpu.memory_space<hbm>>
    %dma_wait3A_690 = arith.constant 0 : i32
    %dma_wait3A_691 = arith.constant 0 : i32
    %dma_wait3A_692 = tpu.memref_slice %arg9[%dma_wait3A_680, %add3A, %dma_wait3A_681, %dma_wait3A_690, %dma_wait3A_691] : memref<6x32x4x128x128xf32, #tpu.memory_space<hbm>> -> memref<1x1x1x128x128xf32, #tpu.memory_space<hbm>>
    %dma_wait3A_693 = tpu.memref_squeeze %dma_wait3A_692 : memref<1x1x1x128x128xf32, #tpu.memory_space<hbm>> -> memref<128x128xf32, #tpu.memory_space<hbm>>
    %dma_wait3A_694 = arith.constant 0 : i32
    %dma_wait3A_695 = arith.constant 0 : i32
    %dma_wait3A_696 = tpu.memref_slice %arg11[%dma_wait3A_679, %dma_wait3A_694, %dma_wait3A_695] : memref<4x128x128xf32, #tpu.memory_space<vmem>> -> memref<1x128x128xf32, #tpu.memory_space<vmem>>
    %dma_wait3A_697 = tpu.memref_squeeze %dma_wait3A_696 : memref<1x128x128xf32, #tpu.memory_space<vmem>> -> memref<128x128xf32, #tpu.memory_space<vmem>>
    tpu.wait_dma2 semaphore(%arg15 : memref<!tpu.dma_semaphore, #tpu.memory_space<semaphore_mem>>) src(%dma_wait3A_697 : memref<128x128xf32, #tpu.memory_space<vmem>>) dst(%dma_wait3A_693 : memref<128x128xf32, #tpu.memory_space<hbm>>)
    %dma_start3A_698 = arith.constant 3 : i32
    %dma_start3A_699 = arith.constant 2 : i32
    %dma_start3A_700 = arith.constant 3 : i32
    %dma_start3A_701 = arith.constant 0 : i32
    %dma_start3A_702 = arith.constant 0 : i32
    %dma_start3A_703 = tpu.memref_slice %arg11[%dma_start3A_698, %dma_start3A_701, %dma_start3A_702] : memref<4x128x128xf32, #tpu.memory_space<vmem>> -> memref<1x128x128xf32, #tpu.memory_space<vmem>>
    %dma_start3A_704 = tpu.memref_squeeze %dma_start3A_703 : memref<1x128x128xf32, #tpu.memory_space<vmem>> -> memref<128x128xf32, #tpu.memory_space<vmem>>
    %dma_start3A_705 = arith.constant 0 : i32
    %dma_start3A_706 = arith.constant 0 : i32
    %dma_start3A_707 = tpu.memref_slice %arg9[%dma_start3A_699, %add3A, %dma_start3A_700, %dma_start3A_705, %dma_start3A_706] : memref<6x32x4x128x128xf32, #tpu.memory_space<hbm>> -> memref<1x1x1x128x128xf32, #tpu.memory_space<hbm>>
    %dma_start3A_708 = tpu.memref_squeeze %dma_start3A_707 : memref<1x1x1x128x128xf32, #tpu.memory_space<hbm>> -> memref<128x128xf32, #tpu.memory_space<hbm>>
    %dma_start3A_709 = arith.constant 0 : i32
    %dma_start3A_710 = arith.constant 0 : i32
    %dma_start3A_711 = tpu.memref_slice %arg9[%dma_start3A_699, %add3A, %dma_start3A_700, %dma_start3A_709, %dma_start3A_710] : memref<6x32x4x128x128xf32, #tpu.memory_space<hbm>> -> memref<1x1x1x128x128xf32, #tpu.memory_space<hbm>>
    %dma_start3A_712 = tpu.memref_squeeze %dma_start3A_711 : memref<1x1x1x128x128xf32, #tpu.memory_space<hbm>> -> memref<128x128xf32, #tpu.memory_space<hbm>>
    %dma_start3A_713 = arith.constant 0 : i32
    %dma_start3A_714 = arith.constant 0 : i32
    %dma_start3A_715 = tpu.memref_slice %arg11[%dma_start3A_698, %dma_start3A_713, %dma_start3A_714] : memref<4x128x128xf32, #tpu.memory_space<vmem>> -> memref<1x128x128xf32, #tpu.memory_space<vmem>>
    %dma_start3A_716 = tpu.memref_squeeze %dma_start3A_715 : memref<1x128x128xf32, #tpu.memory_space<vmem>> -> memref<128x128xf32, #tpu.memory_space<vmem>>
    tpu.enqueue_dma source(%dma_start3A_716 : memref<128x128xf32, #tpu.memory_space<vmem>>) target(%dma_start3A_712 : memref<128x128xf32, #tpu.memory_space<hbm>>) target_semaphore(%arg15 : memref<!tpu.dma_semaphore, #tpu.memory_space<semaphore_mem>>)
    %dma_start3A_717 = arith.constant 13 : i32
    %dma_start3A_718 = arith.constant 1 : i32
    %dma_start3A_719 = arith.constant 0 : i32
    %dma_start3A_720 = arith.constant 0 : i32
    %dma_start3A_721 = tpu.memref_slice %arg11[%dma_start3A_718, %dma_start3A_719, %dma_start3A_720] : memref<4x128x128xf32, #tpu.memory_space<vmem>> -> memref<1x128x128xf32, #tpu.memory_space<vmem>>
    %dma_start3A_722 = tpu.memref_squeeze %dma_start3A_721 : memref<1x128x128xf32, #tpu.memory_space<vmem>> -> memref<128x128xf32, #tpu.memory_space<vmem>>
    %dma_start3A_723 = arith.constant 0 : i32
    %dma_start3A_724 = tpu.memref_slice %arg10[%dma_start3A_717, %dma_start3A_723] : memref<24x128xi32, #tpu.memory_space<vmem>> -> memref<1x128xi32, #tpu.memory_space<vmem>>
    %dma_start3A_725 = tpu.memref_squeeze %dma_start3A_724 : memref<1x128xi32, #tpu.memory_space<vmem>> -> memref<128xi32, #tpu.memory_space<vmem>>
    %dma_start3A_726 = arith.constant 0 : i32
    %dma_start3A_727 = arith.constant 0 : i32
    %dma_start3A_728 = tpu.memref_slice %arg6[%dma_start3A_726, %dma_start3A_727] : memref<25088x128xf32, #tpu.memory_space<hbm>> -> memref<25088x128xf32, #tpu.memory_space<hbm>>
    tpu.enqueue_indirect_dma source(%dma_start3A_728 : memref<25088x128xf32, #tpu.memory_space<hbm>>) target(%dma_start3A_722 : memref<128x128xf32, #tpu.memory_space<vmem>>) offsets(%dma_start3A_725 : memref<128xi32, #tpu.memory_space<vmem>>) semaphore(%arg13 : memref<!tpu.dma_semaphore, #tpu.memory_space<semaphore_mem>>)
    %dma_wait3A_729 = arith.constant 12 : i32
    %dma_wait3A_730 = arith.constant 0 : i32
    %dma_wait3A_731 = arith.constant 0 : i32
    %dma_wait3A_732 = arith.constant 0 : i32
    %dma_wait3A_733 = tpu.memref_slice %arg11[%dma_wait3A_730, %dma_wait3A_731, %dma_wait3A_732] : memref<4x128x128xf32, #tpu.memory_space<vmem>> -> memref<1x128x128xf32, #tpu.memory_space<vmem>>
    %dma_wait3A_734 = tpu.memref_squeeze %dma_wait3A_733 : memref<1x128x128xf32, #tpu.memory_space<vmem>> -> memref<128x128xf32, #tpu.memory_space<vmem>>
    %dma_wait3A_735 = arith.constant 0 : i32
    %dma_wait3A_736 = tpu.memref_slice %arg10[%dma_wait3A_729, %dma_wait3A_735] : memref<24x128xi32, #tpu.memory_space<vmem>> -> memref<1x128xi32, #tpu.memory_space<vmem>>
    %dma_wait3A_737 = tpu.memref_squeeze %dma_wait3A_736 : memref<1x128xi32, #tpu.memory_space<vmem>> -> memref<128xi32, #tpu.memory_space<vmem>>
    %dma_wait3A_738 = arith.constant 0 : i32
    %dma_wait3A_739 = arith.constant 0 : i32
    %dma_wait3A_740 = tpu.memref_slice %arg6[%dma_wait3A_738, %dma_wait3A_739] : memref<25088x128xf32, #tpu.memory_space<hbm>> -> memref<25088x128xf32, #tpu.memory_space<hbm>>
    tpu.wait_indirect_dma semaphore(%arg12 : memref<!tpu.dma_semaphore, #tpu.memory_space<semaphore_mem>>) src(%dma_wait3A_740 : memref<25088x128xf32, #tpu.memory_space<hbm>>) dst(%dma_wait3A_734 : memref<128x128xf32, #tpu.memory_space<vmem>>)
    %dma_wait3A_741 = arith.constant 2 : i32
    %dma_wait3A_742 = arith.constant 2 : i32
    %dma_wait3A_743 = arith.constant 2 : i32
    %dma_wait3A_744 = arith.constant 0 : i32
    %dma_wait3A_745 = arith.constant 0 : i32
    %dma_wait3A_746 = tpu.memref_slice %arg11[%dma_wait3A_741, %dma_wait3A_744, %dma_wait3A_745] : memref<4x128x128xf32, #tpu.memory_space<vmem>> -> memref<1x128x128xf32, #tpu.memory_space<vmem>>
    %dma_wait3A_747 = tpu.memref_squeeze %dma_wait3A_746 : memref<1x128x128xf32, #tpu.memory_space<vmem>> -> memref<128x128xf32, #tpu.memory_space<vmem>>
    %dma_wait3A_748 = arith.constant 0 : i32
    %dma_wait3A_749 = arith.constant 0 : i32
    %dma_wait3A_750 = tpu.memref_slice %arg9[%dma_wait3A_742, %add3A, %dma_wait3A_743, %dma_wait3A_748, %dma_wait3A_749] : memref<6x32x4x128x128xf32, #tpu.memory_space<hbm>> -> memref<1x1x1x128x128xf32, #tpu.memory_space<hbm>>
    %dma_wait3A_751 = tpu.memref_squeeze %dma_wait3A_750 : memref<1x1x1x128x128xf32, #tpu.memory_space<hbm>> -> memref<128x128xf32, #tpu.memory_space<hbm>>
    %dma_wait3A_752 = arith.constant 0 : i32
    %dma_wait3A_753 = arith.constant 0 : i32
    %dma_wait3A_754 = tpu.memref_slice %arg9[%dma_wait3A_742, %add3A, %dma_wait3A_743, %dma_wait3A_752, %dma_wait3A_753] : memref<6x32x4x128x128xf32, #tpu.memory_space<hbm>> -> memref<1x1x1x128x128xf32, #tpu.memory_space<hbm>>
    %dma_wait3A_755 = tpu.memref_squeeze %dma_wait3A_754 : memref<1x1x1x128x128xf32, #tpu.memory_space<hbm>> -> memref<128x128xf32, #tpu.memory_space<hbm>>
    %dma_wait3A_756 = arith.constant 0 : i32
    %dma_wait3A_757 = arith.constant 0 : i32
    %dma_wait3A_758 = tpu.memref_slice %arg11[%dma_wait3A_741, %dma_wait3A_756, %dma_wait3A_757] : memref<4x128x128xf32, #tpu.memory_space<vmem>> -> memref<1x128x128xf32, #tpu.memory_space<vmem>>
    %dma_wait3A_759 = tpu.memref_squeeze %dma_wait3A_758 : memref<1x128x128xf32, #tpu.memory_space<vmem>> -> memref<128x128xf32, #tpu.memory_space<vmem>>
    tpu.wait_dma2 semaphore(%arg14 : memref<!tpu.dma_semaphore, #tpu.memory_space<semaphore_mem>>) src(%dma_wait3A_759 : memref<128x128xf32, #tpu.memory_space<vmem>>) dst(%dma_wait3A_755 : memref<128x128xf32, #tpu.memory_space<hbm>>)
    %dma_start3A_760 = arith.constant 0 : i32
    %dma_start3A_761 = arith.constant 3 : i32
    %dma_start3A_762 = arith.constant 0 : i32
    %dma_start3A_763 = arith.constant 0 : i32
    %dma_start3A_764 = arith.constant 0 : i32
    %dma_start3A_765 = tpu.memref_slice %arg11[%dma_start3A_760, %dma_start3A_763, %dma_start3A_764] : memref<4x128x128xf32, #tpu.memory_space<vmem>> -> memref<1x128x128xf32, #tpu.memory_space<vmem>>
    %dma_start3A_766 = tpu.memref_squeeze %dma_start3A_765 : memref<1x128x128xf32, #tpu.memory_space<vmem>> -> memref<128x128xf32, #tpu.memory_space<vmem>>
    %dma_start3A_767 = arith.constant 0 : i32
    %dma_start3A_768 = arith.constant 0 : i32
    %dma_start3A_769 = tpu.memref_slice %arg9[%dma_start3A_761, %add3A, %dma_start3A_762, %dma_start3A_767, %dma_start3A_768] : memref<6x32x4x128x128xf32, #tpu.memory_space<hbm>> -> memref<1x1x1x128x128xf32, #tpu.memory_space<hbm>>
    %dma_start3A_770 = tpu.memref_squeeze %dma_start3A_769 : memref<1x1x1x128x128xf32, #tpu.memory_space<hbm>> -> memref<128x128xf32, #tpu.memory_space<hbm>>
    %dma_start3A_771 = arith.constant 0 : i32
    %dma_start3A_772 = arith.constant 0 : i32
    %dma_start3A_773 = tpu.memref_slice %arg9[%dma_start3A_761, %add3A, %dma_start3A_762, %dma_start3A_771, %dma_start3A_772] : memref<6x32x4x128x128xf32, #tpu.memory_space<hbm>> -> memref<1x1x1x128x128xf32, #tpu.memory_space<hbm>>
    %dma_start3A_774 = tpu.memref_squeeze %dma_start3A_773 : memref<1x1x1x128x128xf32, #tpu.memory_space<hbm>> -> memref<128x128xf32, #tpu.memory_space<hbm>>
    %dma_start3A_775 = arith.constant 0 : i32
    %dma_start3A_776 = arith.constant 0 : i32
    %dma_start3A_777 = tpu.memref_slice %arg11[%dma_start3A_760, %dma_start3A_775, %dma_start3A_776] : memref<4x128x128xf32, #tpu.memory_space<vmem>> -> memref<1x128x128xf32, #tpu.memory_space<vmem>>
    %dma_start3A_778 = tpu.memref_squeeze %dma_start3A_777 : memref<1x128x128xf32, #tpu.memory_space<vmem>> -> memref<128x128xf32, #tpu.memory_space<vmem>>
    tpu.enqueue_dma source(%dma_start3A_778 : memref<128x128xf32, #tpu.memory_space<vmem>>) target(%dma_start3A_774 : memref<128x128xf32, #tpu.memory_space<hbm>>) target_semaphore(%arg14 : memref<!tpu.dma_semaphore, #tpu.memory_space<semaphore_mem>>)
    %dma_start3A_779 = arith.constant 14 : i32
    %dma_start3A_780 = arith.constant 2 : i32
    %dma_start3A_781 = arith.constant 0 : i32
    %dma_start3A_782 = arith.constant 0 : i32
    %dma_start3A_783 = tpu.memref_slice %arg11[%dma_start3A_780, %dma_start3A_781, %dma_start3A_782] : memref<4x128x128xf32, #tpu.memory_space<vmem>> -> memref<1x128x128xf32, #tpu.memory_space<vmem>>
    %dma_start3A_784 = tpu.memref_squeeze %dma_start3A_783 : memref<1x128x128xf32, #tpu.memory_space<vmem>> -> memref<128x128xf32, #tpu.memory_space<vmem>>
    %dma_start3A_785 = arith.constant 0 : i32
    %dma_start3A_786 = tpu.memref_slice %arg10[%dma_start3A_779, %dma_start3A_785] : memref<24x128xi32, #tpu.memory_space<vmem>> -> memref<1x128xi32, #tpu.memory_space<vmem>>
    %dma_start3A_787 = tpu.memref_squeeze %dma_start3A_786 : memref<1x128xi32, #tpu.memory_space<vmem>> -> memref<128xi32, #tpu.memory_space<vmem>>
    %dma_start3A_788 = arith.constant 0 : i32
    %dma_start3A_789 = arith.constant 0 : i32
    %dma_start3A_790 = tpu.memref_slice %arg6[%dma_start3A_788, %dma_start3A_789] : memref<25088x128xf32, #tpu.memory_space<hbm>> -> memref<25088x128xf32, #tpu.memory_space<hbm>>
    tpu.enqueue_indirect_dma source(%dma_start3A_790 : memref<25088x128xf32, #tpu.memory_space<hbm>>) target(%dma_start3A_784 : memref<128x128xf32, #tpu.memory_space<vmem>>) offsets(%dma_start3A_787 : memref<128xi32, #tpu.memory_space<vmem>>) semaphore(%arg12 : memref<!tpu.dma_semaphore, #tpu.memory_space<semaphore_mem>>)
    %dma_wait3A_791 = arith.constant 13 : i32
    %dma_wait3A_792 = arith.constant 1 : i32
    %dma_wait3A_793 = arith.constant 0 : i32
    %dma_wait3A_794 = arith.constant 0 : i32
    %dma_wait3A_795 = tpu.memref_slice %arg11[%dma_wait3A_792, %dma_wait3A_793, %dma_wait3A_794] : memref<4x128x128xf32, #tpu.memory_space<vmem>> -> memref<1x128x128xf32, #tpu.memory_space<vmem>>
    %dma_wait3A_796 = tpu.memref_squeeze %dma_wait3A_795 : memref<1x128x128xf32, #tpu.memory_space<vmem>> -> memref<128x128xf32, #tpu.memory_space<vmem>>
    %dma_wait3A_797 = arith.constant 0 : i32
    %dma_wait3A_798 = tpu.memref_slice %arg10[%dma_wait3A_791, %dma_wait3A_797] : memref<24x128xi32, #tpu.memory_space<vmem>> -> memref<1x128xi32, #tpu.memory_space<vmem>>
    %dma_wait3A_799 = tpu.memref_squeeze %dma_wait3A_798 : memref<1x128xi32, #tpu.memory_space<vmem>> -> memref<128xi32, #tpu.memory_space<vmem>>
    %dma_wait3A_800 = arith.constant 0 : i32
    %dma_wait3A_801 = arith.constant 0 : i32
    %dma_wait3A_802 = tpu.memref_slice %arg6[%dma_wait3A_800, %dma_wait3A_801] : memref<25088x128xf32, #tpu.memory_space<hbm>> -> memref<25088x128xf32, #tpu.memory_space<hbm>>
    tpu.wait_indirect_dma semaphore(%arg13 : memref<!tpu.dma_semaphore, #tpu.memory_space<semaphore_mem>>) src(%dma_wait3A_802 : memref<25088x128xf32, #tpu.memory_space<hbm>>) dst(%dma_wait3A_796 : memref<128x128xf32, #tpu.memory_space<vmem>>)
    %dma_wait3A_803 = arith.constant 3 : i32
    %dma_wait3A_804 = arith.constant 2 : i32
    %dma_wait3A_805 = arith.constant 3 : i32
    %dma_wait3A_806 = arith.constant 0 : i32
    %dma_wait3A_807 = arith.constant 0 : i32
    %dma_wait3A_808 = tpu.memref_slice %arg11[%dma_wait3A_803, %dma_wait3A_806, %dma_wait3A_807] : memref<4x128x128xf32, #tpu.memory_space<vmem>> -> memref<1x128x128xf32, #tpu.memory_space<vmem>>
    %dma_wait3A_809 = tpu.memref_squeeze %dma_wait3A_808 : memref<1x128x128xf32, #tpu.memory_space<vmem>> -> memref<128x128xf32, #tpu.memory_space<vmem>>
    %dma_wait3A_810 = arith.constant 0 : i32
    %dma_wait3A_811 = arith.constant 0 : i32
    %dma_wait3A_812 = tpu.memref_slice %arg9[%dma_wait3A_804, %add3A, %dma_wait3A_805, %dma_wait3A_810, %dma_wait3A_811] : memref<6x32x4x128x128xf32, #tpu.memory_space<hbm>> -> memref<1x1x1x128x128xf32, #tpu.memory_space<hbm>>
    %dma_wait3A_813 = tpu.memref_squeeze %dma_wait3A_812 : memref<1x1x1x128x128xf32, #tpu.memory_space<hbm>> -> memref<128x128xf32, #tpu.memory_space<hbm>>
    %dma_wait3A_814 = arith.constant 0 : i32
    %dma_wait3A_815 = arith.constant 0 : i32
    %dma_wait3A_816 = tpu.memref_slice %arg9[%dma_wait3A_804, %add3A, %dma_wait3A_805, %dma_wait3A_814, %dma_wait3A_815] : memref<6x32x4x128x128xf32, #tpu.memory_space<hbm>> -> memref<1x1x1x128x128xf32, #tpu.memory_space<hbm>>
    %dma_wait3A_817 = tpu.memref_squeeze %dma_wait3A_816 : memref<1x1x1x128x128xf32, #tpu.memory_space<hbm>> -> memref<128x128xf32, #tpu.memory_space<hbm>>
    %dma_wait3A_818 = arith.constant 0 : i32
    %dma_wait3A_819 = arith.constant 0 : i32
    %dma_wait3A_820 = tpu.memref_slice %arg11[%dma_wait3A_803, %dma_wait3A_818, %dma_wait3A_819] : memref<4x128x128xf32, #tpu.memory_space<vmem>> -> memref<1x128x128xf32, #tpu.memory_space<vmem>>
    %dma_wait3A_821 = tpu.memref_squeeze %dma_wait3A_820 : memref<1x128x128xf32, #tpu.memory_space<vmem>> -> memref<128x128xf32, #tpu.memory_space<vmem>>
    tpu.wait_dma2 semaphore(%arg15 : memref<!tpu.dma_semaphore, #tpu.memory_space<semaphore_mem>>) src(%dma_wait3A_821 : memref<128x128xf32, #tpu.memory_space<vmem>>) dst(%dma_wait3A_817 : memref<128x128xf32, #tpu.memory_space<hbm>>)
    %dma_start3A_822 = arith.constant 1 : i32
    %dma_start3A_823 = arith.constant 3 : i32
    %dma_start3A_824 = arith.constant 1 : i32
    %dma_start3A_825 = arith.constant 0 : i32
    %dma_start3A_826 = arith.constant 0 : i32
    %dma_start3A_827 = tpu.memref_slice %arg11[%dma_start3A_822, %dma_start3A_825, %dma_start3A_826] : memref<4x128x128xf32, #tpu.memory_space<vmem>> -> memref<1x128x128xf32, #tpu.memory_space<vmem>>
    %dma_start3A_828 = tpu.memref_squeeze %dma_start3A_827 : memref<1x128x128xf32, #tpu.memory_space<vmem>> -> memref<128x128xf32, #tpu.memory_space<vmem>>
    %dma_start3A_829 = arith.constant 0 : i32
    %dma_start3A_830 = arith.constant 0 : i32
    %dma_start3A_831 = tpu.memref_slice %arg9[%dma_start3A_823, %add3A, %dma_start3A_824, %dma_start3A_829, %dma_start3A_830] : memref<6x32x4x128x128xf32, #tpu.memory_space<hbm>> -> memref<1x1x1x128x128xf32, #tpu.memory_space<hbm>>
    %dma_start3A_832 = tpu.memref_squeeze %dma_start3A_831 : memref<1x1x1x128x128xf32, #tpu.memory_space<hbm>> -> memref<128x128xf32, #tpu.memory_space<hbm>>
    %dma_start3A_833 = arith.constant 0 : i32
    %dma_start3A_834 = arith.constant 0 : i32
    %dma_start3A_835 = tpu.memref_slice %arg9[%dma_start3A_823, %add3A, %dma_start3A_824, %dma_start3A_833, %dma_start3A_834] : memref<6x32x4x128x128xf32, #tpu.memory_space<hbm>> -> memref<1x1x1x128x128xf32, #tpu.memory_space<hbm>>
    %dma_start3A_836 = tpu.memref_squeeze %dma_start3A_835 : memref<1x1x1x128x128xf32, #tpu.memory_space<hbm>> -> memref<128x128xf32, #tpu.memory_space<hbm>>
    %dma_start3A_837 = arith.constant 0 : i32
    %dma_start3A_838 = arith.constant 0 : i32
    %dma_start3A_839 = tpu.memref_slice %arg11[%dma_start3A_822, %dma_start3A_837, %dma_start3A_838] : memref<4x128x128xf32, #tpu.memory_space<vmem>> -> memref<1x128x128xf32, #tpu.memory_space<vmem>>
    %dma_start3A_840 = tpu.memref_squeeze %dma_start3A_839 : memref<1x128x128xf32, #tpu.memory_space<vmem>> -> memref<128x128xf32, #tpu.memory_space<vmem>>
    tpu.enqueue_dma source(%dma_start3A_840 : memref<128x128xf32, #tpu.memory_space<vmem>>) target(%dma_start3A_836 : memref<128x128xf32, #tpu.memory_space<hbm>>) target_semaphore(%arg15 : memref<!tpu.dma_semaphore, #tpu.memory_space<semaphore_mem>>)
    %dma_start3A_841 = arith.constant 15 : i32
    %dma_start3A_842 = arith.constant 3 : i32
    %dma_start3A_843 = arith.constant 0 : i32
    %dma_start3A_844 = arith.constant 0 : i32
    %dma_start3A_845 = tpu.memref_slice %arg11[%dma_start3A_842, %dma_start3A_843, %dma_start3A_844] : memref<4x128x128xf32, #tpu.memory_space<vmem>> -> memref<1x128x128xf32, #tpu.memory_space<vmem>>
    %dma_start3A_846 = tpu.memref_squeeze %dma_start3A_845 : memref<1x128x128xf32, #tpu.memory_space<vmem>> -> memref<128x128xf32, #tpu.memory_space<vmem>>
    %dma_start3A_847 = arith.constant 0 : i32
    %dma_start3A_848 = tpu.memref_slice %arg10[%dma_start3A_841, %dma_start3A_847] : memref<24x128xi32, #tpu.memory_space<vmem>> -> memref<1x128xi32, #tpu.memory_space<vmem>>
    %dma_start3A_849 = tpu.memref_squeeze %dma_start3A_848 : memref<1x128xi32, #tpu.memory_space<vmem>> -> memref<128xi32, #tpu.memory_space<vmem>>
    %dma_start3A_850 = arith.constant 0 : i32
    %dma_start3A_851 = arith.constant 0 : i32
    %dma_start3A_852 = tpu.memref_slice %arg6[%dma_start3A_850, %dma_start3A_851] : memref<25088x128xf32, #tpu.memory_space<hbm>> -> memref<25088x128xf32, #tpu.memory_space<hbm>>
    tpu.enqueue_indirect_dma source(%dma_start3A_852 : memref<25088x128xf32, #tpu.memory_space<hbm>>) target(%dma_start3A_846 : memref<128x128xf32, #tpu.memory_space<vmem>>) offsets(%dma_start3A_849 : memref<128xi32, #tpu.memory_space<vmem>>) semaphore(%arg13 : memref<!tpu.dma_semaphore, #tpu.memory_space<semaphore_mem>>)
    %dma_wait3A_853 = arith.constant 14 : i32
    %dma_wait3A_854 = arith.constant 2 : i32
    %dma_wait3A_855 = arith.constant 0 : i32
    %dma_wait3A_856 = arith.constant 0 : i32
    %dma_wait3A_857 = tpu.memref_slice %arg11[%dma_wait3A_854, %dma_wait3A_855, %dma_wait3A_856] : memref<4x128x128xf32, #tpu.memory_space<vmem>> -> memref<1x128x128xf32, #tpu.memory_space<vmem>>
    %dma_wait3A_858 = tpu.memref_squeeze %dma_wait3A_857 : memref<1x128x128xf32, #tpu.memory_space<vmem>> -> memref<128x128xf32, #tpu.memory_space<vmem>>
    %dma_wait3A_859 = arith.constant 0 : i32
    %dma_wait3A_860 = tpu.memref_slice %arg10[%dma_wait3A_853, %dma_wait3A_859] : memref<24x128xi32, #tpu.memory_space<vmem>> -> memref<1x128xi32, #tpu.memory_space<vmem>>
    %dma_wait3A_861 = tpu.memref_squeeze %dma_wait3A_860 : memref<1x128xi32, #tpu.memory_space<vmem>> -> memref<128xi32, #tpu.memory_space<vmem>>
    %dma_wait3A_862 = arith.constant 0 : i32
    %dma_wait3A_863 = arith.constant 0 : i32
    %dma_wait3A_864 = tpu.memref_slice %arg6[%dma_wait3A_862, %dma_wait3A_863] : memref<25088x128xf32, #tpu.memory_space<hbm>> -> memref<25088x128xf32, #tpu.memory_space<hbm>>
    tpu.wait_indirect_dma semaphore(%arg12 : memref<!tpu.dma_semaphore, #tpu.memory_space<semaphore_mem>>) src(%dma_wait3A_864 : memref<25088x128xf32, #tpu.memory_space<hbm>>) dst(%dma_wait3A_858 : memref<128x128xf32, #tpu.memory_space<vmem>>)
    %dma_wait3A_865 = arith.constant 0 : i32
    %dma_wait3A_866 = arith.constant 3 : i32
    %dma_wait3A_867 = arith.constant 0 : i32
    %dma_wait3A_868 = arith.constant 0 : i32
    %dma_wait3A_869 = arith.constant 0 : i32
    %dma_wait3A_870 = tpu.memref_slice %arg11[%dma_wait3A_865, %dma_wait3A_868, %dma_wait3A_869] : memref<4x128x128xf32, #tpu.memory_space<vmem>> -> memref<1x128x128xf32, #tpu.memory_space<vmem>>
    %dma_wait3A_871 = tpu.memref_squeeze %dma_wait3A_870 : memref<1x128x128xf32, #tpu.memory_space<vmem>> -> memref<128x128xf32, #tpu.memory_space<vmem>>
    %dma_wait3A_872 = arith.constant 0 : i32
    %dma_wait3A_873 = arith.constant 0 : i32
    %dma_wait3A_874 = tpu.memref_slice %arg9[%dma_wait3A_866, %add3A, %dma_wait3A_867, %dma_wait3A_872, %dma_wait3A_873] : memref<6x32x4x128x128xf32, #tpu.memory_space<hbm>> -> memref<1x1x1x128x128xf32, #tpu.memory_space<hbm>>
    %dma_wait3A_875 = tpu.memref_squeeze %dma_wait3A_874 : memref<1x1x1x128x128xf32, #tpu.memory_space<hbm>> -> memref<128x128xf32, #tpu.memory_space<hbm>>
    %dma_wait3A_876 = arith.constant 0 : i32
    %dma_wait3A_877 = arith.constant 0 : i32
    %dma_wait3A_878 = tpu.memref_slice %arg9[%dma_wait3A_866, %add3A, %dma_wait3A_867, %dma_wait3A_876, %dma_wait3A_877] : memref<6x32x4x128x128xf32, #tpu.memory_space<hbm>> -> memref<1x1x1x128x128xf32, #tpu.memory_space<hbm>>
    %dma_wait3A_879 = tpu.memref_squeeze %dma_wait3A_878 : memref<1x1x1x128x128xf32, #tpu.memory_space<hbm>> -> memref<128x128xf32, #tpu.memory_space<hbm>>
    %dma_wait3A_880 = arith.constant 0 : i32
    %dma_wait3A_881 = arith.constant 0 : i32
    %dma_wait3A_882 = tpu.memref_slice %arg11[%dma_wait3A_865, %dma_wait3A_880, %dma_wait3A_881] : memref<4x128x128xf32, #tpu.memory_space<vmem>> -> memref<1x128x128xf32, #tpu.memory_space<vmem>>
    %dma_wait3A_883 = tpu.memref_squeeze %dma_wait3A_882 : memref<1x128x128xf32, #tpu.memory_space<vmem>> -> memref<128x128xf32, #tpu.memory_space<vmem>>
    tpu.wait_dma2 semaphore(%arg14 : memref<!tpu.dma_semaphore, #tpu.memory_space<semaphore_mem>>) src(%dma_wait3A_883 : memref<128x128xf32, #tpu.memory_space<vmem>>) dst(%dma_wait3A_879 : memref<128x128xf32, #tpu.memory_space<hbm>>)
    %dma_start3A_884 = arith.constant 2 : i32
    %dma_start3A_885 = arith.constant 3 : i32
    %dma_start3A_886 = arith.constant 2 : i32
    %dma_start3A_887 = arith.constant 0 : i32
    %dma_start3A_888 = arith.constant 0 : i32
    %dma_start3A_889 = tpu.memref_slice %arg11[%dma_start3A_884, %dma_start3A_887, %dma_start3A_888] : memref<4x128x128xf32, #tpu.memory_space<vmem>> -> memref<1x128x128xf32, #tpu.memory_space<vmem>>
    %dma_start3A_890 = tpu.memref_squeeze %dma_start3A_889 : memref<1x128x128xf32, #tpu.memory_space<vmem>> -> memref<128x128xf32, #tpu.memory_space<vmem>>
    %dma_start3A_891 = arith.constant 0 : i32
    %dma_start3A_892 = arith.constant 0 : i32
    %dma_start3A_893 = tpu.memref_slice %arg9[%dma_start3A_885, %add3A, %dma_start3A_886, %dma_start3A_891, %dma_start3A_892] : memref<6x32x4x128x128xf32, #tpu.memory_space<hbm>> -> memref<1x1x1x128x128xf32, #tpu.memory_space<hbm>>
    %dma_start3A_894 = tpu.memref_squeeze %dma_start3A_893 : memref<1x1x1x128x128xf32, #tpu.memory_space<hbm>> -> memref<128x128xf32, #tpu.memory_space<hbm>>
    %dma_start3A_895 = arith.constant 0 : i32
    %dma_start3A_896 = arith.constant 0 : i32
    %dma_start3A_897 = tpu.memref_slice %arg9[%dma_start3A_885, %add3A, %dma_start3A_886, %dma_start3A_895, %dma_start3A_896] : memref<6x32x4x128x128xf32, #tpu.memory_space<hbm>> -> memref<1x1x1x128x128xf32, #tpu.memory_space<hbm>>
    %dma_start3A_898 = tpu.memref_squeeze %dma_start3A_897 : memref<1x1x1x128x128xf32, #tpu.memory_space<hbm>> -> memref<128x128xf32, #tpu.memory_space<hbm>>
    %dma_start3A_899 = arith.constant 0 : i32
    %dma_start3A_900 = arith.constant 0 : i32
    %dma_start3A_901 = tpu.memref_slice %arg11[%dma_start3A_884, %dma_start3A_899, %dma_start3A_900] : memref<4x128x128xf32, #tpu.memory_space<vmem>> -> memref<1x128x128xf32, #tpu.memory_space<vmem>>
    %dma_start3A_902 = tpu.memref_squeeze %dma_start3A_901 : memref<1x128x128xf32, #tpu.memory_space<vmem>> -> memref<128x128xf32, #tpu.memory_space<vmem>>
    tpu.enqueue_dma source(%dma_start3A_902 : memref<128x128xf32, #tpu.memory_space<vmem>>) target(%dma_start3A_898 : memref<128x128xf32, #tpu.memory_space<hbm>>) target_semaphore(%arg14 : memref<!tpu.dma_semaphore, #tpu.memory_space<semaphore_mem>>)
    %dma_start3A_903 = arith.constant 16 : i32
    %dma_start3A_904 = arith.constant 0 : i32
    %dma_start3A_905 = arith.constant 0 : i32
    %dma_start3A_906 = arith.constant 0 : i32
    %dma_start3A_907 = tpu.memref_slice %arg11[%dma_start3A_904, %dma_start3A_905, %dma_start3A_906] : memref<4x128x128xf32, #tpu.memory_space<vmem>> -> memref<1x128x128xf32, #tpu.memory_space<vmem>>
    %dma_start3A_908 = tpu.memref_squeeze %dma_start3A_907 : memref<1x128x128xf32, #tpu.memory_space<vmem>> -> memref<128x128xf32, #tpu.memory_space<vmem>>
    %dma_start3A_909 = arith.constant 0 : i32
    %dma_start3A_910 = tpu.memref_slice %arg10[%dma_start3A_903, %dma_start3A_909] : memref<24x128xi32, #tpu.memory_space<vmem>> -> memref<1x128xi32, #tpu.memory_space<vmem>>
    %dma_start3A_911 = tpu.memref_squeeze %dma_start3A_910 : memref<1x128xi32, #tpu.memory_space<vmem>> -> memref<128xi32, #tpu.memory_space<vmem>>
    %dma_start3A_912 = arith.constant 0 : i32
    %dma_start3A_913 = arith.constant 0 : i32
    %dma_start3A_914 = tpu.memref_slice %arg7[%dma_start3A_912, %dma_start3A_913] : memref<25088x128xf32, #tpu.memory_space<hbm>> -> memref<25088x128xf32, #tpu.memory_space<hbm>>
    tpu.enqueue_indirect_dma source(%dma_start3A_914 : memref<25088x128xf32, #tpu.memory_space<hbm>>) target(%dma_start3A_908 : memref<128x128xf32, #tpu.memory_space<vmem>>) offsets(%dma_start3A_911 : memref<128xi32, #tpu.memory_space<vmem>>) semaphore(%arg12 : memref<!tpu.dma_semaphore, #tpu.memory_space<semaphore_mem>>)
    %dma_wait3A_915 = arith.constant 15 : i32
    %dma_wait3A_916 = arith.constant 3 : i32
    %dma_wait3A_917 = arith.constant 0 : i32
    %dma_wait3A_918 = arith.constant 0 : i32
    %dma_wait3A_919 = tpu.memref_slice %arg11[%dma_wait3A_916, %dma_wait3A_917, %dma_wait3A_918] : memref<4x128x128xf32, #tpu.memory_space<vmem>> -> memref<1x128x128xf32, #tpu.memory_space<vmem>>
    %dma_wait3A_920 = tpu.memref_squeeze %dma_wait3A_919 : memref<1x128x128xf32, #tpu.memory_space<vmem>> -> memref<128x128xf32, #tpu.memory_space<vmem>>
    %dma_wait3A_921 = arith.constant 0 : i32
    %dma_wait3A_922 = tpu.memref_slice %arg10[%dma_wait3A_915, %dma_wait3A_921] : memref<24x128xi32, #tpu.memory_space<vmem>> -> memref<1x128xi32, #tpu.memory_space<vmem>>
    %dma_wait3A_923 = tpu.memref_squeeze %dma_wait3A_922 : memref<1x128xi32, #tpu.memory_space<vmem>> -> memref<128xi32, #tpu.memory_space<vmem>>
    %dma_wait3A_924 = arith.constant 0 : i32
    %dma_wait3A_925 = arith.constant 0 : i32
    %dma_wait3A_926 = tpu.memref_slice %arg6[%dma_wait3A_924, %dma_wait3A_925] : memref<25088x128xf32, #tpu.memory_space<hbm>> -> memref<25088x128xf32, #tpu.memory_space<hbm>>
    tpu.wait_indirect_dma semaphore(%arg13 : memref<!tpu.dma_semaphore, #tpu.memory_space<semaphore_mem>>) src(%dma_wait3A_926 : memref<25088x128xf32, #tpu.memory_space<hbm>>) dst(%dma_wait3A_920 : memref<128x128xf32, #tpu.memory_space<vmem>>)
    %dma_wait3A_927 = arith.constant 1 : i32
    %dma_wait3A_928 = arith.constant 3 : i32
    %dma_wait3A_929 = arith.constant 1 : i32
    %dma_wait3A_930 = arith.constant 0 : i32
    %dma_wait3A_931 = arith.constant 0 : i32
    %dma_wait3A_932 = tpu.memref_slice %arg11[%dma_wait3A_927, %dma_wait3A_930, %dma_wait3A_931] : memref<4x128x128xf32, #tpu.memory_space<vmem>> -> memref<1x128x128xf32, #tpu.memory_space<vmem>>
    %dma_wait3A_933 = tpu.memref_squeeze %dma_wait3A_932 : memref<1x128x128xf32, #tpu.memory_space<vmem>> -> memref<128x128xf32, #tpu.memory_space<vmem>>
    %dma_wait3A_934 = arith.constant 0 : i32
    %dma_wait3A_935 = arith.constant 0 : i32
    %dma_wait3A_936 = tpu.memref_slice %arg9[%dma_wait3A_928, %add3A, %dma_wait3A_929, %dma_wait3A_934, %dma_wait3A_935] : memref<6x32x4x128x128xf32, #tpu.memory_space<hbm>> -> memref<1x1x1x128x128xf32, #tpu.memory_space<hbm>>
    %dma_wait3A_937 = tpu.memref_squeeze %dma_wait3A_936 : memref<1x1x1x128x128xf32, #tpu.memory_space<hbm>> -> memref<128x128xf32, #tpu.memory_space<hbm>>
    %dma_wait3A_938 = arith.constant 0 : i32
    %dma_wait3A_939 = arith.constant 0 : i32
    %dma_wait3A_940 = tpu.memref_slice %arg9[%dma_wait3A_928, %add3A, %dma_wait3A_929, %dma_wait3A_938, %dma_wait3A_939] : memref<6x32x4x128x128xf32, #tpu.memory_space<hbm>> -> memref<1x1x1x128x128xf32, #tpu.memory_space<hbm>>
    %dma_wait3A_941 = tpu.memref_squeeze %dma_wait3A_940 : memref<1x1x1x128x128xf32, #tpu.memory_space<hbm>> -> memref<128x128xf32, #tpu.memory_space<hbm>>
    %dma_wait3A_942 = arith.constant 0 : i32
    %dma_wait3A_943 = arith.constant 0 : i32
    %dma_wait3A_944 = tpu.memref_slice %arg11[%dma_wait3A_927, %dma_wait3A_942, %dma_wait3A_943] : memref<4x128x128xf32, #tpu.memory_space<vmem>> -> memref<1x128x128xf32, #tpu.memory_space<vmem>>
    %dma_wait3A_945 = tpu.memref_squeeze %dma_wait3A_944 : memref<1x128x128xf32, #tpu.memory_space<vmem>> -> memref<128x128xf32, #tpu.memory_space<vmem>>
    tpu.wait_dma2 semaphore(%arg15 : memref<!tpu.dma_semaphore, #tpu.memory_space<semaphore_mem>>) src(%dma_wait3A_945 : memref<128x128xf32, #tpu.memory_space<vmem>>) dst(%dma_wait3A_941 : memref<128x128xf32, #tpu.memory_space<hbm>>)
    %dma_start3A_946 = arith.constant 3 : i32
    %dma_start3A_947 = arith.constant 3 : i32
    %dma_start3A_948 = arith.constant 3 : i32
    %dma_start3A_949 = arith.constant 0 : i32
    %dma_start3A_950 = arith.constant 0 : i32
    %dma_start3A_951 = tpu.memref_slice %arg11[%dma_start3A_946, %dma_start3A_949, %dma_start3A_950] : memref<4x128x128xf32, #tpu.memory_space<vmem>> -> memref<1x128x128xf32, #tpu.memory_space<vmem>>
    %dma_start3A_952 = tpu.memref_squeeze %dma_start3A_951 : memref<1x128x128xf32, #tpu.memory_space<vmem>> -> memref<128x128xf32, #tpu.memory_space<vmem>>
    %dma_start3A_953 = arith.constant 0 : i32
    %dma_start3A_954 = arith.constant 0 : i32
    %dma_start3A_955 = tpu.memref_slice %arg9[%dma_start3A_947, %add3A, %dma_start3A_948, %dma_start3A_953, %dma_start3A_954] : memref<6x32x4x128x128xf32, #tpu.memory_space<hbm>> -> memref<1x1x1x128x128xf32, #tpu.memory_space<hbm>>
    %dma_start3A_956 = tpu.memref_squeeze %dma_start3A_955 : memref<1x1x1x128x128xf32, #tpu.memory_space<hbm>> -> memref<128x128xf32, #tpu.memory_space<hbm>>
    %dma_start3A_957 = arith.constant 0 : i32
    %dma_start3A_958 = arith.constant 0 : i32
    %dma_start3A_959 = tpu.memref_slice %arg9[%dma_start3A_947, %add3A, %dma_start3A_948, %dma_start3A_957, %dma_start3A_958] : memref<6x32x4x128x128xf32, #tpu.memory_space<hbm>> -> memref<1x1x1x128x128xf32, #tpu.memory_space<hbm>>
    %dma_start3A_960 = tpu.memref_squeeze %dma_start3A_959 : memref<1x1x1x128x128xf32, #tpu.memory_space<hbm>> -> memref<128x128xf32, #tpu.memory_space<hbm>>
    %dma_start3A_961 = arith.constant 0 : i32
    %dma_start3A_962 = arith.constant 0 : i32
    %dma_start3A_963 = tpu.memref_slice %arg11[%dma_start3A_946, %dma_start3A_961, %dma_start3A_962] : memref<4x128x128xf32, #tpu.memory_space<vmem>> -> memref<1x128x128xf32, #tpu.memory_space<vmem>>
    %dma_start3A_964 = tpu.memref_squeeze %dma_start3A_963 : memref<1x128x128xf32, #tpu.memory_space<vmem>> -> memref<128x128xf32, #tpu.memory_space<vmem>>
    tpu.enqueue_dma source(%dma_start3A_964 : memref<128x128xf32, #tpu.memory_space<vmem>>) target(%dma_start3A_960 : memref<128x128xf32, #tpu.memory_space<hbm>>) target_semaphore(%arg15 : memref<!tpu.dma_semaphore, #tpu.memory_space<semaphore_mem>>)
    %dma_start3A_965 = arith.constant 17 : i32
    %dma_start3A_966 = arith.constant 1 : i32
    %dma_start3A_967 = arith.constant 0 : i32
    %dma_start3A_968 = arith.constant 0 : i32
    %dma_start3A_969 = tpu.memref_slice %arg11[%dma_start3A_966, %dma_start3A_967, %dma_start3A_968] : memref<4x128x128xf32, #tpu.memory_space<vmem>> -> memref<1x128x128xf32, #tpu.memory_space<vmem>>
    %dma_start3A_970 = tpu.memref_squeeze %dma_start3A_969 : memref<1x128x128xf32, #tpu.memory_space<vmem>> -> memref<128x128xf32, #tpu.memory_space<vmem>>
    %dma_start3A_971 = arith.constant 0 : i32
    %dma_start3A_972 = tpu.memref_slice %arg10[%dma_start3A_965, %dma_start3A_971] : memref<24x128xi32, #tpu.memory_space<vmem>> -> memref<1x128xi32, #tpu.memory_space<vmem>>
    %dma_start3A_973 = tpu.memref_squeeze %dma_start3A_972 : memref<1x128xi32, #tpu.memory_space<vmem>> -> memref<128xi32, #tpu.memory_space<vmem>>
    %dma_start3A_974 = arith.constant 0 : i32
    %dma_start3A_975 = arith.constant 0 : i32
    %dma_start3A_976 = tpu.memref_slice %arg7[%dma_start3A_974, %dma_start3A_975] : memref<25088x128xf32, #tpu.memory_space<hbm>> -> memref<25088x128xf32, #tpu.memory_space<hbm>>
    tpu.enqueue_indirect_dma source(%dma_start3A_976 : memref<25088x128xf32, #tpu.memory_space<hbm>>) target(%dma_start3A_970 : memref<128x128xf32, #tpu.memory_space<vmem>>) offsets(%dma_start3A_973 : memref<128xi32, #tpu.memory_space<vmem>>) semaphore(%arg13 : memref<!tpu.dma_semaphore, #tpu.memory_space<semaphore_mem>>)
    %dma_wait3A_977 = arith.constant 16 : i32
    %dma_wait3A_978 = arith.constant 0 : i32
    %dma_wait3A_979 = arith.constant 0 : i32
    %dma_wait3A_980 = arith.constant 0 : i32
    %dma_wait3A_981 = tpu.memref_slice %arg11[%dma_wait3A_978, %dma_wait3A_979, %dma_wait3A_980] : memref<4x128x128xf32, #tpu.memory_space<vmem>> -> memref<1x128x128xf32, #tpu.memory_space<vmem>>
    %dma_wait3A_982 = tpu.memref_squeeze %dma_wait3A_981 : memref<1x128x128xf32, #tpu.memory_space<vmem>> -> memref<128x128xf32, #tpu.memory_space<vmem>>
    %dma_wait3A_983 = arith.constant 0 : i32
    %dma_wait3A_984 = tpu.memref_slice %arg10[%dma_wait3A_977, %dma_wait3A_983] : memref<24x128xi32, #tpu.memory_space<vmem>> -> memref<1x128xi32, #tpu.memory_space<vmem>>
    %dma_wait3A_985 = tpu.memref_squeeze %dma_wait3A_984 : memref<1x128xi32, #tpu.memory_space<vmem>> -> memref<128xi32, #tpu.memory_space<vmem>>
    %dma_wait3A_986 = arith.constant 0 : i32
    %dma_wait3A_987 = arith.constant 0 : i32
    %dma_wait3A_988 = tpu.memref_slice %arg7[%dma_wait3A_986, %dma_wait3A_987] : memref<25088x128xf32, #tpu.memory_space<hbm>> -> memref<25088x128xf32, #tpu.memory_space<hbm>>
    tpu.wait_indirect_dma semaphore(%arg12 : memref<!tpu.dma_semaphore, #tpu.memory_space<semaphore_mem>>) src(%dma_wait3A_988 : memref<25088x128xf32, #tpu.memory_space<hbm>>) dst(%dma_wait3A_982 : memref<128x128xf32, #tpu.memory_space<vmem>>)
    %dma_wait3A_989 = arith.constant 2 : i32
    %dma_wait3A_990 = arith.constant 3 : i32
    %dma_wait3A_991 = arith.constant 2 : i32
    %dma_wait3A_992 = arith.constant 0 : i32
    %dma_wait3A_993 = arith.constant 0 : i32
    %dma_wait3A_994 = tpu.memref_slice %arg11[%dma_wait3A_989, %dma_wait3A_992, %dma_wait3A_993] : memref<4x128x128xf32, #tpu.memory_space<vmem>> -> memref<1x128x128xf32, #tpu.memory_space<vmem>>
    %dma_wait3A_995 = tpu.memref_squeeze %dma_wait3A_994 : memref<1x128x128xf32, #tpu.memory_space<vmem>> -> memref<128x128xf32, #tpu.memory_space<vmem>>
    %dma_wait3A_996 = arith.constant 0 : i32
    %dma_wait3A_997 = arith.constant 0 : i32
    %dma_wait3A_998 = tpu.memref_slice %arg9[%dma_wait3A_990, %add3A, %dma_wait3A_991, %dma_wait3A_996, %dma_wait3A_997] : memref<6x32x4x128x128xf32, #tpu.memory_space<hbm>> -> memref<1x1x1x128x128xf32, #tpu.memory_space<hbm>>
    %dma_wait3A_999 = tpu.memref_squeeze %dma_wait3A_998 : memref<1x1x1x128x128xf32, #tpu.memory_space<hbm>> -> memref<128x128xf32, #tpu.memory_space<hbm>>
    %dma_wait3A_1000 = arith.constant 0 : i32
    %dma_wait3A_1001 = arith.constant 0 : i32
    %dma_wait3A_1002 = tpu.memref_slice %arg9[%dma_wait3A_990, %add3A, %dma_wait3A_991, %dma_wait3A_1000, %dma_wait3A_1001] : memref<6x32x4x128x128xf32, #tpu.memory_space<hbm>> -> memref<1x1x1x128x128xf32, #tpu.memory_space<hbm>>
    %dma_wait3A_1003 = tpu.memref_squeeze %dma_wait3A_1002 : memref<1x1x1x128x128xf32, #tpu.memory_space<hbm>> -> memref<128x128xf32, #tpu.memory_space<hbm>>
    %dma_wait3A_1004 = arith.constant 0 : i32
    %dma_wait3A_1005 = arith.constant 0 : i32
    %dma_wait3A_1006 = tpu.memref_slice %arg11[%dma_wait3A_989, %dma_wait3A_1004, %dma_wait3A_1005] : memref<4x128x128xf32, #tpu.memory_space<vmem>> -> memref<1x128x128xf32, #tpu.memory_space<vmem>>
    %dma_wait3A_1007 = tpu.memref_squeeze %dma_wait3A_1006 : memref<1x128x128xf32, #tpu.memory_space<vmem>> -> memref<128x128xf32, #tpu.memory_space<vmem>>
    tpu.wait_dma2 semaphore(%arg14 : memref<!tpu.dma_semaphore, #tpu.memory_space<semaphore_mem>>) src(%dma_wait3A_1007 : memref<128x128xf32, #tpu.memory_space<vmem>>) dst(%dma_wait3A_1003 : memref<128x128xf32, #tpu.memory_space<hbm>>)
    %dma_start3A_1008 = arith.constant 0 : i32
    %dma_start3A_1009 = arith.constant 4 : i32
    %dma_start3A_1010 = arith.constant 0 : i32
    %dma_start3A_1011 = arith.constant 0 : i32
    %dma_start3A_1012 = arith.constant 0 : i32
    %dma_start3A_1013 = tpu.memref_slice %arg11[%dma_start3A_1008, %dma_start3A_1011, %dma_start3A_1012] : memref<4x128x128xf32, #tpu.memory_space<vmem>> -> memref<1x128x128xf32, #tpu.memory_space<vmem>>
    %dma_start3A_1014 = tpu.memref_squeeze %dma_start3A_1013 : memref<1x128x128xf32, #tpu.memory_space<vmem>> -> memref<128x128xf32, #tpu.memory_space<vmem>>
    %dma_start3A_1015 = arith.constant 0 : i32
    %dma_start3A_1016 = arith.constant 0 : i32
    %dma_start3A_1017 = tpu.memref_slice %arg9[%dma_start3A_1009, %add3A, %dma_start3A_1010, %dma_start3A_1015, %dma_start3A_1016] : memref<6x32x4x128x128xf32, #tpu.memory_space<hbm>> -> memref<1x1x1x128x128xf32, #tpu.memory_space<hbm>>
    %dma_start3A_1018 = tpu.memref_squeeze %dma_start3A_1017 : memref<1x1x1x128x128xf32, #tpu.memory_space<hbm>> -> memref<128x128xf32, #tpu.memory_space<hbm>>
    %dma_start3A_1019 = arith.constant 0 : i32
    %dma_start3A_1020 = arith.constant 0 : i32
    %dma_start3A_1021 = tpu.memref_slice %arg9[%dma_start3A_1009, %add3A, %dma_start3A_1010, %dma_start3A_1019, %dma_start3A_1020] : memref<6x32x4x128x128xf32, #tpu.memory_space<hbm>> -> memref<1x1x1x128x128xf32, #tpu.memory_space<hbm>>
    %dma_start3A_1022 = tpu.memref_squeeze %dma_start3A_1021 : memref<1x1x1x128x128xf32, #tpu.memory_space<hbm>> -> memref<128x128xf32, #tpu.memory_space<hbm>>
    %dma_start3A_1023 = arith.constant 0 : i32
    %dma_start3A_1024 = arith.constant 0 : i32
    %dma_start3A_1025 = tpu.memref_slice %arg11[%dma_start3A_1008, %dma_start3A_1023, %dma_start3A_1024] : memref<4x128x128xf32, #tpu.memory_space<vmem>> -> memref<1x128x128xf32, #tpu.memory_space<vmem>>
    %dma_start3A_1026 = tpu.memref_squeeze %dma_start3A_1025 : memref<1x128x128xf32, #tpu.memory_space<vmem>> -> memref<128x128xf32, #tpu.memory_space<vmem>>
    tpu.enqueue_dma source(%dma_start3A_1026 : memref<128x128xf32, #tpu.memory_space<vmem>>) target(%dma_start3A_1022 : memref<128x128xf32, #tpu.memory_space<hbm>>) target_semaphore(%arg14 : memref<!tpu.dma_semaphore, #tpu.memory_space<semaphore_mem>>)
    %dma_start3A_1027 = arith.constant 18 : i32
    %dma_start3A_1028 = arith.constant 2 : i32
    %dma_start3A_1029 = arith.constant 0 : i32
    %dma_start3A_1030 = arith.constant 0 : i32
    %dma_start3A_1031 = tpu.memref_slice %arg11[%dma_start3A_1028, %dma_start3A_1029, %dma_start3A_1030] : memref<4x128x128xf32, #tpu.memory_space<vmem>> -> memref<1x128x128xf32, #tpu.memory_space<vmem>>
    %dma_start3A_1032 = tpu.memref_squeeze %dma_start3A_1031 : memref<1x128x128xf32, #tpu.memory_space<vmem>> -> memref<128x128xf32, #tpu.memory_space<vmem>>
    %dma_start3A_1033 = arith.constant 0 : i32
    %dma_start3A_1034 = tpu.memref_slice %arg10[%dma_start3A_1027, %dma_start3A_1033] : memref<24x128xi32, #tpu.memory_space<vmem>> -> memref<1x128xi32, #tpu.memory_space<vmem>>
    %dma_start3A_1035 = tpu.memref_squeeze %dma_start3A_1034 : memref<1x128xi32, #tpu.memory_space<vmem>> -> memref<128xi32, #tpu.memory_space<vmem>>
    %dma_start3A_1036 = arith.constant 0 : i32
    %dma_start3A_1037 = arith.constant 0 : i32
    %dma_start3A_1038 = tpu.memref_slice %arg7[%dma_start3A_1036, %dma_start3A_1037] : memref<25088x128xf32, #tpu.memory_space<hbm>> -> memref<25088x128xf32, #tpu.memory_space<hbm>>
    tpu.enqueue_indirect_dma source(%dma_start3A_1038 : memref<25088x128xf32, #tpu.memory_space<hbm>>) target(%dma_start3A_1032 : memref<128x128xf32, #tpu.memory_space<vmem>>) offsets(%dma_start3A_1035 : memref<128xi32, #tpu.memory_space<vmem>>) semaphore(%arg12 : memref<!tpu.dma_semaphore, #tpu.memory_space<semaphore_mem>>)
    %dma_wait3A_1039 = arith.constant 17 : i32
    %dma_wait3A_1040 = arith.constant 1 : i32
    %dma_wait3A_1041 = arith.constant 0 : i32
    %dma_wait3A_1042 = arith.constant 0 : i32
    %dma_wait3A_1043 = tpu.memref_slice %arg11[%dma_wait3A_1040, %dma_wait3A_1041, %dma_wait3A_1042] : memref<4x128x128xf32, #tpu.memory_space<vmem>> -> memref<1x128x128xf32, #tpu.memory_space<vmem>>
    %dma_wait3A_1044 = tpu.memref_squeeze %dma_wait3A_1043 : memref<1x128x128xf32, #tpu.memory_space<vmem>> -> memref<128x128xf32, #tpu.memory_space<vmem>>
    %dma_wait3A_1045 = arith.constant 0 : i32
    %dma_wait3A_1046 = tpu.memref_slice %arg10[%dma_wait3A_1039, %dma_wait3A_1045] : memref<24x128xi32, #tpu.memory_space<vmem>> -> memref<1x128xi32, #tpu.memory_space<vmem>>
    %dma_wait3A_1047 = tpu.memref_squeeze %dma_wait3A_1046 : memref<1x128xi32, #tpu.memory_space<vmem>> -> memref<128xi32, #tpu.memory_space<vmem>>
    %dma_wait3A_1048 = arith.constant 0 : i32
    %dma_wait3A_1049 = arith.constant 0 : i32
    %dma_wait3A_1050 = tpu.memref_slice %arg7[%dma_wait3A_1048, %dma_wait3A_1049] : memref<25088x128xf32, #tpu.memory_space<hbm>> -> memref<25088x128xf32, #tpu.memory_space<hbm>>
    tpu.wait_indirect_dma semaphore(%arg13 : memref<!tpu.dma_semaphore, #tpu.memory_space<semaphore_mem>>) src(%dma_wait3A_1050 : memref<25088x128xf32, #tpu.memory_space<hbm>>) dst(%dma_wait3A_1044 : memref<128x128xf32, #tpu.memory_space<vmem>>)
    %dma_wait3A_1051 = arith.constant 3 : i32
    %dma_wait3A_1052 = arith.constant 3 : i32
    %dma_wait3A_1053 = arith.constant 3 : i32
    %dma_wait3A_1054 = arith.constant 0 : i32
    %dma_wait3A_1055 = arith.constant 0 : i32
    %dma_wait3A_1056 = tpu.memref_slice %arg11[%dma_wait3A_1051, %dma_wait3A_1054, %dma_wait3A_1055] : memref<4x128x128xf32, #tpu.memory_space<vmem>> -> memref<1x128x128xf32, #tpu.memory_space<vmem>>
    %dma_wait3A_1057 = tpu.memref_squeeze %dma_wait3A_1056 : memref<1x128x128xf32, #tpu.memory_space<vmem>> -> memref<128x128xf32, #tpu.memory_space<vmem>>
    %dma_wait3A_1058 = arith.constant 0 : i32
    %dma_wait3A_1059 = arith.constant 0 : i32
    %dma_wait3A_1060 = tpu.memref_slice %arg9[%dma_wait3A_1052, %add3A, %dma_wait3A_1053, %dma_wait3A_1058, %dma_wait3A_1059] : memref<6x32x4x128x128xf32, #tpu.memory_space<hbm>> -> memref<1x1x1x128x128xf32, #tpu.memory_space<hbm>>
    %dma_wait3A_1061 = tpu.memref_squeeze %dma_wait3A_1060 : memref<1x1x1x128x128xf32, #tpu.memory_space<hbm>> -> memref<128x128xf32, #tpu.memory_space<hbm>>
    %dma_wait3A_1062 = arith.constant 0 : i32
    %dma_wait3A_1063 = arith.constant 0 : i32
    %dma_wait3A_1064 = tpu.memref_slice %arg9[%dma_wait3A_1052, %add3A, %dma_wait3A_1053, %dma_wait3A_1062, %dma_wait3A_1063] : memref<6x32x4x128x128xf32, #tpu.memory_space<hbm>> -> memref<1x1x1x128x128xf32, #tpu.memory_space<hbm>>
    %dma_wait3A_1065 = tpu.memref_squeeze %dma_wait3A_1064 : memref<1x1x1x128x128xf32, #tpu.memory_space<hbm>> -> memref<128x128xf32, #tpu.memory_space<hbm>>
    %dma_wait3A_1066 = arith.constant 0 : i32
    %dma_wait3A_1067 = arith.constant 0 : i32
    %dma_wait3A_1068 = tpu.memref_slice %arg11[%dma_wait3A_1051, %dma_wait3A_1066, %dma_wait3A_1067] : memref<4x128x128xf32, #tpu.memory_space<vmem>> -> memref<1x128x128xf32, #tpu.memory_space<vmem>>
    %dma_wait3A_1069 = tpu.memref_squeeze %dma_wait3A_1068 : memref<1x128x128xf32, #tpu.memory_space<vmem>> -> memref<128x128xf32, #tpu.memory_space<vmem>>
    tpu.wait_dma2 semaphore(%arg15 : memref<!tpu.dma_semaphore, #tpu.memory_space<semaphore_mem>>) src(%dma_wait3A_1069 : memref<128x128xf32, #tpu.memory_space<vmem>>) dst(%dma_wait3A_1065 : memref<128x128xf32, #tpu.memory_space<hbm>>)
    %dma_start3A_1070 = arith.constant 1 : i32
    %dma_start3A_1071 = arith.constant 4 : i32
    %dma_start3A_1072 = arith.constant 1 : i32
    %dma_start3A_1073 = arith.constant 0 : i32
    %dma_start3A_1074 = arith.constant 0 : i32
    %dma_start3A_1075 = tpu.memref_slice %arg11[%dma_start3A_1070, %dma_start3A_1073, %dma_start3A_1074] : memref<4x128x128xf32, #tpu.memory_space<vmem>> -> memref<1x128x128xf32, #tpu.memory_space<vmem>>
    %dma_start3A_1076 = tpu.memref_squeeze %dma_start3A_1075 : memref<1x128x128xf32, #tpu.memory_space<vmem>> -> memref<128x128xf32, #tpu.memory_space<vmem>>
    %dma_start3A_1077 = arith.constant 0 : i32
    %dma_start3A_1078 = arith.constant 0 : i32
    %dma_start3A_1079 = tpu.memref_slice %arg9[%dma_start3A_1071, %add3A, %dma_start3A_1072, %dma_start3A_1077, %dma_start3A_1078] : memref<6x32x4x128x128xf32, #tpu.memory_space<hbm>> -> memref<1x1x1x128x128xf32, #tpu.memory_space<hbm>>
    %dma_start3A_1080 = tpu.memref_squeeze %dma_start3A_1079 : memref<1x1x1x128x128xf32, #tpu.memory_space<hbm>> -> memref<128x128xf32, #tpu.memory_space<hbm>>
    %dma_start3A_1081 = arith.constant 0 : i32
    %dma_start3A_1082 = arith.constant 0 : i32
    %dma_start3A_1083 = tpu.memref_slice %arg9[%dma_start3A_1071, %add3A, %dma_start3A_1072, %dma_start3A_1081, %dma_start3A_1082] : memref<6x32x4x128x128xf32, #tpu.memory_space<hbm>> -> memref<1x1x1x128x128xf32, #tpu.memory_space<hbm>>
    %dma_start3A_1084 = tpu.memref_squeeze %dma_start3A_1083 : memref<1x1x1x128x128xf32, #tpu.memory_space<hbm>> -> memref<128x128xf32, #tpu.memory_space<hbm>>
    %dma_start3A_1085 = arith.constant 0 : i32
    %dma_start3A_1086 = arith.constant 0 : i32
    %dma_start3A_1087 = tpu.memref_slice %arg11[%dma_start3A_1070, %dma_start3A_1085, %dma_start3A_1086] : memref<4x128x128xf32, #tpu.memory_space<vmem>> -> memref<1x128x128xf32, #tpu.memory_space<vmem>>
    %dma_start3A_1088 = tpu.memref_squeeze %dma_start3A_1087 : memref<1x128x128xf32, #tpu.memory_space<vmem>> -> memref<128x128xf32, #tpu.memory_space<vmem>>
    tpu.enqueue_dma source(%dma_start3A_1088 : memref<128x128xf32, #tpu.memory_space<vmem>>) target(%dma_start3A_1084 : memref<128x128xf32, #tpu.memory_space<hbm>>) target_semaphore(%arg15 : memref<!tpu.dma_semaphore, #tpu.memory_space<semaphore_mem>>)
    %dma_start3A_1089 = arith.constant 19 : i32
    %dma_start3A_1090 = arith.constant 3 : i32
    %dma_start3A_1091 = arith.constant 0 : i32
    %dma_start3A_1092 = arith.constant 0 : i32
    %dma_start3A_1093 = tpu.memref_slice %arg11[%dma_start3A_1090, %dma_start3A_1091, %dma_start3A_1092] : memref<4x128x128xf32, #tpu.memory_space<vmem>> -> memref<1x128x128xf32, #tpu.memory_space<vmem>>
    %dma_start3A_1094 = tpu.memref_squeeze %dma_start3A_1093 : memref<1x128x128xf32, #tpu.memory_space<vmem>> -> memref<128x128xf32, #tpu.memory_space<vmem>>
    %dma_start3A_1095 = arith.constant 0 : i32
    %dma_start3A_1096 = tpu.memref_slice %arg10[%dma_start3A_1089, %dma_start3A_1095] : memref<24x128xi32, #tpu.memory_space<vmem>> -> memref<1x128xi32, #tpu.memory_space<vmem>>
    %dma_start3A_1097 = tpu.memref_squeeze %dma_start3A_1096 : memref<1x128xi32, #tpu.memory_space<vmem>> -> memref<128xi32, #tpu.memory_space<vmem>>
    %dma_start3A_1098 = arith.constant 0 : i32
    %dma_start3A_1099 = arith.constant 0 : i32
    %dma_start3A_1100 = tpu.memref_slice %arg7[%dma_start3A_1098, %dma_start3A_1099] : memref<25088x128xf32, #tpu.memory_space<hbm>> -> memref<25088x128xf32, #tpu.memory_space<hbm>>
    tpu.enqueue_indirect_dma source(%dma_start3A_1100 : memref<25088x128xf32, #tpu.memory_space<hbm>>) target(%dma_start3A_1094 : memref<128x128xf32, #tpu.memory_space<vmem>>) offsets(%dma_start3A_1097 : memref<128xi32, #tpu.memory_space<vmem>>) semaphore(%arg13 : memref<!tpu.dma_semaphore, #tpu.memory_space<semaphore_mem>>)
    %dma_wait3A_1101 = arith.constant 18 : i32
    %dma_wait3A_1102 = arith.constant 2 : i32
    %dma_wait3A_1103 = arith.constant 0 : i32
    %dma_wait3A_1104 = arith.constant 0 : i32
    %dma_wait3A_1105 = tpu.memref_slice %arg11[%dma_wait3A_1102, %dma_wait3A_1103, %dma_wait3A_1104] : memref<4x128x128xf32, #tpu.memory_space<vmem>> -> memref<1x128x128xf32, #tpu.memory_space<vmem>>
    %dma_wait3A_1106 = tpu.memref_squeeze %dma_wait3A_1105 : memref<1x128x128xf32, #tpu.memory_space<vmem>> -> memref<128x128xf32, #tpu.memory_space<vmem>>
    %dma_wait3A_1107 = arith.constant 0 : i32
    %dma_wait3A_1108 = tpu.memref_slice %arg10[%dma_wait3A_1101, %dma_wait3A_1107] : memref<24x128xi32, #tpu.memory_space<vmem>> -> memref<1x128xi32, #tpu.memory_space<vmem>>
    %dma_wait3A_1109 = tpu.memref_squeeze %dma_wait3A_1108 : memref<1x128xi32, #tpu.memory_space<vmem>> -> memref<128xi32, #tpu.memory_space<vmem>>
    %dma_wait3A_1110 = arith.constant 0 : i32
    %dma_wait3A_1111 = arith.constant 0 : i32
    %dma_wait3A_1112 = tpu.memref_slice %arg7[%dma_wait3A_1110, %dma_wait3A_1111] : memref<25088x128xf32, #tpu.memory_space<hbm>> -> memref<25088x128xf32, #tpu.memory_space<hbm>>
    tpu.wait_indirect_dma semaphore(%arg12 : memref<!tpu.dma_semaphore, #tpu.memory_space<semaphore_mem>>) src(%dma_wait3A_1112 : memref<25088x128xf32, #tpu.memory_space<hbm>>) dst(%dma_wait3A_1106 : memref<128x128xf32, #tpu.memory_space<vmem>>)
    %dma_wait3A_1113 = arith.constant 0 : i32
    %dma_wait3A_1114 = arith.constant 4 : i32
    %dma_wait3A_1115 = arith.constant 0 : i32
    %dma_wait3A_1116 = arith.constant 0 : i32
    %dma_wait3A_1117 = arith.constant 0 : i32
    %dma_wait3A_1118 = tpu.memref_slice %arg11[%dma_wait3A_1113, %dma_wait3A_1116, %dma_wait3A_1117] : memref<4x128x128xf32, #tpu.memory_space<vmem>> -> memref<1x128x128xf32, #tpu.memory_space<vmem>>
    %dma_wait3A_1119 = tpu.memref_squeeze %dma_wait3A_1118 : memref<1x128x128xf32, #tpu.memory_space<vmem>> -> memref<128x128xf32, #tpu.memory_space<vmem>>
    %dma_wait3A_1120 = arith.constant 0 : i32
    %dma_wait3A_1121 = arith.constant 0 : i32
    %dma_wait3A_1122 = tpu.memref_slice %arg9[%dma_wait3A_1114, %add3A, %dma_wait3A_1115, %dma_wait3A_1120, %dma_wait3A_1121] : memref<6x32x4x128x128xf32, #tpu.memory_space<hbm>> -> memref<1x1x1x128x128xf32, #tpu.memory_space<hbm>>
    %dma_wait3A_1123 = tpu.memref_squeeze %dma_wait3A_1122 : memref<1x1x1x128x128xf32, #tpu.memory_space<hbm>> -> memref<128x128xf32, #tpu.memory_space<hbm>>
    %dma_wait3A_1124 = arith.constant 0 : i32
    %dma_wait3A_1125 = arith.constant 0 : i32
    %dma_wait3A_1126 = tpu.memref_slice %arg9[%dma_wait3A_1114, %add3A, %dma_wait3A_1115, %dma_wait3A_1124, %dma_wait3A_1125] : memref<6x32x4x128x128xf32, #tpu.memory_space<hbm>> -> memref<1x1x1x128x128xf32, #tpu.memory_space<hbm>>
    %dma_wait3A_1127 = tpu.memref_squeeze %dma_wait3A_1126 : memref<1x1x1x128x128xf32, #tpu.memory_space<hbm>> -> memref<128x128xf32, #tpu.memory_space<hbm>>
    %dma_wait3A_1128 = arith.constant 0 : i32
    %dma_wait3A_1129 = arith.constant 0 : i32
    %dma_wait3A_1130 = tpu.memref_slice %arg11[%dma_wait3A_1113, %dma_wait3A_1128, %dma_wait3A_1129] : memref<4x128x128xf32, #tpu.memory_space<vmem>> -> memref<1x128x128xf32, #tpu.memory_space<vmem>>
    %dma_wait3A_1131 = tpu.memref_squeeze %dma_wait3A_1130 : memref<1x128x128xf32, #tpu.memory_space<vmem>> -> memref<128x128xf32, #tpu.memory_space<vmem>>
    tpu.wait_dma2 semaphore(%arg14 : memref<!tpu.dma_semaphore, #tpu.memory_space<semaphore_mem>>) src(%dma_wait3A_1131 : memref<128x128xf32, #tpu.memory_space<vmem>>) dst(%dma_wait3A_1127 : memref<128x128xf32, #tpu.memory_space<hbm>>)
    %dma_start3A_1132 = arith.constant 2 : i32
    %dma_start3A_1133 = arith.constant 4 : i32
    %dma_start3A_1134 = arith.constant 2 : i32
    %dma_start3A_1135 = arith.constant 0 : i32
    %dma_start3A_1136 = arith.constant 0 : i32
    %dma_start3A_1137 = tpu.memref_slice %arg11[%dma_start3A_1132, %dma_start3A_1135, %dma_start3A_1136] : memref<4x128x128xf32, #tpu.memory_space<vmem>> -> memref<1x128x128xf32, #tpu.memory_space<vmem>>
    %dma_start3A_1138 = tpu.memref_squeeze %dma_start3A_1137 : memref<1x128x128xf32, #tpu.memory_space<vmem>> -> memref<128x128xf32, #tpu.memory_space<vmem>>
    %dma_start3A_1139 = arith.constant 0 : i32
    %dma_start3A_1140 = arith.constant 0 : i32
    %dma_start3A_1141 = tpu.memref_slice %arg9[%dma_start3A_1133, %add3A, %dma_start3A_1134, %dma_start3A_1139, %dma_start3A_1140] : memref<6x32x4x128x128xf32, #tpu.memory_space<hbm>> -> memref<1x1x1x128x128xf32, #tpu.memory_space<hbm>>
    %dma_start3A_1142 = tpu.memref_squeeze %dma_start3A_1141 : memref<1x1x1x128x128xf32, #tpu.memory_space<hbm>> -> memref<128x128xf32, #tpu.memory_space<hbm>>
    %dma_start3A_1143 = arith.constant 0 : i32
    %dma_start3A_1144 = arith.constant 0 : i32
    %dma_start3A_1145 = tpu.memref_slice %arg9[%dma_start3A_1133, %add3A, %dma_start3A_1134, %dma_start3A_1143, %dma_start3A_1144] : memref<6x32x4x128x128xf32, #tpu.memory_space<hbm>> -> memref<1x1x1x128x128xf32, #tpu.memory_space<hbm>>
    %dma_start3A_1146 = tpu.memref_squeeze %dma_start3A_1145 : memref<1x1x1x128x128xf32, #tpu.memory_space<hbm>> -> memref<128x128xf32, #tpu.memory_space<hbm>>
    %dma_start3A_1147 = arith.constant 0 : i32
    %dma_start3A_1148 = arith.constant 0 : i32
    %dma_start3A_1149 = tpu.memref_slice %arg11[%dma_start3A_1132, %dma_start3A_1147, %dma_start3A_1148] : memref<4x128x128xf32, #tpu.memory_space<vmem>> -> memref<1x128x128xf32, #tpu.memory_space<vmem>>
    %dma_start3A_1150 = tpu.memref_squeeze %dma_start3A_1149 : memref<1x128x128xf32, #tpu.memory_space<vmem>> -> memref<128x128xf32, #tpu.memory_space<vmem>>
    tpu.enqueue_dma source(%dma_start3A_1150 : memref<128x128xf32, #tpu.memory_space<vmem>>) target(%dma_start3A_1146 : memref<128x128xf32, #tpu.memory_space<hbm>>) target_semaphore(%arg14 : memref<!tpu.dma_semaphore, #tpu.memory_space<semaphore_mem>>)
    %dma_start3A_1151 = arith.constant 20 : i32
    %dma_start3A_1152 = arith.constant 0 : i32
    %dma_start3A_1153 = arith.constant 0 : i32
    %dma_start3A_1154 = arith.constant 0 : i32
    %dma_start3A_1155 = tpu.memref_slice %arg11[%dma_start3A_1152, %dma_start3A_1153, %dma_start3A_1154] : memref<4x128x128xf32, #tpu.memory_space<vmem>> -> memref<1x128x128xf32, #tpu.memory_space<vmem>>
    %dma_start3A_1156 = tpu.memref_squeeze %dma_start3A_1155 : memref<1x128x128xf32, #tpu.memory_space<vmem>> -> memref<128x128xf32, #tpu.memory_space<vmem>>
    %dma_start3A_1157 = arith.constant 0 : i32
    %dma_start3A_1158 = tpu.memref_slice %arg10[%dma_start3A_1151, %dma_start3A_1157] : memref<24x128xi32, #tpu.memory_space<vmem>> -> memref<1x128xi32, #tpu.memory_space<vmem>>
    %dma_start3A_1159 = tpu.memref_squeeze %dma_start3A_1158 : memref<1x128xi32, #tpu.memory_space<vmem>> -> memref<128xi32, #tpu.memory_space<vmem>>
    %dma_start3A_1160 = arith.constant 0 : i32
    %dma_start3A_1161 = arith.constant 0 : i32
    %dma_start3A_1162 = tpu.memref_slice %arg8[%dma_start3A_1160, %dma_start3A_1161] : memref<25088x128xf32, #tpu.memory_space<hbm>> -> memref<25088x128xf32, #tpu.memory_space<hbm>>
    tpu.enqueue_indirect_dma source(%dma_start3A_1162 : memref<25088x128xf32, #tpu.memory_space<hbm>>) target(%dma_start3A_1156 : memref<128x128xf32, #tpu.memory_space<vmem>>) offsets(%dma_start3A_1159 : memref<128xi32, #tpu.memory_space<vmem>>) semaphore(%arg12 : memref<!tpu.dma_semaphore, #tpu.memory_space<semaphore_mem>>)
    %dma_wait3A_1163 = arith.constant 19 : i32
    %dma_wait3A_1164 = arith.constant 3 : i32
    %dma_wait3A_1165 = arith.constant 0 : i32
    %dma_wait3A_1166 = arith.constant 0 : i32
    %dma_wait3A_1167 = tpu.memref_slice %arg11[%dma_wait3A_1164, %dma_wait3A_1165, %dma_wait3A_1166] : memref<4x128x128xf32, #tpu.memory_space<vmem>> -> memref<1x128x128xf32, #tpu.memory_space<vmem>>
    %dma_wait3A_1168 = tpu.memref_squeeze %dma_wait3A_1167 : memref<1x128x128xf32, #tpu.memory_space<vmem>> -> memref<128x128xf32, #tpu.memory_space<vmem>>
    %dma_wait3A_1169 = arith.constant 0 : i32
    %dma_wait3A_1170 = tpu.memref_slice %arg10[%dma_wait3A_1163, %dma_wait3A_1169] : memref<24x128xi32, #tpu.memory_space<vmem>> -> memref<1x128xi32, #tpu.memory_space<vmem>>
    %dma_wait3A_1171 = tpu.memref_squeeze %dma_wait3A_1170 : memref<1x128xi32, #tpu.memory_space<vmem>> -> memref<128xi32, #tpu.memory_space<vmem>>
    %dma_wait3A_1172 = arith.constant 0 : i32
    %dma_wait3A_1173 = arith.constant 0 : i32
    %dma_wait3A_1174 = tpu.memref_slice %arg7[%dma_wait3A_1172, %dma_wait3A_1173] : memref<25088x128xf32, #tpu.memory_space<hbm>> -> memref<25088x128xf32, #tpu.memory_space<hbm>>
    tpu.wait_indirect_dma semaphore(%arg13 : memref<!tpu.dma_semaphore, #tpu.memory_space<semaphore_mem>>) src(%dma_wait3A_1174 : memref<25088x128xf32, #tpu.memory_space<hbm>>) dst(%dma_wait3A_1168 : memref<128x128xf32, #tpu.memory_space<vmem>>)
    %dma_wait3A_1175 = arith.constant 1 : i32
    %dma_wait3A_1176 = arith.constant 4 : i32
    %dma_wait3A_1177 = arith.constant 1 : i32
    %dma_wait3A_1178 = arith.constant 0 : i32
    %dma_wait3A_1179 = arith.constant 0 : i32
    %dma_wait3A_1180 = tpu.memref_slice %arg11[%dma_wait3A_1175, %dma_wait3A_1178, %dma_wait3A_1179] : memref<4x128x128xf32, #tpu.memory_space<vmem>> -> memref<1x128x128xf32, #tpu.memory_space<vmem>>
    %dma_wait3A_1181 = tpu.memref_squeeze %dma_wait3A_1180 : memref<1x128x128xf32, #tpu.memory_space<vmem>> -> memref<128x128xf32, #tpu.memory_space<vmem>>
    %dma_wait3A_1182 = arith.constant 0 : i32
    %dma_wait3A_1183 = arith.constant 0 : i32
    %dma_wait3A_1184 = tpu.memref_slice %arg9[%dma_wait3A_1176, %add3A, %dma_wait3A_1177, %dma_wait3A_1182, %dma_wait3A_1183] : memref<6x32x4x128x128xf32, #tpu.memory_space<hbm>> -> memref<1x1x1x128x128xf32, #tpu.memory_space<hbm>>
    %dma_wait3A_1185 = tpu.memref_squeeze %dma_wait3A_1184 : memref<1x1x1x128x128xf32, #tpu.memory_space<hbm>> -> memref<128x128xf32, #tpu.memory_space<hbm>>
    %dma_wait3A_1186 = arith.constant 0 : i32
    %dma_wait3A_1187 = arith.constant 0 : i32
    %dma_wait3A_1188 = tpu.memref_slice %arg9[%dma_wait3A_1176, %add3A, %dma_wait3A_1177, %dma_wait3A_1186, %dma_wait3A_1187] : memref<6x32x4x128x128xf32, #tpu.memory_space<hbm>> -> memref<1x1x1x128x128xf32, #tpu.memory_space<hbm>>
    %dma_wait3A_1189 = tpu.memref_squeeze %dma_wait3A_1188 : memref<1x1x1x128x128xf32, #tpu.memory_space<hbm>> -> memref<128x128xf32, #tpu.memory_space<hbm>>
    %dma_wait3A_1190 = arith.constant 0 : i32
    %dma_wait3A_1191 = arith.constant 0 : i32
    %dma_wait3A_1192 = tpu.memref_slice %arg11[%dma_wait3A_1175, %dma_wait3A_1190, %dma_wait3A_1191] : memref<4x128x128xf32, #tpu.memory_space<vmem>> -> memref<1x128x128xf32, #tpu.memory_space<vmem>>
    %dma_wait3A_1193 = tpu.memref_squeeze %dma_wait3A_1192 : memref<1x128x128xf32, #tpu.memory_space<vmem>> -> memref<128x128xf32, #tpu.memory_space<vmem>>
    tpu.wait_dma2 semaphore(%arg15 : memref<!tpu.dma_semaphore, #tpu.memory_space<semaphore_mem>>) src(%dma_wait3A_1193 : memref<128x128xf32, #tpu.memory_space<vmem>>) dst(%dma_wait3A_1189 : memref<128x128xf32, #tpu.memory_space<hbm>>)
    %dma_start3A_1194 = arith.constant 3 : i32
    %dma_start3A_1195 = arith.constant 4 : i32
    %dma_start3A_1196 = arith.constant 3 : i32
    %dma_start3A_1197 = arith.constant 0 : i32
    %dma_start3A_1198 = arith.constant 0 : i32
    %dma_start3A_1199 = tpu.memref_slice %arg11[%dma_start3A_1194, %dma_start3A_1197, %dma_start3A_1198] : memref<4x128x128xf32, #tpu.memory_space<vmem>> -> memref<1x128x128xf32, #tpu.memory_space<vmem>>
    %dma_start3A_1200 = tpu.memref_squeeze %dma_start3A_1199 : memref<1x128x128xf32, #tpu.memory_space<vmem>> -> memref<128x128xf32, #tpu.memory_space<vmem>>
    %dma_start3A_1201 = arith.constant 0 : i32
    %dma_start3A_1202 = arith.constant 0 : i32
    %dma_start3A_1203 = tpu.memref_slice %arg9[%dma_start3A_1195, %add3A, %dma_start3A_1196, %dma_start3A_1201, %dma_start3A_1202] : memref<6x32x4x128x128xf32, #tpu.memory_space<hbm>> -> memref<1x1x1x128x128xf32, #tpu.memory_space<hbm>>
    %dma_start3A_1204 = tpu.memref_squeeze %dma_start3A_1203 : memref<1x1x1x128x128xf32, #tpu.memory_space<hbm>> -> memref<128x128xf32, #tpu.memory_space<hbm>>
    %dma_start3A_1205 = arith.constant 0 : i32
    %dma_start3A_1206 = arith.constant 0 : i32
    %dma_start3A_1207 = tpu.memref_slice %arg9[%dma_start3A_1195, %add3A, %dma_start3A_1196, %dma_start3A_1205, %dma_start3A_1206] : memref<6x32x4x128x128xf32, #tpu.memory_space<hbm>> -> memref<1x1x1x128x128xf32, #tpu.memory_space<hbm>>
    %dma_start3A_1208 = tpu.memref_squeeze %dma_start3A_1207 : memref<1x1x1x128x128xf32, #tpu.memory_space<hbm>> -> memref<128x128xf32, #tpu.memory_space<hbm>>
    %dma_start3A_1209 = arith.constant 0 : i32
    %dma_start3A_1210 = arith.constant 0 : i32
    %dma_start3A_1211 = tpu.memref_slice %arg11[%dma_start3A_1194, %dma_start3A_1209, %dma_start3A_1210] : memref<4x128x128xf32, #tpu.memory_space<vmem>> -> memref<1x128x128xf32, #tpu.memory_space<vmem>>
    %dma_start3A_1212 = tpu.memref_squeeze %dma_start3A_1211 : memref<1x128x128xf32, #tpu.memory_space<vmem>> -> memref<128x128xf32, #tpu.memory_space<vmem>>
    tpu.enqueue_dma source(%dma_start3A_1212 : memref<128x128xf32, #tpu.memory_space<vmem>>) target(%dma_start3A_1208 : memref<128x128xf32, #tpu.memory_space<hbm>>) target_semaphore(%arg15 : memref<!tpu.dma_semaphore, #tpu.memory_space<semaphore_mem>>)
    %dma_start3A_1213 = arith.constant 21 : i32
    %dma_start3A_1214 = arith.constant 1 : i32
    %dma_start3A_1215 = arith.constant 0 : i32
    %dma_start3A_1216 = arith.constant 0 : i32
    %dma_start3A_1217 = tpu.memref_slice %arg11[%dma_start3A_1214, %dma_start3A_1215, %dma_start3A_1216] : memref<4x128x128xf32, #tpu.memory_space<vmem>> -> memref<1x128x128xf32, #tpu.memory_space<vmem>>
    %dma_start3A_1218 = tpu.memref_squeeze %dma_start3A_1217 : memref<1x128x128xf32, #tpu.memory_space<vmem>> -> memref<128x128xf32, #tpu.memory_space<vmem>>
    %dma_start3A_1219 = arith.constant 0 : i32
    %dma_start3A_1220 = tpu.memref_slice %arg10[%dma_start3A_1213, %dma_start3A_1219] : memref<24x128xi32, #tpu.memory_space<vmem>> -> memref<1x128xi32, #tpu.memory_space<vmem>>
    %dma_start3A_1221 = tpu.memref_squeeze %dma_start3A_1220 : memref<1x128xi32, #tpu.memory_space<vmem>> -> memref<128xi32, #tpu.memory_space<vmem>>
    %dma_start3A_1222 = arith.constant 0 : i32
    %dma_start3A_1223 = arith.constant 0 : i32
    %dma_start3A_1224 = tpu.memref_slice %arg8[%dma_start3A_1222, %dma_start3A_1223] : memref<25088x128xf32, #tpu.memory_space<hbm>> -> memref<25088x128xf32, #tpu.memory_space<hbm>>
    tpu.enqueue_indirect_dma source(%dma_start3A_1224 : memref<25088x128xf32, #tpu.memory_space<hbm>>) target(%dma_start3A_1218 : memref<128x128xf32, #tpu.memory_space<vmem>>) offsets(%dma_start3A_1221 : memref<128xi32, #tpu.memory_space<vmem>>) semaphore(%arg13 : memref<!tpu.dma_semaphore, #tpu.memory_space<semaphore_mem>>)
    %dma_wait3A_1225 = arith.constant 20 : i32
    %dma_wait3A_1226 = arith.constant 0 : i32
    %dma_wait3A_1227 = arith.constant 0 : i32
    %dma_wait3A_1228 = arith.constant 0 : i32
    %dma_wait3A_1229 = tpu.memref_slice %arg11[%dma_wait3A_1226, %dma_wait3A_1227, %dma_wait3A_1228] : memref<4x128x128xf32, #tpu.memory_space<vmem>> -> memref<1x128x128xf32, #tpu.memory_space<vmem>>
    %dma_wait3A_1230 = tpu.memref_squeeze %dma_wait3A_1229 : memref<1x128x128xf32, #tpu.memory_space<vmem>> -> memref<128x128xf32, #tpu.memory_space<vmem>>
    %dma_wait3A_1231 = arith.constant 0 : i32
    %dma_wait3A_1232 = tpu.memref_slice %arg10[%dma_wait3A_1225, %dma_wait3A_1231] : memref<24x128xi32, #tpu.memory_space<vmem>> -> memref<1x128xi32, #tpu.memory_space<vmem>>
    %dma_wait3A_1233 = tpu.memref_squeeze %dma_wait3A_1232 : memref<1x128xi32, #tpu.memory_space<vmem>> -> memref<128xi32, #tpu.memory_space<vmem>>
    %dma_wait3A_1234 = arith.constant 0 : i32
    %dma_wait3A_1235 = arith.constant 0 : i32
    %dma_wait3A_1236 = tpu.memref_slice %arg8[%dma_wait3A_1234, %dma_wait3A_1235] : memref<25088x128xf32, #tpu.memory_space<hbm>> -> memref<25088x128xf32, #tpu.memory_space<hbm>>
    tpu.wait_indirect_dma semaphore(%arg12 : memref<!tpu.dma_semaphore, #tpu.memory_space<semaphore_mem>>) src(%dma_wait3A_1236 : memref<25088x128xf32, #tpu.memory_space<hbm>>) dst(%dma_wait3A_1230 : memref<128x128xf32, #tpu.memory_space<vmem>>)
    %dma_wait3A_1237 = arith.constant 2 : i32
    %dma_wait3A_1238 = arith.constant 4 : i32
    %dma_wait3A_1239 = arith.constant 2 : i32
    %dma_wait3A_1240 = arith.constant 0 : i32
    %dma_wait3A_1241 = arith.constant 0 : i32
    %dma_wait3A_1242 = tpu.memref_slice %arg11[%dma_wait3A_1237, %dma_wait3A_1240, %dma_wait3A_1241] : memref<4x128x128xf32, #tpu.memory_space<vmem>> -> memref<1x128x128xf32, #tpu.memory_space<vmem>>
    %dma_wait3A_1243 = tpu.memref_squeeze %dma_wait3A_1242 : memref<1x128x128xf32, #tpu.memory_space<vmem>> -> memref<128x128xf32, #tpu.memory_space<vmem>>
    %dma_wait3A_1244 = arith.constant 0 : i32
    %dma_wait3A_1245 = arith.constant 0 : i32
    %dma_wait3A_1246 = tpu.memref_slice %arg9[%dma_wait3A_1238, %add3A, %dma_wait3A_1239, %dma_wait3A_1244, %dma_wait3A_1245] : memref<6x32x4x128x128xf32, #tpu.memory_space<hbm>> -> memref<1x1x1x128x128xf32, #tpu.memory_space<hbm>>
    %dma_wait3A_1247 = tpu.memref_squeeze %dma_wait3A_1246 : memref<1x1x1x128x128xf32, #tpu.memory_space<hbm>> -> memref<128x128xf32, #tpu.memory_space<hbm>>
    %dma_wait3A_1248 = arith.constant 0 : i32
    %dma_wait3A_1249 = arith.constant 0 : i32
    %dma_wait3A_1250 = tpu.memref_slice %arg9[%dma_wait3A_1238, %add3A, %dma_wait3A_1239, %dma_wait3A_1248, %dma_wait3A_1249] : memref<6x32x4x128x128xf32, #tpu.memory_space<hbm>> -> memref<1x1x1x128x128xf32, #tpu.memory_space<hbm>>
    %dma_wait3A_1251 = tpu.memref_squeeze %dma_wait3A_1250 : memref<1x1x1x128x128xf32, #tpu.memory_space<hbm>> -> memref<128x128xf32, #tpu.memory_space<hbm>>
    %dma_wait3A_1252 = arith.constant 0 : i32
    %dma_wait3A_1253 = arith.constant 0 : i32
    %dma_wait3A_1254 = tpu.memref_slice %arg11[%dma_wait3A_1237, %dma_wait3A_1252, %dma_wait3A_1253] : memref<4x128x128xf32, #tpu.memory_space<vmem>> -> memref<1x128x128xf32, #tpu.memory_space<vmem>>
    %dma_wait3A_1255 = tpu.memref_squeeze %dma_wait3A_1254 : memref<1x128x128xf32, #tpu.memory_space<vmem>> -> memref<128x128xf32, #tpu.memory_space<vmem>>
    tpu.wait_dma2 semaphore(%arg14 : memref<!tpu.dma_semaphore, #tpu.memory_space<semaphore_mem>>) src(%dma_wait3A_1255 : memref<128x128xf32, #tpu.memory_space<vmem>>) dst(%dma_wait3A_1251 : memref<128x128xf32, #tpu.memory_space<hbm>>)
    %dma_start3A_1256 = arith.constant 0 : i32
    %dma_start3A_1257 = arith.constant 5 : i32
    %dma_start3A_1258 = arith.constant 0 : i32
    %dma_start3A_1259 = arith.constant 0 : i32
    %dma_start3A_1260 = arith.constant 0 : i32
    %dma_start3A_1261 = tpu.memref_slice %arg11[%dma_start3A_1256, %dma_start3A_1259, %dma_start3A_1260] : memref<4x128x128xf32, #tpu.memory_space<vmem>> -> memref<1x128x128xf32, #tpu.memory_space<vmem>>
    %dma_start3A_1262 = tpu.memref_squeeze %dma_start3A_1261 : memref<1x128x128xf32, #tpu.memory_space<vmem>> -> memref<128x128xf32, #tpu.memory_space<vmem>>
    %dma_start3A_1263 = arith.constant 0 : i32
    %dma_start3A_1264 = arith.constant 0 : i32
    %dma_start3A_1265 = tpu.memref_slice %arg9[%dma_start3A_1257, %add3A, %dma_start3A_1258, %dma_start3A_1263, %dma_start3A_1264] : memref<6x32x4x128x128xf32, #tpu.memory_space<hbm>> -> memref<1x1x1x128x128xf32, #tpu.memory_space<hbm>>
    %dma_start3A_1266 = tpu.memref_squeeze %dma_start3A_1265 : memref<1x1x1x128x128xf32, #tpu.memory_space<hbm>> -> memref<128x128xf32, #tpu.memory_space<hbm>>
    %dma_start3A_1267 = arith.constant 0 : i32
    %dma_start3A_1268 = arith.constant 0 : i32
    %dma_start3A_1269 = tpu.memref_slice %arg9[%dma_start3A_1257, %add3A, %dma_start3A_1258, %dma_start3A_1267, %dma_start3A_1268] : memref<6x32x4x128x128xf32, #tpu.memory_space<hbm>> -> memref<1x1x1x128x128xf32, #tpu.memory_space<hbm>>
    %dma_start3A_1270 = tpu.memref_squeeze %dma_start3A_1269 : memref<1x1x1x128x128xf32, #tpu.memory_space<hbm>> -> memref<128x128xf32, #tpu.memory_space<hbm>>
    %dma_start3A_1271 = arith.constant 0 : i32
    %dma_start3A_1272 = arith.constant 0 : i32
    %dma_start3A_1273 = tpu.memref_slice %arg11[%dma_start3A_1256, %dma_start3A_1271, %dma_start3A_1272] : memref<4x128x128xf32, #tpu.memory_space<vmem>> -> memref<1x128x128xf32, #tpu.memory_space<vmem>>
    %dma_start3A_1274 = tpu.memref_squeeze %dma_start3A_1273 : memref<1x128x128xf32, #tpu.memory_space<vmem>> -> memref<128x128xf32, #tpu.memory_space<vmem>>
    tpu.enqueue_dma source(%dma_start3A_1274 : memref<128x128xf32, #tpu.memory_space<vmem>>) target(%dma_start3A_1270 : memref<128x128xf32, #tpu.memory_space<hbm>>) target_semaphore(%arg14 : memref<!tpu.dma_semaphore, #tpu.memory_space<semaphore_mem>>)
    %dma_start3A_1275 = arith.constant 22 : i32
    %dma_start3A_1276 = arith.constant 2 : i32
    %dma_start3A_1277 = arith.constant 0 : i32
    %dma_start3A_1278 = arith.constant 0 : i32
    %dma_start3A_1279 = tpu.memref_slice %arg11[%dma_start3A_1276, %dma_start3A_1277, %dma_start3A_1278] : memref<4x128x128xf32, #tpu.memory_space<vmem>> -> memref<1x128x128xf32, #tpu.memory_space<vmem>>
    %dma_start3A_1280 = tpu.memref_squeeze %dma_start3A_1279 : memref<1x128x128xf32, #tpu.memory_space<vmem>> -> memref<128x128xf32, #tpu.memory_space<vmem>>
    %dma_start3A_1281 = arith.constant 0 : i32
    %dma_start3A_1282 = tpu.memref_slice %arg10[%dma_start3A_1275, %dma_start3A_1281] : memref<24x128xi32, #tpu.memory_space<vmem>> -> memref<1x128xi32, #tpu.memory_space<vmem>>
    %dma_start3A_1283 = tpu.memref_squeeze %dma_start3A_1282 : memref<1x128xi32, #tpu.memory_space<vmem>> -> memref<128xi32, #tpu.memory_space<vmem>>
    %dma_start3A_1284 = arith.constant 0 : i32
    %dma_start3A_1285 = arith.constant 0 : i32
    %dma_start3A_1286 = tpu.memref_slice %arg8[%dma_start3A_1284, %dma_start3A_1285] : memref<25088x128xf32, #tpu.memory_space<hbm>> -> memref<25088x128xf32, #tpu.memory_space<hbm>>
    tpu.enqueue_indirect_dma source(%dma_start3A_1286 : memref<25088x128xf32, #tpu.memory_space<hbm>>) target(%dma_start3A_1280 : memref<128x128xf32, #tpu.memory_space<vmem>>) offsets(%dma_start3A_1283 : memref<128xi32, #tpu.memory_space<vmem>>) semaphore(%arg12 : memref<!tpu.dma_semaphore, #tpu.memory_space<semaphore_mem>>)
    %dma_wait3A_1287 = arith.constant 21 : i32
    %dma_wait3A_1288 = arith.constant 1 : i32
    %dma_wait3A_1289 = arith.constant 0 : i32
    %dma_wait3A_1290 = arith.constant 0 : i32
    %dma_wait3A_1291 = tpu.memref_slice %arg11[%dma_wait3A_1288, %dma_wait3A_1289, %dma_wait3A_1290] : memref<4x128x128xf32, #tpu.memory_space<vmem>> -> memref<1x128x128xf32, #tpu.memory_space<vmem>>
    %dma_wait3A_1292 = tpu.memref_squeeze %dma_wait3A_1291 : memref<1x128x128xf32, #tpu.memory_space<vmem>> -> memref<128x128xf32, #tpu.memory_space<vmem>>
    %dma_wait3A_1293 = arith.constant 0 : i32
    %dma_wait3A_1294 = tpu.memref_slice %arg10[%dma_wait3A_1287, %dma_wait3A_1293] : memref<24x128xi32, #tpu.memory_space<vmem>> -> memref<1x128xi32, #tpu.memory_space<vmem>>
    %dma_wait3A_1295 = tpu.memref_squeeze %dma_wait3A_1294 : memref<1x128xi32, #tpu.memory_space<vmem>> -> memref<128xi32, #tpu.memory_space<vmem>>
    %dma_wait3A_1296 = arith.constant 0 : i32
    %dma_wait3A_1297 = arith.constant 0 : i32
    %dma_wait3A_1298 = tpu.memref_slice %arg8[%dma_wait3A_1296, %dma_wait3A_1297] : memref<25088x128xf32, #tpu.memory_space<hbm>> -> memref<25088x128xf32, #tpu.memory_space<hbm>>
    tpu.wait_indirect_dma semaphore(%arg13 : memref<!tpu.dma_semaphore, #tpu.memory_space<semaphore_mem>>) src(%dma_wait3A_1298 : memref<25088x128xf32, #tpu.memory_space<hbm>>) dst(%dma_wait3A_1292 : memref<128x128xf32, #tpu.memory_space<vmem>>)
    %dma_wait3A_1299 = arith.constant 3 : i32
    %dma_wait3A_1300 = arith.constant 4 : i32
    %dma_wait3A_1301 = arith.constant 3 : i32
    %dma_wait3A_1302 = arith.constant 0 : i32
    %dma_wait3A_1303 = arith.constant 0 : i32
    %dma_wait3A_1304 = tpu.memref_slice %arg11[%dma_wait3A_1299, %dma_wait3A_1302, %dma_wait3A_1303] : memref<4x128x128xf32, #tpu.memory_space<vmem>> -> memref<1x128x128xf32, #tpu.memory_space<vmem>>
    %dma_wait3A_1305 = tpu.memref_squeeze %dma_wait3A_1304 : memref<1x128x128xf32, #tpu.memory_space<vmem>> -> memref<128x128xf32, #tpu.memory_space<vmem>>
    %dma_wait3A_1306 = arith.constant 0 : i32
    %dma_wait3A_1307 = arith.constant 0 : i32
    %dma_wait3A_1308 = tpu.memref_slice %arg9[%dma_wait3A_1300, %add3A, %dma_wait3A_1301, %dma_wait3A_1306, %dma_wait3A_1307] : memref<6x32x4x128x128xf32, #tpu.memory_space<hbm>> -> memref<1x1x1x128x128xf32, #tpu.memory_space<hbm>>
    %dma_wait3A_1309 = tpu.memref_squeeze %dma_wait3A_1308 : memref<1x1x1x128x128xf32, #tpu.memory_space<hbm>> -> memref<128x128xf32, #tpu.memory_space<hbm>>
    %dma_wait3A_1310 = arith.constant 0 : i32
    %dma_wait3A_1311 = arith.constant 0 : i32
    %dma_wait3A_1312 = tpu.memref_slice %arg9[%dma_wait3A_1300, %add3A, %dma_wait3A_1301, %dma_wait3A_1310, %dma_wait3A_1311] : memref<6x32x4x128x128xf32, #tpu.memory_space<hbm>> -> memref<1x1x1x128x128xf32, #tpu.memory_space<hbm>>
    %dma_wait3A_1313 = tpu.memref_squeeze %dma_wait3A_1312 : memref<1x1x1x128x128xf32, #tpu.memory_space<hbm>> -> memref<128x128xf32, #tpu.memory_space<hbm>>
    %dma_wait3A_1314 = arith.constant 0 : i32
    %dma_wait3A_1315 = arith.constant 0 : i32
    %dma_wait3A_1316 = tpu.memref_slice %arg11[%dma_wait3A_1299, %dma_wait3A_1314, %dma_wait3A_1315] : memref<4x128x128xf32, #tpu.memory_space<vmem>> -> memref<1x128x128xf32, #tpu.memory_space<vmem>>
    %dma_wait3A_1317 = tpu.memref_squeeze %dma_wait3A_1316 : memref<1x128x128xf32, #tpu.memory_space<vmem>> -> memref<128x128xf32, #tpu.memory_space<vmem>>
    tpu.wait_dma2 semaphore(%arg15 : memref<!tpu.dma_semaphore, #tpu.memory_space<semaphore_mem>>) src(%dma_wait3A_1317 : memref<128x128xf32, #tpu.memory_space<vmem>>) dst(%dma_wait3A_1313 : memref<128x128xf32, #tpu.memory_space<hbm>>)
    %dma_start3A_1318 = arith.constant 1 : i32
    %dma_start3A_1319 = arith.constant 5 : i32
    %dma_start3A_1320 = arith.constant 1 : i32
    %dma_start3A_1321 = arith.constant 0 : i32
    %dma_start3A_1322 = arith.constant 0 : i32
    %dma_start3A_1323 = tpu.memref_slice %arg11[%dma_start3A_1318, %dma_start3A_1321, %dma_start3A_1322] : memref<4x128x128xf32, #tpu.memory_space<vmem>> -> memref<1x128x128xf32, #tpu.memory_space<vmem>>
    %dma_start3A_1324 = tpu.memref_squeeze %dma_start3A_1323 : memref<1x128x128xf32, #tpu.memory_space<vmem>> -> memref<128x128xf32, #tpu.memory_space<vmem>>
    %dma_start3A_1325 = arith.constant 0 : i32
    %dma_start3A_1326 = arith.constant 0 : i32
    %dma_start3A_1327 = tpu.memref_slice %arg9[%dma_start3A_1319, %add3A, %dma_start3A_1320, %dma_start3A_1325, %dma_start3A_1326] : memref<6x32x4x128x128xf32, #tpu.memory_space<hbm>> -> memref<1x1x1x128x128xf32, #tpu.memory_space<hbm>>
    %dma_start3A_1328 = tpu.memref_squeeze %dma_start3A_1327 : memref<1x1x1x128x128xf32, #tpu.memory_space<hbm>> -> memref<128x128xf32, #tpu.memory_space<hbm>>
    %dma_start3A_1329 = arith.constant 0 : i32
    %dma_start3A_1330 = arith.constant 0 : i32
    %dma_start3A_1331 = tpu.memref_slice %arg9[%dma_start3A_1319, %add3A, %dma_start3A_1320, %dma_start3A_1329, %dma_start3A_1330] : memref<6x32x4x128x128xf32, #tpu.memory_space<hbm>> -> memref<1x1x1x128x128xf32, #tpu.memory_space<hbm>>
    %dma_start3A_1332 = tpu.memref_squeeze %dma_start3A_1331 : memref<1x1x1x128x128xf32, #tpu.memory_space<hbm>> -> memref<128x128xf32, #tpu.memory_space<hbm>>
    %dma_start3A_1333 = arith.constant 0 : i32
    %dma_start3A_1334 = arith.constant 0 : i32
    %dma_start3A_1335 = tpu.memref_slice %arg11[%dma_start3A_1318, %dma_start3A_1333, %dma_start3A_1334] : memref<4x128x128xf32, #tpu.memory_space<vmem>> -> memref<1x128x128xf32, #tpu.memory_space<vmem>>
    %dma_start3A_1336 = tpu.memref_squeeze %dma_start3A_1335 : memref<1x128x128xf32, #tpu.memory_space<vmem>> -> memref<128x128xf32, #tpu.memory_space<vmem>>
    tpu.enqueue_dma source(%dma_start3A_1336 : memref<128x128xf32, #tpu.memory_space<vmem>>) target(%dma_start3A_1332 : memref<128x128xf32, #tpu.memory_space<hbm>>) target_semaphore(%arg15 : memref<!tpu.dma_semaphore, #tpu.memory_space<semaphore_mem>>)
    %dma_start3A_1337 = arith.constant 23 : i32
    %dma_start3A_1338 = arith.constant 3 : i32
    %dma_start3A_1339 = arith.constant 0 : i32
    %dma_start3A_1340 = arith.constant 0 : i32
    %dma_start3A_1341 = tpu.memref_slice %arg11[%dma_start3A_1338, %dma_start3A_1339, %dma_start3A_1340] : memref<4x128x128xf32, #tpu.memory_space<vmem>> -> memref<1x128x128xf32, #tpu.memory_space<vmem>>
    %dma_start3A_1342 = tpu.memref_squeeze %dma_start3A_1341 : memref<1x128x128xf32, #tpu.memory_space<vmem>> -> memref<128x128xf32, #tpu.memory_space<vmem>>
    %dma_start3A_1343 = arith.constant 0 : i32
    %dma_start3A_1344 = tpu.memref_slice %arg10[%dma_start3A_1337, %dma_start3A_1343] : memref<24x128xi32, #tpu.memory_space<vmem>> -> memref<1x128xi32, #tpu.memory_space<vmem>>
    %dma_start3A_1345 = tpu.memref_squeeze %dma_start3A_1344 : memref<1x128xi32, #tpu.memory_space<vmem>> -> memref<128xi32, #tpu.memory_space<vmem>>
    %dma_start3A_1346 = arith.constant 0 : i32
    %dma_start3A_1347 = arith.constant 0 : i32
    %dma_start3A_1348 = tpu.memref_slice %arg8[%dma_start3A_1346, %dma_start3A_1347] : memref<25088x128xf32, #tpu.memory_space<hbm>> -> memref<25088x128xf32, #tpu.memory_space<hbm>>
    tpu.enqueue_indirect_dma source(%dma_start3A_1348 : memref<25088x128xf32, #tpu.memory_space<hbm>>) target(%dma_start3A_1342 : memref<128x128xf32, #tpu.memory_space<vmem>>) offsets(%dma_start3A_1345 : memref<128xi32, #tpu.memory_space<vmem>>) semaphore(%arg13 : memref<!tpu.dma_semaphore, #tpu.memory_space<semaphore_mem>>)
    %dma_wait3A_1349 = arith.constant 22 : i32
    %dma_wait3A_1350 = arith.constant 2 : i32
    %dma_wait3A_1351 = arith.constant 0 : i32
    %dma_wait3A_1352 = arith.constant 0 : i32
    %dma_wait3A_1353 = tpu.memref_slice %arg11[%dma_wait3A_1350, %dma_wait3A_1351, %dma_wait3A_1352] : memref<4x128x128xf32, #tpu.memory_space<vmem>> -> memref<1x128x128xf32, #tpu.memory_space<vmem>>
    %dma_wait3A_1354 = tpu.memref_squeeze %dma_wait3A_1353 : memref<1x128x128xf32, #tpu.memory_space<vmem>> -> memref<128x128xf32, #tpu.memory_space<vmem>>
    %dma_wait3A_1355 = arith.constant 0 : i32
    %dma_wait3A_1356 = tpu.memref_slice %arg10[%dma_wait3A_1349, %dma_wait3A_1355] : memref<24x128xi32, #tpu.memory_space<vmem>> -> memref<1x128xi32, #tpu.memory_space<vmem>>
    %dma_wait3A_1357 = tpu.memref_squeeze %dma_wait3A_1356 : memref<1x128xi32, #tpu.memory_space<vmem>> -> memref<128xi32, #tpu.memory_space<vmem>>
    %dma_wait3A_1358 = arith.constant 0 : i32
    %dma_wait3A_1359 = arith.constant 0 : i32
    %dma_wait3A_1360 = tpu.memref_slice %arg8[%dma_wait3A_1358, %dma_wait3A_1359] : memref<25088x128xf32, #tpu.memory_space<hbm>> -> memref<25088x128xf32, #tpu.memory_space<hbm>>
    tpu.wait_indirect_dma semaphore(%arg12 : memref<!tpu.dma_semaphore, #tpu.memory_space<semaphore_mem>>) src(%dma_wait3A_1360 : memref<25088x128xf32, #tpu.memory_space<hbm>>) dst(%dma_wait3A_1354 : memref<128x128xf32, #tpu.memory_space<vmem>>)
    %dma_wait3A_1361 = arith.constant 0 : i32
    %dma_wait3A_1362 = arith.constant 5 : i32
    %dma_wait3A_1363 = arith.constant 0 : i32
    %dma_wait3A_1364 = arith.constant 0 : i32
    %dma_wait3A_1365 = arith.constant 0 : i32
    %dma_wait3A_1366 = tpu.memref_slice %arg11[%dma_wait3A_1361, %dma_wait3A_1364, %dma_wait3A_1365] : memref<4x128x128xf32, #tpu.memory_space<vmem>> -> memref<1x128x128xf32, #tpu.memory_space<vmem>>
    %dma_wait3A_1367 = tpu.memref_squeeze %dma_wait3A_1366 : memref<1x128x128xf32, #tpu.memory_space<vmem>> -> memref<128x128xf32, #tpu.memory_space<vmem>>
    %dma_wait3A_1368 = arith.constant 0 : i32
    %dma_wait3A_1369 = arith.constant 0 : i32
    %dma_wait3A_1370 = tpu.memref_slice %arg9[%dma_wait3A_1362, %add3A, %dma_wait3A_1363, %dma_wait3A_1368, %dma_wait3A_1369] : memref<6x32x4x128x128xf32, #tpu.memory_space<hbm>> -> memref<1x1x1x128x128xf32, #tpu.memory_space<hbm>>
    %dma_wait3A_1371 = tpu.memref_squeeze %dma_wait3A_1370 : memref<1x1x1x128x128xf32, #tpu.memory_space<hbm>> -> memref<128x128xf32, #tpu.memory_space<hbm>>
    %dma_wait3A_1372 = arith.constant 0 : i32
    %dma_wait3A_1373 = arith.constant 0 : i32
    %dma_wait3A_1374 = tpu.memref_slice %arg9[%dma_wait3A_1362, %add3A, %dma_wait3A_1363, %dma_wait3A_1372, %dma_wait3A_1373] : memref<6x32x4x128x128xf32, #tpu.memory_space<hbm>> -> memref<1x1x1x128x128xf32, #tpu.memory_space<hbm>>
    %dma_wait3A_1375 = tpu.memref_squeeze %dma_wait3A_1374 : memref<1x1x1x128x128xf32, #tpu.memory_space<hbm>> -> memref<128x128xf32, #tpu.memory_space<hbm>>
    %dma_wait3A_1376 = arith.constant 0 : i32
    %dma_wait3A_1377 = arith.constant 0 : i32
    %dma_wait3A_1378 = tpu.memref_slice %arg11[%dma_wait3A_1361, %dma_wait3A_1376, %dma_wait3A_1377] : memref<4x128x128xf32, #tpu.memory_space<vmem>> -> memref<1x128x128xf32, #tpu.memory_space<vmem>>
    %dma_wait3A_1379 = tpu.memref_squeeze %dma_wait3A_1378 : memref<1x128x128xf32, #tpu.memory_space<vmem>> -> memref<128x128xf32, #tpu.memory_space<vmem>>
    tpu.wait_dma2 semaphore(%arg14 : memref<!tpu.dma_semaphore, #tpu.memory_space<semaphore_mem>>) src(%dma_wait3A_1379 : memref<128x128xf32, #tpu.memory_space<vmem>>) dst(%dma_wait3A_1375 : memref<128x128xf32, #tpu.memory_space<hbm>>)
    %dma_start3A_1380 = arith.constant 2 : i32
    %dma_start3A_1381 = arith.constant 5 : i32
    %dma_start3A_1382 = arith.constant 2 : i32
    %dma_start3A_1383 = arith.constant 0 : i32
    %dma_start3A_1384 = arith.constant 0 : i32
    %dma_start3A_1385 = tpu.memref_slice %arg11[%dma_start3A_1380, %dma_start3A_1383, %dma_start3A_1384] : memref<4x128x128xf32, #tpu.memory_space<vmem>> -> memref<1x128x128xf32, #tpu.memory_space<vmem>>
    %dma_start3A_1386 = tpu.memref_squeeze %dma_start3A_1385 : memref<1x128x128xf32, #tpu.memory_space<vmem>> -> memref<128x128xf32, #tpu.memory_space<vmem>>
    %dma_start3A_1387 = arith.constant 0 : i32
    %dma_start3A_1388 = arith.constant 0 : i32
    %dma_start3A_1389 = tpu.memref_slice %arg9[%dma_start3A_1381, %add3A, %dma_start3A_1382, %dma_start3A_1387, %dma_start3A_1388] : memref<6x32x4x128x128xf32, #tpu.memory_space<hbm>> -> memref<1x1x1x128x128xf32, #tpu.memory_space<hbm>>
    %dma_start3A_1390 = tpu.memref_squeeze %dma_start3A_1389 : memref<1x1x1x128x128xf32, #tpu.memory_space<hbm>> -> memref<128x128xf32, #tpu.memory_space<hbm>>
    %dma_start3A_1391 = arith.constant 0 : i32
    %dma_start3A_1392 = arith.constant 0 : i32
    %dma_start3A_1393 = tpu.memref_slice %arg9[%dma_start3A_1381, %add3A, %dma_start3A_1382, %dma_start3A_1391, %dma_start3A_1392] : memref<6x32x4x128x128xf32, #tpu.memory_space<hbm>> -> memref<1x1x1x128x128xf32, #tpu.memory_space<hbm>>
    %dma_start3A_1394 = tpu.memref_squeeze %dma_start3A_1393 : memref<1x1x1x128x128xf32, #tpu.memory_space<hbm>> -> memref<128x128xf32, #tpu.memory_space<hbm>>
    %dma_start3A_1395 = arith.constant 0 : i32
    %dma_start3A_1396 = arith.constant 0 : i32
    %dma_start3A_1397 = tpu.memref_slice %arg11[%dma_start3A_1380, %dma_start3A_1395, %dma_start3A_1396] : memref<4x128x128xf32, #tpu.memory_space<vmem>> -> memref<1x128x128xf32, #tpu.memory_space<vmem>>
    %dma_start3A_1398 = tpu.memref_squeeze %dma_start3A_1397 : memref<1x128x128xf32, #tpu.memory_space<vmem>> -> memref<128x128xf32, #tpu.memory_space<vmem>>
    tpu.enqueue_dma source(%dma_start3A_1398 : memref<128x128xf32, #tpu.memory_space<vmem>>) target(%dma_start3A_1394 : memref<128x128xf32, #tpu.memory_space<hbm>>) target_semaphore(%arg14 : memref<!tpu.dma_semaphore, #tpu.memory_space<semaphore_mem>>)
    %dma_wait3A_1399 = arith.constant 23 : i32
    %dma_wait3A_1400 = arith.constant 3 : i32
    %dma_wait3A_1401 = arith.constant 0 : i32
    %dma_wait3A_1402 = arith.constant 0 : i32
    %dma_wait3A_1403 = tpu.memref_slice %arg11[%dma_wait3A_1400, %dma_wait3A_1401, %dma_wait3A_1402] : memref<4x128x128xf32, #tpu.memory_space<vmem>> -> memref<1x128x128xf32, #tpu.memory_space<vmem>>
    %dma_wait3A_1404 = tpu.memref_squeeze %dma_wait3A_1403 : memref<1x128x128xf32, #tpu.memory_space<vmem>> -> memref<128x128xf32, #tpu.memory_space<vmem>>
    %dma_wait3A_1405 = arith.constant 0 : i32
    %dma_wait3A_1406 = tpu.memref_slice %arg10[%dma_wait3A_1399, %dma_wait3A_1405] : memref<24x128xi32, #tpu.memory_space<vmem>> -> memref<1x128xi32, #tpu.memory_space<vmem>>
    %dma_wait3A_1407 = tpu.memref_squeeze %dma_wait3A_1406 : memref<1x128xi32, #tpu.memory_space<vmem>> -> memref<128xi32, #tpu.memory_space<vmem>>
    %dma_wait3A_1408 = arith.constant 0 : i32
    %dma_wait3A_1409 = arith.constant 0 : i32
    %dma_wait3A_1410 = tpu.memref_slice %arg8[%dma_wait3A_1408, %dma_wait3A_1409] : memref<25088x128xf32, #tpu.memory_space<hbm>> -> memref<25088x128xf32, #tpu.memory_space<hbm>>
    tpu.wait_indirect_dma semaphore(%arg13 : memref<!tpu.dma_semaphore, #tpu.memory_space<semaphore_mem>>) src(%dma_wait3A_1410 : memref<25088x128xf32, #tpu.memory_space<hbm>>) dst(%dma_wait3A_1404 : memref<128x128xf32, #tpu.memory_space<vmem>>)
    %dma_wait3A_1411 = arith.constant 1 : i32
    %dma_wait3A_1412 = arith.constant 5 : i32
    %dma_wait3A_1413 = arith.constant 1 : i32
    %dma_wait3A_1414 = arith.constant 0 : i32
    %dma_wait3A_1415 = arith.constant 0 : i32
    %dma_wait3A_1416 = tpu.memref_slice %arg11[%dma_wait3A_1411, %dma_wait3A_1414, %dma_wait3A_1415] : memref<4x128x128xf32, #tpu.memory_space<vmem>> -> memref<1x128x128xf32, #tpu.memory_space<vmem>>
    %dma_wait3A_1417 = tpu.memref_squeeze %dma_wait3A_1416 : memref<1x128x128xf32, #tpu.memory_space<vmem>> -> memref<128x128xf32, #tpu.memory_space<vmem>>
    %dma_wait3A_1418 = arith.constant 0 : i32
    %dma_wait3A_1419 = arith.constant 0 : i32
    %dma_wait3A_1420 = tpu.memref_slice %arg9[%dma_wait3A_1412, %add3A, %dma_wait3A_1413, %dma_wait3A_1418, %dma_wait3A_1419] : memref<6x32x4x128x128xf32, #tpu.memory_space<hbm>> -> memref<1x1x1x128x128xf32, #tpu.memory_space<hbm>>
    %dma_wait3A_1421 = tpu.memref_squeeze %dma_wait3A_1420 : memref<1x1x1x128x128xf32, #tpu.memory_space<hbm>> -> memref<128x128xf32, #tpu.memory_space<hbm>>
    %dma_wait3A_1422 = arith.constant 0 : i32
    %dma_wait3A_1423 = arith.constant 0 : i32
    %dma_wait3A_1424 = tpu.memref_slice %arg9[%dma_wait3A_1412, %add3A, %dma_wait3A_1413, %dma_wait3A_1422, %dma_wait3A_1423] : memref<6x32x4x128x128xf32, #tpu.memory_space<hbm>> -> memref<1x1x1x128x128xf32, #tpu.memory_space<hbm>>
    %dma_wait3A_1425 = tpu.memref_squeeze %dma_wait3A_1424 : memref<1x1x1x128x128xf32, #tpu.memory_space<hbm>> -> memref<128x128xf32, #tpu.memory_space<hbm>>
    %dma_wait3A_1426 = arith.constant 0 : i32
    %dma_wait3A_1427 = arith.constant 0 : i32
    %dma_wait3A_1428 = tpu.memref_slice %arg11[%dma_wait3A_1411, %dma_wait3A_1426, %dma_wait3A_1427] : memref<4x128x128xf32, #tpu.memory_space<vmem>> -> memref<1x128x128xf32, #tpu.memory_space<vmem>>
    %dma_wait3A_1429 = tpu.memref_squeeze %dma_wait3A_1428 : memref<1x128x128xf32, #tpu.memory_space<vmem>> -> memref<128x128xf32, #tpu.memory_space<vmem>>
    tpu.wait_dma2 semaphore(%arg15 : memref<!tpu.dma_semaphore, #tpu.memory_space<semaphore_mem>>) src(%dma_wait3A_1429 : memref<128x128xf32, #tpu.memory_space<vmem>>) dst(%dma_wait3A_1425 : memref<128x128xf32, #tpu.memory_space<hbm>>)
    %dma_start3A_1430 = arith.constant 3 : i32
    %dma_start3A_1431 = arith.constant 5 : i32
    %dma_start3A_1432 = arith.constant 3 : i32
    %dma_start3A_1433 = arith.constant 0 : i32
    %dma_start3A_1434 = arith.constant 0 : i32
    %dma_start3A_1435 = tpu.memref_slice %arg11[%dma_start3A_1430, %dma_start3A_1433, %dma_start3A_1434] : memref<4x128x128xf32, #tpu.memory_space<vmem>> -> memref<1x128x128xf32, #tpu.memory_space<vmem>>
    %dma_start3A_1436 = tpu.memref_squeeze %dma_start3A_1435 : memref<1x128x128xf32, #tpu.memory_space<vmem>> -> memref<128x128xf32, #tpu.memory_space<vmem>>
    %dma_start3A_1437 = arith.constant 0 : i32
    %dma_start3A_1438 = arith.constant 0 : i32
    %dma_start3A_1439 = tpu.memref_slice %arg9[%dma_start3A_1431, %add3A, %dma_start3A_1432, %dma_start3A_1437, %dma_start3A_1438] : memref<6x32x4x128x128xf32, #tpu.memory_space<hbm>> -> memref<1x1x1x128x128xf32, #tpu.memory_space<hbm>>
    %dma_start3A_1440 = tpu.memref_squeeze %dma_start3A_1439 : memref<1x1x1x128x128xf32, #tpu.memory_space<hbm>> -> memref<128x128xf32, #tpu.memory_space<hbm>>
    %dma_start3A_1441 = arith.constant 0 : i32
    %dma_start3A_1442 = arith.constant 0 : i32
    %dma_start3A_1443 = tpu.memref_slice %arg9[%dma_start3A_1431, %add3A, %dma_start3A_1432, %dma_start3A_1441, %dma_start3A_1442] : memref<6x32x4x128x128xf32, #tpu.memory_space<hbm>> -> memref<1x1x1x128x128xf32, #tpu.memory_space<hbm>>
    %dma_start3A_1444 = tpu.memref_squeeze %dma_start3A_1443 : memref<1x1x1x128x128xf32, #tpu.memory_space<hbm>> -> memref<128x128xf32, #tpu.memory_space<hbm>>
    %dma_start3A_1445 = arith.constant 0 : i32
    %dma_start3A_1446 = arith.constant 0 : i32
    %dma_start3A_1447 = tpu.memref_slice %arg11[%dma_start3A_1430, %dma_start3A_1445, %dma_start3A_1446] : memref<4x128x128xf32, #tpu.memory_space<vmem>> -> memref<1x128x128xf32, #tpu.memory_space<vmem>>
    %dma_start3A_1448 = tpu.memref_squeeze %dma_start3A_1447 : memref<1x128x128xf32, #tpu.memory_space<vmem>> -> memref<128x128xf32, #tpu.memory_space<vmem>>
    tpu.enqueue_dma source(%dma_start3A_1448 : memref<128x128xf32, #tpu.memory_space<vmem>>) target(%dma_start3A_1444 : memref<128x128xf32, #tpu.memory_space<hbm>>) target_semaphore(%arg15 : memref<!tpu.dma_semaphore, #tpu.memory_space<semaphore_mem>>)
    %dma_wait3A_1449 = arith.constant 2 : i32
    %dma_wait3A_1450 = arith.constant 5 : i32
    %dma_wait3A_1451 = arith.constant 2 : i32
    %dma_wait3A_1452 = arith.constant 0 : i32
    %dma_wait3A_1453 = arith.constant 0 : i32
    %dma_wait3A_1454 = tpu.memref_slice %arg11[%dma_wait3A_1449, %dma_wait3A_1452, %dma_wait3A_1453] : memref<4x128x128xf32, #tpu.memory_space<vmem>> -> memref<1x128x128xf32, #tpu.memory_space<vmem>>
    %dma_wait3A_1455 = tpu.memref_squeeze %dma_wait3A_1454 : memref<1x128x128xf32, #tpu.memory_space<vmem>> -> memref<128x128xf32, #tpu.memory_space<vmem>>
    %dma_wait3A_1456 = arith.constant 0 : i32
    %dma_wait3A_1457 = arith.constant 0 : i32
    %dma_wait3A_1458 = tpu.memref_slice %arg9[%dma_wait3A_1450, %add3A, %dma_wait3A_1451, %dma_wait3A_1456, %dma_wait3A_1457] : memref<6x32x4x128x128xf32, #tpu.memory_space<hbm>> -> memref<1x1x1x128x128xf32, #tpu.memory_space<hbm>>
    %dma_wait3A_1459 = tpu.memref_squeeze %dma_wait3A_1458 : memref<1x1x1x128x128xf32, #tpu.memory_space<hbm>> -> memref<128x128xf32, #tpu.memory_space<hbm>>
    %dma_wait3A_1460 = arith.constant 0 : i32
    %dma_wait3A_1461 = arith.constant 0 : i32
    %dma_wait3A_1462 = tpu.memref_slice %arg9[%dma_wait3A_1450, %add3A, %dma_wait3A_1451, %dma_wait3A_1460, %dma_wait3A_1461] : memref<6x32x4x128x128xf32, #tpu.memory_space<hbm>> -> memref<1x1x1x128x128xf32, #tpu.memory_space<hbm>>
    %dma_wait3A_1463 = tpu.memref_squeeze %dma_wait3A_1462 : memref<1x1x1x128x128xf32, #tpu.memory_space<hbm>> -> memref<128x128xf32, #tpu.memory_space<hbm>>
    %dma_wait3A_1464 = arith.constant 0 : i32
    %dma_wait3A_1465 = arith.constant 0 : i32
    %dma_wait3A_1466 = tpu.memref_slice %arg11[%dma_wait3A_1449, %dma_wait3A_1464, %dma_wait3A_1465] : memref<4x128x128xf32, #tpu.memory_space<vmem>> -> memref<1x128x128xf32, #tpu.memory_space<vmem>>
    %dma_wait3A_1467 = tpu.memref_squeeze %dma_wait3A_1466 : memref<1x128x128xf32, #tpu.memory_space<vmem>> -> memref<128x128xf32, #tpu.memory_space<vmem>>
    tpu.wait_dma2 semaphore(%arg14 : memref<!tpu.dma_semaphore, #tpu.memory_space<semaphore_mem>>) src(%dma_wait3A_1467 : memref<128x128xf32, #tpu.memory_space<vmem>>) dst(%dma_wait3A_1463 : memref<128x128xf32, #tpu.memory_space<hbm>>)
    %dma_wait3A_1468 = arith.constant 3 : i32
    %dma_wait3A_1469 = arith.constant 5 : i32
    %dma_wait3A_1470 = arith.constant 3 : i32
    %dma_wait3A_1471 = arith.constant 0 : i32
    %dma_wait3A_1472 = arith.constant 0 : i32
    %dma_wait3A_1473 = tpu.memref_slice %arg11[%dma_wait3A_1468, %dma_wait3A_1471, %dma_wait3A_1472] : memref<4x128x128xf32, #tpu.memory_space<vmem>> -> memref<1x128x128xf32, #tpu.memory_space<vmem>>
    %dma_wait3A_1474 = tpu.memref_squeeze %dma_wait3A_1473 : memref<1x128x128xf32, #tpu.memory_space<vmem>> -> memref<128x128xf32, #tpu.memory_space<vmem>>
    %dma_wait3A_1475 = arith.constant 0 : i32
    %dma_wait3A_1476 = arith.constant 0 : i32
    %dma_wait3A_1477 = tpu.memref_slice %arg9[%dma_wait3A_1469, %add3A, %dma_wait3A_1470, %dma_wait3A_1475, %dma_wait3A_1476] : memref<6x32x4x128x128xf32, #tpu.memory_space<hbm>> -> memref<1x1x1x128x128xf32, #tpu.memory_space<hbm>>
    %dma_wait3A_1478 = tpu.memref_squeeze %dma_wait3A_1477 : memref<1x1x1x128x128xf32, #tpu.memory_space<hbm>> -> memref<128x128xf32, #tpu.memory_space<hbm>>
    %dma_wait3A_1479 = arith.constant 0 : i32
    %dma_wait3A_1480 = arith.constant 0 : i32
    %dma_wait3A_1481 = tpu.memref_slice %arg9[%dma_wait3A_1469, %add3A, %dma_wait3A_1470, %dma_wait3A_1479, %dma_wait3A_1480] : memref<6x32x4x128x128xf32, #tpu.memory_space<hbm>> -> memref<1x1x1x128x128xf32, #tpu.memory_space<hbm>>
    %dma_wait3A_1482 = tpu.memref_squeeze %dma_wait3A_1481 : memref<1x1x1x128x128xf32, #tpu.memory_space<hbm>> -> memref<128x128xf32, #tpu.memory_space<hbm>>
    %dma_wait3A_1483 = arith.constant 0 : i32
    %dma_wait3A_1484 = arith.constant 0 : i32
    %dma_wait3A_1485 = tpu.memref_slice %arg11[%dma_wait3A_1468, %dma_wait3A_1483, %dma_wait3A_1484] : memref<4x128x128xf32, #tpu.memory_space<vmem>> -> memref<1x128x128xf32, #tpu.memory_space<vmem>>
    %dma_wait3A_1486 = tpu.memref_squeeze %dma_wait3A_1485 : memref<1x128x128xf32, #tpu.memory_space<vmem>> -> memref<128x128xf32, #tpu.memory_space<vmem>>
    tpu.wait_dma2 semaphore(%arg15 : memref<!tpu.dma_semaphore, #tpu.memory_space<semaphore_mem>>) src(%dma_wait3A_1486 : memref<128x128xf32, #tpu.memory_space<vmem>>) dst(%dma_wait3A_1482 : memref<128x128xf32, #tpu.memory_space<hbm>>)
    return
  }
}

module attributes {stable_mosaic.version = 14 : i64} {
  func.func @body(%arg0: i32, %arg1: memref<64x1792xf32, #tpu.memory_space<vmem>>, %arg2: memref<64x1792xf32, #tpu.memory_space<vmem>>, %arg3: memref<64x1792xf32, #tpu.memory_space<vmem>>, %arg4: memref<64x1792xf32, #tpu.memory_space<vmem>>, %arg5: memref<64x1792xf32, #tpu.memory_space<vmem>>, %arg6: memref<64x1792xf32, #tpu.memory_space<vmem>>, %arg7: memref<64x1792xf32, #tpu.memory_space<vmem>>, %arg8: memref<64x1792xf32, #tpu.memory_space<vmem>>, %arg9: memref<64x1792xf32, #tpu.memory_space<vmem>>, %arg10: memref<64x1792xf32, #tpu.memory_space<vmem>>, %arg11: memref<64x1792xf32, #tpu.memory_space<vmem>>, %arg12: memref<64x1792xf32, #tpu.memory_space<vmem>>, %arg13: memref<64x1792xf32, #tpu.memory_space<vmem>>, %arg14: memref<64x1792xf32, #tpu.memory_space<vmem>>, %arg15: memref<64x1792xf32, #tpu.memory_space<vmem>>, %arg16: memref<64x1792xf32, #tpu.memory_space<vmem>>, %arg17: memref<64x1792xf32, #tpu.memory_space<vmem>>, %arg18: memref<64x1792xf32, #tpu.memory_space<vmem>>, %arg19: memref<64x1792xf32, #tpu.memory_space<vmem>>, %arg20: memref<64x1792xf32, #tpu.memory_space<vmem>>, %arg21: memref<64x1792xf32, #tpu.memory_space<vmem>>, %arg22: memref<64x1792xf32, #tpu.memory_space<vmem>>, %arg23: memref<64x1792xf32, #tpu.memory_space<vmem>>, %arg24: memref<64x1792xf32, #tpu.memory_space<vmem>>, %arg25: memref<1792x128xf32, #tpu.memory_space<vmem>>, %arg26: memref<1792x128xf32, #tpu.memory_space<vmem>>, %arg27: memref<1792x128xf32, #tpu.memory_space<vmem>>, %arg28: memref<1792x128xf32, #tpu.memory_space<vmem>>, %arg29: memref<1792x128xf32, #tpu.memory_space<vmem>>, %arg30: memref<1792x128xf32, #tpu.memory_space<vmem>>) attributes {dimension_semantics = [#tpu.dimension_semantics<arbitrary>], iteration_bounds = array<i64: 14>, scalar_prefetch = 0 : i64, scratch_operands = 0 : i64, tpu.core_type = #tpu.core_type<tc>, window_params = [{transform_indices = @transform_0, window_bounds = array<i64: 64, 1792>}, {transform_indices = @transform_1, window_bounds = array<i64: 64, 1792>}, {transform_indices = @transform_2, window_bounds = array<i64: 64, 1792>}, {transform_indices = @transform_3, window_bounds = array<i64: 64, 1792>}, {transform_indices = @transform_4, window_bounds = array<i64: 64, 1792>}, {transform_indices = @transform_5, window_bounds = array<i64: 64, 1792>}, {transform_indices = @transform_6, window_bounds = array<i64: 64, 1792>}, {transform_indices = @transform_7, window_bounds = array<i64: 64, 1792>}, {transform_indices = @transform_8, window_bounds = array<i64: 64, 1792>}, {transform_indices = @transform_9, window_bounds = array<i64: 64, 1792>}, {transform_indices = @transform_10, window_bounds = array<i64: 64, 1792>}, {transform_indices = @transform_11, window_bounds = array<i64: 64, 1792>}, {transform_indices = @transform_12, window_bounds = array<i64: 64, 1792>}, {transform_indices = @transform_13, window_bounds = array<i64: 64, 1792>}, {transform_indices = @transform_14, window_bounds = array<i64: 64, 1792>}, {transform_indices = @transform_15, window_bounds = array<i64: 64, 1792>}, {transform_indices = @transform_16, window_bounds = array<i64: 64, 1792>}, {transform_indices = @transform_17, window_bounds = array<i64: 64, 1792>}, {transform_indices = @transform_18, window_bounds = array<i64: 64, 1792>}, {transform_indices = @transform_19, window_bounds = array<i64: 64, 1792>}, {transform_indices = @transform_20, window_bounds = array<i64: 64, 1792>}, {transform_indices = @transform_21, window_bounds = array<i64: 64, 1792>}, {transform_indices = @transform_22, window_bounds = array<i64: 64, 1792>}, {transform_indices = @transform_23, window_bounds = array<i64: 64, 1792>}, {transform_indices = @transform_24, window_bounds = array<i64: 1792, 128>}, {transform_indices = @transform_25, window_bounds = array<i64: 1792, 128>}, {transform_indices = @transform_26, window_bounds = array<i64: 1792, 128>}, {transform_indices = @transform_27, window_bounds = array<i64: 1792, 128>}, {transform_indices = @transform_28, window_bounds = array<i64: 1792, 128>}, {transform_indices = @transform_29, window_bounds = array<i64: 1792, 128>}]} {
    %get3A = arith.constant 0 : index
    %get3A_0 = arith.constant 0 : index
    %get3A_1 = vector.load %arg1[%get3A, %get3A_0] : memref<64x1792xf32, #tpu.memory_space<vmem>>, vector<64x1792xf32>
    %get3A_2 = arith.constant 0 : index
    %get3A_3 = arith.constant 0 : index
    %get3A_4 = vector.load %arg2[%get3A_2, %get3A_3] : memref<64x1792xf32, #tpu.memory_space<vmem>>, vector<64x1792xf32>
    %get3A_5 = arith.constant 0 : index
    %get3A_6 = arith.constant 0 : index
    %get3A_7 = vector.load %arg3[%get3A_5, %get3A_6] : memref<64x1792xf32, #tpu.memory_space<vmem>>, vector<64x1792xf32>
    %get3A_8 = arith.constant 0 : index
    %get3A_9 = arith.constant 0 : index
    %get3A_10 = vector.load %arg4[%get3A_8, %get3A_9] : memref<64x1792xf32, #tpu.memory_space<vmem>>, vector<64x1792xf32>
    %concatenate3A = tpu.concatenate %get3A_1, %get3A_4, %get3A_7, %get3A_10 in 0 : vector<64x1792xf32>, vector<64x1792xf32>, vector<64x1792xf32>, vector<64x1792xf32> -> vector<256x1792xf32>
    %transpose3A = tpu.transpose %concatenate3A, [1, 0] : vector<256x1792xf32> -> vector<1792x256xf32>
    %slice3A = vector.extract_strided_slice %transpose3A {offsets = [0, 0], sizes = [1792, 128], strides = [1, 1]} : vector<1792x256xf32> to vector<1792x128xf32>
    %bitcast_convert_type3A = tpu.bitcast %slice3A : vector<1792x128xf32> -> vector<1792x128xi32>
    %shift_right_arithmetic3A = arith.constant 16 : i32
    %shift_right_arithmetic3A_11 = vector.broadcast %shift_right_arithmetic3A : i32 to vector<1792x128xi32>
    %shift_right_arithmetic3A_12 = arith.shrsi %bitcast_convert_type3A, %shift_right_arithmetic3A_11 : vector<1792x128xi32>
    %and3A = arith.constant 1 : i32
    %and3A_13 = vector.broadcast %and3A : i32 to vector<1792x128xi32>
    %and3A_14 = arith.andi %shift_right_arithmetic3A_12, %and3A_13 : vector<1792x128xi32>
    %add3A = arith.constant 32767 : i32
    %add3A_15 = vector.broadcast %add3A : i32 to vector<1792x128xi32>
    %add3A_16 = arith.addi %add3A_15, %and3A_14 : vector<1792x128xi32>
    %add3A_17 = arith.addi %bitcast_convert_type3A, %add3A_16 : vector<1792x128xi32>
    %shift_right_logical3A = arith.constant 16 : i32
    %shift_right_logical3A_18 = vector.broadcast %shift_right_logical3A : i32 to vector<1792x128xi32>
    %shift_right_logical3A_19 = arith.shrui %add3A_17, %shift_right_logical3A_18 : vector<1792x128xi32>
    %slice3A_20 = vector.extract_strided_slice %transpose3A {offsets = [0, 128], sizes = [1792, 128], strides = [1, 1]} : vector<1792x256xf32> to vector<1792x128xf32>
    %bitcast_convert_type3A_21 = tpu.bitcast %slice3A_20 : vector<1792x128xf32> -> vector<1792x128xi32>
    %shift_right_arithmetic3A_22 = arith.constant 16 : i32
    %shift_right_arithmetic3A_23 = vector.broadcast %shift_right_arithmetic3A_22 : i32 to vector<1792x128xi32>
    %shift_right_arithmetic3A_24 = arith.shrsi %bitcast_convert_type3A_21, %shift_right_arithmetic3A_23 : vector<1792x128xi32>
    %and3A_25 = arith.constant 1 : i32
    %and3A_26 = vector.broadcast %and3A_25 : i32 to vector<1792x128xi32>
    %and3A_27 = arith.andi %shift_right_arithmetic3A_24, %and3A_26 : vector<1792x128xi32>
    %add3A_28 = arith.constant 32767 : i32
    %add3A_29 = vector.broadcast %add3A_28 : i32 to vector<1792x128xi32>
    %add3A_30 = arith.addi %add3A_29, %and3A_27 : vector<1792x128xi32>
    %add3A_31 = arith.addi %bitcast_convert_type3A_21, %add3A_30 : vector<1792x128xi32>
    %and3A_32 = arith.constant -65536 : i32
    %and3A_33 = vector.broadcast %and3A_32 : i32 to vector<1792x128xi32>
    %and3A_34 = arith.andi %add3A_31, %and3A_33 : vector<1792x128xi32>
    %or3A = arith.ori %shift_right_logical3A_19, %and3A_34 : vector<1792x128xi32>
    %bitcast_convert_type3A_35 = tpu.bitcast %or3A : vector<1792x128xi32> -> vector<1792x128xf32>
    %swap3A = arith.constant 0 : index
    %swap3A_36 = arith.constant 0 : index
    %swap3A_37 = vector.load %arg25[%swap3A, %swap3A_36] : memref<1792x128xf32, #tpu.memory_space<vmem>>, vector<1792x128xf32>
    tpu.vector_store %arg25[%swap3A, %swap3A_36], %bitcast_convert_type3A_35 {strides = array<i32>} : memref<1792x128xf32, #tpu.memory_space<vmem>>, vector<1792x128xf32>,
    %get3A_38 = arith.constant 0 : index
    %get3A_39 = arith.constant 0 : index
    %get3A_40 = vector.load %arg5[%get3A_38, %get3A_39] : memref<64x1792xf32, #tpu.memory_space<vmem>>, vector<64x1792xf32>
    %get3A_41 = arith.constant 0 : index
    %get3A_42 = arith.constant 0 : index
    %get3A_43 = vector.load %arg6[%get3A_41, %get3A_42] : memref<64x1792xf32, #tpu.memory_space<vmem>>, vector<64x1792xf32>
    %get3A_44 = arith.constant 0 : index
    %get3A_45 = arith.constant 0 : index
    %get3A_46 = vector.load %arg7[%get3A_44, %get3A_45] : memref<64x1792xf32, #tpu.memory_space<vmem>>, vector<64x1792xf32>
    %get3A_47 = arith.constant 0 : index
    %get3A_48 = arith.constant 0 : index
    %get3A_49 = vector.load %arg8[%get3A_47, %get3A_48] : memref<64x1792xf32, #tpu.memory_space<vmem>>, vector<64x1792xf32>
    %concatenate3A_50 = tpu.concatenate %get3A_40, %get3A_43, %get3A_46, %get3A_49 in 0 : vector<64x1792xf32>, vector<64x1792xf32>, vector<64x1792xf32>, vector<64x1792xf32> -> vector<256x1792xf32>
    %transpose3A_51 = tpu.transpose %concatenate3A_50, [1, 0] : vector<256x1792xf32> -> vector<1792x256xf32>
    %slice3A_52 = vector.extract_strided_slice %transpose3A_51 {offsets = [0, 0], sizes = [1792, 128], strides = [1, 1]} : vector<1792x256xf32> to vector<1792x128xf32>
    %bitcast_convert_type3A_53 = tpu.bitcast %slice3A_52 : vector<1792x128xf32> -> vector<1792x128xi32>
    %shift_right_arithmetic3A_54 = arith.constant 16 : i32
    %shift_right_arithmetic3A_55 = vector.broadcast %shift_right_arithmetic3A_54 : i32 to vector<1792x128xi32>
    %shift_right_arithmetic3A_56 = arith.shrsi %bitcast_convert_type3A_53, %shift_right_arithmetic3A_55 : vector<1792x128xi32>
    %and3A_57 = arith.constant 1 : i32
    %and3A_58 = vector.broadcast %and3A_57 : i32 to vector<1792x128xi32>
    %and3A_59 = arith.andi %shift_right_arithmetic3A_56, %and3A_58 : vector<1792x128xi32>
    %add3A_60 = arith.constant 32767 : i32
    %add3A_61 = vector.broadcast %add3A_60 : i32 to vector<1792x128xi32>
    %add3A_62 = arith.addi %add3A_61, %and3A_59 : vector<1792x128xi32>
    %add3A_63 = arith.addi %bitcast_convert_type3A_53, %add3A_62 : vector<1792x128xi32>
    %shift_right_logical3A_64 = arith.constant 16 : i32
    %shift_right_logical3A_65 = vector.broadcast %shift_right_logical3A_64 : i32 to vector<1792x128xi32>
    %shift_right_logical3A_66 = arith.shrui %add3A_63, %shift_right_logical3A_65 : vector<1792x128xi32>
    %slice3A_67 = vector.extract_strided_slice %transpose3A_51 {offsets = [0, 128], sizes = [1792, 128], strides = [1, 1]} : vector<1792x256xf32> to vector<1792x128xf32>
    %bitcast_convert_type3A_68 = tpu.bitcast %slice3A_67 : vector<1792x128xf32> -> vector<1792x128xi32>
    %shift_right_arithmetic3A_69 = arith.constant 16 : i32
    %shift_right_arithmetic3A_70 = vector.broadcast %shift_right_arithmetic3A_69 : i32 to vector<1792x128xi32>
    %shift_right_arithmetic3A_71 = arith.shrsi %bitcast_convert_type3A_68, %shift_right_arithmetic3A_70 : vector<1792x128xi32>
    %and3A_72 = arith.constant 1 : i32
    %and3A_73 = vector.broadcast %and3A_72 : i32 to vector<1792x128xi32>
    %and3A_74 = arith.andi %shift_right_arithmetic3A_71, %and3A_73 : vector<1792x128xi32>
    %add3A_75 = arith.constant 32767 : i32
    %add3A_76 = vector.broadcast %add3A_75 : i32 to vector<1792x128xi32>
    %add3A_77 = arith.addi %add3A_76, %and3A_74 : vector<1792x128xi32>
    %add3A_78 = arith.addi %bitcast_convert_type3A_68, %add3A_77 : vector<1792x128xi32>
    %and3A_79 = arith.constant -65536 : i32
    %and3A_80 = vector.broadcast %and3A_79 : i32 to vector<1792x128xi32>
    %and3A_81 = arith.andi %add3A_78, %and3A_80 : vector<1792x128xi32>
    %or3A_82 = arith.ori %shift_right_logical3A_66, %and3A_81 : vector<1792x128xi32>
    %bitcast_convert_type3A_83 = tpu.bitcast %or3A_82 : vector<1792x128xi32> -> vector<1792x128xf32>
    %swap3A_84 = arith.constant 0 : index
    %swap3A_85 = arith.constant 0 : index
    %swap3A_86 = vector.load %arg26[%swap3A_84, %swap3A_85] : memref<1792x128xf32, #tpu.memory_space<vmem>>, vector<1792x128xf32>
    tpu.vector_store %arg26[%swap3A_84, %swap3A_85], %bitcast_convert_type3A_83 {strides = array<i32>} : memref<1792x128xf32, #tpu.memory_space<vmem>>, vector<1792x128xf32>,
    %get3A_87 = arith.constant 0 : index
    %get3A_88 = arith.constant 0 : index
    %get3A_89 = vector.load %arg9[%get3A_87, %get3A_88] : memref<64x1792xf32, #tpu.memory_space<vmem>>, vector<64x1792xf32>
    %get3A_90 = arith.constant 0 : index
    %get3A_91 = arith.constant 0 : index
    %get3A_92 = vector.load %arg10[%get3A_90, %get3A_91] : memref<64x1792xf32, #tpu.memory_space<vmem>>, vector<64x1792xf32>
    %get3A_93 = arith.constant 0 : index
    %get3A_94 = arith.constant 0 : index
    %get3A_95 = vector.load %arg11[%get3A_93, %get3A_94] : memref<64x1792xf32, #tpu.memory_space<vmem>>, vector<64x1792xf32>
    %get3A_96 = arith.constant 0 : index
    %get3A_97 = arith.constant 0 : index
    %get3A_98 = vector.load %arg12[%get3A_96, %get3A_97] : memref<64x1792xf32, #tpu.memory_space<vmem>>, vector<64x1792xf32>
    %concatenate3A_99 = tpu.concatenate %get3A_89, %get3A_92, %get3A_95, %get3A_98 in 0 : vector<64x1792xf32>, vector<64x1792xf32>, vector<64x1792xf32>, vector<64x1792xf32> -> vector<256x1792xf32>
    %transpose3A_100 = tpu.transpose %concatenate3A_99, [1, 0] : vector<256x1792xf32> -> vector<1792x256xf32>
    %slice3A_101 = vector.extract_strided_slice %transpose3A_100 {offsets = [0, 0], sizes = [1792, 128], strides = [1, 1]} : vector<1792x256xf32> to vector<1792x128xf32>
    %bitcast_convert_type3A_102 = tpu.bitcast %slice3A_101 : vector<1792x128xf32> -> vector<1792x128xi32>
    %shift_right_arithmetic3A_103 = arith.constant 16 : i32
    %shift_right_arithmetic3A_104 = vector.broadcast %shift_right_arithmetic3A_103 : i32 to vector<1792x128xi32>
    %shift_right_arithmetic3A_105 = arith.shrsi %bitcast_convert_type3A_102, %shift_right_arithmetic3A_104 : vector<1792x128xi32>
    %and3A_106 = arith.constant 1 : i32
    %and3A_107 = vector.broadcast %and3A_106 : i32 to vector<1792x128xi32>
    %and3A_108 = arith.andi %shift_right_arithmetic3A_105, %and3A_107 : vector<1792x128xi32>
    %add3A_109 = arith.constant 32767 : i32
    %add3A_110 = vector.broadcast %add3A_109 : i32 to vector<1792x128xi32>
    %add3A_111 = arith.addi %add3A_110, %and3A_108 : vector<1792x128xi32>
    %add3A_112 = arith.addi %bitcast_convert_type3A_102, %add3A_111 : vector<1792x128xi32>
    %shift_right_logical3A_113 = arith.constant 16 : i32
    %shift_right_logical3A_114 = vector.broadcast %shift_right_logical3A_113 : i32 to vector<1792x128xi32>
    %shift_right_logical3A_115 = arith.shrui %add3A_112, %shift_right_logical3A_114 : vector<1792x128xi32>
    %slice3A_116 = vector.extract_strided_slice %transpose3A_100 {offsets = [0, 128], sizes = [1792, 128], strides = [1, 1]} : vector<1792x256xf32> to vector<1792x128xf32>
    %bitcast_convert_type3A_117 = tpu.bitcast %slice3A_116 : vector<1792x128xf32> -> vector<1792x128xi32>
    %shift_right_arithmetic3A_118 = arith.constant 16 : i32
    %shift_right_arithmetic3A_119 = vector.broadcast %shift_right_arithmetic3A_118 : i32 to vector<1792x128xi32>
    %shift_right_arithmetic3A_120 = arith.shrsi %bitcast_convert_type3A_117, %shift_right_arithmetic3A_119 : vector<1792x128xi32>
    %and3A_121 = arith.constant 1 : i32
    %and3A_122 = vector.broadcast %and3A_121 : i32 to vector<1792x128xi32>
    %and3A_123 = arith.andi %shift_right_arithmetic3A_120, %and3A_122 : vector<1792x128xi32>
    %add3A_124 = arith.constant 32767 : i32
    %add3A_125 = vector.broadcast %add3A_124 : i32 to vector<1792x128xi32>
    %add3A_126 = arith.addi %add3A_125, %and3A_123 : vector<1792x128xi32>
    %add3A_127 = arith.addi %bitcast_convert_type3A_117, %add3A_126 : vector<1792x128xi32>
    %and3A_128 = arith.constant -65536 : i32
    %and3A_129 = vector.broadcast %and3A_128 : i32 to vector<1792x128xi32>
    %and3A_130 = arith.andi %add3A_127, %and3A_129 : vector<1792x128xi32>
    %or3A_131 = arith.ori %shift_right_logical3A_115, %and3A_130 : vector<1792x128xi32>
    %bitcast_convert_type3A_132 = tpu.bitcast %or3A_131 : vector<1792x128xi32> -> vector<1792x128xf32>
    %swap3A_133 = arith.constant 0 : index
    %swap3A_134 = arith.constant 0 : index
    %swap3A_135 = vector.load %arg27[%swap3A_133, %swap3A_134] : memref<1792x128xf32, #tpu.memory_space<vmem>>, vector<1792x128xf32>
    tpu.vector_store %arg27[%swap3A_133, %swap3A_134], %bitcast_convert_type3A_132 {strides = array<i32>} : memref<1792x128xf32, #tpu.memory_space<vmem>>, vector<1792x128xf32>,
    %get3A_136 = arith.constant 0 : index
    %get3A_137 = arith.constant 0 : index
    %get3A_138 = vector.load %arg13[%get3A_136, %get3A_137] : memref<64x1792xf32, #tpu.memory_space<vmem>>, vector<64x1792xf32>
    %get3A_139 = arith.constant 0 : index
    %get3A_140 = arith.constant 0 : index
    %get3A_141 = vector.load %arg14[%get3A_139, %get3A_140] : memref<64x1792xf32, #tpu.memory_space<vmem>>, vector<64x1792xf32>
    %get3A_142 = arith.constant 0 : index
    %get3A_143 = arith.constant 0 : index
    %get3A_144 = vector.load %arg15[%get3A_142, %get3A_143] : memref<64x1792xf32, #tpu.memory_space<vmem>>, vector<64x1792xf32>
    %get3A_145 = arith.constant 0 : index
    %get3A_146 = arith.constant 0 : index
    %get3A_147 = vector.load %arg16[%get3A_145, %get3A_146] : memref<64x1792xf32, #tpu.memory_space<vmem>>, vector<64x1792xf32>
    %concatenate3A_148 = tpu.concatenate %get3A_138, %get3A_141, %get3A_144, %get3A_147 in 0 : vector<64x1792xf32>, vector<64x1792xf32>, vector<64x1792xf32>, vector<64x1792xf32> -> vector<256x1792xf32>
    %transpose3A_149 = tpu.transpose %concatenate3A_148, [1, 0] : vector<256x1792xf32> -> vector<1792x256xf32>
    %slice3A_150 = vector.extract_strided_slice %transpose3A_149 {offsets = [0, 0], sizes = [1792, 128], strides = [1, 1]} : vector<1792x256xf32> to vector<1792x128xf32>
    %bitcast_convert_type3A_151 = tpu.bitcast %slice3A_150 : vector<1792x128xf32> -> vector<1792x128xi32>
    %shift_right_arithmetic3A_152 = arith.constant 16 : i32
    %shift_right_arithmetic3A_153 = vector.broadcast %shift_right_arithmetic3A_152 : i32 to vector<1792x128xi32>
    %shift_right_arithmetic3A_154 = arith.shrsi %bitcast_convert_type3A_151, %shift_right_arithmetic3A_153 : vector<1792x128xi32>
    %and3A_155 = arith.constant 1 : i32
    %and3A_156 = vector.broadcast %and3A_155 : i32 to vector<1792x128xi32>
    %and3A_157 = arith.andi %shift_right_arithmetic3A_154, %and3A_156 : vector<1792x128xi32>
    %add3A_158 = arith.constant 32767 : i32
    %add3A_159 = vector.broadcast %add3A_158 : i32 to vector<1792x128xi32>
    %add3A_160 = arith.addi %add3A_159, %and3A_157 : vector<1792x128xi32>
    %add3A_161 = arith.addi %bitcast_convert_type3A_151, %add3A_160 : vector<1792x128xi32>
    %shift_right_logical3A_162 = arith.constant 16 : i32
    %shift_right_logical3A_163 = vector.broadcast %shift_right_logical3A_162 : i32 to vector<1792x128xi32>
    %shift_right_logical3A_164 = arith.shrui %add3A_161, %shift_right_logical3A_163 : vector<1792x128xi32>
    %slice3A_165 = vector.extract_strided_slice %transpose3A_149 {offsets = [0, 128], sizes = [1792, 128], strides = [1, 1]} : vector<1792x256xf32> to vector<1792x128xf32>
    %bitcast_convert_type3A_166 = tpu.bitcast %slice3A_165 : vector<1792x128xf32> -> vector<1792x128xi32>
    %shift_right_arithmetic3A_167 = arith.constant 16 : i32
    %shift_right_arithmetic3A_168 = vector.broadcast %shift_right_arithmetic3A_167 : i32 to vector<1792x128xi32>
    %shift_right_arithmetic3A_169 = arith.shrsi %bitcast_convert_type3A_166, %shift_right_arithmetic3A_168 : vector<1792x128xi32>
    %and3A_170 = arith.constant 1 : i32
    %and3A_171 = vector.broadcast %and3A_170 : i32 to vector<1792x128xi32>
    %and3A_172 = arith.andi %shift_right_arithmetic3A_169, %and3A_171 : vector<1792x128xi32>
    %add3A_173 = arith.constant 32767 : i32
    %add3A_174 = vector.broadcast %add3A_173 : i32 to vector<1792x128xi32>
    %add3A_175 = arith.addi %add3A_174, %and3A_172 : vector<1792x128xi32>
    %add3A_176 = arith.addi %bitcast_convert_type3A_166, %add3A_175 : vector<1792x128xi32>
    %and3A_177 = arith.constant -65536 : i32
    %and3A_178 = vector.broadcast %and3A_177 : i32 to vector<1792x128xi32>
    %and3A_179 = arith.andi %add3A_176, %and3A_178 : vector<1792x128xi32>
    %or3A_180 = arith.ori %shift_right_logical3A_164, %and3A_179 : vector<1792x128xi32>
    %bitcast_convert_type3A_181 = tpu.bitcast %or3A_180 : vector<1792x128xi32> -> vector<1792x128xf32>
    %swap3A_182 = arith.constant 0 : index
    %swap3A_183 = arith.constant 0 : index
    %swap3A_184 = vector.load %arg28[%swap3A_182, %swap3A_183] : memref<1792x128xf32, #tpu.memory_space<vmem>>, vector<1792x128xf32>
    tpu.vector_store %arg28[%swap3A_182, %swap3A_183], %bitcast_convert_type3A_181 {strides = array<i32>} : memref<1792x128xf32, #tpu.memory_space<vmem>>, vector<1792x128xf32>,
    %get3A_185 = arith.constant 0 : index
    %get3A_186 = arith.constant 0 : index
    %get3A_187 = vector.load %arg17[%get3A_185, %get3A_186] : memref<64x1792xf32, #tpu.memory_space<vmem>>, vector<64x1792xf32>
    %get3A_188 = arith.constant 0 : index
    %get3A_189 = arith.constant 0 : index
    %get3A_190 = vector.load %arg18[%get3A_188, %get3A_189] : memref<64x1792xf32, #tpu.memory_space<vmem>>, vector<64x1792xf32>
    %get3A_191 = arith.constant 0 : index
    %get3A_192 = arith.constant 0 : index
    %get3A_193 = vector.load %arg19[%get3A_191, %get3A_192] : memref<64x1792xf32, #tpu.memory_space<vmem>>, vector<64x1792xf32>
    %get3A_194 = arith.constant 0 : index
    %get3A_195 = arith.constant 0 : index
    %get3A_196 = vector.load %arg20[%get3A_194, %get3A_195] : memref<64x1792xf32, #tpu.memory_space<vmem>>, vector<64x1792xf32>
    %concatenate3A_197 = tpu.concatenate %get3A_187, %get3A_190, %get3A_193, %get3A_196 in 0 : vector<64x1792xf32>, vector<64x1792xf32>, vector<64x1792xf32>, vector<64x1792xf32> -> vector<256x1792xf32>
    %transpose3A_198 = tpu.transpose %concatenate3A_197, [1, 0] : vector<256x1792xf32> -> vector<1792x256xf32>
    %slice3A_199 = vector.extract_strided_slice %transpose3A_198 {offsets = [0, 0], sizes = [1792, 128], strides = [1, 1]} : vector<1792x256xf32> to vector<1792x128xf32>
    %bitcast_convert_type3A_200 = tpu.bitcast %slice3A_199 : vector<1792x128xf32> -> vector<1792x128xi32>
    %shift_right_arithmetic3A_201 = arith.constant 16 : i32
    %shift_right_arithmetic3A_202 = vector.broadcast %shift_right_arithmetic3A_201 : i32 to vector<1792x128xi32>
    %shift_right_arithmetic3A_203 = arith.shrsi %bitcast_convert_type3A_200, %shift_right_arithmetic3A_202 : vector<1792x128xi32>
    %and3A_204 = arith.constant 1 : i32
    %and3A_205 = vector.broadcast %and3A_204 : i32 to vector<1792x128xi32>
    %and3A_206 = arith.andi %shift_right_arithmetic3A_203, %and3A_205 : vector<1792x128xi32>
    %add3A_207 = arith.constant 32767 : i32
    %add3A_208 = vector.broadcast %add3A_207 : i32 to vector<1792x128xi32>
    %add3A_209 = arith.addi %add3A_208, %and3A_206 : vector<1792x128xi32>
    %add3A_210 = arith.addi %bitcast_convert_type3A_200, %add3A_209 : vector<1792x128xi32>
    %shift_right_logical3A_211 = arith.constant 16 : i32
    %shift_right_logical3A_212 = vector.broadcast %shift_right_logical3A_211 : i32 to vector<1792x128xi32>
    %shift_right_logical3A_213 = arith.shrui %add3A_210, %shift_right_logical3A_212 : vector<1792x128xi32>
    %slice3A_214 = vector.extract_strided_slice %transpose3A_198 {offsets = [0, 128], sizes = [1792, 128], strides = [1, 1]} : vector<1792x256xf32> to vector<1792x128xf32>
    %bitcast_convert_type3A_215 = tpu.bitcast %slice3A_214 : vector<1792x128xf32> -> vector<1792x128xi32>
    %shift_right_arithmetic3A_216 = arith.constant 16 : i32
    %shift_right_arithmetic3A_217 = vector.broadcast %shift_right_arithmetic3A_216 : i32 to vector<1792x128xi32>
    %shift_right_arithmetic3A_218 = arith.shrsi %bitcast_convert_type3A_215, %shift_right_arithmetic3A_217 : vector<1792x128xi32>
    %and3A_219 = arith.constant 1 : i32
    %and3A_220 = vector.broadcast %and3A_219 : i32 to vector<1792x128xi32>
    %and3A_221 = arith.andi %shift_right_arithmetic3A_218, %and3A_220 : vector<1792x128xi32>
    %add3A_222 = arith.constant 32767 : i32
    %add3A_223 = vector.broadcast %add3A_222 : i32 to vector<1792x128xi32>
    %add3A_224 = arith.addi %add3A_223, %and3A_221 : vector<1792x128xi32>
    %add3A_225 = arith.addi %bitcast_convert_type3A_215, %add3A_224 : vector<1792x128xi32>
    %and3A_226 = arith.constant -65536 : i32
    %and3A_227 = vector.broadcast %and3A_226 : i32 to vector<1792x128xi32>
    %and3A_228 = arith.andi %add3A_225, %and3A_227 : vector<1792x128xi32>
    %or3A_229 = arith.ori %shift_right_logical3A_213, %and3A_228 : vector<1792x128xi32>
    %bitcast_convert_type3A_230 = tpu.bitcast %or3A_229 : vector<1792x128xi32> -> vector<1792x128xf32>
    %swap3A_231 = arith.constant 0 : index
    %swap3A_232 = arith.constant 0 : index
    %swap3A_233 = vector.load %arg29[%swap3A_231, %swap3A_232] : memref<1792x128xf32, #tpu.memory_space<vmem>>, vector<1792x128xf32>
    tpu.vector_store %arg29[%swap3A_231, %swap3A_232], %bitcast_convert_type3A_230 {strides = array<i32>} : memref<1792x128xf32, #tpu.memory_space<vmem>>, vector<1792x128xf32>,
    %get3A_234 = arith.constant 0 : index
    %get3A_235 = arith.constant 0 : index
    %get3A_236 = vector.load %arg21[%get3A_234, %get3A_235] : memref<64x1792xf32, #tpu.memory_space<vmem>>, vector<64x1792xf32>
    %get3A_237 = arith.constant 0 : index
    %get3A_238 = arith.constant 0 : index
    %get3A_239 = vector.load %arg22[%get3A_237, %get3A_238] : memref<64x1792xf32, #tpu.memory_space<vmem>>, vector<64x1792xf32>
    %get3A_240 = arith.constant 0 : index
    %get3A_241 = arith.constant 0 : index
    %get3A_242 = vector.load %arg23[%get3A_240, %get3A_241] : memref<64x1792xf32, #tpu.memory_space<vmem>>, vector<64x1792xf32>
    %get3A_243 = arith.constant 0 : index
    %get3A_244 = arith.constant 0 : index
    %get3A_245 = vector.load %arg24[%get3A_243, %get3A_244] : memref<64x1792xf32, #tpu.memory_space<vmem>>, vector<64x1792xf32>
    %concatenate3A_246 = tpu.concatenate %get3A_236, %get3A_239, %get3A_242, %get3A_245 in 0 : vector<64x1792xf32>, vector<64x1792xf32>, vector<64x1792xf32>, vector<64x1792xf32> -> vector<256x1792xf32>
    %transpose3A_247 = tpu.transpose %concatenate3A_246, [1, 0] : vector<256x1792xf32> -> vector<1792x256xf32>
    %slice3A_248 = vector.extract_strided_slice %transpose3A_247 {offsets = [0, 0], sizes = [1792, 128], strides = [1, 1]} : vector<1792x256xf32> to vector<1792x128xf32>
    %bitcast_convert_type3A_249 = tpu.bitcast %slice3A_248 : vector<1792x128xf32> -> vector<1792x128xi32>
    %shift_right_arithmetic3A_250 = arith.constant 16 : i32
    %shift_right_arithmetic3A_251 = vector.broadcast %shift_right_arithmetic3A_250 : i32 to vector<1792x128xi32>
    %shift_right_arithmetic3A_252 = arith.shrsi %bitcast_convert_type3A_249, %shift_right_arithmetic3A_251 : vector<1792x128xi32>
    %and3A_253 = arith.constant 1 : i32
    %and3A_254 = vector.broadcast %and3A_253 : i32 to vector<1792x128xi32>
    %and3A_255 = arith.andi %shift_right_arithmetic3A_252, %and3A_254 : vector<1792x128xi32>
    %add3A_256 = arith.constant 32767 : i32
    %add3A_257 = vector.broadcast %add3A_256 : i32 to vector<1792x128xi32>
    %add3A_258 = arith.addi %add3A_257, %and3A_255 : vector<1792x128xi32>
    %add3A_259 = arith.addi %bitcast_convert_type3A_249, %add3A_258 : vector<1792x128xi32>
    %shift_right_logical3A_260 = arith.constant 16 : i32
    %shift_right_logical3A_261 = vector.broadcast %shift_right_logical3A_260 : i32 to vector<1792x128xi32>
    %shift_right_logical3A_262 = arith.shrui %add3A_259, %shift_right_logical3A_261 : vector<1792x128xi32>
    %slice3A_263 = vector.extract_strided_slice %transpose3A_247 {offsets = [0, 128], sizes = [1792, 128], strides = [1, 1]} : vector<1792x256xf32> to vector<1792x128xf32>
    %bitcast_convert_type3A_264 = tpu.bitcast %slice3A_263 : vector<1792x128xf32> -> vector<1792x128xi32>
    %shift_right_arithmetic3A_265 = arith.constant 16 : i32
    %shift_right_arithmetic3A_266 = vector.broadcast %shift_right_arithmetic3A_265 : i32 to vector<1792x128xi32>
    %shift_right_arithmetic3A_267 = arith.shrsi %bitcast_convert_type3A_264, %shift_right_arithmetic3A_266 : vector<1792x128xi32>
    %and3A_268 = arith.constant 1 : i32
    %and3A_269 = vector.broadcast %and3A_268 : i32 to vector<1792x128xi32>
    %and3A_270 = arith.andi %shift_right_arithmetic3A_267, %and3A_269 : vector<1792x128xi32>
    %add3A_271 = arith.constant 32767 : i32
    %add3A_272 = vector.broadcast %add3A_271 : i32 to vector<1792x128xi32>
    %add3A_273 = arith.addi %add3A_272, %and3A_270 : vector<1792x128xi32>
    %add3A_274 = arith.addi %bitcast_convert_type3A_264, %add3A_273 : vector<1792x128xi32>
    %and3A_275 = arith.constant -65536 : i32
    %and3A_276 = vector.broadcast %and3A_275 : i32 to vector<1792x128xi32>
    %and3A_277 = arith.andi %add3A_274, %and3A_276 : vector<1792x128xi32>
    %or3A_278 = arith.ori %shift_right_logical3A_262, %and3A_277 : vector<1792x128xi32>
    %bitcast_convert_type3A_279 = tpu.bitcast %or3A_278 : vector<1792x128xi32> -> vector<1792x128xf32>
    %swap3A_280 = arith.constant 0 : index
    %swap3A_281 = arith.constant 0 : index
    %swap3A_282 = vector.load %arg30[%swap3A_280, %swap3A_281] : memref<1792x128xf32, #tpu.memory_space<vmem>>, vector<1792x128xf32>
    tpu.vector_store %arg30[%swap3A_280, %swap3A_281], %bitcast_convert_type3A_279 {strides = array<i32>} : memref<1792x128xf32, #tpu.memory_space<vmem>>, vector<1792x128xf32>,
    return
  }
  func.func @transform_0(%arg0: i32) -> (i32, i32) {
    %c0_i32 = arith.constant 0 : i32
    %c0_i32_0 = arith.constant 0 : i32
    return %c0_i32, %arg0 : i32, i32
  }
  func.func @transform_1(%arg0: i32) -> (i32, i32) {
    %add3A = arith.constant 14 : i32
    %add3A_0 = arith.addi %arg0, %add3A : i32
    %c0_i32 = arith.constant 0 : i32
    %c0_i32_1 = arith.constant 0 : i32
    return %c0_i32, %add3A_0 : i32, i32
  }
  func.func @transform_2(%arg0: i32) -> (i32, i32) {
    %add3A = arith.constant 28 : i32
    %add3A_0 = arith.addi %arg0, %add3A : i32
    %c0_i32 = arith.constant 0 : i32
    %c0_i32_1 = arith.constant 0 : i32
    return %c0_i32, %add3A_0 : i32, i32
  }
  func.func @transform_3(%arg0: i32) -> (i32, i32) {
    %add3A = arith.constant 42 : i32
    %add3A_0 = arith.addi %arg0, %add3A : i32
    %c0_i32 = arith.constant 0 : i32
    %c0_i32_1 = arith.constant 0 : i32
    return %c0_i32, %add3A_0 : i32, i32
  }
  func.func @transform_4(%arg0: i32) -> (i32, i32) {
    %c0_i32 = arith.constant 0 : i32
    %c0_i32_0 = arith.constant 0 : i32
    return %c0_i32, %arg0 : i32, i32
  }
  func.func @transform_5(%arg0: i32) -> (i32, i32) {
    %add3A = arith.constant 14 : i32
    %add3A_0 = arith.addi %arg0, %add3A : i32
    %c0_i32 = arith.constant 0 : i32
    %c0_i32_1 = arith.constant 0 : i32
    return %c0_i32, %add3A_0 : i32, i32
  }
  func.func @transform_6(%arg0: i32) -> (i32, i32) {
    %add3A = arith.constant 28 : i32
    %add3A_0 = arith.addi %arg0, %add3A : i32
    %c0_i32 = arith.constant 0 : i32
    %c0_i32_1 = arith.constant 0 : i32
    return %c0_i32, %add3A_0 : i32, i32
  }
  func.func @transform_7(%arg0: i32) -> (i32, i32) {
    %add3A = arith.constant 42 : i32
    %add3A_0 = arith.addi %arg0, %add3A : i32
    %c0_i32 = arith.constant 0 : i32
    %c0_i32_1 = arith.constant 0 : i32
    return %c0_i32, %add3A_0 : i32, i32
  }
  func.func @transform_8(%arg0: i32) -> (i32, i32) {
    %c0_i32 = arith.constant 0 : i32
    %c0_i32_0 = arith.constant 0 : i32
    return %c0_i32, %arg0 : i32, i32
  }
  func.func @transform_9(%arg0: i32) -> (i32, i32) {
    %add3A = arith.constant 14 : i32
    %add3A_0 = arith.addi %arg0, %add3A : i32
    %c0_i32 = arith.constant 0 : i32
    %c0_i32_1 = arith.constant 0 : i32
    return %c0_i32, %add3A_0 : i32, i32
  }
  func.func @transform_10(%arg0: i32) -> (i32, i32) {
    %add3A = arith.constant 28 : i32
    %add3A_0 = arith.addi %arg0, %add3A : i32
    %c0_i32 = arith.constant 0 : i32
    %c0_i32_1 = arith.constant 0 : i32
    return %c0_i32, %add3A_0 : i32, i32
  }
  func.func @transform_11(%arg0: i32) -> (i32, i32) {
    %add3A = arith.constant 42 : i32
    %add3A_0 = arith.addi %arg0, %add3A : i32
    %c0_i32 = arith.constant 0 : i32
    %c0_i32_1 = arith.constant 0 : i32
    return %c0_i32, %add3A_0 : i32, i32
  }
  func.func @transform_12(%arg0: i32) -> (i32, i32) {
    %c0_i32 = arith.constant 0 : i32
    %c0_i32_0 = arith.constant 0 : i32
    return %c0_i32, %arg0 : i32, i32
  }
  func.func @transform_13(%arg0: i32) -> (i32, i32) {
    %add3A = arith.constant 14 : i32
    %add3A_0 = arith.addi %arg0, %add3A : i32
    %c0_i32 = arith.constant 0 : i32
    %c0_i32_1 = arith.constant 0 : i32
    return %c0_i32, %add3A_0 : i32, i32
  }
  func.func @transform_14(%arg0: i32) -> (i32, i32) {
    %add3A = arith.constant 28 : i32
    %add3A_0 = arith.addi %arg0, %add3A : i32
    %c0_i32 = arith.constant 0 : i32
    %c0_i32_1 = arith.constant 0 : i32
    return %c0_i32, %add3A_0 : i32, i32
  }
  func.func @transform_15(%arg0: i32) -> (i32, i32) {
    %add3A = arith.constant 42 : i32
    %add3A_0 = arith.addi %arg0, %add3A : i32
    %c0_i32 = arith.constant 0 : i32
    %c0_i32_1 = arith.constant 0 : i32
    return %c0_i32, %add3A_0 : i32, i32
  }
  func.func @transform_16(%arg0: i32) -> (i32, i32) {
    %c0_i32 = arith.constant 0 : i32
    %c0_i32_0 = arith.constant 0 : i32
    return %c0_i32, %arg0 : i32, i32
  }
  func.func @transform_17(%arg0: i32) -> (i32, i32) {
    %add3A = arith.constant 14 : i32
    %add3A_0 = arith.addi %arg0, %add3A : i32
    %c0_i32 = arith.constant 0 : i32
    %c0_i32_1 = arith.constant 0 : i32
    return %c0_i32, %add3A_0 : i32, i32
  }
  func.func @transform_18(%arg0: i32) -> (i32, i32) {
    %add3A = arith.constant 28 : i32
    %add3A_0 = arith.addi %arg0, %add3A : i32
    %c0_i32 = arith.constant 0 : i32
    %c0_i32_1 = arith.constant 0 : i32
    return %c0_i32, %add3A_0 : i32, i32
  }
  func.func @transform_19(%arg0: i32) -> (i32, i32) {
    %add3A = arith.constant 42 : i32
    %add3A_0 = arith.addi %arg0, %add3A : i32
    %c0_i32 = arith.constant 0 : i32
    %c0_i32_1 = arith.constant 0 : i32
    return %c0_i32, %add3A_0 : i32, i32
  }
  func.func @transform_20(%arg0: i32) -> (i32, i32) {
    %c0_i32 = arith.constant 0 : i32
    %c0_i32_0 = arith.constant 0 : i32
    return %c0_i32, %arg0 : i32, i32
  }
  func.func @transform_21(%arg0: i32) -> (i32, i32) {
    %add3A = arith.constant 14 : i32
    %add3A_0 = arith.addi %arg0, %add3A : i32
    %c0_i32 = arith.constant 0 : i32
    %c0_i32_1 = arith.constant 0 : i32
    return %c0_i32, %add3A_0 : i32, i32
  }
  func.func @transform_22(%arg0: i32) -> (i32, i32) {
    %add3A = arith.constant 28 : i32
    %add3A_0 = arith.addi %arg0, %add3A : i32
    %c0_i32 = arith.constant 0 : i32
    %c0_i32_1 = arith.constant 0 : i32
    return %c0_i32, %add3A_0 : i32, i32
  }
  func.func @transform_23(%arg0: i32) -> (i32, i32) {
    %add3A = arith.constant 42 : i32
    %add3A_0 = arith.addi %arg0, %add3A : i32
    %c0_i32 = arith.constant 0 : i32
    %c0_i32_1 = arith.constant 0 : i32
    return %c0_i32, %add3A_0 : i32, i32
  }
  func.func @transform_24(%arg0: i32) -> (i32, i32) {
    %c0_i32 = arith.constant 0 : i32
    %c0_i32_0 = arith.constant 0 : i32
    return %arg0, %c0_i32 : i32, i32
  }
  func.func @transform_25(%arg0: i32) -> (i32, i32) {
    %c0_i32 = arith.constant 0 : i32
    %c0_i32_0 = arith.constant 0 : i32
    return %arg0, %c0_i32 : i32, i32
  }
  func.func @transform_26(%arg0: i32) -> (i32, i32) {
    %c0_i32 = arith.constant 0 : i32
    %c0_i32_0 = arith.constant 0 : i32
    return %arg0, %c0_i32 : i32, i32
  }
  func.func @transform_27(%arg0: i32) -> (i32, i32) {
    %c0_i32 = arith.constant 0 : i32
    %c0_i32_0 = arith.constant 0 : i32
    return %arg0, %c0_i32 : i32, i32
  }
  func.func @transform_28(%arg0: i32) -> (i32, i32) {
    %c0_i32 = arith.constant 0 : i32
    %c0_i32_0 = arith.constant 0 : i32
    return %arg0, %c0_i32 : i32, i32
  }
  func.func @transform_29(%arg0: i32) -> (i32, i32) {
    %c0_i32 = arith.constant 0 : i32
    %c0_i32_0 = arith.constant 0 : i32
    return %arg0, %c0_i32 : i32, i32
  }
}

module attributes {stable_mosaic.version = 14 : i64} {
  func.func @body(%arg0: i32, %arg1: memref<6x1024x128xf32, #tpu.memory_space<vmem>>, %arg2: memref<8x1024xf32, #tpu.memory_space<vmem>>, %arg3: memref<6x64x128xf32, #tpu.memory_space<vmem>>, %arg4: memref<1x128xf32, #tpu.memory_space<vmem>>, %arg5: memref<1024x128xf32, #tpu.memory_space<vmem>>) attributes {dimension_semantics = [#tpu.dimension_semantics<arbitrary>], iteration_bounds = array<i64: 16>, scalar_prefetch = 0 : i64, scratch_operands = 0 : i64, tpu.core_type = #tpu.core_type<tc>, window_params = [{transform_indices = @transform_0, window_bounds = array<i64: 6, 1024, 128>}, {transform_indices = @transform_1, window_bounds = array<i64: 8, 1024>}, {pipeline_mode = #tpu.pipeline_mode<synchronous>, transform_indices = @transform_2, window_bounds = array<i64: 6, 64, 128>}, {pipeline_mode = #tpu.pipeline_mode<synchronous>, transform_indices = @transform_3, window_bounds = array<i64: 1, 128>}, {transform_indices = @transform_4, window_bounds = array<i64: 1024, 128>}]} {
    %get3A = arith.constant 0 : index
    %get3A_0 = arith.constant 0 : index
    %get3A_1 = vector.load %arg4[%get3A, %get3A_0] : memref<1x128xf32, #tpu.memory_space<vmem>>, vector<1x128xf32>
    %get3A_2 = vector.shape_cast %get3A_1 : vector<1x128xf32> to vector<128xf32>
    %broadcast_in_dim3A = vector.shape_cast %get3A_2 : vector<128xf32> to vector<1x128xf32>
    %broadcast_in_dim3A_3 = vector.broadcast %broadcast_in_dim3A : vector<1x128xf32> to vector<1024x128xf32>
    %get3A_4 = arith.constant 0 : index
    %get3A_5 = arith.constant 0 : index
    %get3A_6 = arith.constant 0 : index
    %get3A_7 = vector.load %arg1[%get3A_4, %get3A_5, %get3A_6] : memref<6x1024x128xf32, #tpu.memory_space<vmem>>, vector<1x1024x128xf32>
    %get3A_8 = vector.shape_cast %get3A_7 : vector<1x1024x128xf32> to vector<1024x128xf32>
    %bitcast_convert_type3A = tpu.bitcast %get3A_8 : vector<1024x128xf32> -> vector<1024x128xi32>
    %shift_left3A = arith.constant 16 : i32
    %shift_left3A_9 = vector.broadcast %shift_left3A : i32 to vector<1024x128xi32>
    %shift_left3A_10 = arith.shli %bitcast_convert_type3A, %shift_left3A_9 : vector<1024x128xi32>
    %bitcast_convert_type3A_11 = tpu.bitcast %shift_left3A_10 : vector<1024x128xi32> -> vector<1024x128xf32>
    %and3A = arith.constant -65536 : i32
    %and3A_12 = vector.broadcast %and3A : i32 to vector<1024x128xi32>
    %and3A_13 = arith.andi %bitcast_convert_type3A, %and3A_12 : vector<1024x128xi32>
    %bitcast_convert_type3A_14 = tpu.bitcast %and3A_13 : vector<1024x128xi32> -> vector<1024x128xf32>
    %get3A_15 = arith.constant 0 : index
    %get3A_16 = arith.constant 0 : index
    %get3A_17 = vector.load %arg2[%get3A_15, %get3A_16] : memref<8x1024xf32, #tpu.memory_space<vmem>>, vector<1x1024xf32>
    %get3A_18 = vector.shape_cast %get3A_17 : vector<1x1024xf32> to vector<1024xf32>
    %broadcast_in_dim3A_19 = vector.shape_cast %get3A_18 : vector<1024xf32> to vector<1024x1xf32>
    %slice3A = vector.extract_strided_slice %bitcast_convert_type3A_11 {offsets = [0, 0], sizes = [1024, 64], strides = [1, 1]} : vector<1024x128xf32> to vector<1024x64xf32>
    %eq3A = arith.constant 0.000000e+00 : f32
    %eq3A_20 = vector.broadcast %eq3A : f32 to vector<1024x1xf32>
    %eq3A_21 = arith.cmpf oeq, %broadcast_in_dim3A_19, %eq3A_20 : vector<1024x1xf32>
    %convert_element_type3A = arith.extui %eq3A_21 : vector<1024x1xi1> to vector<1024x1xi32>
    %convert_element_type3A_22 = arith.sitofp %convert_element_type3A : vector<1024x1xi32> to vector<1024x1xf32>
    %mul3A = vector.broadcast %convert_element_type3A_22 : vector<1024x1xf32> to vector<1024x64xf32>
    %mul3A_23 = arith.mulf %slice3A, %mul3A : vector<1024x64xf32>
    %slice3A_24 = vector.extract_strided_slice %bitcast_convert_type3A_11 {offsets = [0, 64], sizes = [1024, 64], strides = [1, 1]} : vector<1024x128xf32> to vector<1024x64xf32>
    %eq3A_25 = arith.constant 1.000000e+00 : f32
    %eq3A_26 = vector.broadcast %eq3A_25 : f32 to vector<1024x1xf32>
    %eq3A_27 = arith.cmpf oeq, %broadcast_in_dim3A_19, %eq3A_26 : vector<1024x1xf32>
    %convert_element_type3A_28 = arith.extui %eq3A_27 : vector<1024x1xi1> to vector<1024x1xi32>
    %convert_element_type3A_29 = arith.sitofp %convert_element_type3A_28 : vector<1024x1xi32> to vector<1024x1xf32>
    %mul3A_30 = vector.broadcast %convert_element_type3A_29 : vector<1024x1xf32> to vector<1024x64xf32>
    %mul3A_31 = arith.mulf %slice3A_24, %mul3A_30 : vector<1024x64xf32>
    %add3A = arith.addf %mul3A_23, %mul3A_31 : vector<1024x64xf32>
    %slice3A_32 = vector.extract_strided_slice %bitcast_convert_type3A_14 {offsets = [0, 0], sizes = [1024, 64], strides = [1, 1]} : vector<1024x128xf32> to vector<1024x64xf32>
    %eq3A_33 = arith.constant 2.000000e+00 : f32
    %eq3A_34 = vector.broadcast %eq3A_33 : f32 to vector<1024x1xf32>
    %eq3A_35 = arith.cmpf oeq, %broadcast_in_dim3A_19, %eq3A_34 : vector<1024x1xf32>
    %convert_element_type3A_36 = arith.extui %eq3A_35 : vector<1024x1xi1> to vector<1024x1xi32>
    %convert_element_type3A_37 = arith.sitofp %convert_element_type3A_36 : vector<1024x1xi32> to vector<1024x1xf32>
    %mul3A_38 = vector.broadcast %convert_element_type3A_37 : vector<1024x1xf32> to vector<1024x64xf32>
    %mul3A_39 = arith.mulf %slice3A_32, %mul3A_38 : vector<1024x64xf32>
    %add3A_40 = arith.addf %add3A, %mul3A_39 : vector<1024x64xf32>
    %slice3A_41 = vector.extract_strided_slice %bitcast_convert_type3A_14 {offsets = [0, 64], sizes = [1024, 64], strides = [1, 1]} : vector<1024x128xf32> to vector<1024x64xf32>
    %eq3A_42 = arith.constant 3.000000e+00 : f32
    %eq3A_43 = vector.broadcast %eq3A_42 : f32 to vector<1024x1xf32>
    %eq3A_44 = arith.cmpf oeq, %broadcast_in_dim3A_19, %eq3A_43 : vector<1024x1xf32>
    %convert_element_type3A_45 = arith.extui %eq3A_44 : vector<1024x1xi1> to vector<1024x1xi32>
    %convert_element_type3A_46 = arith.sitofp %convert_element_type3A_45 : vector<1024x1xi32> to vector<1024x1xf32>
    %mul3A_47 = vector.broadcast %convert_element_type3A_46 : vector<1024x1xf32> to vector<1024x64xf32>
    %mul3A_48 = arith.mulf %slice3A_41, %mul3A_47 : vector<1024x64xf32>
    %add3A_49 = arith.addf %add3A_40, %mul3A_48 : vector<1024x64xf32>
    %get3A_50 = arith.constant 0 : index
    %get3A_51 = arith.constant 0 : index
    %get3A_52 = arith.constant 0 : index
    %get3A_53 = vector.load %arg3[%get3A_50, %get3A_51, %get3A_52] : memref<6x64x128xf32, #tpu.memory_space<vmem>>, vector<1x64x128xf32>
    %get3A_54 = vector.shape_cast %get3A_53 : vector<1x64x128xf32> to vector<64x128xf32>
    %dot_general3A = arith.constant dense<0.000000e+00> : vector<1024x128xf32>
    %dot_general3A_55 = tpu.matmul %add3A_49, %get3A_54, %dot_general3A {dimension_numbers = #tpu.dot_dimension_numbers<[1], [0], [0], [1], [0, 0, 1, 1], [], []>, transpose_lhs_hint = false} : vector<1024x64xf32>, vector<64x128xf32>, vector<1024x128xf32> -> vector<1024x128xf32>
    %add3A_56 = arith.addf %broadcast_in_dim3A_3, %dot_general3A_55 : vector<1024x128xf32>
    %get3A_57 = arith.constant 1 : index
    %get3A_58 = arith.constant 0 : index
    %get3A_59 = arith.constant 0 : index
    %get3A_60 = vector.load %arg1[%get3A_57, %get3A_58, %get3A_59] : memref<6x1024x128xf32, #tpu.memory_space<vmem>>, vector<1x1024x128xf32>
    %get3A_61 = vector.shape_cast %get3A_60 : vector<1x1024x128xf32> to vector<1024x128xf32>
    %bitcast_convert_type3A_62 = tpu.bitcast %get3A_61 : vector<1024x128xf32> -> vector<1024x128xi32>
    %shift_left3A_63 = arith.constant 16 : i32
    %shift_left3A_64 = vector.broadcast %shift_left3A_63 : i32 to vector<1024x128xi32>
    %shift_left3A_65 = arith.shli %bitcast_convert_type3A_62, %shift_left3A_64 : vector<1024x128xi32>
    %bitcast_convert_type3A_66 = tpu.bitcast %shift_left3A_65 : vector<1024x128xi32> -> vector<1024x128xf32>
    %and3A_67 = arith.constant -65536 : i32
    %and3A_68 = vector.broadcast %and3A_67 : i32 to vector<1024x128xi32>
    %and3A_69 = arith.andi %bitcast_convert_type3A_62, %and3A_68 : vector<1024x128xi32>
    %bitcast_convert_type3A_70 = tpu.bitcast %and3A_69 : vector<1024x128xi32> -> vector<1024x128xf32>
    %get3A_71 = arith.constant 1 : index
    %get3A_72 = arith.constant 0 : index
    %get3A_73 = vector.load %arg2[%get3A_71, %get3A_72] : memref<8x1024xf32, #tpu.memory_space<vmem>>, vector<1x1024xf32>
    %get3A_74 = vector.shape_cast %get3A_73 : vector<1x1024xf32> to vector<1024xf32>
    %broadcast_in_dim3A_75 = vector.shape_cast %get3A_74 : vector<1024xf32> to vector<1024x1xf32>
    %slice3A_76 = vector.extract_strided_slice %bitcast_convert_type3A_66 {offsets = [0, 0], sizes = [1024, 64], strides = [1, 1]} : vector<1024x128xf32> to vector<1024x64xf32>
    %eq3A_77 = arith.constant 0.000000e+00 : f32
    %eq3A_78 = vector.broadcast %eq3A_77 : f32 to vector<1024x1xf32>
    %eq3A_79 = arith.cmpf oeq, %broadcast_in_dim3A_75, %eq3A_78 : vector<1024x1xf32>
    %convert_element_type3A_80 = arith.extui %eq3A_79 : vector<1024x1xi1> to vector<1024x1xi32>
    %convert_element_type3A_81 = arith.sitofp %convert_element_type3A_80 : vector<1024x1xi32> to vector<1024x1xf32>
    %mul3A_82 = vector.broadcast %convert_element_type3A_81 : vector<1024x1xf32> to vector<1024x64xf32>
    %mul3A_83 = arith.mulf %slice3A_76, %mul3A_82 : vector<1024x64xf32>
    %slice3A_84 = vector.extract_strided_slice %bitcast_convert_type3A_66 {offsets = [0, 64], sizes = [1024, 64], strides = [1, 1]} : vector<1024x128xf32> to vector<1024x64xf32>
    %eq3A_85 = arith.constant 1.000000e+00 : f32
    %eq3A_86 = vector.broadcast %eq3A_85 : f32 to vector<1024x1xf32>
    %eq3A_87 = arith.cmpf oeq, %broadcast_in_dim3A_75, %eq3A_86 : vector<1024x1xf32>
    %convert_element_type3A_88 = arith.extui %eq3A_87 : vector<1024x1xi1> to vector<1024x1xi32>
    %convert_element_type3A_89 = arith.sitofp %convert_element_type3A_88 : vector<1024x1xi32> to vector<1024x1xf32>
    %mul3A_90 = vector.broadcast %convert_element_type3A_89 : vector<1024x1xf32> to vector<1024x64xf32>
    %mul3A_91 = arith.mulf %slice3A_84, %mul3A_90 : vector<1024x64xf32>
    %add3A_92 = arith.addf %mul3A_83, %mul3A_91 : vector<1024x64xf32>
    %slice3A_93 = vector.extract_strided_slice %bitcast_convert_type3A_70 {offsets = [0, 0], sizes = [1024, 64], strides = [1, 1]} : vector<1024x128xf32> to vector<1024x64xf32>
    %eq3A_94 = arith.constant 2.000000e+00 : f32
    %eq3A_95 = vector.broadcast %eq3A_94 : f32 to vector<1024x1xf32>
    %eq3A_96 = arith.cmpf oeq, %broadcast_in_dim3A_75, %eq3A_95 : vector<1024x1xf32>
    %convert_element_type3A_97 = arith.extui %eq3A_96 : vector<1024x1xi1> to vector<1024x1xi32>
    %convert_element_type3A_98 = arith.sitofp %convert_element_type3A_97 : vector<1024x1xi32> to vector<1024x1xf32>
    %mul3A_99 = vector.broadcast %convert_element_type3A_98 : vector<1024x1xf32> to vector<1024x64xf32>
    %mul3A_100 = arith.mulf %slice3A_93, %mul3A_99 : vector<1024x64xf32>
    %add3A_101 = arith.addf %add3A_92, %mul3A_100 : vector<1024x64xf32>
    %slice3A_102 = vector.extract_strided_slice %bitcast_convert_type3A_70 {offsets = [0, 64], sizes = [1024, 64], strides = [1, 1]} : vector<1024x128xf32> to vector<1024x64xf32>
    %eq3A_103 = arith.constant 3.000000e+00 : f32
    %eq3A_104 = vector.broadcast %eq3A_103 : f32 to vector<1024x1xf32>
    %eq3A_105 = arith.cmpf oeq, %broadcast_in_dim3A_75, %eq3A_104 : vector<1024x1xf32>
    %convert_element_type3A_106 = arith.extui %eq3A_105 : vector<1024x1xi1> to vector<1024x1xi32>
    %convert_element_type3A_107 = arith.sitofp %convert_element_type3A_106 : vector<1024x1xi32> to vector<1024x1xf32>
    %mul3A_108 = vector.broadcast %convert_element_type3A_107 : vector<1024x1xf32> to vector<1024x64xf32>
    %mul3A_109 = arith.mulf %slice3A_102, %mul3A_108 : vector<1024x64xf32>
    %add3A_110 = arith.addf %add3A_101, %mul3A_109 : vector<1024x64xf32>
    %get3A_111 = arith.constant 1 : index
    %get3A_112 = arith.constant 0 : index
    %get3A_113 = arith.constant 0 : index
    %get3A_114 = vector.load %arg3[%get3A_111, %get3A_112, %get3A_113] : memref<6x64x128xf32, #tpu.memory_space<vmem>>, vector<1x64x128xf32>
    %get3A_115 = vector.shape_cast %get3A_114 : vector<1x64x128xf32> to vector<64x128xf32>
    %dot_general3A_116 = arith.constant dense<0.000000e+00> : vector<1024x128xf32>
    %dot_general3A_117 = tpu.matmul %add3A_110, %get3A_115, %dot_general3A_116 {dimension_numbers = #tpu.dot_dimension_numbers<[1], [0], [0], [1], [0, 0, 1, 1], [], []>, transpose_lhs_hint = false} : vector<1024x64xf32>, vector<64x128xf32>, vector<1024x128xf32> -> vector<1024x128xf32>
    %add3A_118 = arith.addf %add3A_56, %dot_general3A_117 : vector<1024x128xf32>
    %get3A_119 = arith.constant 2 : index
    %get3A_120 = arith.constant 0 : index
    %get3A_121 = arith.constant 0 : index
    %get3A_122 = vector.load %arg1[%get3A_119, %get3A_120, %get3A_121] : memref<6x1024x128xf32, #tpu.memory_space<vmem>>, vector<1x1024x128xf32>
    %get3A_123 = vector.shape_cast %get3A_122 : vector<1x1024x128xf32> to vector<1024x128xf32>
    %bitcast_convert_type3A_124 = tpu.bitcast %get3A_123 : vector<1024x128xf32> -> vector<1024x128xi32>
    %shift_left3A_125 = arith.constant 16 : i32
    %shift_left3A_126 = vector.broadcast %shift_left3A_125 : i32 to vector<1024x128xi32>
    %shift_left3A_127 = arith.shli %bitcast_convert_type3A_124, %shift_left3A_126 : vector<1024x128xi32>
    %bitcast_convert_type3A_128 = tpu.bitcast %shift_left3A_127 : vector<1024x128xi32> -> vector<1024x128xf32>
    %and3A_129 = arith.constant -65536 : i32
    %and3A_130 = vector.broadcast %and3A_129 : i32 to vector<1024x128xi32>
    %and3A_131 = arith.andi %bitcast_convert_type3A_124, %and3A_130 : vector<1024x128xi32>
    %bitcast_convert_type3A_132 = tpu.bitcast %and3A_131 : vector<1024x128xi32> -> vector<1024x128xf32>
    %get3A_133 = arith.constant 2 : index
    %get3A_134 = arith.constant 0 : index
    %get3A_135 = vector.load %arg2[%get3A_133, %get3A_134] : memref<8x1024xf32, #tpu.memory_space<vmem>>, vector<1x1024xf32>
    %get3A_136 = vector.shape_cast %get3A_135 : vector<1x1024xf32> to vector<1024xf32>
    %broadcast_in_dim3A_137 = vector.shape_cast %get3A_136 : vector<1024xf32> to vector<1024x1xf32>
    %slice3A_138 = vector.extract_strided_slice %bitcast_convert_type3A_128 {offsets = [0, 0], sizes = [1024, 64], strides = [1, 1]} : vector<1024x128xf32> to vector<1024x64xf32>
    %eq3A_139 = arith.constant 0.000000e+00 : f32
    %eq3A_140 = vector.broadcast %eq3A_139 : f32 to vector<1024x1xf32>
    %eq3A_141 = arith.cmpf oeq, %broadcast_in_dim3A_137, %eq3A_140 : vector<1024x1xf32>
    %convert_element_type3A_142 = arith.extui %eq3A_141 : vector<1024x1xi1> to vector<1024x1xi32>
    %convert_element_type3A_143 = arith.sitofp %convert_element_type3A_142 : vector<1024x1xi32> to vector<1024x1xf32>
    %mul3A_144 = vector.broadcast %convert_element_type3A_143 : vector<1024x1xf32> to vector<1024x64xf32>
    %mul3A_145 = arith.mulf %slice3A_138, %mul3A_144 : vector<1024x64xf32>
    %slice3A_146 = vector.extract_strided_slice %bitcast_convert_type3A_128 {offsets = [0, 64], sizes = [1024, 64], strides = [1, 1]} : vector<1024x128xf32> to vector<1024x64xf32>
    %eq3A_147 = arith.constant 1.000000e+00 : f32
    %eq3A_148 = vector.broadcast %eq3A_147 : f32 to vector<1024x1xf32>
    %eq3A_149 = arith.cmpf oeq, %broadcast_in_dim3A_137, %eq3A_148 : vector<1024x1xf32>
    %convert_element_type3A_150 = arith.extui %eq3A_149 : vector<1024x1xi1> to vector<1024x1xi32>
    %convert_element_type3A_151 = arith.sitofp %convert_element_type3A_150 : vector<1024x1xi32> to vector<1024x1xf32>
    %mul3A_152 = vector.broadcast %convert_element_type3A_151 : vector<1024x1xf32> to vector<1024x64xf32>
    %mul3A_153 = arith.mulf %slice3A_146, %mul3A_152 : vector<1024x64xf32>
    %add3A_154 = arith.addf %mul3A_145, %mul3A_153 : vector<1024x64xf32>
    %slice3A_155 = vector.extract_strided_slice %bitcast_convert_type3A_132 {offsets = [0, 0], sizes = [1024, 64], strides = [1, 1]} : vector<1024x128xf32> to vector<1024x64xf32>
    %eq3A_156 = arith.constant 2.000000e+00 : f32
    %eq3A_157 = vector.broadcast %eq3A_156 : f32 to vector<1024x1xf32>
    %eq3A_158 = arith.cmpf oeq, %broadcast_in_dim3A_137, %eq3A_157 : vector<1024x1xf32>
    %convert_element_type3A_159 = arith.extui %eq3A_158 : vector<1024x1xi1> to vector<1024x1xi32>
    %convert_element_type3A_160 = arith.sitofp %convert_element_type3A_159 : vector<1024x1xi32> to vector<1024x1xf32>
    %mul3A_161 = vector.broadcast %convert_element_type3A_160 : vector<1024x1xf32> to vector<1024x64xf32>
    %mul3A_162 = arith.mulf %slice3A_155, %mul3A_161 : vector<1024x64xf32>
    %add3A_163 = arith.addf %add3A_154, %mul3A_162 : vector<1024x64xf32>
    %slice3A_164 = vector.extract_strided_slice %bitcast_convert_type3A_132 {offsets = [0, 64], sizes = [1024, 64], strides = [1, 1]} : vector<1024x128xf32> to vector<1024x64xf32>
    %eq3A_165 = arith.constant 3.000000e+00 : f32
    %eq3A_166 = vector.broadcast %eq3A_165 : f32 to vector<1024x1xf32>
    %eq3A_167 = arith.cmpf oeq, %broadcast_in_dim3A_137, %eq3A_166 : vector<1024x1xf32>
    %convert_element_type3A_168 = arith.extui %eq3A_167 : vector<1024x1xi1> to vector<1024x1xi32>
    %convert_element_type3A_169 = arith.sitofp %convert_element_type3A_168 : vector<1024x1xi32> to vector<1024x1xf32>
    %mul3A_170 = vector.broadcast %convert_element_type3A_169 : vector<1024x1xf32> to vector<1024x64xf32>
    %mul3A_171 = arith.mulf %slice3A_164, %mul3A_170 : vector<1024x64xf32>
    %add3A_172 = arith.addf %add3A_163, %mul3A_171 : vector<1024x64xf32>
    %get3A_173 = arith.constant 2 : index
    %get3A_174 = arith.constant 0 : index
    %get3A_175 = arith.constant 0 : index
    %get3A_176 = vector.load %arg3[%get3A_173, %get3A_174, %get3A_175] : memref<6x64x128xf32, #tpu.memory_space<vmem>>, vector<1x64x128xf32>
    %get3A_177 = vector.shape_cast %get3A_176 : vector<1x64x128xf32> to vector<64x128xf32>
    %dot_general3A_178 = arith.constant dense<0.000000e+00> : vector<1024x128xf32>
    %dot_general3A_179 = tpu.matmul %add3A_172, %get3A_177, %dot_general3A_178 {dimension_numbers = #tpu.dot_dimension_numbers<[1], [0], [0], [1], [0, 0, 1, 1], [], []>, transpose_lhs_hint = false} : vector<1024x64xf32>, vector<64x128xf32>, vector<1024x128xf32> -> vector<1024x128xf32>
    %add3A_180 = arith.addf %add3A_118, %dot_general3A_179 : vector<1024x128xf32>
    %get3A_181 = arith.constant 3 : index
    %get3A_182 = arith.constant 0 : index
    %get3A_183 = arith.constant 0 : index
    %get3A_184 = vector.load %arg1[%get3A_181, %get3A_182, %get3A_183] : memref<6x1024x128xf32, #tpu.memory_space<vmem>>, vector<1x1024x128xf32>
    %get3A_185 = vector.shape_cast %get3A_184 : vector<1x1024x128xf32> to vector<1024x128xf32>
    %bitcast_convert_type3A_186 = tpu.bitcast %get3A_185 : vector<1024x128xf32> -> vector<1024x128xi32>
    %shift_left3A_187 = arith.constant 16 : i32
    %shift_left3A_188 = vector.broadcast %shift_left3A_187 : i32 to vector<1024x128xi32>
    %shift_left3A_189 = arith.shli %bitcast_convert_type3A_186, %shift_left3A_188 : vector<1024x128xi32>
    %bitcast_convert_type3A_190 = tpu.bitcast %shift_left3A_189 : vector<1024x128xi32> -> vector<1024x128xf32>
    %and3A_191 = arith.constant -65536 : i32
    %and3A_192 = vector.broadcast %and3A_191 : i32 to vector<1024x128xi32>
    %and3A_193 = arith.andi %bitcast_convert_type3A_186, %and3A_192 : vector<1024x128xi32>
    %bitcast_convert_type3A_194 = tpu.bitcast %and3A_193 : vector<1024x128xi32> -> vector<1024x128xf32>
    %get3A_195 = arith.constant 3 : index
    %get3A_196 = arith.constant 0 : index
    %get3A_197 = vector.load %arg2[%get3A_195, %get3A_196] : memref<8x1024xf32, #tpu.memory_space<vmem>>, vector<1x1024xf32>
    %get3A_198 = vector.shape_cast %get3A_197 : vector<1x1024xf32> to vector<1024xf32>
    %broadcast_in_dim3A_199 = vector.shape_cast %get3A_198 : vector<1024xf32> to vector<1024x1xf32>
    %slice3A_200 = vector.extract_strided_slice %bitcast_convert_type3A_190 {offsets = [0, 0], sizes = [1024, 64], strides = [1, 1]} : vector<1024x128xf32> to vector<1024x64xf32>
    %eq3A_201 = arith.constant 0.000000e+00 : f32
    %eq3A_202 = vector.broadcast %eq3A_201 : f32 to vector<1024x1xf32>
    %eq3A_203 = arith.cmpf oeq, %broadcast_in_dim3A_199, %eq3A_202 : vector<1024x1xf32>
    %convert_element_type3A_204 = arith.extui %eq3A_203 : vector<1024x1xi1> to vector<1024x1xi32>
    %convert_element_type3A_205 = arith.sitofp %convert_element_type3A_204 : vector<1024x1xi32> to vector<1024x1xf32>
    %mul3A_206 = vector.broadcast %convert_element_type3A_205 : vector<1024x1xf32> to vector<1024x64xf32>
    %mul3A_207 = arith.mulf %slice3A_200, %mul3A_206 : vector<1024x64xf32>
    %slice3A_208 = vector.extract_strided_slice %bitcast_convert_type3A_190 {offsets = [0, 64], sizes = [1024, 64], strides = [1, 1]} : vector<1024x128xf32> to vector<1024x64xf32>
    %eq3A_209 = arith.constant 1.000000e+00 : f32
    %eq3A_210 = vector.broadcast %eq3A_209 : f32 to vector<1024x1xf32>
    %eq3A_211 = arith.cmpf oeq, %broadcast_in_dim3A_199, %eq3A_210 : vector<1024x1xf32>
    %convert_element_type3A_212 = arith.extui %eq3A_211 : vector<1024x1xi1> to vector<1024x1xi32>
    %convert_element_type3A_213 = arith.sitofp %convert_element_type3A_212 : vector<1024x1xi32> to vector<1024x1xf32>
    %mul3A_214 = vector.broadcast %convert_element_type3A_213 : vector<1024x1xf32> to vector<1024x64xf32>
    %mul3A_215 = arith.mulf %slice3A_208, %mul3A_214 : vector<1024x64xf32>
    %add3A_216 = arith.addf %mul3A_207, %mul3A_215 : vector<1024x64xf32>
    %slice3A_217 = vector.extract_strided_slice %bitcast_convert_type3A_194 {offsets = [0, 0], sizes = [1024, 64], strides = [1, 1]} : vector<1024x128xf32> to vector<1024x64xf32>
    %eq3A_218 = arith.constant 2.000000e+00 : f32
    %eq3A_219 = vector.broadcast %eq3A_218 : f32 to vector<1024x1xf32>
    %eq3A_220 = arith.cmpf oeq, %broadcast_in_dim3A_199, %eq3A_219 : vector<1024x1xf32>
    %convert_element_type3A_221 = arith.extui %eq3A_220 : vector<1024x1xi1> to vector<1024x1xi32>
    %convert_element_type3A_222 = arith.sitofp %convert_element_type3A_221 : vector<1024x1xi32> to vector<1024x1xf32>
    %mul3A_223 = vector.broadcast %convert_element_type3A_222 : vector<1024x1xf32> to vector<1024x64xf32>
    %mul3A_224 = arith.mulf %slice3A_217, %mul3A_223 : vector<1024x64xf32>
    %add3A_225 = arith.addf %add3A_216, %mul3A_224 : vector<1024x64xf32>
    %slice3A_226 = vector.extract_strided_slice %bitcast_convert_type3A_194 {offsets = [0, 64], sizes = [1024, 64], strides = [1, 1]} : vector<1024x128xf32> to vector<1024x64xf32>
    %eq3A_227 = arith.constant 3.000000e+00 : f32
    %eq3A_228 = vector.broadcast %eq3A_227 : f32 to vector<1024x1xf32>
    %eq3A_229 = arith.cmpf oeq, %broadcast_in_dim3A_199, %eq3A_228 : vector<1024x1xf32>
    %convert_element_type3A_230 = arith.extui %eq3A_229 : vector<1024x1xi1> to vector<1024x1xi32>
    %convert_element_type3A_231 = arith.sitofp %convert_element_type3A_230 : vector<1024x1xi32> to vector<1024x1xf32>
    %mul3A_232 = vector.broadcast %convert_element_type3A_231 : vector<1024x1xf32> to vector<1024x64xf32>
    %mul3A_233 = arith.mulf %slice3A_226, %mul3A_232 : vector<1024x64xf32>
    %add3A_234 = arith.addf %add3A_225, %mul3A_233 : vector<1024x64xf32>
    %get3A_235 = arith.constant 3 : index
    %get3A_236 = arith.constant 0 : index
    %get3A_237 = arith.constant 0 : index
    %get3A_238 = vector.load %arg3[%get3A_235, %get3A_236, %get3A_237] : memref<6x64x128xf32, #tpu.memory_space<vmem>>, vector<1x64x128xf32>
    %get3A_239 = vector.shape_cast %get3A_238 : vector<1x64x128xf32> to vector<64x128xf32>
    %dot_general3A_240 = arith.constant dense<0.000000e+00> : vector<1024x128xf32>
    %dot_general3A_241 = tpu.matmul %add3A_234, %get3A_239, %dot_general3A_240 {dimension_numbers = #tpu.dot_dimension_numbers<[1], [0], [0], [1], [0, 0, 1, 1], [], []>, transpose_lhs_hint = false} : vector<1024x64xf32>, vector<64x128xf32>, vector<1024x128xf32> -> vector<1024x128xf32>
    %add3A_242 = arith.addf %add3A_180, %dot_general3A_241 : vector<1024x128xf32>
    %get3A_243 = arith.constant 4 : index
    %get3A_244 = arith.constant 0 : index
    %get3A_245 = arith.constant 0 : index
    %get3A_246 = vector.load %arg1[%get3A_243, %get3A_244, %get3A_245] : memref<6x1024x128xf32, #tpu.memory_space<vmem>>, vector<1x1024x128xf32>
    %get3A_247 = vector.shape_cast %get3A_246 : vector<1x1024x128xf32> to vector<1024x128xf32>
    %bitcast_convert_type3A_248 = tpu.bitcast %get3A_247 : vector<1024x128xf32> -> vector<1024x128xi32>
    %shift_left3A_249 = arith.constant 16 : i32
    %shift_left3A_250 = vector.broadcast %shift_left3A_249 : i32 to vector<1024x128xi32>
    %shift_left3A_251 = arith.shli %bitcast_convert_type3A_248, %shift_left3A_250 : vector<1024x128xi32>
    %bitcast_convert_type3A_252 = tpu.bitcast %shift_left3A_251 : vector<1024x128xi32> -> vector<1024x128xf32>
    %and3A_253 = arith.constant -65536 : i32
    %and3A_254 = vector.broadcast %and3A_253 : i32 to vector<1024x128xi32>
    %and3A_255 = arith.andi %bitcast_convert_type3A_248, %and3A_254 : vector<1024x128xi32>
    %bitcast_convert_type3A_256 = tpu.bitcast %and3A_255 : vector<1024x128xi32> -> vector<1024x128xf32>
    %get3A_257 = arith.constant 4 : index
    %get3A_258 = arith.constant 0 : index
    %get3A_259 = vector.load %arg2[%get3A_257, %get3A_258] : memref<8x1024xf32, #tpu.memory_space<vmem>>, vector<1x1024xf32>
    %get3A_260 = vector.shape_cast %get3A_259 : vector<1x1024xf32> to vector<1024xf32>
    %broadcast_in_dim3A_261 = vector.shape_cast %get3A_260 : vector<1024xf32> to vector<1024x1xf32>
    %slice3A_262 = vector.extract_strided_slice %bitcast_convert_type3A_252 {offsets = [0, 0], sizes = [1024, 64], strides = [1, 1]} : vector<1024x128xf32> to vector<1024x64xf32>
    %eq3A_263 = arith.constant 0.000000e+00 : f32
    %eq3A_264 = vector.broadcast %eq3A_263 : f32 to vector<1024x1xf32>
    %eq3A_265 = arith.cmpf oeq, %broadcast_in_dim3A_261, %eq3A_264 : vector<1024x1xf32>
    %convert_element_type3A_266 = arith.extui %eq3A_265 : vector<1024x1xi1> to vector<1024x1xi32>
    %convert_element_type3A_267 = arith.sitofp %convert_element_type3A_266 : vector<1024x1xi32> to vector<1024x1xf32>
    %mul3A_268 = vector.broadcast %convert_element_type3A_267 : vector<1024x1xf32> to vector<1024x64xf32>
    %mul3A_269 = arith.mulf %slice3A_262, %mul3A_268 : vector<1024x64xf32>
    %slice3A_270 = vector.extract_strided_slice %bitcast_convert_type3A_252 {offsets = [0, 64], sizes = [1024, 64], strides = [1, 1]} : vector<1024x128xf32> to vector<1024x64xf32>
    %eq3A_271 = arith.constant 1.000000e+00 : f32
    %eq3A_272 = vector.broadcast %eq3A_271 : f32 to vector<1024x1xf32>
    %eq3A_273 = arith.cmpf oeq, %broadcast_in_dim3A_261, %eq3A_272 : vector<1024x1xf32>
    %convert_element_type3A_274 = arith.extui %eq3A_273 : vector<1024x1xi1> to vector<1024x1xi32>
    %convert_element_type3A_275 = arith.sitofp %convert_element_type3A_274 : vector<1024x1xi32> to vector<1024x1xf32>
    %mul3A_276 = vector.broadcast %convert_element_type3A_275 : vector<1024x1xf32> to vector<1024x64xf32>
    %mul3A_277 = arith.mulf %slice3A_270, %mul3A_276 : vector<1024x64xf32>
    %add3A_278 = arith.addf %mul3A_269, %mul3A_277 : vector<1024x64xf32>
    %slice3A_279 = vector.extract_strided_slice %bitcast_convert_type3A_256 {offsets = [0, 0], sizes = [1024, 64], strides = [1, 1]} : vector<1024x128xf32> to vector<1024x64xf32>
    %eq3A_280 = arith.constant 2.000000e+00 : f32
    %eq3A_281 = vector.broadcast %eq3A_280 : f32 to vector<1024x1xf32>
    %eq3A_282 = arith.cmpf oeq, %broadcast_in_dim3A_261, %eq3A_281 : vector<1024x1xf32>
    %convert_element_type3A_283 = arith.extui %eq3A_282 : vector<1024x1xi1> to vector<1024x1xi32>
    %convert_element_type3A_284 = arith.sitofp %convert_element_type3A_283 : vector<1024x1xi32> to vector<1024x1xf32>
    %mul3A_285 = vector.broadcast %convert_element_type3A_284 : vector<1024x1xf32> to vector<1024x64xf32>
    %mul3A_286 = arith.mulf %slice3A_279, %mul3A_285 : vector<1024x64xf32>
    %add3A_287 = arith.addf %add3A_278, %mul3A_286 : vector<1024x64xf32>
    %slice3A_288 = vector.extract_strided_slice %bitcast_convert_type3A_256 {offsets = [0, 64], sizes = [1024, 64], strides = [1, 1]} : vector<1024x128xf32> to vector<1024x64xf32>
    %eq3A_289 = arith.constant 3.000000e+00 : f32
    %eq3A_290 = vector.broadcast %eq3A_289 : f32 to vector<1024x1xf32>
    %eq3A_291 = arith.cmpf oeq, %broadcast_in_dim3A_261, %eq3A_290 : vector<1024x1xf32>
    %convert_element_type3A_292 = arith.extui %eq3A_291 : vector<1024x1xi1> to vector<1024x1xi32>
    %convert_element_type3A_293 = arith.sitofp %convert_element_type3A_292 : vector<1024x1xi32> to vector<1024x1xf32>
    %mul3A_294 = vector.broadcast %convert_element_type3A_293 : vector<1024x1xf32> to vector<1024x64xf32>
    %mul3A_295 = arith.mulf %slice3A_288, %mul3A_294 : vector<1024x64xf32>
    %add3A_296 = arith.addf %add3A_287, %mul3A_295 : vector<1024x64xf32>
    %get3A_297 = arith.constant 4 : index
    %get3A_298 = arith.constant 0 : index
    %get3A_299 = arith.constant 0 : index
    %get3A_300 = vector.load %arg3[%get3A_297, %get3A_298, %get3A_299] : memref<6x64x128xf32, #tpu.memory_space<vmem>>, vector<1x64x128xf32>
    %get3A_301 = vector.shape_cast %get3A_300 : vector<1x64x128xf32> to vector<64x128xf32>
    %dot_general3A_302 = arith.constant dense<0.000000e+00> : vector<1024x128xf32>
    %dot_general3A_303 = tpu.matmul %add3A_296, %get3A_301, %dot_general3A_302 {dimension_numbers = #tpu.dot_dimension_numbers<[1], [0], [0], [1], [0, 0, 1, 1], [], []>, transpose_lhs_hint = false} : vector<1024x64xf32>, vector<64x128xf32>, vector<1024x128xf32> -> vector<1024x128xf32>
    %add3A_304 = arith.addf %add3A_242, %dot_general3A_303 : vector<1024x128xf32>
    %get3A_305 = arith.constant 5 : index
    %get3A_306 = arith.constant 0 : index
    %get3A_307 = arith.constant 0 : index
    %get3A_308 = vector.load %arg1[%get3A_305, %get3A_306, %get3A_307] : memref<6x1024x128xf32, #tpu.memory_space<vmem>>, vector<1x1024x128xf32>
    %get3A_309 = vector.shape_cast %get3A_308 : vector<1x1024x128xf32> to vector<1024x128xf32>
    %bitcast_convert_type3A_310 = tpu.bitcast %get3A_309 : vector<1024x128xf32> -> vector<1024x128xi32>
    %shift_left3A_311 = arith.constant 16 : i32
    %shift_left3A_312 = vector.broadcast %shift_left3A_311 : i32 to vector<1024x128xi32>
    %shift_left3A_313 = arith.shli %bitcast_convert_type3A_310, %shift_left3A_312 : vector<1024x128xi32>
    %bitcast_convert_type3A_314 = tpu.bitcast %shift_left3A_313 : vector<1024x128xi32> -> vector<1024x128xf32>
    %and3A_315 = arith.constant -65536 : i32
    %and3A_316 = vector.broadcast %and3A_315 : i32 to vector<1024x128xi32>
    %and3A_317 = arith.andi %bitcast_convert_type3A_310, %and3A_316 : vector<1024x128xi32>
    %bitcast_convert_type3A_318 = tpu.bitcast %and3A_317 : vector<1024x128xi32> -> vector<1024x128xf32>
    %get3A_319 = arith.constant 5 : index
    %get3A_320 = arith.constant 0 : index
    %get3A_321 = vector.load %arg2[%get3A_319, %get3A_320] : memref<8x1024xf32, #tpu.memory_space<vmem>>, vector<1x1024xf32>
    %get3A_322 = vector.shape_cast %get3A_321 : vector<1x1024xf32> to vector<1024xf32>
    %broadcast_in_dim3A_323 = vector.shape_cast %get3A_322 : vector<1024xf32> to vector<1024x1xf32>
    %slice3A_324 = vector.extract_strided_slice %bitcast_convert_type3A_314 {offsets = [0, 0], sizes = [1024, 64], strides = [1, 1]} : vector<1024x128xf32> to vector<1024x64xf32>
    %eq3A_325 = arith.constant 0.000000e+00 : f32
    %eq3A_326 = vector.broadcast %eq3A_325 : f32 to vector<1024x1xf32>
    %eq3A_327 = arith.cmpf oeq, %broadcast_in_dim3A_323, %eq3A_326 : vector<1024x1xf32>
    %convert_element_type3A_328 = arith.extui %eq3A_327 : vector<1024x1xi1> to vector<1024x1xi32>
    %convert_element_type3A_329 = arith.sitofp %convert_element_type3A_328 : vector<1024x1xi32> to vector<1024x1xf32>
    %mul3A_330 = vector.broadcast %convert_element_type3A_329 : vector<1024x1xf32> to vector<1024x64xf32>
    %mul3A_331 = arith.mulf %slice3A_324, %mul3A_330 : vector<1024x64xf32>
    %slice3A_332 = vector.extract_strided_slice %bitcast_convert_type3A_314 {offsets = [0, 64], sizes = [1024, 64], strides = [1, 1]} : vector<1024x128xf32> to vector<1024x64xf32>
    %eq3A_333 = arith.constant 1.000000e+00 : f32
    %eq3A_334 = vector.broadcast %eq3A_333 : f32 to vector<1024x1xf32>
    %eq3A_335 = arith.cmpf oeq, %broadcast_in_dim3A_323, %eq3A_334 : vector<1024x1xf32>
    %convert_element_type3A_336 = arith.extui %eq3A_335 : vector<1024x1xi1> to vector<1024x1xi32>
    %convert_element_type3A_337 = arith.sitofp %convert_element_type3A_336 : vector<1024x1xi32> to vector<1024x1xf32>
    %mul3A_338 = vector.broadcast %convert_element_type3A_337 : vector<1024x1xf32> to vector<1024x64xf32>
    %mul3A_339 = arith.mulf %slice3A_332, %mul3A_338 : vector<1024x64xf32>
    %add3A_340 = arith.addf %mul3A_331, %mul3A_339 : vector<1024x64xf32>
    %slice3A_341 = vector.extract_strided_slice %bitcast_convert_type3A_318 {offsets = [0, 0], sizes = [1024, 64], strides = [1, 1]} : vector<1024x128xf32> to vector<1024x64xf32>
    %eq3A_342 = arith.constant 2.000000e+00 : f32
    %eq3A_343 = vector.broadcast %eq3A_342 : f32 to vector<1024x1xf32>
    %eq3A_344 = arith.cmpf oeq, %broadcast_in_dim3A_323, %eq3A_343 : vector<1024x1xf32>
    %convert_element_type3A_345 = arith.extui %eq3A_344 : vector<1024x1xi1> to vector<1024x1xi32>
    %convert_element_type3A_346 = arith.sitofp %convert_element_type3A_345 : vector<1024x1xi32> to vector<1024x1xf32>
    %mul3A_347 = vector.broadcast %convert_element_type3A_346 : vector<1024x1xf32> to vector<1024x64xf32>
    %mul3A_348 = arith.mulf %slice3A_341, %mul3A_347 : vector<1024x64xf32>
    %add3A_349 = arith.addf %add3A_340, %mul3A_348 : vector<1024x64xf32>
    %slice3A_350 = vector.extract_strided_slice %bitcast_convert_type3A_318 {offsets = [0, 64], sizes = [1024, 64], strides = [1, 1]} : vector<1024x128xf32> to vector<1024x64xf32>
    %eq3A_351 = arith.constant 3.000000e+00 : f32
    %eq3A_352 = vector.broadcast %eq3A_351 : f32 to vector<1024x1xf32>
    %eq3A_353 = arith.cmpf oeq, %broadcast_in_dim3A_323, %eq3A_352 : vector<1024x1xf32>
    %convert_element_type3A_354 = arith.extui %eq3A_353 : vector<1024x1xi1> to vector<1024x1xi32>
    %convert_element_type3A_355 = arith.sitofp %convert_element_type3A_354 : vector<1024x1xi32> to vector<1024x1xf32>
    %mul3A_356 = vector.broadcast %convert_element_type3A_355 : vector<1024x1xf32> to vector<1024x64xf32>
    %mul3A_357 = arith.mulf %slice3A_350, %mul3A_356 : vector<1024x64xf32>
    %add3A_358 = arith.addf %add3A_349, %mul3A_357 : vector<1024x64xf32>
    %get3A_359 = arith.constant 5 : index
    %get3A_360 = arith.constant 0 : index
    %get3A_361 = arith.constant 0 : index
    %get3A_362 = vector.load %arg3[%get3A_359, %get3A_360, %get3A_361] : memref<6x64x128xf32, #tpu.memory_space<vmem>>, vector<1x64x128xf32>
    %get3A_363 = vector.shape_cast %get3A_362 : vector<1x64x128xf32> to vector<64x128xf32>
    %dot_general3A_364 = arith.constant dense<0.000000e+00> : vector<1024x128xf32>
    %dot_general3A_365 = tpu.matmul %add3A_358, %get3A_363, %dot_general3A_364 {dimension_numbers = #tpu.dot_dimension_numbers<[1], [0], [0], [1], [0, 0, 1, 1], [], []>, transpose_lhs_hint = false} : vector<1024x64xf32>, vector<64x128xf32>, vector<1024x128xf32> -> vector<1024x128xf32>
    %add3A_366 = arith.addf %add3A_304, %dot_general3A_365 : vector<1024x128xf32>
    %swap3A = arith.constant 0 : index
    %swap3A_367 = arith.constant 0 : index
    %swap3A_368 = vector.load %arg5[%swap3A, %swap3A_367] : memref<1024x128xf32, #tpu.memory_space<vmem>>, vector<1024x128xf32>
    tpu.vector_store %arg5[%swap3A, %swap3A_367], %add3A_366 {strides = array<i32>} : memref<1024x128xf32, #tpu.memory_space<vmem>>, vector<1024x128xf32>,
    return
  }
  func.func @transform_0(%arg0: i32) -> (i32, i32, i32) {
    %c0_i32 = arith.constant 0 : i32
    %c0_i32_0 = arith.constant 0 : i32
    %c0_i32_1 = arith.constant 0 : i32
    return %c0_i32, %arg0, %c0_i32_0 : i32, i32, i32
  }
  func.func @transform_1(%arg0: i32) -> (i32, i32) {
    %c0_i32 = arith.constant 0 : i32
    %c0_i32_0 = arith.constant 0 : i32
    return %c0_i32, %arg0 : i32, i32
  }
  func.func @transform_2(%arg0: i32) -> (i32, i32, i32) {
    %c0_i32 = arith.constant 0 : i32
    %c0_i32_0 = arith.constant 0 : i32
    %c0_i32_1 = arith.constant 0 : i32
    %c0_i32_2 = arith.constant 0 : i32
    return %c0_i32, %c0_i32_0, %c0_i32_1 : i32, i32, i32
  }
  func.func @transform_3(%arg0: i32) -> (i32, i32) {
    %c0_i32 = arith.constant 0 : i32
    %c0_i32_0 = arith.constant 0 : i32
    %c0_i32_1 = arith.constant 0 : i32
    return %c0_i32, %c0_i32_0 : i32, i32
  }
  func.func @transform_4(%arg0: i32) -> (i32, i32) {
    %c0_i32 = arith.constant 0 : i32
    %c0_i32_0 = arith.constant 0 : i32
    return %arg0, %c0_i32 : i32, i32
  }
}

</mosaic_0001>

<sc_bundles>
// kernel: kernel.5.cloned.1.call-start
scs
__scs_entry_jumppad:
0x0: {  	(pc) =	sbr.rel $0x88, $3  }
0x1: {  	(tag) =	ssettag $0x0;
	lr =	simm.s32 $0x1  }
0x2: {  	[smem:$0x3F98] =	sst lr;
	_ =	strace $0xD0000000  }
0x3: {  	_ = 	snop  }
0x4: {  	_ = 	snop  }
0x5: {  	_ = 	snop  }
0x6: {  	_ = 	snop  }
0x7: {  	_ = 	snop  }
__scs_overlays_trampoline_lowered:
0x8: {  	[smem:$0x3FA7] =	sst s0  }
0x9: {  	[smem:$0x3FA8] =	sst s1  }
0xa: {  	[smem:$0x3FA9] =	sst s2  }
0xb: {  	[smem:$0x3FAA] =	sst s3  }
0xc: {  	[smem:$0x3FAB] =	sst s4  }
0xd: {  	[smem:$0x3FAC] =	sst s5  }
0xe: {  	[smem:$0x3FAD] =	sst s6  }
0xf: {  	[smem:$0x3FAE] =	sst s7  }
0x10: {  	[smem:$0x3FAF] =	sst s8  }
0x11: {  	[smem:$0x3FB0] =	sst s9;
	s0 =	simm.s32 @!p0 $0x0  }
0x12: {  	s1 =	sld [smem:$0x3F96];
	s0 =	simm.s32 @p0 $0x1  }
0x13: {  	[smem:$0x3FB1] =	sst s0;
	s0 =	simm.s32 @!p1 $0x0  }
0x14: {  	s2 =	sld [smem:$0x3F95];
	s0 =	simm.s32 @p1 $0x1  }
0x15: {  	[smem:$0x3FB2] =	sst s0;
	s0 =	simm.s32 @!p2 $0x0  }
0x16: {  	s3 =	sld [smem:$0x3FDB];
	s0 =	simm.s32 @p2 $0x1  }
0x17: {  	s4 =	simm.s32 $0x1BF5;
	[smem:$0x3FB4] =	sst s0  }
0x18: {  	s0 =	sld [smem:$0x3F97];
	_ =	swait.ge [sflag:s4], $0x0  }
0x19: {  	s7 =	sld [smem:$0x3F98]  }
0x1a: {  	s8 =	sadd.s32 $0xFFFFE003, lr  }
0x1b: {  	s9 =	sadd.s32 $0xFFFFFEF7, lr;
	s5 =	simm.s32 $0xFFFFFFFF;
	p2 =	slt.u32 s8, $0xFFFFF086  }
0x1c: {  	p1 =	slt.u32 s9, $0xF7A;
	s5 =	simm.s32 @!p2 $0x0  }
0x1d: {  	s5 =	simm.s32 @p1 $0x1;
	p0 =	seq.s32 s7, s2  }
0x1e: {  	s7 =	smul.u32 @!p0 $0xF7A, s2;
	p2 =	seq.s32 @!p0 s5, $0x0  }
0x1f: {  	s9 =	smul.u32 $0xF7A, s1;
	s8 =	simm.s32 @!p0 $0x1BF5;
	p2 =	por !p2, p0  }
0x20: {  	[sflag:s8] =	ssyncset.s32 @!p0 $0xFFFFF086;
	s6 =	sadd.s32 @!p0 s3, s7;
	s7 =	simm.s32 @!p0 $0x108  }
0x21: {  	s3 =	sadd.s32 s3, s9;
	s6 =	sadd.s32 @!p0 $0x88, s6;
	s7 =	simm.s32 @p2 $0x1082  }
0x22: {  	[simem:s7], [sflag:s8] =	dma.local @!p0 [hbm:s6], $0xF7A  }
0x23: {  	s9 =	sor.u32 $0xD0000000, s2;
	s6 =	simm.s32 $0x108;
	_ =	swait.ge @!p0 [sflag:s8], $0x0  }
0x24: {  	s3 =	sadd.s32 $0x88, s3;
	s6 =	simm.s32 @!p1 $0x1082;
	[sflag:s4] =	ssyncset.s32 $0xFFFFF086  }
0x25: {  	[simem:s6], [sflag:s4] =	dma.local [hbm:s3], $0xF7A  }
0x26: {  	[smem:$0x3F98] =	sst s1;
	(tag) =	ssettag s2;
	_ =	strace s9  }
0x27: {  	s1 =	sld [smem:$0x3FA8]  }
0x28: {  	s2 =	sld [smem:$0x3FA9]  }
0x29: {  	s4 =	sld [smem:$0x3FAB]  }
0x2a: {  	p0 =	seq.s32 s5, $0x0;
	s5 =	sld [smem:$0x3FAC]  }
0x2b: {  	s6 =	sld [smem:$0x3FAD]  }
0x2c: {  	s7 =	sld [smem:$0x3FAE]  }
0x2d: {  	s3 =	simm.s32 $0x108;
	s8 =	sld [smem:$0x3FAF]  }
0x2e: {  	s3 =	simm.s32 @!p0 $0x1082;
	s9 =	sld [smem:$0x3FB0]  }
0x2f: {  	lr =	sadd.s32 s0, s3;
	s0 =	sld [smem:$0x3FA7]  }
0x30: {  	s3 =	sld [smem:$0x3FAA]  }
0x31: {  	[smem:$0x3FB3] =	sst s10  }
0x32: {  	s10 =	sld [smem:$0x3FB1];
	_ =	sdelay $0x3  }
0x33: {  	p0 =	seq.s32 s10, $0x1;
	s10 =	sld [smem:$0x3FB3];
	_ =	sdelay $0x3  }
0x34: {  	[smem:$0x3FB3] =	sst s10  }
0x35: {  	s10 =	sld [smem:$0x3FB2];
	_ =	sdelay $0x3  }
0x36: {  	p1 =	seq.s32 s10, $0x1;
	s10 =	sld [smem:$0x3FB3];
	_ =	sdelay $0x3  }
0x37: {  	[smem:$0x3FB3] =	sst s10  }
0x38: {  	s10 =	sld [smem:$0x3FB4]  }
0x39: {  	_ = 	snop;
	(pc) =	sbr.ind lr, $3  }
0x3a: {  	_ = 	snop  }
0x3b: {  	_ = 	snop  }
0x3c: {  	p2 =	seq.s32 s10, $0x1;
	s10 =	sld [smem:$0x3FB3]  }
0x3d: {  	_ =	shalt  }
0x3e: {  	_ =	shalt  }
0x3f: {  	_ =	shalt  }
0x40: {  	_ =	shalt  }
0x41: {  	_ =	shalt  }
0x42: {  	_ =	shalt  }
0x43: {  	_ =	shalt  }
0x44: {  	_ =	shalt  }
0x45: {  	_ =	shalt  }
0x46: {  	_ =	shalt  }
0x47: {  	_ =	shalt  }
0x48: {  	_ =	shalt  }
0x49: {  	_ =	shalt  }
0x4a: {  	_ =	shalt  }
0x4b: {  	_ =	shalt  }
0x4c: {  	_ =	shalt  }
0x4d: {  	_ =	shalt  }
0x4e: {  	_ =	shalt  }
0x4f: {  	_ =	shalt  }
0x50: {  	_ =	shalt  }
0x51: {  	_ =	shalt  }
0x52: {  	_ =	shalt  }
0x53: {  	_ =	shalt  }
0x54: {  	_ =	shalt  }
0x55: {  	_ =	shalt  }
0x56: {  	_ =	shalt  }
0x57: {  	_ =	shalt  }
0x58: {  	_ =	shalt  }
0x59: {  	_ =	shalt  }
0x5a: {  	_ =	shalt  }
0x5b: {  	_ =	shalt  }
0x5c: {  	_ =	shalt  }
0x5d: {  	_ =	shalt  }
0x5e: {  	_ =	shalt  }
0x5f: {  	_ =	shalt  }
0x60: {  	_ =	shalt  }
0x61: {  	_ =	shalt  }
0x62: {  	_ =	shalt  }
0x63: {  	_ =	shalt  }
0x64: {  	_ =	shalt  }
0x65: {  	_ =	shalt  }
0x66: {  	_ =	shalt  }
0x67: {  	_ =	shalt  }
0x68: {  	_ =	shalt  }
0x69: {  	_ =	shalt  }
0x6a: {  	_ =	shalt  }
0x6b: {  	_ =	shalt  }
0x6c: {  	_ =	shalt  }
0x6d: {  	_ =	shalt  }
0x6e: {  	_ =	shalt  }
0x6f: {  	_ =	shalt  }
0x70: {  	_ =	shalt  }
0x71: {  	_ =	shalt  }
0x72: {  	_ =	shalt  }
0x73: {  	_ =	shalt  }
0x74: {  	_ =	shalt  }
0x75: {  	_ =	shalt  }
0x76: {  	_ =	shalt  }
0x77: {  	_ =	shalt  }
0x78: {  	_ =	shalt  }
0x79: {  	_ =	shalt  }
0x7a: {  	_ =	shalt  }
0x7b: {  	_ =	shalt  }
0x7c: {  	_ =	shalt  }
0x7d: {  	_ =	shalt  }
0x7e: {  	_ =	shalt  }
0x7f: {  	_ =	shalt  }
0x80: {  	_ =	shalt  }
0x81: {  	_ =	shalt  }
0x82: {  	_ =	shalt  }
0x83: {  	_ =	shalt  }
0x84: {  	_ =	shalt  }
0x85: {  	_ =	shalt  }
0x86: {  	_ =	shalt  }
0x87: {  	_ =	shalt  }
.Lfunc_end0:
.L_simem_size_0:
called_computation_lowered:
.L_overlay_start_0:
0x88: {  	s2 =	sld [smem:$0x3FD9]  }
0x89: {  	s3 =	sld [smem:$0x3FFE];
	_ =	sdelay $0x1  }
0x8a: {  	s1 =	srdreg.scid  }
0x8b: {  	s0 =	sand.u32 $0x1, s1  }
0x8c: {  	s16 =	sshll.u32 s0, $0xA;
	s2 =	sadd.s32 s3, s2  }
0x8d: {  	s2 =	sadd.s32 s2, s16  }
0x8e: {  	[smem:$0x3FBF] =	sst s2  }
0x8f: {  	_ = 	snop  }
0x90: {  	(tm) =	ssettm $0x1  }
0x91: {  	s17 =	sld [smem:$0x3FFB];
	_ =	sdelay $0x3  }
0x92: {  	_ =	strace s17  }
0x93: {  	s2 =	sld [smem:$0x3FFC];
	_ =	sdelay $0x3  }
0x94: {  	_ =	strace s2  }
0x95: {  	s2 =	sld [smem:$0x3FFD];
	_ =	sdelay $0x3  }
0x96: {  	_ =	strace s2  }
0x97: {  	_ =	strace $0x8FFFFFFF  }
0x98: {  	s18 =	sld [smem:$0x3FDB];
	_ =	sdelay $0x1  }
0x99: {  	s19 =	simm.s32 $_scs_section_size  }
0x9a: {  	s4 =	simm.s32 $_size__tile_overlayer_lowered;
	s5 =	simm.s32 $_tile_overlayer_lowered  }
0x9b: {  	s22 =	simm.s32 $0x1BFF;
	s21 =	sshll.u32 s5, $0x1;
	s2 =	sadd.s32 s19, s18  }
0x9c: {  	s6 =	simm.s32 $0x0;
	s20 =	sshll.u32 s4, $0x1;
	s4 =	sadd.s32 s21, s2  }
0x9d: {  	[timem:s6], [sflag:s22] =	dma.local [hbm:s4], s20  }
0x9e: {  	_ =	swait.ge [sflag:s22], s20  }
0x9f: {  	s3 =	ssub.s32 $0x0, s20;
	[sflag:s22] =	ssyncset.done $0x0  }
0xa0: {  	[sflag:s22] =	ssyncadd.s32 s3;
	_ =	sdelay $0x1  }
0xa1: {  	s23 =	simm.s32 $0x1B8B  }
0xa2: {  	_ =	swait.ge [sflag:s23], $0x1  }
0xa3: {  	[sflag:s23] =	ssyncset.done $0x0  }
0xa4: {  	s25 =	simm.s32 $0x1B8E;
	s24 =	sld [smem:$0x3FFE];
	[sflag:s23] =	ssyncadd.s32 $0xFFFFFFFF  }
0xa5: {  	s26 =	simm.s32 $execute0_lowered;
	[smem:$0x3FD2] =	sst s25  }
0xa6: {  	s4 =	sshll.u32 s26, $0x1;
	_ =	strace $0x80000046;
	[dreg:$0x1] =	wrdreg $0xFFFFFFFF  }
0xa7: {  	s28 =	simm.s32 $_size_execute0_lowered;
	s2 =	sadd.s32 s2, s4;
	[dreg:$0x0] =	wrdreg $0x0  }
0xa8: {  	s4 =	sshll.u32 s28, $0x1;
	[dreg:$0x2] =	wrdreg s2  }
0xa9: {  	[dreg:$0x3] =	wrdreg s4  }
0xaa: {  	[dreg:$0x4] =	wrdreg $0xC0  }
0xab: {  	_ =	task [dreg:s6], $0x5FFFF  }
0xac: {  	[dreg:$0x1] =	wrdreg $0xFFFFFFFF  }
0xad: {  	[dreg:$0x0] =	wrdreg $0x60  }
0xae: {  	[dreg:$0x2] =	wrdreg s24  }
0xaf: {  	[dreg:$0x3] =	wrdreg $0x9  }
0xb0: {  	_ =	task.clear_ibuf [dreg:s6], $0x4FFFF;
	_ =	strace $0x90000046  }
0xb1: {  	s29 =	simm.s32 $0x9;
	_ =	strace $0x80000048  }
0xb2: {  	_ =	swait.ge [sflag:s29], $0x1  }
0xb3: {  	[sflag:s29] =	ssyncadd.s32 $0xFFFFFFFF  }
0xb4: {  	_ =	strace $0x90000048  }
0xb5: {  	_ =	sfence  }
0xb6: {  	s30 =	sld [smem:$0x0];
	_ =	sdelay $0x2  }
0xb7: {  	s31 =	sshll.u32 s1, $0xD;
	s1 =	sshrl.u32 s1, $0x2  }
0xb8: {  	s3 =	sand.u32 $0x4000, s31;
	s1 =	sadd.s32 s1, s30  }
0xb9: {  	s0 =	sor.u32 s3, s0;
	s1 =	sshll.u32 s1, $0x11  }
0xba: {  	s0 =	sor.u32 s1, s0  }
0xbb: {  	s0 =	sadd.s32 $0x8F2B, s0  }
0xbc: {  	[sflag:s0] =	ssyncadd.remote.s32 $0x1  }
0xbd: {  	_ =	sfence.sel $0xFFFF  }
0xbe: {  	[dreg:$0x0] =	wrdreg $0xFFFFFFFF;
	(pc) =	sbr.abs _section_cstart, $3  }
0xbf: {  	[dreg:$0x1] =	wrdreg $0xFFFFFFFF  }
0xc0: {  	_ =	task.clear_ibuf [dreg:s6], $0x2FFFF;
	_ =	strace $0x9FFFFFFF  }
0xc1: {  	(tm) =	ssettm $0x7FFFFFFF  }
tec
execute0_lowered:
.L_overlay_start_1:
0x0: {  	(tag) =	ssettag $0x1  }
0x1: {  	s0 =	srdreg.scid;
	s14 =	stileid.u32  }
0x2: {  	s0 =	sand.u32 $0x1, s0;
	s1 =	sshll.u32 s14, $0x1  }
0x3: {  	s1 =	sor.u32 s0, s1  }
0x4: {  	s3 =	rddreg [dreg:$0x0];
	s4 =	smul.u32 $0x180, s1;
	s1 =	sshll.u32 s1, $0xD  }
0x5: {  	s2 =	simm.s32 $0x0;
	s1 =	sadd.s32 s1, s3  }
0x6: {  	[smem:$0x7FF] =	sst s2;
	s11 =	sadd.s32 $0x250000, s1  }
0x7: {  	_ =	strace $0x80000047;
	s12 =	sadd.s32 $0x250800, s1;
	[dreg:$0x3] =	wrdreg s11  }
0x8: {  	s13 =	sadd.s32 $0x251000, s1;
	[dreg:$0x4] =	wrdreg s12  }
0x9: {  	s15 =	sadd.s32 $0x251800, s1;
	[dreg:$0x5] =	wrdreg s13  }
0xa: {  	s16 =	sadd.s32 $0x290000, s1;
	[dreg:$0x6] =	wrdreg s15  }
0xb: {  	s17 =	sadd.s32 $0x290800, s1;
	[dreg:$0x7] =	wrdreg s16  }
0xc: {  	s18 =	sadd.s32 $0x291000, s1;
	[dreg:$0x8] =	wrdreg s17  }
0xd: {  	s19 =	sadd.s32 $0x291800, s1;
	[dreg:$0x9] =	wrdreg s18  }
0xe: {  	s20 =	sadd.s32 $0x2D0000, s1;
	[dreg:$0xa] =	wrdreg s19  }
0xf: {  	s21 =	sadd.s32 $0x2D0800, s1;
	[dreg:$0xb] =	wrdreg s20  }
0x10: {  	s22 =	sadd.s32 $0x2D1000, s1;
	[dreg:$0xc] =	wrdreg s21  }
0x11: {  	s23 =	sadd.s32 $0x2D1800, s1;
	[dreg:$0xd] =	wrdreg s22  }
0x12: {  	s31 =	simm.s32 $0x5;
	s24 =	sadd.s32 $0x310000, s1;
	[dreg:$0xe] =	wrdreg s23  }
0x13: {  	s29 =	simm.s32 $0x680;
	s25 =	sadd.s32 $0x310800, s1;
	[dreg:$0xf] =	wrdreg s24  }
0x14: {  	p0 =	por $0x0, $0x0;
	s26 =	sadd.s32 $0x311000, s1;
	[dreg:$0x10] =	wrdreg s25  }
0x15: {  	s30 =	sadd.s32 $0x1EE000, s3;
	s5 =	sadd.s32 $0x311800, s1;
	[dreg:$0x11] =	wrdreg s26  }
0x16: {  	s28 =	sadd.s32 $0x4000, s3;
	s6 =	sadd.s32 $0x350000, s1;
	[dreg:$0x12] =	wrdreg s5  }
0x17: {  	s0 =	ssub.s32 $0x2, s0;
	s7 =	sadd.s32 $0x350800, s1;
	[dreg:$0x13] =	wrdreg s6  }
0x18: {  	s4 =	sadd.s32 s4, s3;
	s8 =	sadd.s32 $0x351000, s1;
	[dreg:$0x14] =	wrdreg s7  }
0x19: {  	s9 =	sadd.s32 $0x351800, s1;
	s10 =	sadd.s32 $0x390000, s1;
	[dreg:$0x15] =	wrdreg s8  }
0x1a: {  	s4 =	sadd.s32 $0x1000, s4;
	s21 =	sadd.s32 $0x66000, s3;
	[dreg:$0x16] =	wrdreg s9  }
0x1b: {  	s15 =	sadd.s32 $0xC8000, s3;
	s13 =	sadd.s32 $0x12A000, s3;
	[dreg:$0x17] =	wrdreg s10  }
0x1c: {  	s3 =	sadd.s32 $0x18C000, s3;
	s11 =	sadd.s32 $0x390800, s1;
	[dreg:$0x2] =	wrdreg s4  }
0x1d: {  	s5 =	sshrl.u32 s0, $0x1;
	s12 =	sadd.s32 $0x391000, s1;
	[dreg:$0x18] =	wrdreg s11  }
0x1e: {  	s1 =	sadd.s32 $0x391800, s1;
	s16 =	simm.s32 $0x100;
	[dreg:$0x19] =	wrdreg s12  }
0x1f: {  	s17 =	simm.s32 $0x180;
	s18 =	simm.s32 $0x200;
	[dreg:$0x1a] =	wrdreg s1  }
0x20: {  	s19 =	simm.s32 $0x280;
	s20 =	simm.s32 $0x300;
	[dreg:$0x1b] =	wrdreg s16  }
0x21: {  	s10 =	simm.s32 $0x1;
	s22 =	simm.s32 $0x380;
	[dreg:$0x1c] =	wrdreg s17  }
0x22: {  	s8 =	simm.s32 $0x8C00;
	s23 =	simm.s32 $0x400;
	[dreg:$0x1d] =	wrdreg s18  }
0x23: {  	s9 =	simm.s32 $0x2;
	s24 =	simm.s32 $0x480;
	[dreg:$0x1e] =	wrdreg s19  }
0x24: {  	s25 =	simm.s32 $0x500;
	s6 =	simm.s32 $0x3;
	[dreg:$0x1f] =	wrdreg s20  }
0x25: {  	s26 =	simm.s32 $0x580;
	s7 =	simm.s32 $0x4;
	[smem:$0x7F9] =	sst s22  }
0x26: {  	s0 =	ssub.s32 s0, s5;
	s4 =	simm.s32 $0x80;
	[smem:$0x7FA] =	sst s23  }
0x27: {  	s12 =	simm.s32 $0xC00;
	[smem:$0x7FB] =	sst s24;
	s0 =	smax.u32 s0, $0x1  }
0x28: {  	s11 =	simm.s32 $0x4C00;
	[smem:$0x7FC] =	sst s25;
	p1 =	sne.s32 s0, $0x1  }
.Ltmp0:
0x29: {  	s5 =	simm.s32 $0xCC00;
	[smem:$0x7FD] =	sst s26;
	(pc) =	sbr.rel @!p1 .LBB2_1-.Ltmp0, $4  }
0x2a: {  	s26 =	simm.s32 $0x700;
	s25 =	simm.s32 $0x780;
	s24 =	simm.s32 $0x800  }
0x2b: {  	s23 =	simm.s32 $0x880;
	s22 =	simm.s32 $0x900;
	s20 =	simm.s32 $0x980  }
0x2c: {  	s19 =	simm.s32 $0xA00;
	s18 =	simm.s32 $0xA80;
	s17 =	simm.s32 $0xB00  }
0x2d: {  	s16 =	simm.s32 $0xB80;
	s1 =	sadd.s32 $0xFFFFFFFF, s0;
	s0 =	rddreg [dreg:$0x2]  }
0x2e: {  	[tilespmem:s2], [sflag:$0x5] =	stream.linear.gather [hbm4b:s0+s2], $0xC00, $0x38;
	[tilespmem:$0x10C00] =	vst v63  }
0x2f: {  	_ =	swait.ge [sflag:s31], $0xC00  }
0x30: {  	[sflag:s31] =	ssyncset.done $0x0  }
0x31: {  	[sflag:s31] =	ssyncadd.s32 $0xFFFFF400  }
0x32: {  	[tilespmem:s12], [sflag:$0x1] =	stream.indirect.gather [hbm4b:s30+s4], $0x80, s2, s4, $0xb8;
	[tilespmem:$0x10C00] =	vst v63  }
0x33: {  	_ = 	snop  }
0x34: {  	[tilespmem:s11], [sflag:$0x2] =	stream.indirect.gather [hbm4b:s30+s4], $0x80, s4, s4, $0xb8;
	[tilespmem:$0x10C00] =	vst v63  }
0x35: {  	_ =	swait.ge [sflag:s10], $0x4000  }
0x36: {  	[sflag:s10] =	ssyncset.done $0x0  }
0x37: {  	s0 =	rddreg [dreg:$0x3];
	[sflag:s10] =	ssyncadd.s32 $0xFFFFC000  }
0x38: {  	[hbm4b:s0+s2] =	stream.linear.scatter [tilespmem:s12], [sflag:$0x3], $0x4000, $0x38;
	[tilespmem:$0x10C00] =	vst v63  }
0x39: {  	s14 =	smov.u32 s1;
	s1 =	rddreg [dreg:$0x1b]  }
0x3a: {  	[tilespmem:s8], [sflag:$0x1] =	stream.indirect.gather [hbm4b:s30+s4], $0x80, s1, s4, $0xb8;
	[tilespmem:$0x10C00] =	vst v63  }
0x3b: {  	_ =	swait.ge [sflag:s9], $0x4000  }
0x3c: {  	[sflag:s9] =	ssyncset.done $0x0  }
0x3d: {  	s0 =	rddreg [dreg:$0x4];
	[sflag:s9] =	ssyncadd.s32 $0xFFFFC000  }
0x3e: {  	[hbm4b:s0+s2] =	stream.linear.scatter [tilespmem:s11], [sflag:$0x4], $0x4000, $0x38;
	[tilespmem:$0x10C00] =	vst v63  }
0x3f: {  	s1 =	rddreg [dreg:$0x1c]  }
0x40: {  	[tilespmem:s5], [sflag:$0x2] =	stream.indirect.gather [hbm4b:s30+s4], $0x80, s1, s4, $0xb8;
	[tilespmem:$0x10C00] =	vst v63  }
0x41: {  	_ =	swait.ge [sflag:s10], $0x4000  }
0x42: {  	[sflag:s10] =	ssyncset.done $0x0  }
0x43: {  	[sflag:s10] =	ssyncadd.s32 $0xFFFFC000  }
0x44: {  	_ =	swait.ge [sflag:s6], $0x4000  }
0x45: {  	[sflag:s6] =	ssyncset.done $0x0  }
0x46: {  	s0 =	rddreg [dreg:$0x5];
	[sflag:s6] =	ssyncadd.s32 $0xFFFFC000  }
0x47: {  	[hbm4b:s0+s2] =	stream.linear.scatter [tilespmem:s8], [sflag:$0x3], $0x4000, $0x38;
	[tilespmem:$0x10C00] =	vst v63  }
0x48: {  	s1 =	rddreg [dreg:$0x1d]  }
0x49: {  	[tilespmem:s12], [sflag:$0x1] =	stream.indirect.gather [hbm4b:s28+s4], $0x80, s1, s4, $0xb8;
	[tilespmem:$0x10C00] =	vst v63  }
0x4a: {  	_ =	swait.ge [sflag:s9], $0x4000  }
0x4b: {  	[sflag:s9] =	ssyncset.done $0x0  }
0x4c: {  	[sflag:s9] =	ssyncadd.s32 $0xFFFFC000  }
0x4d: {  	_ =	swait.ge [sflag:s7], $0x4000  }
0x4e: {  	[sflag:s7] =	ssyncset.done $0x0  }
0x4f: {  	s0 =	rddreg [dreg:$0x6];
	[sflag:s7] =	ssyncadd.s32 $0xFFFFC000  }
0x50: {  	[hbm4b:s0+s2] =	stream.linear.scatter [tilespmem:s5], [sflag:$0x4], $0x4000, $0x38;
	[tilespmem:$0x10C00] =	vst v63  }
0x51: {  	s1 =	rddreg [dreg:$0x1e]  }
0x52: {  	[tilespmem:s11], [sflag:$0x2] =	stream.indirect.gather [hbm4b:s28+s4], $0x80, s1, s4, $0xb8;
	[tilespmem:$0x10C00] =	vst v63  }
0x53: {  	_ =	swait.ge [sflag:s10], $0x4000  }
0x54: {  	[sflag:s10] =	ssyncset.done $0x0  }
0x55: {  	[sflag:s10] =	ssyncadd.s32 $0xFFFFC000  }
0x56: {  	_ =	swait.ge [sflag:s6], $0x4000  }
0x57: {  	[sflag:s6] =	ssyncset.done $0x0  }
0x58: {  	s0 =	rddreg [dreg:$0x7];
	[sflag:s6] =	ssyncadd.s32 $0xFFFFC000  }
0x59: {  	[hbm4b:s0+s2] =	stream.linear.scatter [tilespmem:s12], [sflag:$0x3], $0x4000, $0x38;
	[tilespmem:$0x10C00] =	vst v63  }
0x5a: {  	s1 =	rddreg [dreg:$0x1f]  }
0x5b: {  	[tilespmem:s8], [sflag:$0x1] =	stream.indirect.gather [hbm4b:s28+s4], $0x80, s1, s4, $0xb8;
	[tilespmem:$0x10C00] =	vst v63  }
0x5c: {  	_ =	swait.ge [sflag:s9], $0x4000  }
0x5d: {  	[sflag:s9] =	ssyncset.done $0x0  }
0x5e: {  	[sflag:s9] =	ssyncadd.s32 $0xFFFFC000  }
0x5f: {  	_ =	swait.ge [sflag:s7], $0x4000  }
0x60: {  	s0 =	rddreg [dreg:$0x8];
	[sflag:s7] =	ssyncset.done $0x0  }
0x61: {  	s1 =	sld [smem:$0x7F9];
	[sflag:s7] =	ssyncadd.s32 $0xFFFFC000  }
0x62: {  	[hbm4b:s0+s2] =	stream.linear.scatter [tilespmem:s11], [sflag:$0x4], $0x4000, $0x38;
	[tilespmem:$0x10C00] =	vst v63  }
0x63: {  	_ = 	snop  }
0x64: {  	[tilespmem:s5], [sflag:$0x2] =	stream.indirect.gather [hbm4b:s28+s4], $0x80, s1, s4, $0xb8;
	[tilespmem:$0x10C00] =	vst v63  }
0x65: {  	_ =	swait.ge [sflag:s10], $0x4000  }
0x66: {  	[sflag:s10] =	ssyncset.done $0x0  }
0x67: {  	[sflag:s10] =	ssyncadd.s32 $0xFFFFC000  }
0x68: {  	_ =	swait.ge [sflag:s6], $0x4000  }
0x69: {  	s0 =	rddreg [dreg:$0x9];
	[sflag:s6] =	ssyncset.done $0x0  }
0x6a: {  	s1 =	sld [smem:$0x7FA];
	[sflag:s6] =	ssyncadd.s32 $0xFFFFC000  }
0x6b: {  	[hbm4b:s0+s2] =	stream.linear.scatter [tilespmem:s8], [sflag:$0x3], $0x4000, $0x38;
	[tilespmem:$0x10C00] =	vst v63  }
0x6c: {  	_ = 	snop  }
0x6d: {  	[tilespmem:s12], [sflag:$0x1] =	stream.indirect.gather [hbm4b:s21+s4], $0x80, s1, s4, $0xb8;
	[tilespmem:$0x10C00] =	vst v63  }
0x6e: {  	_ =	swait.ge [sflag:s9], $0x4000  }
0x6f: {  	[sflag:s9] =	ssyncset.done $0x0  }
0x70: {  	[sflag:s9] =	ssyncadd.s32 $0xFFFFC000  }
0x71: {  	_ =	swait.ge [sflag:s7], $0x4000  }
0x72: {  	s0 =	rddreg [dreg:$0xa];
	[sflag:s7] =	ssyncset.done $0x0  }
0x73: {  	s1 =	sld [smem:$0x7FB];
	[sflag:s7] =	ssyncadd.s32 $0xFFFFC000  }
0x74: {  	[hbm4b:s0+s2] =	stream.linear.scatter [tilespmem:s5], [sflag:$0x4], $0x4000, $0x38;
	[tilespmem:$0x10C00] =	vst v63  }
0x75: {  	_ = 	snop  }
0x76: {  	[tilespmem:s11], [sflag:$0x2] =	stream.indirect.gather [hbm4b:s21+s4], $0x80, s1, s4, $0xb8;
	[tilespmem:$0x10C00] =	vst v63  }
0x77: {  	_ =	swait.ge [sflag:s10], $0x4000  }
0x78: {  	[sflag:s10] =	ssyncset.done $0x0  }
0x79: {  	[sflag:s10] =	ssyncadd.s32 $0xFFFFC000  }
0x7a: {  	_ =	swait.ge [sflag:s6], $0x4000  }
0x7b: {  	s0 =	rddreg [dreg:$0xb];
	[sflag:s6] =	ssyncset.done $0x0  }
0x7c: {  	s1 =	sld [smem:$0x7FC];
	[sflag:s6] =	ssyncadd.s32 $0xFFFFC000  }
0x7d: {  	[hbm4b:s0+s2] =	stream.linear.scatter [tilespmem:s12], [sflag:$0x3], $0x4000, $0x38;
	[tilespmem:$0x10C00] =	vst v63  }
0x7e: {  	_ = 	snop  }
0x7f: {  	[tilespmem:s8], [sflag:$0x1] =	stream.indirect.gather [hbm4b:s21+s4], $0x80, s1, s4, $0xb8;
	[tilespmem:$0x10C00] =	vst v63  }
0x80: {  	_ =	swait.ge [sflag:s9], $0x4000  }
0x81: {  	[sflag:s9] =	ssyncset.done $0x0  }
0x82: {  	[sflag:s9] =	ssyncadd.s32 $0xFFFFC000  }
0x83: {  	_ =	swait.ge [sflag:s7], $0x4000  }
0x84: {  	s0 =	rddreg [dreg:$0xc];
	[sflag:s7] =	ssyncset.done $0x0  }
0x85: {  	s1 =	sld [smem:$0x7FD];
	[sflag:s7] =	ssyncadd.s32 $0xFFFFC000  }
0x86: {  	[hbm4b:s0+s2] =	stream.linear.scatter [tilespmem:s11], [sflag:$0x4], $0x4000, $0x38;
	[tilespmem:$0x10C00] =	vst v63  }
0x87: {  	_ = 	snop  }
0x88: {  	[tilespmem:s5], [sflag:$0x2] =	stream.indirect.gather [hbm4b:s21+s4], $0x80, s1, s4, $0xb8;
	[tilespmem:$0x10C00] =	vst v63  }
0x89: {  	_ =	swait.ge [sflag:s10], $0x4000  }
0x8a: {  	[sflag:s10] =	ssyncset.done $0x0  }
0x8b: {  	[sflag:s10] =	ssyncadd.s32 $0xFFFFC000  }
0x8c: {  	_ =	swait.ge [sflag:s6], $0x4000  }
0x8d: {  	[sflag:s6] =	ssyncset.done $0x0  }
0x8e: {  	s1 =	rddreg [dreg:$0xd];
	[sflag:s6] =	ssyncadd.s32 $0xFFFFC000  }
0x8f: {  	[hbm4b:s1+s2] =	stream.linear.scatter [tilespmem:s8], [sflag:$0x3], $0x4000, $0x38;
	[tilespmem:$0x10C00] =	vst v63  }
0x90: {  	s1 =	simm.s32 $0x600  }
0x91: {  	[tilespmem:s12], [sflag:$0x1] =	stream.indirect.gather [hbm4b:s15+s4], $0x80, s1, s4, $0xb8;
	[tilespmem:$0x10C00] =	vst v63  }
0x92: {  	_ =	swait.ge [sflag:s9], $0x4000  }
0x93: {  	[sflag:s9] =	ssyncset.done $0x0  }
0x94: {  	[sflag:s9] =	ssyncadd.s32 $0xFFFFC000  }
0x95: {  	_ =	swait.ge [sflag:s7], $0x4000  }
0x96: {  	[sflag:s7] =	ssyncset.done $0x0  }
0x97: {  	s1 =	rddreg [dreg:$0xe];
	[sflag:s7] =	ssyncadd.s32 $0xFFFFC000  }
0x98: {  	[hbm4b:s1+s2] =	stream.linear.scatter [tilespmem:s5], [sflag:$0x4], $0x4000, $0x38;
	[tilespmem:$0x10C00] =	vst v63  }
0x99: {  	_ = 	snop  }
0x9a: {  	[tilespmem:s11], [sflag:$0x2] =	stream.indirect.gather [hbm4b:s15+s4], $0x80, s29, s4, $0xb8;
	[tilespmem:$0x10C00] =	vst v63  }
0x9b: {  	_ =	swait.ge [sflag:s10], $0x4000  }
0x9c: {  	[sflag:s10] =	ssyncset.done $0x0  }
0x9d: {  	[sflag:s10] =	ssyncadd.s32 $0xFFFFC000  }
0x9e: {  	_ =	swait.ge [sflag:s6], $0x4000  }
0x9f: {  	[sflag:s6] =	ssyncset.done $0x0  }
0xa0: {  	s1 =	rddreg [dreg:$0xf];
	[sflag:s6] =	ssyncadd.s32 $0xFFFFC000  }
0xa1: {  	[hbm4b:s1+s2] =	stream.linear.scatter [tilespmem:s12], [sflag:$0x3], $0x4000, $0x38;
	[tilespmem:$0x10C00] =	vst v63  }
0xa2: {  	_ = 	snop  }
0xa3: {  	[tilespmem:s8], [sflag:$0x1] =	stream.indirect.gather [hbm4b:s15+s4], $0x80, s26, s4, $0xb8;
	[tilespmem:$0x10C00] =	vst v63  }
0xa4: {  	_ =	swait.ge [sflag:s9], $0x4000  }
0xa5: {  	[sflag:s9] =	ssyncset.done $0x0  }
0xa6: {  	[sflag:s9] =	ssyncadd.s32 $0xFFFFC000  }
0xa7: {  	_ =	swait.ge [sflag:s7], $0x4000  }
0xa8: {  	[sflag:s7] =	ssyncset.done $0x0  }
0xa9: {  	s1 =	rddreg [dreg:$0x10];
	[sflag:s7] =	ssyncadd.s32 $0xFFFFC000  }
0xaa: {  	[hbm4b:s1+s2] =	stream.linear.scatter [tilespmem:s11], [sflag:$0x4], $0x4000, $0x38;
	[tilespmem:$0x10C00] =	vst v63  }
0xab: {  	_ = 	snop  }
0xac: {  	[tilespmem:s5], [sflag:$0x2] =	stream.indirect.gather [hbm4b:s15+s4], $0x80, s25, s4, $0xb8;
	[tilespmem:$0x10C00] =	vst v63  }
0xad: {  	_ =	swait.ge [sflag:s10], $0x4000  }
0xae: {  	[sflag:s10] =	ssyncset.done $0x0  }
0xaf: {  	[sflag:s10] =	ssyncadd.s32 $0xFFFFC000  }
0xb0: {  	_ =	swait.ge [sflag:s6], $0x4000  }
0xb1: {  	[sflag:s6] =	ssyncset.done $0x0  }
0xb2: {  	s1 =	rddreg [dreg:$0x11];
	[sflag:s6] =	ssyncadd.s32 $0xFFFFC000  }
0xb3: {  	[hbm4b:s1+s2] =	stream.linear.scatter [tilespmem:s8], [sflag:$0x3], $0x4000, $0x38;
	[tilespmem:$0x10C00] =	vst v63  }
0xb4: {  	_ = 	snop  }
0xb5: {  	[tilespmem:s12], [sflag:$0x1] =	stream.indirect.gather [hbm4b:s13+s4], $0x80, s24, s4, $0xb8;
	[tilespmem:$0x10C00] =	vst v63  }
0xb6: {  	_ =	swait.ge [sflag:s9], $0x4000  }
0xb7: {  	[sflag:s9] =	ssyncset.done $0x0  }
0xb8: {  	[sflag:s9] =	ssyncadd.s32 $0xFFFFC000  }
0xb9: {  	_ =	swait.ge [sflag:s7], $0x4000  }
0xba: {  	[sflag:s7] =	ssyncset.done $0x0  }
0xbb: {  	s1 =	rddreg [dreg:$0x12];
	[sflag:s7] =	ssyncadd.s32 $0xFFFFC000  }
0xbc: {  	[hbm4b:s1+s2] =	stream.linear.scatter [tilespmem:s5], [sflag:$0x4], $0x4000, $0x38;
	[tilespmem:$0x10C00] =	vst v63  }
0xbd: {  	_ = 	snop  }
0xbe: {  	[tilespmem:s11], [sflag:$0x2] =	stream.indirect.gather [hbm4b:s13+s4], $0x80, s23, s4, $0xb8;
	[tilespmem:$0x10C00] =	vst v63  }
0xbf: {  	_ =	swait.ge [sflag:s10], $0x4000  }
0xc0: {  	[sflag:s10] =	ssyncset.done $0x0  }
0xc1: {  	[sflag:s10] =	ssyncadd.s32 $0xFFFFC000  }
0xc2: {  	_ =	swait.ge [sflag:s6], $0x4000  }
0xc3: {  	[sflag:s6] =	ssyncset.done $0x0  }
0xc4: {  	s1 =	rddreg [dreg:$0x13];
	[sflag:s6] =	ssyncadd.s32 $0xFFFFC000  }
0xc5: {  	[hbm4b:s1+s2] =	stream.linear.scatter [tilespmem:s12], [sflag:$0x3], $0x4000, $0x38;
	[tilespmem:$0x10C00] =	vst v63  }
0xc6: {  	_ = 	snop  }
0xc7: {  	[tilespmem:s8], [sflag:$0x1] =	stream.indirect.gather [hbm4b:s13+s4], $0x80, s22, s4, $0xb8;
	[tilespmem:$0x10C00] =	vst v63  }
0xc8: {  	_ =	swait.ge [sflag:s9], $0x4000  }
0xc9: {  	[sflag:s9] =	ssyncset.done $0x0  }
0xca: {  	[sflag:s9] =	ssyncadd.s32 $0xFFFFC000  }
0xcb: {  	_ =	swait.ge [sflag:s7], $0x4000  }
0xcc: {  	[sflag:s7] =	ssyncset.done $0x0  }
0xcd: {  	s1 =	rddreg [dreg:$0x14];
	[sflag:s7] =	ssyncadd.s32 $0xFFFFC000  }
0xce: {  	[hbm4b:s1+s2] =	stream.linear.scatter [tilespmem:s11], [sflag:$0x4], $0x4000, $0x38;
	[tilespmem:$0x10C00] =	vst v63  }
0xcf: {  	_ = 	snop  }
0xd0: {  	[tilespmem:s5], [sflag:$0x2] =	stream.indirect.gather [hbm4b:s13+s4], $0x80, s20, s4, $0xb8;
	[tilespmem:$0x10C00] =	vst v63  }
0xd1: {  	_ =	swait.ge [sflag:s10], $0x4000  }
0xd2: {  	[sflag:s10] =	ssyncset.done $0x0  }
0xd3: {  	[sflag:s10] =	ssyncadd.s32 $0xFFFFC000  }
0xd4: {  	_ =	swait.ge [sflag:s6], $0x4000  }
0xd5: {  	[sflag:s6] =	ssyncset.done $0x0  }
0xd6: {  	s1 =	rddreg [dreg:$0x15];
	[sflag:s6] =	ssyncadd.s32 $0xFFFFC000  }
0xd7: {  	[hbm4b:s1+s2] =	stream.linear.scatter [tilespmem:s8], [sflag:$0x3], $0x4000, $0x38;
	[tilespmem:$0x10C00] =	vst v63  }
0xd8: {  	_ = 	snop  }
0xd9: {  	[tilespmem:s12], [sflag:$0x1] =	stream.indirect.gather [hbm4b:s3+s4], $0x80, s19, s4, $0xb8;
	[tilespmem:$0x10C00] =	vst v63  }
0xda: {  	_ =	swait.ge [sflag:s9], $0x4000  }
0xdb: {  	[sflag:s9] =	ssyncset.done $0x0  }
0xdc: {  	[sflag:s9] =	ssyncadd.s32 $0xFFFFC000  }
0xdd: {  	_ =	swait.ge [sflag:s7], $0x4000  }
0xde: {  	[sflag:s7] =	ssyncset.done $0x0  }
0xdf: {  	s1 =	rddreg [dreg:$0x16];
	[sflag:s7] =	ssyncadd.s32 $0xFFFFC000  }
0xe0: {  	[hbm4b:s1+s2] =	stream.linear.scatter [tilespmem:s5], [sflag:$0x4], $0x4000, $0x38;
	[tilespmem:$0x10C00] =	vst v63  }
0xe1: {  	_ = 	snop  }
0xe2: {  	[tilespmem:s11], [sflag:$0x2] =	stream.indirect.gather [hbm4b:s3+s4], $0x80, s18, s4, $0xb8;
	[tilespmem:$0x10C00] =	vst v63  }
0xe3: {  	_ =	swait.ge [sflag:s10], $0x4000  }
0xe4: {  	[sflag:s10] =	ssyncset.done $0x0  }
0xe5: {  	[sflag:s10] =	ssyncadd.s32 $0xFFFFC000  }
0xe6: {  	_ =	swait.ge [sflag:s6], $0x4000  }
0xe7: {  	[sflag:s6] =	ssyncset.done $0x0  }
0xe8: {  	s1 =	rddreg [dreg:$0x17];
	[sflag:s6] =	ssyncadd.s32 $0xFFFFC000  }
0xe9: {  	[hbm4b:s1+s2] =	stream.linear.scatter [tilespmem:s12], [sflag:$0x3], $0x4000, $0x38;
	[tilespmem:$0x10C00] =	vst v63  }
0xea: {  	_ = 	snop  }
0xeb: {  	[tilespmem:s8], [sflag:$0x1] =	stream.indirect.gather [hbm4b:s3+s4], $0x80, s17, s4, $0xb8;
	[tilespmem:$0x10C00] =	vst v63  }
0xec: {  	_ =	swait.ge [sflag:s9], $0x4000  }
0xed: {  	[sflag:s9] =	ssyncset.done $0x0  }
0xee: {  	[sflag:s9] =	ssyncadd.s32 $0xFFFFC000  }
0xef: {  	_ =	swait.ge [sflag:s7], $0x4000  }
0xf0: {  	[sflag:s7] =	ssyncset.done $0x0  }
0xf1: {  	s1 =	rddreg [dreg:$0x18];
	[sflag:s7] =	ssyncadd.s32 $0xFFFFC000  }
0xf2: {  	[hbm4b:s1+s2] =	stream.linear.scatter [tilespmem:s11], [sflag:$0x4], $0x4000, $0x38;
	[tilespmem:$0x10C00] =	vst v63  }
0xf3: {  	_ = 	snop  }
0xf4: {  	[tilespmem:s5], [sflag:$0x2] =	stream.indirect.gather [hbm4b:s3+s4], $0x80, s16, s4, $0xb8;
	[tilespmem:$0x10C00] =	vst v63  }
0xf5: {  	_ =	swait.ge [sflag:s10], $0x4000  }
0xf6: {  	[sflag:s10] =	ssyncset.done $0x0  }
0xf7: {  	[sflag:s10] =	ssyncadd.s32 $0xFFFFC000  }
0xf8: {  	_ =	swait.ge [sflag:s6], $0x4000  }
0xf9: {  	[sflag:s6] =	ssyncset.done $0x0  }
0xfa: {  	s1 =	rddreg [dreg:$0x19];
	[sflag:s6] =	ssyncadd.s32 $0xFFFFC000  }
0xfb: {  	[hbm4b:s1+s2] =	stream.linear.scatter [tilespmem:s8], [sflag:$0x3], $0x4000, $0x38;
	[tilespmem:$0x10C00] =	vst v63  }
0xfc: {  	_ =	swait.ge [sflag:s9], $0x4000  }
0xfd: {  	[sflag:s9] =	ssyncset.done $0x0  }
0xfe: {  	[sflag:s9] =	ssyncadd.s32 $0xFFFFC000  }
0xff: {  	_ =	swait.ge [sflag:s7], $0x4000  }
0x100: {  	[sflag:s7] =	ssyncset.done $0x0  }
0x101: {  	p1 =	sne.s32 s14, $0x1;
	s1 =	rddreg [dreg:$0x1a];
	[sflag:s7] =	ssyncadd.s32 $0xFFFFC000  }
0x102: {  	[hbm4b:s1+s2] =	stream.linear.scatter [tilespmem:s5], [sflag:$0x4], $0x4000, $0x38;
	[tilespmem:$0x10C00] =	vst v63  }
.Ltmp1:
0x103: {  	_ =	swait.ge [sflag:s6], $0x4000;
	(pc) =	sbr.rel @!p1 .LBB2_3-.Ltmp1, $4  }
0x104: {  	[sflag:s6] =	ssyncset.done $0x0  }
0x105: {  	[sflag:s6] =	ssyncadd.s32 $0xFFFFC000  }
0x106: {  	p0 =	por $0x1, $0x1;
	_ =	swait.ge [sflag:s7], $0x4000  }
0x107: {  	s1 =	sadd.s32 $0xFFFFFFFF, s14;
	s0 =	rddreg [dreg:$0x2];
	[sflag:s7] =	ssyncset.done $0x0  }
.LBB2_4:
0x108: {  	[sflag:s7] =	ssyncadd.s32 $0xFFFFC000  }
0x109: {  	[tilespmem:s2], [sflag:$0x5] =	stream.linear.gather [hbm4b:s0+s2], $0xC00, $0x38;
	[tilespmem:$0x10C00] =	vst v63  }
0x10a: {  	_ =	swait.ge [sflag:s31], $0xC00  }
0x10b: {  	[sflag:s31] =	ssyncset.done $0x0  }
0x10c: {  	[sflag:s31] =	ssyncadd.s32 $0xFFFFF400  }
0x10d: {  	[tilespmem:s12], [sflag:$0x1] =	stream.indirect.gather [hbm4b:s30+s4], $0x80, s2, s4, $0xb8;
	[tilespmem:$0x10C00] =	vst v63  }
0x10e: {  	_ = 	snop  }
0x10f: {  	[tilespmem:s11], [sflag:$0x2] =	stream.indirect.gather [hbm4b:s30+s4], $0x80, s4, s4, $0xb8;
	[tilespmem:$0x10C00] =	vst v63  }
0x110: {  	_ =	swait.ge [sflag:s10], $0x4000  }
0x111: {  	[sflag:s10] =	ssyncset.done $0x0  }
0x112: {  	s0 =	rddreg [dreg:$0x3];
	[sflag:s10] =	ssyncadd.s32 $0xFFFFC000  }
0x113: {  	[hbm4b:s0+s2] =	stream.linear.scatter [tilespmem:s12], [sflag:$0x3], $0x4000, $0x38;
	[tilespmem:$0x10C00] =	vst v63  }
0x114: {  	s14 =	rddreg [dreg:$0x1b]  }
0x115: {  	[tilespmem:s8], [sflag:$0x1] =	stream.indirect.gather [hbm4b:s30+s4], $0x80, s14, s4, $0xb8;
	[tilespmem:$0x10C00] =	vst v63  }
0x116: {  	_ =	swait.ge [sflag:s9], $0x4000  }
0x117: {  	[sflag:s9] =	ssyncset.done $0x0  }
0x118: {  	s0 =	rddreg [dreg:$0x4];
	[sflag:s9] =	ssyncadd.s32 $0xFFFFC000  }
0x119: {  	[hbm4b:s0+s2] =	stream.linear.scatter [tilespmem:s11], [sflag:$0x4], $0x4000, $0x38;
	[tilespmem:$0x10C00] =	vst v63  }
0x11a: {  	s14 =	rddreg [dreg:$0x1c]  }
0x11b: {  	[tilespmem:s5], [sflag:$0x2] =	stream.indirect.gather [hbm4b:s30+s4], $0x80, s14, s4, $0xb8;
	[tilespmem:$0x10C00] =	vst v63  }
0x11c: {  	_ =	swait.ge [sflag:s10], $0x4000  }
0x11d: {  	[sflag:s10] =	ssyncset.done $0x0  }
0x11e: {  	[sflag:s10] =	ssyncadd.s32 $0xFFFFC000  }
0x11f: {  	_ =	swait.ge [sflag:s6], $0x4000  }
0x120: {  	[sflag:s6] =	ssyncset.done $0x0  }
0x121: {  	s0 =	rddreg [dreg:$0x5];
	[sflag:s6] =	ssyncadd.s32 $0xFFFFC000  }
0x122: {  	[hbm4b:s0+s2] =	stream.linear.scatter [tilespmem:s8], [sflag:$0x3], $0x4000, $0x38;
	[tilespmem:$0x10C00] =	vst v63  }
0x123: {  	s14 =	rddreg [dreg:$0x1d]  }
0x124: {  	[tilespmem:s12], [sflag:$0x1] =	stream.indirect.gather [hbm4b:s28+s4], $0x80, s14, s4, $0xb8;
	[tilespmem:$0x10C00] =	vst v63  }
0x125: {  	_ =	swait.ge [sflag:s9], $0x4000  }
0x126: {  	[sflag:s9] =	ssyncset.done $0x0  }
0x127: {  	[sflag:s9] =	ssyncadd.s32 $0xFFFFC000  }
0x128: {  	_ =	swait.ge [sflag:s7], $0x4000  }
0x129: {  	[sflag:s7] =	ssyncset.done $0x0  }
0x12a: {  	s0 =	rddreg [dreg:$0x6];
	[sflag:s7] =	ssyncadd.s32 $0xFFFFC000  }
0x12b: {  	[hbm4b:s0+s2] =	stream.linear.scatter [tilespmem:s5], [sflag:$0x4], $0x4000, $0x38;
	[tilespmem:$0x10C00] =	vst v63  }
0x12c: {  	s14 =	rddreg [dreg:$0x1e]  }
0x12d: {  	[tilespmem:s11], [sflag:$0x2] =	stream.indirect.gather [hbm4b:s28+s4], $0x80, s14, s4, $0xb8;
	[tilespmem:$0x10C00] =	vst v63  }
0x12e: {  	_ =	swait.ge [sflag:s10], $0x4000  }
0x12f: {  	[sflag:s10] =	ssyncset.done $0x0  }
0x130: {  	[sflag:s10] =	ssyncadd.s32 $0xFFFFC000  }
0x131: {  	_ =	swait.ge [sflag:s6], $0x4000  }
0x132: {  	[sflag:s6] =	ssyncset.done $0x0  }
0x133: {  	s0 =	rddreg [dreg:$0x7];
	[sflag:s6] =	ssyncadd.s32 $0xFFFFC000  }
0x134: {  	[hbm4b:s0+s2] =	stream.linear.scatter [tilespmem:s12], [sflag:$0x3], $0x4000, $0x38;
	[tilespmem:$0x10C00] =	vst v63  }
0x135: {  	s14 =	rddreg [dreg:$0x1f]  }
0x136: {  	[tilespmem:s8], [sflag:$0x1] =	stream.indirect.gather [hbm4b:s28+s4], $0x80, s14, s4, $0xb8;
	[tilespmem:$0x10C00] =	vst v63  }
0x137: {  	_ =	swait.ge [sflag:s9], $0x4000  }
0x138: {  	[sflag:s9] =	ssyncset.done $0x0  }
0x139: {  	[sflag:s9] =	ssyncadd.s32 $0xFFFFC000  }
0x13a: {  	_ =	swait.ge [sflag:s7], $0x4000  }
0x13b: {  	s0 =	rddreg [dreg:$0x8];
	[sflag:s7] =	ssyncset.done $0x0  }
0x13c: {  	s14 =	sld [smem:$0x7F9];
	[sflag:s7] =	ssyncadd.s32 $0xFFFFC000  }
0x13d: {  	[hbm4b:s0+s2] =	stream.linear.scatter [tilespmem:s11], [sflag:$0x4], $0x4000, $0x38;
	[tilespmem:$0x10C00] =	vst v63  }
0x13e: {  	_ = 	snop  }
0x13f: {  	[tilespmem:s5], [sflag:$0x2] =	stream.indirect.gather [hbm4b:s28+s4], $0x80, s14, s4, $0xb8;
	[tilespmem:$0x10C00] =	vst v63  }
0x140: {  	_ =	swait.ge [sflag:s10], $0x4000  }
0x141: {  	[sflag:s10] =	ssyncset.done $0x0  }
0x142: {  	[sflag:s10] =	ssyncadd.s32 $0xFFFFC000  }
0x143: {  	_ =	swait.ge [sflag:s6], $0x4000  }
0x144: {  	s0 =	rddreg [dreg:$0x9];
	[sflag:s6] =	ssyncset.done $0x0  }
0x145: {  	s14 =	sld [smem:$0x7FA];
	[sflag:s6] =	ssyncadd.s32 $0xFFFFC000  }
0x146: {  	[hbm4b:s0+s2] =	stream.linear.scatter [tilespmem:s8], [sflag:$0x3], $0x4000, $0x38;
	[tilespmem:$0x10C00] =	vst v63  }
0x147: {  	_ = 	snop  }
0x148: {  	[tilespmem:s12], [sflag:$0x1] =	stream.indirect.gather [hbm4b:s21+s4], $0x80, s14, s4, $0xb8;
	[tilespmem:$0x10C00] =	vst v63  }
0x149: {  	_ =	swait.ge [sflag:s9], $0x4000  }
0x14a: {  	[sflag:s9] =	ssyncset.done $0x0  }
0x14b: {  	[sflag:s9] =	ssyncadd.s32 $0xFFFFC000  }
0x14c: {  	_ =	swait.ge [sflag:s7], $0x4000  }
0x14d: {  	s0 =	rddreg [dreg:$0xa];
	[sflag:s7] =	ssyncset.done $0x0  }
0x14e: {  	s14 =	sld [smem:$0x7FB];
	[sflag:s7] =	ssyncadd.s32 $0xFFFFC000  }
0x14f: {  	[hbm4b:s0+s2] =	stream.linear.scatter [tilespmem:s5], [sflag:$0x4], $0x4000, $0x38;
	[tilespmem:$0x10C00] =	vst v63  }
0x150: {  	_ = 	snop  }
0x151: {  	[tilespmem:s11], [sflag:$0x2] =	stream.indirect.gather [hbm4b:s21+s4], $0x80, s14, s4, $0xb8;
	[tilespmem:$0x10C00] =	vst v63  }
0x152: {  	_ =	swait.ge [sflag:s10], $0x4000  }
0x153: {  	[sflag:s10] =	ssyncset.done $0x0  }
0x154: {  	[sflag:s10] =	ssyncadd.s32 $0xFFFFC000  }
0x155: {  	_ =	swait.ge [sflag:s6], $0x4000  }
0x156: {  	s0 =	rddreg [dreg:$0xb];
	[sflag:s6] =	ssyncset.done $0x0  }
0x157: {  	s14 =	sld [smem:$0x7FC];
	[sflag:s6] =	ssyncadd.s32 $0xFFFFC000  }
0x158: {  	[hbm4b:s0+s2] =	stream.linear.scatter [tilespmem:s12], [sflag:$0x3], $0x4000, $0x38;
	[tilespmem:$0x10C00] =	vst v63  }
0x159: {  	_ = 	snop  }
0x15a: {  	[tilespmem:s8], [sflag:$0x1] =	stream.indirect.gather [hbm4b:s21+s4], $0x80, s14, s4, $0xb8;
	[tilespmem:$0x10C00] =	vst v63  }
0x15b: {  	_ =	swait.ge [sflag:s9], $0x4000  }
0x15c: {  	[sflag:s9] =	ssyncset.done $0x0  }
0x15d: {  	[sflag:s9] =	ssyncadd.s32 $0xFFFFC000  }
0x15e: {  	_ =	swait.ge [sflag:s7], $0x4000  }
0x15f: {  	s0 =	rddreg [dreg:$0xc];
	[sflag:s7] =	ssyncset.done $0x0  }
0x160: {  	s14 =	sld [smem:$0x7FD];
	[sflag:s7] =	ssyncadd.s32 $0xFFFFC000  }
0x161: {  	[hbm4b:s0+s2] =	stream.linear.scatter [tilespmem:s11], [sflag:$0x4], $0x4000, $0x38;
	[tilespmem:$0x10C00] =	vst v63  }
0x162: {  	_ = 	snop  }
0x163: {  	[tilespmem:s5], [sflag:$0x2] =	stream.indirect.gather [hbm4b:s21+s4], $0x80, s14, s4, $0xb8;
	[tilespmem:$0x10C00] =	vst v63  }
0x164: {  	_ =	swait.ge [sflag:s10], $0x4000  }
0x165: {  	[sflag:s10] =	ssyncset.done $0x0  }
0x166: {  	[sflag:s10] =	ssyncadd.s32 $0xFFFFC000  }
0x167: {  	_ =	swait.ge [sflag:s6], $0x4000  }
0x168: {  	[sflag:s6] =	ssyncset.done $0x0  }
0x169: {  	s14 =	rddreg [dreg:$0xd];
	[sflag:s6] =	ssyncadd.s32 $0xFFFFC000  }
0x16a: {  	[hbm4b:s14+s2] =	stream.linear.scatter [tilespmem:s8], [sflag:$0x3], $0x4000, $0x38;
	[tilespmem:$0x10C00] =	vst v63  }
0x16b: {  	s14 =	simm.s32 $0x600  }
0x16c: {  	[tilespmem:s12], [sflag:$0x1] =	stream.indirect.gather [hbm4b:s15+s4], $0x80, s14, s4, $0xb8;
	[tilespmem:$0x10C00] =	vst v63  }
0x16d: {  	_ =	swait.ge [sflag:s9], $0x4000  }
0x16e: {  	[sflag:s9] =	ssyncset.done $0x0  }
0x16f: {  	[sflag:s9] =	ssyncadd.s32 $0xFFFFC000  }
0x170: {  	_ =	swait.ge [sflag:s7], $0x4000  }
0x171: {  	[sflag:s7] =	ssyncset.done $0x0  }
0x172: {  	s14 =	rddreg [dreg:$0xe];
	[sflag:s7] =	ssyncadd.s32 $0xFFFFC000  }
0x173: {  	[hbm4b:s14+s2] =	stream.linear.scatter [tilespmem:s5], [sflag:$0x4], $0x4000, $0x38;
	[tilespmem:$0x10C00] =	vst v63  }
0x174: {  	_ = 	snop  }
0x175: {  	[tilespmem:s11], [sflag:$0x2] =	stream.indirect.gather [hbm4b:s15+s4], $0x80, s29, s4, $0xb8;
	[tilespmem:$0x10C00] =	vst v63  }
0x176: {  	_ =	swait.ge [sflag:s10], $0x4000  }
0x177: {  	[sflag:s10] =	ssyncset.done $0x0  }
0x178: {  	[sflag:s10] =	ssyncadd.s32 $0xFFFFC000  }
0x179: {  	_ =	swait.ge [sflag:s6], $0x4000  }
0x17a: {  	[sflag:s6] =	ssyncset.done $0x0  }
0x17b: {  	s14 =	rddreg [dreg:$0xf];
	[sflag:s6] =	ssyncadd.s32 $0xFFFFC000  }
0x17c: {  	[hbm4b:s14+s2] =	stream.linear.scatter [tilespmem:s12], [sflag:$0x3], $0x4000, $0x38;
	[tilespmem:$0x10C00] =	vst v63  }
0x17d: {  	_ = 	snop  }
0x17e: {  	[tilespmem:s8], [sflag:$0x1] =	stream.indirect.gather [hbm4b:s15+s4], $0x80, s26, s4, $0xb8;
	[tilespmem:$0x10C00] =	vst v63  }
0x17f: {  	_ =	swait.ge [sflag:s9], $0x4000  }
0x180: {  	[sflag:s9] =	ssyncset.done $0x0  }
0x181: {  	[sflag:s9] =	ssyncadd.s32 $0xFFFFC000  }
0x182: {  	_ =	swait.ge [sflag:s7], $0x4000  }
0x183: {  	[sflag:s7] =	ssyncset.done $0x0  }
0x184: {  	s14 =	rddreg [dreg:$0x10];
	[sflag:s7] =	ssyncadd.s32 $0xFFFFC000  }
0x185: {  	[hbm4b:s14+s2] =	stream.linear.scatter [tilespmem:s11], [sflag:$0x4], $0x4000, $0x38;
	[tilespmem:$0x10C00] =	vst v63  }
0x186: {  	_ = 	snop  }
0x187: {  	[tilespmem:s5], [sflag:$0x2] =	stream.indirect.gather [hbm4b:s15+s4], $0x80, s25, s4, $0xb8;
	[tilespmem:$0x10C00] =	vst v63  }
0x188: {  	_ =	swait.ge [sflag:s10], $0x4000  }
0x189: {  	[sflag:s10] =	ssyncset.done $0x0  }
0x18a: {  	[sflag:s10] =	ssyncadd.s32 $0xFFFFC000  }
0x18b: {  	_ =	swait.ge [sflag:s6], $0x4000  }
0x18c: {  	[sflag:s6] =	ssyncset.done $0x0  }
0x18d: {  	s14 =	rddreg [dreg:$0x11];
	[sflag:s6] =	ssyncadd.s32 $0xFFFFC000  }
0x18e: {  	[hbm4b:s14+s2] =	stream.linear.scatter [tilespmem:s8], [sflag:$0x3], $0x4000, $0x38;
	[tilespmem:$0x10C00] =	vst v63  }
0x18f: {  	_ = 	snop  }
0x190: {  	[tilespmem:s12], [sflag:$0x1] =	stream.indirect.gather [hbm4b:s13+s4], $0x80, s24, s4, $0xb8;
	[tilespmem:$0x10C00] =	vst v63  }
0x191: {  	_ =	swait.ge [sflag:s9], $0x4000  }
0x192: {  	[sflag:s9] =	ssyncset.done $0x0  }
0x193: {  	[sflag:s9] =	ssyncadd.s32 $0xFFFFC000  }
0x194: {  	_ =	swait.ge [sflag:s7], $0x4000  }
0x195: {  	[sflag:s7] =	ssyncset.done $0x0  }
0x196: {  	s14 =	rddreg [dreg:$0x12];
	[sflag:s7] =	ssyncadd.s32 $0xFFFFC000  }
0x197: {  	[hbm4b:s14+s2] =	stream.linear.scatter [tilespmem:s5], [sflag:$0x4], $0x4000, $0x38;
	[tilespmem:$0x10C00] =	vst v63  }
0x198: {  	_ = 	snop  }
0x199: {  	[tilespmem:s11], [sflag:$0x2] =	stream.indirect.gather [hbm4b:s13+s4], $0x80, s23, s4, $0xb8;
	[tilespmem:$0x10C00] =	vst v63  }
0x19a: {  	_ =	swait.ge [sflag:s10], $0x4000  }
0x19b: {  	[sflag:s10] =	ssyncset.done $0x0  }
0x19c: {  	[sflag:s10] =	ssyncadd.s32 $0xFFFFC000  }
0x19d: {  	_ =	swait.ge [sflag:s6], $0x4000  }
0x19e: {  	[sflag:s6] =	ssyncset.done $0x0  }
0x19f: {  	s14 =	rddreg [dreg:$0x13];
	[sflag:s6] =	ssyncadd.s32 $0xFFFFC000  }
0x1a0: {  	[hbm4b:s14+s2] =	stream.linear.scatter [tilespmem:s12], [sflag:$0x3], $0x4000, $0x38;
	[tilespmem:$0x10C00] =	vst v63  }
0x1a1: {  	_ = 	snop  }
0x1a2: {  	[tilespmem:s8], [sflag:$0x1] =	stream.indirect.gather [hbm4b:s13+s4], $0x80, s22, s4, $0xb8;
	[tilespmem:$0x10C00] =	vst v63  }
0x1a3: {  	_ =	swait.ge [sflag:s9], $0x4000  }
0x1a4: {  	[sflag:s9] =	ssyncset.done $0x0  }
0x1a5: {  	[sflag:s9] =	ssyncadd.s32 $0xFFFFC000  }
0x1a6: {  	_ =	swait.ge [sflag:s7], $0x4000  }
0x1a7: {  	[sflag:s7] =	ssyncset.done $0x0  }
0x1a8: {  	s14 =	rddreg [dreg:$0x14];
	[sflag:s7] =	ssyncadd.s32 $0xFFFFC000  }
0x1a9: {  	[hbm4b:s14+s2] =	stream.linear.scatter [tilespmem:s11], [sflag:$0x4], $0x4000, $0x38;
	[tilespmem:$0x10C00] =	vst v63  }
0x1aa: {  	_ = 	snop  }
0x1ab: {  	[tilespmem:s5], [sflag:$0x2] =	stream.indirect.gather [hbm4b:s13+s4], $0x80, s20, s4, $0xb8;
	[tilespmem:$0x10C00] =	vst v63  }
0x1ac: {  	_ =	swait.ge [sflag:s10], $0x4000  }
0x1ad: {  	[sflag:s10] =	ssyncset.done $0x0  }
0x1ae: {  	[sflag:s10] =	ssyncadd.s32 $0xFFFFC000  }
0x1af: {  	_ =	swait.ge [sflag:s6], $0x4000  }
0x1b0: {  	[sflag:s6] =	ssyncset.done $0x0  }
0x1b1: {  	s14 =	rddreg [dreg:$0x15];
	[sflag:s6] =	ssyncadd.s32 $0xFFFFC000  }
0x1b2: {  	[hbm4b:s14+s2] =	stream.linear.scatter [tilespmem:s8], [sflag:$0x3], $0x4000, $0x38;
	[tilespmem:$0x10C00] =	vst v63  }
0x1b3: {  	_ = 	snop  }
0x1b4: {  	[tilespmem:s12], [sflag:$0x1] =	stream.indirect.gather [hbm4b:s3+s4], $0x80, s19, s4, $0xb8;
	[tilespmem:$0x10C00] =	vst v63  }
0x1b5: {  	_ =	swait.ge [sflag:s9], $0x4000  }
0x1b6: {  	[sflag:s9] =	ssyncset.done $0x0  }
0x1b7: {  	[sflag:s9] =	ssyncadd.s32 $0xFFFFC000  }
0x1b8: {  	_ =	swait.ge [sflag:s7], $0x4000  }
0x1b9: {  	[sflag:s7] =	ssyncset.done $0x0  }
0x1ba: {  	s14 =	rddreg [dreg:$0x16];
	[sflag:s7] =	ssyncadd.s32 $0xFFFFC000  }
0x1bb: {  	[hbm4b:s14+s2] =	stream.linear.scatter [tilespmem:s5], [sflag:$0x4], $0x4000, $0x38;
	[tilespmem:$0x10C00] =	vst v63  }
0x1bc: {  	_ = 	snop  }
0x1bd: {  	[tilespmem:s11], [sflag:$0x2] =	stream.indirect.gather [hbm4b:s3+s4], $0x80, s18, s4, $0xb8;
	[tilespmem:$0x10C00] =	vst v63  }
0x1be: {  	_ =	swait.ge [sflag:s10], $0x4000  }
0x1bf: {  	[sflag:s10] =	ssyncset.done $0x0  }
0x1c0: {  	[sflag:s10] =	ssyncadd.s32 $0xFFFFC000  }
0x1c1: {  	_ =	swait.ge [sflag:s6], $0x4000  }
0x1c2: {  	[sflag:s6] =	ssyncset.done $0x0  }
0x1c3: {  	s14 =	rddreg [dreg:$0x17];
	[sflag:s6] =	ssyncadd.s32 $0xFFFFC000  }
0x1c4: {  	[hbm4b:s14+s2] =	stream.linear.scatter [tilespmem:s12], [sflag:$0x3], $0x4000, $0x38;
	[tilespmem:$0x10C00] =	vst v63  }
0x1c5: {  	_ = 	snop  }
0x1c6: {  	[tilespmem:s8], [sflag:$0x1] =	stream.indirect.gather [hbm4b:s3+s4], $0x80, s17, s4, $0xb8;
	[tilespmem:$0x10C00] =	vst v63  }
0x1c7: {  	_ =	swait.ge [sflag:s9], $0x4000  }
0x1c8: {  	[sflag:s9] =	ssyncset.done $0x0  }
0x1c9: {  	[sflag:s9] =	ssyncadd.s32 $0xFFFFC000  }
0x1ca: {  	_ =	swait.ge [sflag:s7], $0x4000  }
0x1cb: {  	[sflag:s7] =	ssyncset.done $0x0  }
0x1cc: {  	s14 =	rddreg [dreg:$0x18];
	[sflag:s7] =	ssyncadd.s32 $0xFFFFC000  }
0x1cd: {  	[hbm4b:s14+s2] =	stream.linear.scatter [tilespmem:s11], [sflag:$0x4], $0x4000, $0x38;
	[tilespmem:$0x10C00] =	vst v63  }
0x1ce: {  	_ = 	snop  }
0x1cf: {  	[tilespmem:s5], [sflag:$0x2] =	stream.indirect.gather [hbm4b:s3+s4], $0x80, s16, s4, $0xb8;
	[tilespmem:$0x10C00] =	vst v63  }
0x1d0: {  	_ =	swait.ge [sflag:s10], $0x4000  }
0x1d1: {  	[sflag:s10] =	ssyncset.done $0x0  }
0x1d2: {  	[sflag:s10] =	ssyncadd.s32 $0xFFFFC000  }
0x1d3: {  	_ =	swait.ge [sflag:s6], $0x4000  }
0x1d4: {  	[sflag:s6] =	ssyncset.done $0x0  }
0x1d5: {  	s14 =	rddreg [dreg:$0x19];
	[sflag:s6] =	ssyncadd.s32 $0xFFFFC000  }
0x1d6: {  	[hbm4b:s14+s2] =	stream.linear.scatter [tilespmem:s8], [sflag:$0x3], $0x4000, $0x38;
	[tilespmem:$0x10C00] =	vst v63  }
0x1d7: {  	_ =	swait.ge [sflag:s9], $0x4000  }
0x1d8: {  	[sflag:s9] =	ssyncset.done $0x0  }
0x1d9: {  	[sflag:s9] =	ssyncadd.s32 $0xFFFFC000  }
0x1da: {  	_ =	swait.ge [sflag:s7], $0x4000  }
0x1db: {  	[sflag:s7] =	ssyncset.done $0x0  }
0x1dc: {  	p1 =	sne.s32 s1, $0x1;
	s14 =	rddreg [dreg:$0x1a];
	[sflag:s7] =	ssyncadd.s32 $0xFFFFC000  }
0x1dd: {  	[hbm4b:s14+s2] =	stream.linear.scatter [tilespmem:s5], [sflag:$0x4], $0x4000, $0x38;
	[tilespmem:$0x10C00] =	vst v63  }
.Ltmp2:
0x1de: {  	_ =	swait.ge [sflag:s6], $0x4000;
	(pc) =	sbr.rel @p1 .LBB2_4-.Ltmp2, $4  }
0x1df: {  	[sflag:s6] =	ssyncset.done $0x0  }
0x1e0: {  	[sflag:s6] =	ssyncadd.s32 $0xFFFFC000  }
0x1e1: {  	_ =	swait.ge [sflag:s7], $0x4000  }
0x1e2: {  	s1 =	sadd.s32 $0xFFFFFFFF, s1;
	s0 =	rddreg [dreg:$0x2];
	[sflag:s7] =	ssyncset.done $0x0  }
0x1e3: {  	s16 =	simm.s32 $0x600;
	s29 =	simm.s32 $0x680;
	s26 =	simm.s32 $0x700  }
0x1e4: {  	s25 =	simm.s32 $0x780;
	s24 =	simm.s32 $0x800;
	s23 =	simm.s32 $0x880  }
0x1e5: {  	s22 =	simm.s32 $0x900;
	s20 =	simm.s32 $0x980;
	s19 =	simm.s32 $0xA00  }
0x1e6: {  	s18 =	simm.s32 $0xA80;
	s17 =	simm.s32 $0xB00;
	s14 =	stileid.u32  }
.LBB2_6:
0x1e7: {  	[sflag:s7] =	ssyncadd.s32 @p0 $0xFFFFC000  }
0x1e8: {  	[tilespmem:s2], [sflag:$0x5] =	stream.linear.gather [hbm4b:s0+s2], $0xC00, $0x38;
	[tilespmem:$0x10C00] =	vst v63  }
0x1e9: {  	_ =	swait.ge [sflag:s31], $0xC00  }
0x1ea: {  	[sflag:s31] =	ssyncset.done $0x0  }
0x1eb: {  	[sflag:s31] =	ssyncadd.s32 $0xFFFFF400  }
0x1ec: {  	[tilespmem:s12], [sflag:$0x1] =	stream.indirect.gather [hbm4b:s30+s4], $0x80, s2, s4, $0xb8;
	[tilespmem:$0x10C00] =	vst v63  }
0x1ed: {  	_ = 	snop  }
0x1ee: {  	[tilespmem:s11], [sflag:$0x2] =	stream.indirect.gather [hbm4b:s30+s4], $0x80, s4, s4, $0xb8;
	[tilespmem:$0x10C00] =	vst v63  }
0x1ef: {  	_ =	swait.ge [sflag:s10], $0x4000  }
0x1f0: {  	[sflag:s10] =	ssyncset.done $0x0  }
0x1f1: {  	s31 =	rddreg [dreg:$0x3];
	[sflag:s10] =	ssyncadd.s32 $0xFFFFC000  }
0x1f2: {  	[hbm4b:s31+s2] =	stream.linear.scatter [tilespmem:s12], [sflag:$0x3], $0x4000, $0x38;
	[tilespmem:$0x10C00] =	vst v63  }
0x1f3: {  	s1 =	rddreg [dreg:$0x1b]  }
0x1f4: {  	[tilespmem:s8], [sflag:$0x1] =	stream.indirect.gather [hbm4b:s30+s4], $0x80, s1, s4, $0xb8;
	[tilespmem:$0x10C00] =	vst v63  }
0x1f5: {  	_ =	swait.ge [sflag:s9], $0x4000  }
0x1f6: {  	[sflag:s9] =	ssyncset.done $0x0  }
0x1f7: {  	s1 =	rddreg [dreg:$0x4];
	[sflag:s9] =	ssyncadd.s32 $0xFFFFC000  }
0x1f8: {  	[hbm4b:s1+s2] =	stream.linear.scatter [tilespmem:s11], [sflag:$0x4], $0x4000, $0x38;
	[tilespmem:$0x10C00] =	vst v63  }
0x1f9: {  	s31 =	rddreg [dreg:$0x1c]  }
0x1fa: {  	[tilespmem:s5], [sflag:$0x2] =	stream.indirect.gather [hbm4b:s30+s4], $0x80, s31, s4, $0xb8;
	[tilespmem:$0x10C00] =	vst v63  }
0x1fb: {  	_ =	swait.ge [sflag:s10], $0x4000  }
0x1fc: {  	[sflag:s10] =	ssyncset.done $0x0  }
0x1fd: {  	[sflag:s10] =	ssyncadd.s32 $0xFFFFC000  }
0x1fe: {  	_ =	swait.ge [sflag:s6], $0x4000  }
0x1ff: {  	[sflag:s6] =	ssyncset.done $0x0  }
0x200: {  	s30 =	rddreg [dreg:$0x5];
	[sflag:s6] =	ssyncadd.s32 $0xFFFFC000  }
0x201: {  	[hbm4b:s30+s2] =	stream.linear.scatter [tilespmem:s8], [sflag:$0x3], $0x4000, $0x38;
	[tilespmem:$0x10C00] =	vst v63  }
0x202: {  	s31 =	rddreg [dreg:$0x1d]  }
0x203: {  	[tilespmem:s12], [sflag:$0x1] =	stream.indirect.gather [hbm4b:s28+s4], $0x80, s31, s4, $0xb8;
	[tilespmem:$0x10C00] =	vst v63  }
0x204: {  	_ =	swait.ge [sflag:s9], $0x4000  }
0x205: {  	[sflag:s9] =	ssyncset.done $0x0  }
0x206: {  	[sflag:s9] =	ssyncadd.s32 $0xFFFFC000  }
0x207: {  	_ =	swait.ge [sflag:s7], $0x4000  }
0x208: {  	[sflag:s7] =	ssyncset.done $0x0  }
0x209: {  	s30 =	rddreg [dreg:$0x6];
	[sflag:s7] =	ssyncadd.s32 $0xFFFFC000  }
0x20a: {  	[hbm4b:s30+s2] =	stream.linear.scatter [tilespmem:s5], [sflag:$0x4], $0x4000, $0x38;
	[tilespmem:$0x10C00] =	vst v63  }
0x20b: {  	s31 =	rddreg [dreg:$0x1e]  }
0x20c: {  	[tilespmem:s11], [sflag:$0x2] =	stream.indirect.gather [hbm4b:s28+s4], $0x80, s31, s4, $0xb8;
	[tilespmem:$0x10C00] =	vst v63  }
0x20d: {  	_ =	swait.ge [sflag:s10], $0x4000  }
0x20e: {  	[sflag:s10] =	ssyncset.done $0x0  }
0x20f: {  	[sflag:s10] =	ssyncadd.s32 $0xFFFFC000  }
0x210: {  	_ =	swait.ge [sflag:s6], $0x4000  }
0x211: {  	[sflag:s6] =	ssyncset.done $0x0  }
0x212: {  	s30 =	rddreg [dreg:$0x7];
	[sflag:s6] =	ssyncadd.s32 $0xFFFFC000  }
0x213: {  	[hbm4b:s30+s2] =	stream.linear.scatter [tilespmem:s12], [sflag:$0x3], $0x4000, $0x38;
	[tilespmem:$0x10C00] =	vst v63  }
0x214: {  	s31 =	rddreg [dreg:$0x1f]  }
0x215: {  	[tilespmem:s8], [sflag:$0x1] =	stream.indirect.gather [hbm4b:s28+s4], $0x80, s31, s4, $0xb8;
	[tilespmem:$0x10C00] =	vst v63  }
0x216: {  	_ =	swait.ge [sflag:s9], $0x4000  }
0x217: {  	[sflag:s9] =	ssyncset.done $0x0  }
0x218: {  	[sflag:s9] =	ssyncadd.s32 $0xFFFFC000  }
0x219: {  	_ =	swait.ge [sflag:s7], $0x4000  }
0x21a: {  	s30 =	rddreg [dreg:$0x8];
	[sflag:s7] =	ssyncset.done $0x0  }
0x21b: {  	s31 =	sld [smem:$0x7F9];
	[sflag:s7] =	ssyncadd.s32 $0xFFFFC000  }
0x21c: {  	[hbm4b:s30+s2] =	stream.linear.scatter [tilespmem:s11], [sflag:$0x4], $0x4000, $0x38;
	[tilespmem:$0x10C00] =	vst v63  }
0x21d: {  	_ = 	snop  }
0x21e: {  	[tilespmem:s5], [sflag:$0x2] =	stream.indirect.gather [hbm4b:s28+s4], $0x80, s31, s4, $0xb8;
	[tilespmem:$0x10C00] =	vst v63  }
0x21f: {  	_ =	swait.ge [sflag:s10], $0x4000  }
0x220: {  	[sflag:s10] =	ssyncset.done $0x0  }
0x221: {  	[sflag:s10] =	ssyncadd.s32 $0xFFFFC000  }
0x222: {  	_ =	swait.ge [sflag:s6], $0x4000  }
0x223: {  	s1 =	rddreg [dreg:$0x9];
	[sflag:s6] =	ssyncset.done $0x0  }
0x224: {  	s28 =	sld [smem:$0x7FA];
	[sflag:s6] =	ssyncadd.s32 $0xFFFFC000  }
0x225: {  	[hbm4b:s1+s2] =	stream.linear.scatter [tilespmem:s8], [sflag:$0x3], $0x4000, $0x38;
	[tilespmem:$0x10C00] =	vst v63  }
0x226: {  	_ = 	snop  }
0x227: {  	[tilespmem:s12], [sflag:$0x1] =	stream.indirect.gather [hbm4b:s21+s4], $0x80, s28, s4, $0xb8;
	[tilespmem:$0x10C00] =	vst v63  }
0x228: {  	_ =	swait.ge [sflag:s9], $0x4000  }
0x229: {  	[sflag:s9] =	ssyncset.done $0x0  }
0x22a: {  	[sflag:s9] =	ssyncadd.s32 $0xFFFFC000  }
0x22b: {  	_ =	swait.ge [sflag:s7], $0x4000  }
0x22c: {  	s30 =	rddreg [dreg:$0xa];
	[sflag:s7] =	ssyncset.done $0x0  }
0x22d: {  	s31 =	sld [smem:$0x7FB];
	[sflag:s7] =	ssyncadd.s32 $0xFFFFC000  }
0x22e: {  	[hbm4b:s30+s2] =	stream.linear.scatter [tilespmem:s5], [sflag:$0x4], $0x4000, $0x38;
	[tilespmem:$0x10C00] =	vst v63  }
0x22f: {  	_ = 	snop  }
0x230: {  	[tilespmem:s11], [sflag:$0x2] =	stream.indirect.gather [hbm4b:s21+s4], $0x80, s31, s4, $0xb8;
	[tilespmem:$0x10C00] =	vst v63  }
0x231: {  	_ =	swait.ge [sflag:s10], $0x4000  }
0x232: {  	[sflag:s10] =	ssyncset.done $0x0  }
0x233: {  	[sflag:s10] =	ssyncadd.s32 $0xFFFFC000  }
0x234: {  	_ =	swait.ge [sflag:s6], $0x4000  }
0x235: {  	s1 =	rddreg [dreg:$0xb];
	[sflag:s6] =	ssyncset.done $0x0  }
0x236: {  	s28 =	sld [smem:$0x7FC];
	[sflag:s6] =	ssyncadd.s32 $0xFFFFC000  }
0x237: {  	[hbm4b:s1+s2] =	stream.linear.scatter [tilespmem:s12], [sflag:$0x3], $0x4000, $0x38;
	[tilespmem:$0x10C00] =	vst v63  }
0x238: {  	_ = 	snop  }
0x239: {  	[tilespmem:s8], [sflag:$0x1] =	stream.indirect.gather [hbm4b:s21+s4], $0x80, s28, s4, $0xb8;
	[tilespmem:$0x10C00] =	vst v63  }
0x23a: {  	_ =	swait.ge [sflag:s9], $0x4000  }
0x23b: {  	[sflag:s9] =	ssyncset.done $0x0  }
0x23c: {  	[sflag:s9] =	ssyncadd.s32 $0xFFFFC000  }
0x23d: {  	_ =	swait.ge [sflag:s7], $0x4000  }
0x23e: {  	s30 =	rddreg [dreg:$0xc];
	[sflag:s7] =	ssyncset.done $0x0  }
0x23f: {  	s31 =	sld [smem:$0x7FD];
	[sflag:s7] =	ssyncadd.s32 $0xFFFFC000  }
0x240: {  	[hbm4b:s30+s2] =	stream.linear.scatter [tilespmem:s11], [sflag:$0x4], $0x4000, $0x38;
	[tilespmem:$0x10C00] =	vst v63  }
0x241: {  	_ = 	snop  }
0x242: {  	[tilespmem:s5], [sflag:$0x2] =	stream.indirect.gather [hbm4b:s21+s4], $0x80, s31, s4, $0xb8;
	[tilespmem:$0x10C00] =	vst v63  }
0x243: {  	_ =	swait.ge [sflag:s10], $0x4000  }
0x244: {  	[sflag:s10] =	ssyncset.done $0x0  }
0x245: {  	[sflag:s10] =	ssyncadd.s32 $0xFFFFC000  }
0x246: {  	_ =	swait.ge [sflag:s6], $0x4000  }
0x247: {  	[sflag:s6] =	ssyncset.done $0x0  }
0x248: {  	s28 =	rddreg [dreg:$0xd];
	[sflag:s6] =	ssyncadd.s32 $0xFFFFC000  }
0x249: {  	[hbm4b:s28+s2] =	stream.linear.scatter [tilespmem:s8], [sflag:$0x3], $0x4000, $0x38;
	[tilespmem:$0x10C00] =	vst v63  }
0x24a: {  	_ = 	snop  }
0x24b: {  	[tilespmem:s12], [sflag:$0x1] =	stream.indirect.gather [hbm4b:s15+s4], $0x80, s16, s4, $0xb8;
	[tilespmem:$0x10C00] =	vst v63  }
0x24c: {  	_ =	swait.ge [sflag:s9], $0x4000  }
0x24d: {  	[sflag:s9] =	ssyncset.done $0x0  }
0x24e: {  	[sflag:s9] =	ssyncadd.s32 $0xFFFFC000  }
0x24f: {  	_ =	swait.ge [sflag:s7], $0x4000  }
0x250: {  	[sflag:s7] =	ssyncset.done $0x0  }
0x251: {  	s30 =	rddreg [dreg:$0xe];
	[sflag:s7] =	ssyncadd.s32 $0xFFFFC000  }
0x252: {  	[hbm4b:s30+s2] =	stream.linear.scatter [tilespmem:s5], [sflag:$0x4], $0x4000, $0x38;
	[tilespmem:$0x10C00] =	vst v63  }
0x253: {  	_ = 	snop  }
0x254: {  	[tilespmem:s11], [sflag:$0x2] =	stream.indirect.gather [hbm4b:s15+s4], $0x80, s29, s4, $0xb8;
	[tilespmem:$0x10C00] =	vst v63  }
0x255: {  	_ =	swait.ge [sflag:s10], $0x4000  }
0x256: {  	[sflag:s10] =	ssyncset.done $0x0  }
0x257: {  	[sflag:s10] =	ssyncadd.s32 $0xFFFFC000  }
0x258: {  	_ =	swait.ge [sflag:s6], $0x4000  }
0x259: {  	[sflag:s6] =	ssyncset.done $0x0  }
0x25a: {  	s31 =	rddreg [dreg:$0xf];
	[sflag:s6] =	ssyncadd.s32 $0xFFFFC000  }
0x25b: {  	[hbm4b:s31+s2] =	stream.linear.scatter [tilespmem:s12], [sflag:$0x3], $0x4000, $0x38;
	[tilespmem:$0x10C00] =	vst v63  }
0x25c: {  	_ = 	snop  }
0x25d: {  	[tilespmem:s8], [sflag:$0x1] =	stream.indirect.gather [hbm4b:s15+s4], $0x80, s26, s4, $0xb8;
	[tilespmem:$0x10C00] =	vst v63  }
0x25e: {  	_ =	swait.ge [sflag:s9], $0x4000  }
0x25f: {  	[sflag:s9] =	ssyncset.done $0x0  }
0x260: {  	[sflag:s9] =	ssyncadd.s32 $0xFFFFC000  }
0x261: {  	_ =	swait.ge [sflag:s7], $0x4000  }
0x262: {  	[sflag:s7] =	ssyncset.done $0x0  }
0x263: {  	s1 =	rddreg [dreg:$0x10];
	[sflag:s7] =	ssyncadd.s32 $0xFFFFC000  }
0x264: {  	[hbm4b:s1+s2] =	stream.linear.scatter [tilespmem:s11], [sflag:$0x4], $0x4000, $0x38;
	[tilespmem:$0x10C00] =	vst v63  }
0x265: {  	_ = 	snop  }
0x266: {  	[tilespmem:s5], [sflag:$0x2] =	stream.indirect.gather [hbm4b:s15+s4], $0x80, s25, s4, $0xb8;
	[tilespmem:$0x10C00] =	vst v63  }
0x267: {  	_ =	swait.ge [sflag:s10], $0x4000  }
0x268: {  	[sflag:s10] =	ssyncset.done $0x0  }
0x269: {  	[sflag:s10] =	ssyncadd.s32 $0xFFFFC000  }
0x26a: {  	_ =	swait.ge [sflag:s6], $0x4000  }
0x26b: {  	[sflag:s6] =	ssyncset.done $0x0  }
0x26c: {  	s15 =	rddreg [dreg:$0x11];
	[sflag:s6] =	ssyncadd.s32 $0xFFFFC000  }
0x26d: {  	[hbm4b:s15+s2] =	stream.linear.scatter [tilespmem:s8], [sflag:$0x3], $0x4000, $0x38;
	[tilespmem:$0x10C00] =	vst v63  }
0x26e: {  	_ = 	snop  }
0x26f: {  	[tilespmem:s12], [sflag:$0x1] =	stream.indirect.gather [hbm4b:s13+s4], $0x80, s24, s4, $0xb8;
	[tilespmem:$0x10C00] =	vst v63  }
0x270: {  	_ =	swait.ge [sflag:s9], $0x4000  }
0x271: {  	[sflag:s9] =	ssyncset.done $0x0  }
0x272: {  	[sflag:s9] =	ssyncadd.s32 $0xFFFFC000  }
0x273: {  	_ =	swait.ge [sflag:s7], $0x4000  }
0x274: {  	[sflag:s7] =	ssyncset.done $0x0  }
0x275: {  	s16 =	rddreg [dreg:$0x12];
	[sflag:s7] =	ssyncadd.s32 $0xFFFFC000  }
0x276: {  	[hbm4b:s16+s2] =	stream.linear.scatter [tilespmem:s5], [sflag:$0x4], $0x4000, $0x38;
	[tilespmem:$0x10C00] =	vst v63  }
0x277: {  	_ = 	snop  }
0x278: {  	[tilespmem:s11], [sflag:$0x2] =	stream.indirect.gather [hbm4b:s13+s4], $0x80, s23, s4, $0xb8;
	[tilespmem:$0x10C00] =	vst v63  }
0x279: {  	_ =	swait.ge [sflag:s10], $0x4000  }
0x27a: {  	[sflag:s10] =	ssyncset.done $0x0  }
0x27b: {  	[sflag:s10] =	ssyncadd.s32 $0xFFFFC000  }
0x27c: {  	_ =	swait.ge [sflag:s6], $0x4000  }
0x27d: {  	[sflag:s6] =	ssyncset.done $0x0  }
0x27e: {  	s21 =	rddreg [dreg:$0x13];
	[sflag:s6] =	ssyncadd.s32 $0xFFFFC000  }
0x27f: {  	[hbm4b:s21+s2] =	stream.linear.scatter [tilespmem:s12], [sflag:$0x3], $0x4000, $0x38;
	[tilespmem:$0x10C00] =	vst v63  }
0x280: {  	_ = 	snop  }
0x281: {  	[tilespmem:s8], [sflag:$0x1] =	stream.indirect.gather [hbm4b:s13+s4], $0x80, s22, s4, $0xb8;
	[tilespmem:$0x10C00] =	vst v63  }
0x282: {  	_ =	swait.ge [sflag:s9], $0x4000  }
0x283: {  	[sflag:s9] =	ssyncset.done $0x0  }
0x284: {  	[sflag:s9] =	ssyncadd.s32 $0xFFFFC000  }
0x285: {  	_ =	swait.ge [sflag:s7], $0x4000  }
0x286: {  	[sflag:s7] =	ssyncset.done $0x0  }
0x287: {  	s23 =	rddreg [dreg:$0x14];
	[sflag:s7] =	ssyncadd.s32 $0xFFFFC000  }
0x288: {  	[hbm4b:s23+s2] =	stream.linear.scatter [tilespmem:s11], [sflag:$0x4], $0x4000, $0x38;
	[tilespmem:$0x10C00] =	vst v63  }
0x289: {  	_ = 	snop  }
0x28a: {  	[tilespmem:s5], [sflag:$0x2] =	stream.indirect.gather [hbm4b:s13+s4], $0x80, s20, s4, $0xb8;
	[tilespmem:$0x10C00] =	vst v63  }
0x28b: {  	_ =	swait.ge [sflag:s10], $0x4000  }
0x28c: {  	[sflag:s10] =	ssyncset.done $0x0  }
0x28d: {  	[sflag:s10] =	ssyncadd.s32 $0xFFFFC000  }
0x28e: {  	_ =	swait.ge [sflag:s6], $0x4000  }
0x28f: {  	[sflag:s6] =	ssyncset.done $0x0  }
0x290: {  	s24 =	rddreg [dreg:$0x15];
	[sflag:s6] =	ssyncadd.s32 $0xFFFFC000  }
0x291: {  	[hbm4b:s24+s2] =	stream.linear.scatter [tilespmem:s8], [sflag:$0x3], $0x4000, $0x38;
	[tilespmem:$0x10C00] =	vst v63  }
0x292: {  	_ = 	snop  }
0x293: {  	[tilespmem:s12], [sflag:$0x1] =	stream.indirect.gather [hbm4b:s3+s4], $0x80, s19, s4, $0xb8;
	[tilespmem:$0x10C00] =	vst v63  }
0x294: {  	_ =	swait.ge [sflag:s9], $0x4000  }
0x295: {  	[sflag:s9] =	ssyncset.done $0x0  }
0x296: {  	[sflag:s9] =	ssyncadd.s32 $0xFFFFC000  }
0x297: {  	_ =	swait.ge [sflag:s7], $0x4000  }
0x298: {  	[sflag:s7] =	ssyncset.done $0x0  }
0x299: {  	s25 =	rddreg [dreg:$0x16];
	[sflag:s7] =	ssyncadd.s32 $0xFFFFC000  }
0x29a: {  	[hbm4b:s25+s2] =	stream.linear.scatter [tilespmem:s5], [sflag:$0x4], $0x4000, $0x38;
	[tilespmem:$0x10C00] =	vst v63  }
0x29b: {  	_ = 	snop  }
0x29c: {  	[tilespmem:s11], [sflag:$0x2] =	stream.indirect.gather [hbm4b:s3+s4], $0x80, s18, s4, $0xb8;
	[tilespmem:$0x10C00] =	vst v63  }
0x29d: {  	_ =	swait.ge [sflag:s10], $0x4000  }
0x29e: {  	[sflag:s10] =	ssyncset.done $0x0  }
0x29f: {  	[sflag:s10] =	ssyncadd.s32 $0xFFFFC000  }
0x2a0: {  	_ =	swait.ge [sflag:s6], $0x4000  }
0x2a1: {  	[sflag:s6] =	ssyncset.done $0x0  }
0x2a2: {  	s26 =	rddreg [dreg:$0x17];
	[sflag:s6] =	ssyncadd.s32 $0xFFFFC000  }
0x2a3: {  	[hbm4b:s26+s2] =	stream.linear.scatter [tilespmem:s12], [sflag:$0x3], $0x4000, $0x38;
	[tilespmem:$0x10C00] =	vst v63  }
0x2a4: {  	_ = 	snop  }
0x2a5: {  	[tilespmem:s8], [sflag:$0x1] =	stream.indirect.gather [hbm4b:s3+s4], $0x80, s17, s4, $0xb8;
	[tilespmem:$0x10C00] =	vst v63  }
0x2a6: {  	_ =	swait.ge [sflag:s9], $0x4000  }
0x2a7: {  	[sflag:s9] =	ssyncset.done $0x0  }
0x2a8: {  	[sflag:s9] =	ssyncadd.s32 $0xFFFFC000  }
0x2a9: {  	_ =	swait.ge [sflag:s7], $0x4000  }
0x2aa: {  	[sflag:s7] =	ssyncset.done $0x0  }
0x2ab: {  	s28 =	rddreg [dreg:$0x18];
	[sflag:s7] =	ssyncadd.s32 $0xFFFFC000  }
0x2ac: {  	[hbm4b:s28+s2] =	stream.linear.scatter [tilespmem:s11], [sflag:$0x4], $0x4000, $0x38;
	[tilespmem:$0x10C00] =	vst v63  }
0x2ad: {  	s29 =	simm.s32 $0xB80  }
0x2ae: {  	[tilespmem:s5], [sflag:$0x2] =	stream.indirect.gather [hbm4b:s3+s4], $0x80, s29, s4, $0xb8;
	[tilespmem:$0x10C00] =	vst v63  }
0x2af: {  	_ =	swait.ge [sflag:s10], $0x4000  }
0x2b0: {  	[sflag:s10] =	ssyncset.done $0x0  }
0x2b1: {  	[sflag:s10] =	ssyncadd.s32 $0xFFFFC000  }
0x2b2: {  	_ =	swait.ge [sflag:s6], $0x4000  }
0x2b3: {  	[sflag:s6] =	ssyncset.done $0x0  }
0x2b4: {  	s30 =	rddreg [dreg:$0x19];
	[sflag:s6] =	ssyncadd.s32 $0xFFFFC000  }
0x2b5: {  	[hbm4b:s30+s2] =	stream.linear.scatter [tilespmem:s8], [sflag:$0x3], $0x4000, $0x38;
	[tilespmem:$0x10C00] =	vst v63  }
0x2b6: {  	_ =	swait.ge [sflag:s9], $0x4000  }
0x2b7: {  	[sflag:s9] =	ssyncset.done $0x0  }
0x2b8: {  	[sflag:s9] =	ssyncadd.s32 $0xFFFFC000  }
0x2b9: {  	_ =	swait.ge [sflag:s7], $0x4000  }
0x2ba: {  	[sflag:s7] =	ssyncset.done $0x0  }
0x2bb: {  	s31 =	rddreg [dreg:$0x1a];
	[sflag:s7] =	ssyncadd.s32 $0xFFFFC000  }
0x2bc: {  	[hbm4b:s31+s2] =	stream.linear.scatter [tilespmem:s5], [sflag:$0x4], $0x4000, $0x38;
	[tilespmem:$0x10C00] =	vst v63  }
0x2bd: {  	_ =	swait.ge [sflag:s6], $0x4000  }
0x2be: {  	[sflag:s6] =	ssyncset.done $0x0  }
0x2bf: {  	[sflag:s6] =	ssyncadd.s32 $0xFFFFC000  }
0x2c0: {  	_ =	swait.ge [sflag:s7], $0x4000  }
0x2c1: {  	[sflag:s7] =	ssyncset.done $0x0  }
0x2c2: {  	[sflag:s7] =	ssyncadd.s32 $0xFFFFC000  }
0x2c3: {  	_ =	sfence.sel $0x180000  }
0x2c4: {  	[bflag:$0x0] =	sbarrier.arrive $0xFFFF  }
0x2c5: {  	_ =	strace $0x90000047  }
0x2c6: {  	[bflag:$0x2] =	sbarrier.arrive $0xFFFF  }
0x2c7: {  	p0 =	sne.s32 s14, $0x0;
	s0 =	rddreg [dreg:$0x1]  }
0x2c8: {  	s0 =	sadd.s32 @!p0 $0x100000, s0  }
0x2c9: {  	[sflag:s0] =	ssyncadd.tile.s32 @!p0 $0x1;
	_ =	shalt  }
.LBB2_1:
.Ltmp3:
0x2ca: {  	(pc) =	sbr.rel .LBB2_6-.Ltmp3, $4  }
0x2cb: {  	s16 =	simm.s32 $0x600;
	s29 =	simm.s32 $0x680  }
0x2cc: {  	s26 =	simm.s32 $0x700;
	s25 =	simm.s32 $0x780;
	s24 =	simm.s32 $0x800  }
0x2cd: {  	s23 =	simm.s32 $0x880;
	s22 =	simm.s32 $0x900;
	s20 =	simm.s32 $0x980  }
0x2ce: {  	s19 =	simm.s32 $0xA00;
	s18 =	simm.s32 $0xA80;
	s17 =	simm.s32 $0xB00  }
.LBB2_3:
.Ltmp4:
0x2cf: {  	(pc) =	sbr.rel .LBB2_6-.Ltmp4, $4  }
0x2d0: {  	s16 =	simm.s32 $0x600;
	s29 =	simm.s32 $0x680;
	s26 =	simm.s32 $0x700  }
0x2d1: {  	s25 =	simm.s32 $0x780;
	s24 =	simm.s32 $0x800;
	s23 =	simm.s32 $0x880  }
0x2d2: {  	s22 =	simm.s32 $0x900;
	s20 =	simm.s32 $0x980;
	s19 =	simm.s32 $0xA00  }
0x2d3: {  	s18 =	simm.s32 $0xA80;
	s17 =	simm.s32 $0xB00;
	s14 =	stileid.u32  }
.Lfunc_end2:
_tile_overlayer_lowered:
.L_overlay_start_2:
0x2d4: {  	(tag) =	ssettag $0x2  }
0x2d5: {  	s0 =	rddreg [dreg:$0x0];
	s2 =	stileid.u32  }
0x2d6: {  	s1 =	rddreg [dreg:$0x1];
	p0 =	sne.s32 s2, $0x0  }
0x2d7: {  	s3 =	rddreg [dreg:$0x2];
	[bflag:$0x3] =	sbarrier.arrive $0xFFFF;
	s2 =	simm.s32 @!p0 $0x1C05  }
0x2d8: {  	[timem:s3], [sflag:s2] =	dma.local @!p0 [hbm:s0], s1  }
0x2d9: {  	s0 =	simm.s32 @!p0 $0x5  }
0x2da: {  	_ =	swait.ge @!p0 [sflag:s0], s1  }
0x2db: {  	s1 =	ssub.s32 @!p0 $0x0, s1;
	[sflag:s0] =	ssyncset.done @!p0 $0x0  }
0x2dc: {  	[sflag:s0] =	ssyncadd.s32 @!p0 s1  }
0x2dd: {  	[bflag:$0x3] =	sbarrier.arrive $0xFFFF  }
0x2de: {  	_ =	shalt  }

</sc_bundles>
